<compile_context>
chip_gen: v7x
topology: tpu7x:2x2x1
jax: 0.10.2.dev20260603
libtpu: 0.0.44.dev20260713+nightly
codegen_flags: <defaults>
</compile_context>

<pallas_src>
import functools

import jax
import jax.numpy as jnp
from jax import lax
from jax.experimental import pallas as pl
from jax.experimental.pallas import tpu as pltpu
from jax.experimental.pallas import tpu_sc as plsc

_NC = 2
_NS = 16
_NW = _NC * _NS
_CH = 128
_G = 8
_LC = 25


def _sc_gather(table, idx_list, n_chunks, D):
    ntot = sum(n_chunks)
    rpc = _CH
    dt = table.dtype
    mesh = plsc.VectorSubcoreMesh(core_axis_name="c", subcore_axis_name="s")

    @functools.partial(
        pl.kernel,
        out_type=tuple(
            jax.ShapeDtypeStruct((nch * _NW * rpc, D), dt)
            for nch in n_chunks
        ),
        mesh=mesh,
        compiler_params=pltpu.CompilerParams(use_tc_tiling_on_sc=False),
        scratch_types=[
            pltpu.VMEM((ntot, _CH), jnp.int32),
            pltpu.VMEM((2, _G, _CH, D), dt),
            pltpu.SemaphoreType.DMA,
            pltpu.SemaphoreType.DMA,
        ],
    )
    def k(table_h, *refs):
        nin = len(idx_list)
        idx_hs = refs[:nin]
        out_hs = refs[nin:2 * nin]
        idx_v, rows_v, gsem, ssem = refs[2 * nin:]
        wid = lax.axis_index("s") * _NC + lax.axis_index("c")

        base = 0
        for idx_h, nch in zip(idx_hs, n_chunks):
            pltpu.sync_copy(
                idx_h.at[pl.ds(wid * nch, nch)], idx_v.at[pl.ds(base, nch)]
            )
            base += nch

        def drain_one_scatter(out_h):
            pltpu.make_async_copy(
                out_h.at[pl.ds(0, rpc)], rows_v.at[0, 0], ssem
            ).wait()

        def section(out_h, idx_base, out_base, nch):
            if nch % _G != 0 or nch // _G < 2:
                for j in range(nch):
                    pltpu.async_copy(
                        table_h.at[idx_v.at[idx_base + j]],
                        rows_v.at[0, 0], gsem,
                    ).wait()
                    pltpu.sync_copy(
                        rows_v.at[0, 0],
                        out_h.at[pl.ds(out_base + j * rpc, rpc)],
                    )
                return
            ng = nch // _G

            def body(g, carry):
                s = lax.rem(g, 2)

                @pl.when(g >= 2)
                def _():
                    for _ in range(_G):
                        drain_one_scatter(out_h)

                descs = []
                for b in range(_G):
                    descs.append(
                        pltpu.async_copy(
                            table_h.at[idx_v.at[idx_base + g * _G + b]],
                            rows_v.at[s, b],
                            gsem,
                        )
                    )
                for dsc in descs:
                    dsc.wait()
                for b in range(_G):
                    pltpu.async_copy(
                        rows_v.at[s, b],
                        out_h.at[pl.ds(out_base + (g * _G + b) * rpc, rpc)],
                        ssem,
                    )
                return carry

            lax.fori_loop(0, ng, body, 0)
            for _ in range(2 * _G):
                drain_one_scatter(out_h)

        idx_base = 0
        for out_h, nch in zip(out_hs, n_chunks):
            section(out_h, idx_base, wid * nch * rpc, nch)
            idx_base += nch

    return k(table, *idx_list)


def _tc_att(qt, keys4, mask3, w1t, b1c, w2t, b2c, B, L, D, units, Bb):
    nb = B // Bb
    QD = Bb // 4

    def body(q_ref, k_ref, m_ref, w1_ref, b1_ref, w2_ref, b2_ref, o_ref):
        l = pl.program_id(1)
        qv = q_ref[...]
        for j in range(_LC):
            k4t = k_ref[j].T
            kv = jnp.concatenate(
                [k4t[32 * m:32 * (m + 1), :] for m in range(4)], axis=1
            )
            x = jnp.concatenate([qv, kv, qv * kv], axis=0)
            h = jnp.dot(w1_ref[...], x, preferred_element_type=jnp.float32)
            h = jnp.maximum(h + b1_ref[...], 0.0)
            s = jnp.dot(w2_ref[...], h, preferred_element_type=jnp.float32)
            s = (s + b2_ref[...]) * m_ref[j]
            contrib = s * kv
            if j == 0:
                @pl.when(l == 0)
                def _():
                    o_ref[...] = contrib

                @pl.when(l > 0)
                def _():
                    o_ref[...] = o_ref[...] + contrib
            else:
                o_ref[...] = o_ref[...] + contrib

    return pl.pallas_call(
        body,
        grid=(nb, L // _LC),
        in_specs=[
            pl.BlockSpec((D, Bb), lambda i, l: (0, i)),
            pl.BlockSpec((_LC, QD, 128), lambda i, l: (l, i, 0)),
            pl.BlockSpec((_LC, 1, Bb), lambda i, l: (l, 0, i)),
            pl.BlockSpec((units, 3 * D), lambda i, l: (0, 0)),
            pl.BlockSpec((units, 1), lambda i, l: (0, 0)),
            pl.BlockSpec((1, units), lambda i, l: (0, 0)),
            pl.BlockSpec((1, 1), lambda i, l: (0, 0)),
        ],
        out_specs=pl.BlockSpec((D, Bb), lambda i, l: (0, i)),
        out_shape=jax.ShapeDtypeStruct((D, B), jnp.float32),
    )(qt, keys4, mask3, w1t, b1c, w2t, b2c)


def kernel(table, W1, b1, W2, b2, sparse_ids, seq_ids, target_id, mask):
    B, F = sparse_ids.shape
    L = seq_ids.shape[1]
    D = table.shape[1]
    units = W1.shape[1]
    Bb = 2048

    p_all = jnp.arange(B, dtype=jnp.int32)
    blk = p_all // Bb
    pin = p_all % Bb
    b_of_pos = blk * Bb + 4 * (pin % (Bb // 4)) + pin // (Bb // 4)
    pos_of_b = blk * Bb + (pin // 4) + (pin % 4) * (Bb // 4)

    sp = sparse_ids.astype(jnp.int32).reshape(-1, _CH)
    sq = seq_ids.astype(jnp.int32).T.reshape(-1, _CH)
    tg = target_id.astype(jnp.int32)[b_of_pos].reshape(-1, _CH)

    ns = (B * L) // (_NW * _CH)
    nt = B // (_NW * _CH)
    nf = (B * F) // (_NW * _CH)

    keys_lb, query, field_rows = _sc_gather(
        table, [sq, tg, sp], [ns, nt, nf], D
    )
    keys128 = keys_lb.reshape(-1, 128)
    field128 = field_rows.reshape(-1, 128)

    qt = query.T
    mask3 = mask.T[:, b_of_pos].reshape(L, 1, B)
    keys4 = keys128.reshape(L, B // 4, 128)

    att_p = _tc_att(qt, keys4, mask3, W1.T,
                    b1.reshape(units, 1),
                    W2.reshape(units, 1).T, b2.reshape(1, 1),
                    B=B, L=L, D=D, units=units, Bb=Bb)
    att = att_p[:, pos_of_b].T

    return jnp.concatenate([field128.reshape(B, F * D), att], axis=1)

# --- scband reference (transcript-rebuilt; emitter-appended) ---
"""Pipeline reference for scband-srs-rec-model-34565896798471 (READ-ONLY COPY).

The authoritative reference and input builder live on the scoring server;
editing this copy changes nothing except your own understanding.
"""

import jax, jax.numpy as jnp
import numpy as np

B = 16384
F = 26
L = 50
VOCAB = 1000000
D = 32
UNITS = 80

def setup_inputs(seed: int = 0) -> dict:
    key = jax.random.key(seed)
    ks = jax.random.split(key, 8)
    sparse_ids = jax.random.randint(ks[0], (B, F), 0, VOCAB, dtype=jnp.int64) if jax.config.jax_enable_x64 else jax.random.randint(ks[0], (B, F), 0, VOCAB).astype(jnp.int32)
    seq_ids = jax.random.randint(ks[1], (B, L), 0, VOCAB).astype(jnp.int32)
    target_id = jax.random.randint(ks[2], (B,), 0, VOCAB).astype(jnp.int32)
    mask = jnp.ones((B, L), dtype=jnp.float32)
    table = jax.random.normal(ks[3], (VOCAB, D), dtype=jnp.float32) * 0.05
    W1 = jax.random.normal(ks[4], (3 * D, UNITS), dtype=jnp.float32) * (1.0 / np.sqrt(3 * D))
    b1 = jnp.zeros((UNITS,), dtype=jnp.float32)
    W2 = jax.random.normal(ks[5], (UNITS, 1), dtype=jnp.float32) * (1.0 / np.sqrt(UNITS))
    b2 = jnp.zeros((1,), dtype=jnp.float32)
    return {"table": table, "W1": W1, "b1": b1, "W2": W2, "b2": b2,
            "sparse_ids": sparse_ids, "seq_ids": seq_ids, "target_id": target_id, "mask": mask}


def reference(table, W1, b1, W2, b2, sparse_ids, seq_ids, target_id, mask):
    # StdOneHot lookups for each sparse field: tf.nn.embedding_lookup
    field_emb = jnp.take(table, sparse_ids, axis=0)           # [B, F, D]
    # StdSequence: lookup history item embeddings (keys)
    keys = jnp.take(table, seq_ids, axis=0)                   # [B, L, D]
    # query embedding (embeded_values of shared feature)
    query = jnp.take(table, target_id, axis=0)                # [B, D]
    # DinAttention
    queries = jnp.broadcast_to(query[:, None, :], keys.shape)  # tile over L
    concated = jnp.concatenate([queries, keys, queries * keys], axis=-1)  # [B, L, 3D]
    dnn1 = jax.nn.relu(jnp.dot(concated, W1) + b1)             # dense_hide
    dnn_out = jnp.dot(dnn1, W2) + b2                           # dense_out [B, L, 1]
    scores = jnp.transpose(dnn_out, (0, 2, 1))                 # [B, 1, L]
    float_mask = mask[:, None, :]                              # expand dims
    scores = float_mask * scores
    att = jnp.matmul(scores, keys)                             # [B, 1, D]
    att = jnp.squeeze(att, axis=1)                             # [B, D]
    out = jnp.concatenate([field_emb.reshape(field_emb.shape[0], -1), att], axis=-1)
    return out

if __name__ == "__main__":
    import jax
    _d = setup_inputs()
    print(jax.jit(kernel)(*tuple(_d.values())))

</pallas_src>

<mosaic_0001>
#map = affine_map<(d0, d1) -> (0, 0)>
module attributes {stable_mosaic.version = 14 : i64} {
  func.func @k(%arg0: i32, %arg1: i32, %arg2: memref<1000000x32xf32, #tpu.memory_space<hbm>>, %arg3: memref<6400x128xi32, #tpu.memory_space<hbm>>, %arg4: memref<128x128xi32, #tpu.memory_space<hbm>>, %arg5: memref<3328x128xi32, #tpu.memory_space<hbm>>, %arg6: memref<819200x32xf32, #tpu.memory_space<hbm>>, %arg7: memref<16384x32xf32, #tpu.memory_space<hbm>>, %arg8: memref<425984x32xf32, #tpu.memory_space<hbm>>, %arg9: memref<308x128xi32, #tpu.memory_space<vmem>>, %arg10: memref<2x8x128x32xf32, #tpu.memory_space<vmem>>, %arg11: memref<!tpu.dma_semaphore, #tpu.memory_space<semaphore_mem>>, %arg12: memref<!tpu.dma_semaphore, #tpu.memory_space<semaphore_mem>>) attributes {dimension_semantics = [#tpu.dimension_semantics<core_parallel>, #tpu.dimension_semantics<subcore_parallel>], iteration_bounds = array<i64: 2, 16>, scalar_prefetch = 0 : i64, scratch_operands = 4 : i64, tpu.core_type = #tpu.core_type<sc_vector_subcore>, window_params = [{transform_indices = #map}, {transform_indices = #map}, {transform_indices = #map}, {transform_indices = #map}, {transform_indices = #map}, {transform_indices = #map}, {transform_indices = #map}]} {
    %mul3A = arith.constant 2 : i32
    %mul3A_0 = arith.muli %arg1, %mul3A : i32
    %add3A = arith.addi %mul3A_0, %arg0 : i32
    %mul3A_1 = arith.constant 200 : i32
    %mul3A_2 = arith.muli %add3A, %mul3A_1 : i32
    "tpu.region"() ({
      %run_scoped3A_659 = tpu.sem_alloc : memref<!tpu.dma_semaphore, #tpu.memory_space<semaphore_mem>>
      %dma_start3A_660 = arith.constant 0 : i32
      %dma_start3A_661 = arith.constant 0 : i32
      %dma_start3A_662 = tpu.memref_slice %arg9[%dma_start3A_660, %dma_start3A_661] : memref<308x128xi32, #tpu.memory_space<vmem>> -> memref<200x128xi32, #tpu.memory_space<vmem>>
      %dma_start3A_663 = arith.constant 0 : i32
      %dma_start3A_664 = tpu.memref_slice %arg3[%mul3A_2, %dma_start3A_663] : memref<6400x128xi32, #tpu.memory_space<hbm>> -> memref<200x128xi32, #tpu.memory_space<hbm>>
      %dma_start3A_665 = arith.constant 0 : i32
      %dma_start3A_666 = arith.constant 0 : i32
      %dma_start3A_667 = tpu.memref_slice %arg9[%dma_start3A_665, %dma_start3A_666] : memref<308x128xi32, #tpu.memory_space<vmem>> -> memref<200x128xi32, #tpu.memory_space<vmem>>
      %dma_start3A_668 = arith.constant 0 : i32
      %dma_start3A_669 = tpu.memref_slice %arg3[%mul3A_2, %dma_start3A_668] : memref<6400x128xi32, #tpu.memory_space<hbm>> -> memref<200x128xi32, #tpu.memory_space<hbm>>
      tpu.enqueue_dma source(%dma_start3A_669 : memref<200x128xi32, #tpu.memory_space<hbm>>) target(%dma_start3A_667 : memref<200x128xi32, #tpu.memory_space<vmem>>) target_semaphore(%run_scoped3A_659 : memref<!tpu.dma_semaphore, #tpu.memory_space<semaphore_mem>>)
      %dma_wait3A_670 = arith.constant 0 : i32
      %dma_wait3A_671 = arith.constant 0 : i32
      %dma_wait3A_672 = tpu.memref_slice %arg9[%dma_wait3A_670, %dma_wait3A_671] : memref<308x128xi32, #tpu.memory_space<vmem>> -> memref<200x128xi32, #tpu.memory_space<vmem>>
      %dma_wait3A_673 = arith.constant 0 : i32
      %dma_wait3A_674 = tpu.memref_slice %arg3[%mul3A_2, %dma_wait3A_673] : memref<6400x128xi32, #tpu.memory_space<hbm>> -> memref<200x128xi32, #tpu.memory_space<hbm>>
      %dma_wait3A_675 = arith.constant 0 : i32
      %dma_wait3A_676 = arith.constant 0 : i32
      %dma_wait3A_677 = tpu.memref_slice %arg9[%dma_wait3A_675, %dma_wait3A_676] : memref<308x128xi32, #tpu.memory_space<vmem>> -> memref<200x128xi32, #tpu.memory_space<vmem>>
      %dma_wait3A_678 = arith.constant 0 : i32
      %dma_wait3A_679 = tpu.memref_slice %arg3[%mul3A_2, %dma_wait3A_678] : memref<6400x128xi32, #tpu.memory_space<hbm>> -> memref<200x128xi32, #tpu.memory_space<hbm>>
      tpu.wait_dma2 semaphore(%run_scoped3A_659 : memref<!tpu.dma_semaphore, #tpu.memory_space<semaphore_mem>>) src(%dma_wait3A_679 : memref<200x128xi32, #tpu.memory_space<hbm>>) dst(%dma_wait3A_677 : memref<200x128xi32, #tpu.memory_space<vmem>>)
      tpu.yield
    }) : () -> ()
    %mul3A_3 = arith.constant 4 : i32
    %mul3A_4 = arith.muli %add3A, %mul3A_3 : i32
    "tpu.region"() ({
      %run_scoped3A_659 = tpu.sem_alloc : memref<!tpu.dma_semaphore, #tpu.memory_space<semaphore_mem>>
      %dma_start3A_660 = arith.constant 200 : i32
      %dma_start3A_661 = arith.constant 0 : i32
      %dma_start3A_662 = tpu.memref_slice %arg9[%dma_start3A_660, %dma_start3A_661] : memref<308x128xi32, #tpu.memory_space<vmem>> -> memref<4x128xi32, #tpu.memory_space<vmem>>
      %dma_start3A_663 = arith.constant 0 : i32
      %dma_start3A_664 = tpu.memref_slice %arg4[%mul3A_4, %dma_start3A_663] : memref<128x128xi32, #tpu.memory_space<hbm>> -> memref<4x128xi32, #tpu.memory_space<hbm>>
      %dma_start3A_665 = arith.constant 200 : i32
      %dma_start3A_666 = arith.constant 0 : i32
      %dma_start3A_667 = tpu.memref_slice %arg9[%dma_start3A_665, %dma_start3A_666] : memref<308x128xi32, #tpu.memory_space<vmem>> -> memref<4x128xi32, #tpu.memory_space<vmem>>
      %dma_start3A_668 = arith.constant 0 : i32
      %dma_start3A_669 = tpu.memref_slice %arg4[%mul3A_4, %dma_start3A_668] : memref<128x128xi32, #tpu.memory_space<hbm>> -> memref<4x128xi32, #tpu.memory_space<hbm>>
      tpu.enqueue_dma source(%dma_start3A_669 : memref<4x128xi32, #tpu.memory_space<hbm>>) target(%dma_start3A_667 : memref<4x128xi32, #tpu.memory_space<vmem>>) target_semaphore(%run_scoped3A_659 : memref<!tpu.dma_semaphore, #tpu.memory_space<semaphore_mem>>)
      %dma_wait3A_670 = arith.constant 200 : i32
      %dma_wait3A_671 = arith.constant 0 : i32
      %dma_wait3A_672 = tpu.memref_slice %arg9[%dma_wait3A_670, %dma_wait3A_671] : memref<308x128xi32, #tpu.memory_space<vmem>> -> memref<4x128xi32, #tpu.memory_space<vmem>>
      %dma_wait3A_673 = arith.constant 0 : i32
      %dma_wait3A_674 = tpu.memref_slice %arg4[%mul3A_4, %dma_wait3A_673] : memref<128x128xi32, #tpu.memory_space<hbm>> -> memref<4x128xi32, #tpu.memory_space<hbm>>
      %dma_wait3A_675 = arith.constant 200 : i32
      %dma_wait3A_676 = arith.constant 0 : i32
      %dma_wait3A_677 = tpu.memref_slice %arg9[%dma_wait3A_675, %dma_wait3A_676] : memref<308x128xi32, #tpu.memory_space<vmem>> -> memref<4x128xi32, #tpu.memory_space<vmem>>
      %dma_wait3A_678 = arith.constant 0 : i32
      %dma_wait3A_679 = tpu.memref_slice %arg4[%mul3A_4, %dma_wait3A_678] : memref<128x128xi32, #tpu.memory_space<hbm>> -> memref<4x128xi32, #tpu.memory_space<hbm>>
      tpu.wait_dma2 semaphore(%run_scoped3A_659 : memref<!tpu.dma_semaphore, #tpu.memory_space<semaphore_mem>>) src(%dma_wait3A_679 : memref<4x128xi32, #tpu.memory_space<hbm>>) dst(%dma_wait3A_677 : memref<4x128xi32, #tpu.memory_space<vmem>>)
      tpu.yield
    }) : () -> ()
    %mul3A_5 = arith.constant 104 : i32
    %mul3A_6 = arith.muli %add3A, %mul3A_5 : i32
    "tpu.region"() ({
      %run_scoped3A_659 = tpu.sem_alloc : memref<!tpu.dma_semaphore, #tpu.memory_space<semaphore_mem>>
      %dma_start3A_660 = arith.constant 204 : i32
      %dma_start3A_661 = arith.constant 0 : i32
      %dma_start3A_662 = tpu.memref_slice %arg9[%dma_start3A_660, %dma_start3A_661] : memref<308x128xi32, #tpu.memory_space<vmem>> -> memref<104x128xi32, #tpu.memory_space<vmem>>
      %dma_start3A_663 = arith.constant 0 : i32
      %dma_start3A_664 = tpu.memref_slice %arg5[%mul3A_6, %dma_start3A_663] : memref<3328x128xi32, #tpu.memory_space<hbm>> -> memref<104x128xi32, #tpu.memory_space<hbm>>
      %dma_start3A_665 = arith.constant 204 : i32
      %dma_start3A_666 = arith.constant 0 : i32
      %dma_start3A_667 = tpu.memref_slice %arg9[%dma_start3A_665, %dma_start3A_666] : memref<308x128xi32, #tpu.memory_space<vmem>> -> memref<104x128xi32, #tpu.memory_space<vmem>>
      %dma_start3A_668 = arith.constant 0 : i32
      %dma_start3A_669 = tpu.memref_slice %arg5[%mul3A_6, %dma_start3A_668] : memref<3328x128xi32, #tpu.memory_space<hbm>> -> memref<104x128xi32, #tpu.memory_space<hbm>>
      tpu.enqueue_dma source(%dma_start3A_669 : memref<104x128xi32, #tpu.memory_space<hbm>>) target(%dma_start3A_667 : memref<104x128xi32, #tpu.memory_space<vmem>>) target_semaphore(%run_scoped3A_659 : memref<!tpu.dma_semaphore, #tpu.memory_space<semaphore_mem>>)
      %dma_wait3A_670 = arith.constant 204 : i32
      %dma_wait3A_671 = arith.constant 0 : i32
      %dma_wait3A_672 = tpu.memref_slice %arg9[%dma_wait3A_670, %dma_wait3A_671] : memref<308x128xi32, #tpu.memory_space<vmem>> -> memref<104x128xi32, #tpu.memory_space<vmem>>
      %dma_wait3A_673 = arith.constant 0 : i32
      %dma_wait3A_674 = tpu.memref_slice %arg5[%mul3A_6, %dma_wait3A_673] : memref<3328x128xi32, #tpu.memory_space<hbm>> -> memref<104x128xi32, #tpu.memory_space<hbm>>
      %dma_wait3A_675 = arith.constant 204 : i32
      %dma_wait3A_676 = arith.constant 0 : i32
      %dma_wait3A_677 = tpu.memref_slice %arg9[%dma_wait3A_675, %dma_wait3A_676] : memref<308x128xi32, #tpu.memory_space<vmem>> -> memref<104x128xi32, #tpu.memory_space<vmem>>
      %dma_wait3A_678 = arith.constant 0 : i32
      %dma_wait3A_679 = tpu.memref_slice %arg5[%mul3A_6, %dma_wait3A_678] : memref<3328x128xi32, #tpu.memory_space<hbm>> -> memref<104x128xi32, #tpu.memory_space<hbm>>
      tpu.wait_dma2 semaphore(%run_scoped3A_659 : memref<!tpu.dma_semaphore, #tpu.memory_space<semaphore_mem>>) src(%dma_wait3A_679 : memref<104x128xi32, #tpu.memory_space<hbm>>) dst(%dma_wait3A_677 : memref<104x128xi32, #tpu.memory_space<vmem>>)
      tpu.yield
    }) : () -> ()
    %mul3A_7 = arith.constant 200 : i32
    %mul3A_8 = arith.muli %add3A, %mul3A_7 : i32
    %mul3A_9 = arith.constant 128 : i32
    %mul3A_10 = arith.muli %mul3A_8, %mul3A_9 : i32
    %scan3A = arith.constant 0 : i32
    %scan3A_11 = arith.constant 0 : i32
    %scan3A_12 = arith.constant 25 : i32
    %scan3A_13 = arith.addi %scan3A_11, %scan3A_12 : i32
    %scan3A_14 = arith.constant 1 : i32
    scf.for %scan3A_659 = %scan3A_11 to %scan3A_13 step %scan3A_14  : i32 {
      %rem3A = arith.constant 2 : i32
      %rem3A_660 = arith.remsi %scan3A_659, %rem3A : i32
      %ge3A = arith.constant 2 : i32
      %ge3A_661 = arith.cmpi sge, %scan3A_659, %ge3A : i32
      %convert_element_type3A = arith.extui %ge3A_661 : i1 to i32
      %cond3A = arith.constant 0 : i32
      %cond3A_662 = arith.cmpi ne, %convert_element_type3A, %cond3A : i32
      scf.if %cond3A_662 {
        %dma_wait3A_1047 = arith.constant 0 : i32
        %dma_wait3A_1048 = arith.constant 0 : i32
        %dma_wait3A_1049 = arith.constant 0 : i32
        %dma_wait3A_1050 = arith.constant 0 : i32
        %dma_wait3A_1051 = tpu.memref_slice %arg10[%dma_wait3A_1047, %dma_wait3A_1048, %dma_wait3A_1049, %dma_wait3A_1050] : memref<2x8x128x32xf32, #tpu.memory_space<vmem>> -> memref<1x1x128x32xf32, #tpu.memory_space<vmem>>
        %dma_wait3A_1052 = tpu.memref_squeeze %dma_wait3A_1051 : memref<1x1x128x32xf32, #tpu.memory_space<vmem>> -> memref<128x32xf32, #tpu.memory_space<vmem>>
        %dma_wait3A_1053 = arith.constant 0 : i32
        %dma_wait3A_1054 = arith.constant 0 : i32
        %dma_wait3A_1055 = tpu.memref_slice %arg6[%dma_wait3A_1053, %dma_wait3A_1054] : memref<819200x32xf32, #tpu.memory_space<hbm>> -> memref<128x32xf32, #tpu.memory_space<hbm>>
        %dma_wait3A_1056 = arith.constant 0 : i32
        %dma_wait3A_1057 = arith.constant 0 : i32
        %dma_wait3A_1058 = tpu.memref_slice %arg10[%dma_wait3A_1047, %dma_wait3A_1048, %dma_wait3A_1056, %dma_wait3A_1057] : memref<2x8x128x32xf32, #tpu.memory_space<vmem>> -> memref<1x1x128x32xf32, #tpu.memory_space<vmem>>
        %dma_wait3A_1059 = tpu.memref_squeeze %dma_wait3A_1058 : memref<1x1x128x32xf32, #tpu.memory_space<vmem>> -> memref<128x32xf32, #tpu.memory_space<vmem>>
        %dma_wait3A_1060 = arith.constant 0 : i32
        %dma_wait3A_1061 = arith.constant 0 : i32
        %dma_wait3A_1062 = tpu.memref_slice %arg6[%dma_wait3A_1060, %dma_wait3A_1061] : memref<819200x32xf32, #tpu.memory_space<hbm>> -> memref<128x32xf32, #tpu.memory_space<hbm>>
        tpu.wait_dma2 semaphore(%arg12 : memref<!tpu.dma_semaphore, #tpu.memory_space<semaphore_mem>>) src(%dma_wait3A_1062 : memref<128x32xf32, #tpu.memory_space<hbm>>) dst(%dma_wait3A_1059 : memref<128x32xf32, #tpu.memory_space<vmem>>)
        %dma_wait3A_1063 = arith.constant 0 : i32
        %dma_wait3A_1064 = arith.constant 0 : i32
        %dma_wait3A_1065 = arith.constant 0 : i32
        %dma_wait3A_1066 = arith.constant 0 : i32
        %dma_wait3A_1067 = tpu.memref_slice %arg10[%dma_wait3A_1063, %dma_wait3A_1064, %dma_wait3A_1065, %dma_wait3A_1066] : memref<2x8x128x32xf32, #tpu.memory_space<vmem>> -> memref<1x1x128x32xf32, #tpu.memory_space<vmem>>
        %dma_wait3A_1068 = tpu.memref_squeeze %dma_wait3A_1067 : memref<1x1x128x32xf32, #tpu.memory_space<vmem>> -> memref<128x32xf32, #tpu.memory_space<vmem>>
        %dma_wait3A_1069 = arith.constant 0 : i32
        %dma_wait3A_1070 = arith.constant 0 : i32
        %dma_wait3A_1071 = tpu.memref_slice %arg6[%dma_wait3A_1069, %dma_wait3A_1070] : memref<819200x32xf32, #tpu.memory_space<hbm>> -> memref<128x32xf32, #tpu.memory_space<hbm>>
        %dma_wait3A_1072 = arith.constant 0 : i32
        %dma_wait3A_1073 = arith.constant 0 : i32
        %dma_wait3A_1074 = tpu.memref_slice %arg10[%dma_wait3A_1063, %dma_wait3A_1064, %dma_wait3A_1072, %dma_wait3A_1073] : memref<2x8x128x32xf32, #tpu.memory_space<vmem>> -> memref<1x1x128x32xf32, #tpu.memory_space<vmem>>
        %dma_wait3A_1075 = tpu.memref_squeeze %dma_wait3A_1074 : memref<1x1x128x32xf32, #tpu.memory_space<vmem>> -> memref<128x32xf32, #tpu.memory_space<vmem>>
        %dma_wait3A_1076 = arith.constant 0 : i32
        %dma_wait3A_1077 = arith.constant 0 : i32
        %dma_wait3A_1078 = tpu.memref_slice %arg6[%dma_wait3A_1076, %dma_wait3A_1077] : memref<819200x32xf32, #tpu.memory_space<hbm>> -> memref<128x32xf32, #tpu.memory_space<hbm>>
        tpu.wait_dma2 semaphore(%arg12 : memref<!tpu.dma_semaphore, #tpu.memory_space<semaphore_mem>>) src(%dma_wait3A_1078 : memref<128x32xf32, #tpu.memory_space<hbm>>) dst(%dma_wait3A_1075 : memref<128x32xf32, #tpu.memory_space<vmem>>)
        %dma_wait3A_1079 = arith.constant 0 : i32
        %dma_wait3A_1080 = arith.constant 0 : i32
        %dma_wait3A_1081 = arith.constant 0 : i32
        %dma_wait3A_1082 = arith.constant 0 : i32
        %dma_wait3A_1083 = tpu.memref_slice %arg10[%dma_wait3A_1079, %dma_wait3A_1080, %dma_wait3A_1081, %dma_wait3A_1082] : memref<2x8x128x32xf32, #tpu.memory_space<vmem>> -> memref<1x1x128x32xf32, #tpu.memory_space<vmem>>
        %dma_wait3A_1084 = tpu.memref_squeeze %dma_wait3A_1083 : memref<1x1x128x32xf32, #tpu.memory_space<vmem>> -> memref<128x32xf32, #tpu.memory_space<vmem>>
        %dma_wait3A_1085 = arith.constant 0 : i32
        %dma_wait3A_1086 = arith.constant 0 : i32
        %dma_wait3A_1087 = tpu.memref_slice %arg6[%dma_wait3A_1085, %dma_wait3A_1086] : memref<819200x32xf32, #tpu.memory_space<hbm>> -> memref<128x32xf32, #tpu.memory_space<hbm>>
        %dma_wait3A_1088 = arith.constant 0 : i32
        %dma_wait3A_1089 = arith.constant 0 : i32
        %dma_wait3A_1090 = tpu.memref_slice %arg10[%dma_wait3A_1079, %dma_wait3A_1080, %dma_wait3A_1088, %dma_wait3A_1089] : memref<2x8x128x32xf32, #tpu.memory_space<vmem>> -> memref<1x1x128x32xf32, #tpu.memory_space<vmem>>
        %dma_wait3A_1091 = tpu.memref_squeeze %dma_wait3A_1090 : memref<1x1x128x32xf32, #tpu.memory_space<vmem>> -> memref<128x32xf32, #tpu.memory_space<vmem>>
        %dma_wait3A_1092 = arith.constant 0 : i32
        %dma_wait3A_1093 = arith.constant 0 : i32
        %dma_wait3A_1094 = tpu.memref_slice %arg6[%dma_wait3A_1092, %dma_wait3A_1093] : memref<819200x32xf32, #tpu.memory_space<hbm>> -> memref<128x32xf32, #tpu.memory_space<hbm>>
        tpu.wait_dma2 semaphore(%arg12 : memref<!tpu.dma_semaphore, #tpu.memory_space<semaphore_mem>>) src(%dma_wait3A_1094 : memref<128x32xf32, #tpu.memory_space<hbm>>) dst(%dma_wait3A_1091 : memref<128x32xf32, #tpu.memory_space<vmem>>)
        %dma_wait3A_1095 = arith.constant 0 : i32
        %dma_wait3A_1096 = arith.constant 0 : i32
        %dma_wait3A_1097 = arith.constant 0 : i32
        %dma_wait3A_1098 = arith.constant 0 : i32
        %dma_wait3A_1099 = tpu.memref_slice %arg10[%dma_wait3A_1095, %dma_wait3A_1096, %dma_wait3A_1097, %dma_wait3A_1098] : memref<2x8x128x32xf32, #tpu.memory_space<vmem>> -> memref<1x1x128x32xf32, #tpu.memory_space<vmem>>
        %dma_wait3A_1100 = tpu.memref_squeeze %dma_wait3A_1099 : memref<1x1x128x32xf32, #tpu.memory_space<vmem>> -> memref<128x32xf32, #tpu.memory_space<vmem>>
        %dma_wait3A_1101 = arith.constant 0 : i32
        %dma_wait3A_1102 = arith.constant 0 : i32
        %dma_wait3A_1103 = tpu.memref_slice %arg6[%dma_wait3A_1101, %dma_wait3A_1102] : memref<819200x32xf32, #tpu.memory_space<hbm>> -> memref<128x32xf32, #tpu.memory_space<hbm>>
        %dma_wait3A_1104 = arith.constant 0 : i32
        %dma_wait3A_1105 = arith.constant 0 : i32
        %dma_wait3A_1106 = tpu.memref_slice %arg10[%dma_wait3A_1095, %dma_wait3A_1096, %dma_wait3A_1104, %dma_wait3A_1105] : memref<2x8x128x32xf32, #tpu.memory_space<vmem>> -> memref<1x1x128x32xf32, #tpu.memory_space<vmem>>
        %dma_wait3A_1107 = tpu.memref_squeeze %dma_wait3A_1106 : memref<1x1x128x32xf32, #tpu.memory_space<vmem>> -> memref<128x32xf32, #tpu.memory_space<vmem>>
        %dma_wait3A_1108 = arith.constant 0 : i32
        %dma_wait3A_1109 = arith.constant 0 : i32
        %dma_wait3A_1110 = tpu.memref_slice %arg6[%dma_wait3A_1108, %dma_wait3A_1109] : memref<819200x32xf32, #tpu.memory_space<hbm>> -> memref<128x32xf32, #tpu.memory_space<hbm>>
        tpu.wait_dma2 semaphore(%arg12 : memref<!tpu.dma_semaphore, #tpu.memory_space<semaphore_mem>>) src(%dma_wait3A_1110 : memref<128x32xf32, #tpu.memory_space<hbm>>) dst(%dma_wait3A_1107 : memref<128x32xf32, #tpu.memory_space<vmem>>)
        %dma_wait3A_1111 = arith.constant 0 : i32
        %dma_wait3A_1112 = arith.constant 0 : i32
        %dma_wait3A_1113 = arith.constant 0 : i32
        %dma_wait3A_1114 = arith.constant 0 : i32
        %dma_wait3A_1115 = tpu.memref_slice %arg10[%dma_wait3A_1111, %dma_wait3A_1112, %dma_wait3A_1113, %dma_wait3A_1114] : memref<2x8x128x32xf32, #tpu.memory_space<vmem>> -> memref<1x1x128x32xf32, #tpu.memory_space<vmem>>
        %dma_wait3A_1116 = tpu.memref_squeeze %dma_wait3A_1115 : memref<1x1x128x32xf32, #tpu.memory_space<vmem>> -> memref<128x32xf32, #tpu.memory_space<vmem>>
        %dma_wait3A_1117 = arith.constant 0 : i32
        %dma_wait3A_1118 = arith.constant 0 : i32
        %dma_wait3A_1119 = tpu.memref_slice %arg6[%dma_wait3A_1117, %dma_wait3A_1118] : memref<819200x32xf32, #tpu.memory_space<hbm>> -> memref<128x32xf32, #tpu.memory_space<hbm>>
        %dma_wait3A_1120 = arith.constant 0 : i32
        %dma_wait3A_1121 = arith.constant 0 : i32
        %dma_wait3A_1122 = tpu.memref_slice %arg10[%dma_wait3A_1111, %dma_wait3A_1112, %dma_wait3A_1120, %dma_wait3A_1121] : memref<2x8x128x32xf32, #tpu.memory_space<vmem>> -> memref<1x1x128x32xf32, #tpu.memory_space<vmem>>
        %dma_wait3A_1123 = tpu.memref_squeeze %dma_wait3A_1122 : memref<1x1x128x32xf32, #tpu.memory_space<vmem>> -> memref<128x32xf32, #tpu.memory_space<vmem>>
        %dma_wait3A_1124 = arith.constant 0 : i32
        %dma_wait3A_1125 = arith.constant 0 : i32
        %dma_wait3A_1126 = tpu.memref_slice %arg6[%dma_wait3A_1124, %dma_wait3A_1125] : memref<819200x32xf32, #tpu.memory_space<hbm>> -> memref<128x32xf32, #tpu.memory_space<hbm>>
        tpu.wait_dma2 semaphore(%arg12 : memref<!tpu.dma_semaphore, #tpu.memory_space<semaphore_mem>>) src(%dma_wait3A_1126 : memref<128x32xf32, #tpu.memory_space<hbm>>) dst(%dma_wait3A_1123 : memref<128x32xf32, #tpu.memory_space<vmem>>)
        %dma_wait3A_1127 = arith.constant 0 : i32
        %dma_wait3A_1128 = arith.constant 0 : i32
        %dma_wait3A_1129 = arith.constant 0 : i32
        %dma_wait3A_1130 = arith.constant 0 : i32
        %dma_wait3A_1131 = tpu.memref_slice %arg10[%dma_wait3A_1127, %dma_wait3A_1128, %dma_wait3A_1129, %dma_wait3A_1130] : memref<2x8x128x32xf32, #tpu.memory_space<vmem>> -> memref<1x1x128x32xf32, #tpu.memory_space<vmem>>
        %dma_wait3A_1132 = tpu.memref_squeeze %dma_wait3A_1131 : memref<1x1x128x32xf32, #tpu.memory_space<vmem>> -> memref<128x32xf32, #tpu.memory_space<vmem>>
        %dma_wait3A_1133 = arith.constant 0 : i32
        %dma_wait3A_1134 = arith.constant 0 : i32
        %dma_wait3A_1135 = tpu.memref_slice %arg6[%dma_wait3A_1133, %dma_wait3A_1134] : memref<819200x32xf32, #tpu.memory_space<hbm>> -> memref<128x32xf32, #tpu.memory_space<hbm>>
        %dma_wait3A_1136 = arith.constant 0 : i32
        %dma_wait3A_1137 = arith.constant 0 : i32
        %dma_wait3A_1138 = tpu.memref_slice %arg10[%dma_wait3A_1127, %dma_wait3A_1128, %dma_wait3A_1136, %dma_wait3A_1137] : memref<2x8x128x32xf32, #tpu.memory_space<vmem>> -> memref<1x1x128x32xf32, #tpu.memory_space<vmem>>
        %dma_wait3A_1139 = tpu.memref_squeeze %dma_wait3A_1138 : memref<1x1x128x32xf32, #tpu.memory_space<vmem>> -> memref<128x32xf32, #tpu.memory_space<vmem>>
        %dma_wait3A_1140 = arith.constant 0 : i32
        %dma_wait3A_1141 = arith.constant 0 : i32
        %dma_wait3A_1142 = tpu.memref_slice %arg6[%dma_wait3A_1140, %dma_wait3A_1141] : memref<819200x32xf32, #tpu.memory_space<hbm>> -> memref<128x32xf32, #tpu.memory_space<hbm>>
        tpu.wait_dma2 semaphore(%arg12 : memref<!tpu.dma_semaphore, #tpu.memory_space<semaphore_mem>>) src(%dma_wait3A_1142 : memref<128x32xf32, #tpu.memory_space<hbm>>) dst(%dma_wait3A_1139 : memref<128x32xf32, #tpu.memory_space<vmem>>)
        %dma_wait3A_1143 = arith.constant 0 : i32
        %dma_wait3A_1144 = arith.constant 0 : i32
        %dma_wait3A_1145 = arith.constant 0 : i32
        %dma_wait3A_1146 = arith.constant 0 : i32
        %dma_wait3A_1147 = tpu.memref_slice %arg10[%dma_wait3A_1143, %dma_wait3A_1144, %dma_wait3A_1145, %dma_wait3A_1146] : memref<2x8x128x32xf32, #tpu.memory_space<vmem>> -> memref<1x1x128x32xf32, #tpu.memory_space<vmem>>
        %dma_wait3A_1148 = tpu.memref_squeeze %dma_wait3A_1147 : memref<1x1x128x32xf32, #tpu.memory_space<vmem>> -> memref<128x32xf32, #tpu.memory_space<vmem>>
        %dma_wait3A_1149 = arith.constant 0 : i32
        %dma_wait3A_1150 = arith.constant 0 : i32
        %dma_wait3A_1151 = tpu.memref_slice %arg6[%dma_wait3A_1149, %dma_wait3A_1150] : memref<819200x32xf32, #tpu.memory_space<hbm>> -> memref<128x32xf32, #tpu.memory_space<hbm>>
        %dma_wait3A_1152 = arith.constant 0 : i32
        %dma_wait3A_1153 = arith.constant 0 : i32
        %dma_wait3A_1154 = tpu.memref_slice %arg10[%dma_wait3A_1143, %dma_wait3A_1144, %dma_wait3A_1152, %dma_wait3A_1153] : memref<2x8x128x32xf32, #tpu.memory_space<vmem>> -> memref<1x1x128x32xf32, #tpu.memory_space<vmem>>
        %dma_wait3A_1155 = tpu.memref_squeeze %dma_wait3A_1154 : memref<1x1x128x32xf32, #tpu.memory_space<vmem>> -> memref<128x32xf32, #tpu.memory_space<vmem>>
        %dma_wait3A_1156 = arith.constant 0 : i32
        %dma_wait3A_1157 = arith.constant 0 : i32
        %dma_wait3A_1158 = tpu.memref_slice %arg6[%dma_wait3A_1156, %dma_wait3A_1157] : memref<819200x32xf32, #tpu.memory_space<hbm>> -> memref<128x32xf32, #tpu.memory_space<hbm>>
        tpu.wait_dma2 semaphore(%arg12 : memref<!tpu.dma_semaphore, #tpu.memory_space<semaphore_mem>>) src(%dma_wait3A_1158 : memref<128x32xf32, #tpu.memory_space<hbm>>) dst(%dma_wait3A_1155 : memref<128x32xf32, #tpu.memory_space<vmem>>)
        %dma_wait3A_1159 = arith.constant 0 : i32
        %dma_wait3A_1160 = arith.constant 0 : i32
        %dma_wait3A_1161 = arith.constant 0 : i32
        %dma_wait3A_1162 = arith.constant 0 : i32
        %dma_wait3A_1163 = tpu.memref_slice %arg10[%dma_wait3A_1159, %dma_wait3A_1160, %dma_wait3A_1161, %dma_wait3A_1162] : memref<2x8x128x32xf32, #tpu.memory_space<vmem>> -> memref<1x1x128x32xf32, #tpu.memory_space<vmem>>
        %dma_wait3A_1164 = tpu.memref_squeeze %dma_wait3A_1163 : memref<1x1x128x32xf32, #tpu.memory_space<vmem>> -> memref<128x32xf32, #tpu.memory_space<vmem>>
        %dma_wait3A_1165 = arith.constant 0 : i32
        %dma_wait3A_1166 = arith.constant 0 : i32
        %dma_wait3A_1167 = tpu.memref_slice %arg6[%dma_wait3A_1165, %dma_wait3A_1166] : memref<819200x32xf32, #tpu.memory_space<hbm>> -> memref<128x32xf32, #tpu.memory_space<hbm>>
        %dma_wait3A_1168 = arith.constant 0 : i32
        %dma_wait3A_1169 = arith.constant 0 : i32
        %dma_wait3A_1170 = tpu.memref_slice %arg10[%dma_wait3A_1159, %dma_wait3A_1160, %dma_wait3A_1168, %dma_wait3A_1169] : memref<2x8x128x32xf32, #tpu.memory_space<vmem>> -> memref<1x1x128x32xf32, #tpu.memory_space<vmem>>
        %dma_wait3A_1171 = tpu.memref_squeeze %dma_wait3A_1170 : memref<1x1x128x32xf32, #tpu.memory_space<vmem>> -> memref<128x32xf32, #tpu.memory_space<vmem>>
        %dma_wait3A_1172 = arith.constant 0 : i32
        %dma_wait3A_1173 = arith.constant 0 : i32
        %dma_wait3A_1174 = tpu.memref_slice %arg6[%dma_wait3A_1172, %dma_wait3A_1173] : memref<819200x32xf32, #tpu.memory_space<hbm>> -> memref<128x32xf32, #tpu.memory_space<hbm>>
        tpu.wait_dma2 semaphore(%arg12 : memref<!tpu.dma_semaphore, #tpu.memory_space<semaphore_mem>>) src(%dma_wait3A_1174 : memref<128x32xf32, #tpu.memory_space<hbm>>) dst(%dma_wait3A_1171 : memref<128x32xf32, #tpu.memory_space<vmem>>)
      } else {
      }
      %mul3A_663 = arith.constant 8 : i32
      %mul3A_664 = arith.muli %scan3A_659, %mul3A_663 : i32
      %add3A_665 = arith.constant 0 : i32
      %add3A_666 = arith.addi %add3A_665, %mul3A_664 : i32
      %add3A_667 = arith.constant 0 : i32
      %add3A_668 = arith.addi %add3A_666, %add3A_667 : i32
      %dma_start3A_669 = arith.constant 0 : i32
      %dma_start3A_670 = arith.constant 0 : i32
      %dma_start3A_671 = arith.constant 0 : i32
      %dma_start3A_672 = tpu.memref_slice %arg10[%rem3A_660, %dma_start3A_669, %dma_start3A_670, %dma_start3A_671] : memref<2x8x128x32xf32, #tpu.memory_space<vmem>> -> memref<1x1x128x32xf32, #tpu.memory_space<vmem>>
      %dma_start3A_673 = tpu.memref_squeeze %dma_start3A_672 : memref<1x1x128x32xf32, #tpu.memory_space<vmem>> -> memref<128x32xf32, #tpu.memory_space<vmem>>
      %dma_start3A_674 = arith.constant 0 : i32
      %dma_start3A_675 = tpu.memref_slice %arg9[%add3A_668, %dma_start3A_674] : memref<308x128xi32, #tpu.memory_space<vmem>> -> memref<1x128xi32, #tpu.memory_space<vmem>>
      %dma_start3A_676 = tpu.memref_squeeze %dma_start3A_675 : memref<1x128xi32, #tpu.memory_space<vmem>> -> memref<128xi32, #tpu.memory_space<vmem>>
      %dma_start3A_677 = arith.constant 0 : i32
      %dma_start3A_678 = arith.constant 0 : i32
      %dma_start3A_679 = tpu.memref_slice %arg2[%dma_start3A_677, %dma_start3A_678] : memref<1000000x32xf32, #tpu.memory_space<hbm>> -> memref<1000000x32xf32, #tpu.memory_space<hbm>>
      tpu.enqueue_indirect_dma source(%dma_start3A_679 : memref<1000000x32xf32, #tpu.memory_space<hbm>>) target(%dma_start3A_673 : memref<128x32xf32, #tpu.memory_space<vmem>>) offsets(%dma_start3A_676 : memref<128xi32, #tpu.memory_space<vmem>>) semaphore(%arg11 : memref<!tpu.dma_semaphore, #tpu.memory_space<semaphore_mem>>)
      %mul3A_680 = arith.constant 8 : i32
      %mul3A_681 = arith.muli %scan3A_659, %mul3A_680 : i32
      %add3A_682 = arith.constant 0 : i32
      %add3A_683 = arith.addi %add3A_682, %mul3A_681 : i32
      %add3A_684 = arith.constant 1 : i32
      %add3A_685 = arith.addi %add3A_683, %add3A_684 : i32
      %dma_start3A_686 = arith.constant 1 : i32
      %dma_start3A_687 = arith.constant 0 : i32
      %dma_start3A_688 = arith.constant 0 : i32
      %dma_start3A_689 = tpu.memref_slice %arg10[%rem3A_660, %dma_start3A_686, %dma_start3A_687, %dma_start3A_688] : memref<2x8x128x32xf32, #tpu.memory_space<vmem>> -> memref<1x1x128x32xf32, #tpu.memory_space<vmem>>
      %dma_start3A_690 = tpu.memref_squeeze %dma_start3A_689 : memref<1x1x128x32xf32, #tpu.memory_space<vmem>> -> memref<128x32xf32, #tpu.memory_space<vmem>>
      %dma_start3A_691 = arith.constant 0 : i32
      %dma_start3A_692 = tpu.memref_slice %arg9[%add3A_685, %dma_start3A_691] : memref<308x128xi32, #tpu.memory_space<vmem>> -> memref<1x128xi32, #tpu.memory_space<vmem>>
      %dma_start3A_693 = tpu.memref_squeeze %dma_start3A_692 : memref<1x128xi32, #tpu.memory_space<vmem>> -> memref<128xi32, #tpu.memory_space<vmem>>
      %dma_start3A_694 = arith.constant 0 : i32
      %dma_start3A_695 = arith.constant 0 : i32
      %dma_start3A_696 = tpu.memref_slice %arg2[%dma_start3A_694, %dma_start3A_695] : memref<1000000x32xf32, #tpu.memory_space<hbm>> -> memref<1000000x32xf32, #tpu.memory_space<hbm>>
      tpu.enqueue_indirect_dma source(%dma_start3A_696 : memref<1000000x32xf32, #tpu.memory_space<hbm>>) target(%dma_start3A_690 : memref<128x32xf32, #tpu.memory_space<vmem>>) offsets(%dma_start3A_693 : memref<128xi32, #tpu.memory_space<vmem>>) semaphore(%arg11 : memref<!tpu.dma_semaphore, #tpu.memory_space<semaphore_mem>>)
      %mul3A_697 = arith.constant 8 : i32
      %mul3A_698 = arith.muli %scan3A_659, %mul3A_697 : i32
      %add3A_699 = arith.constant 0 : i32
      %add3A_700 = arith.addi %add3A_699, %mul3A_698 : i32
      %add3A_701 = arith.constant 2 : i32
      %add3A_702 = arith.addi %add3A_700, %add3A_701 : i32
      %dma_start3A_703 = arith.constant 2 : i32
      %dma_start3A_704 = arith.constant 0 : i32
      %dma_start3A_705 = arith.constant 0 : i32
      %dma_start3A_706 = tpu.memref_slice %arg10[%rem3A_660, %dma_start3A_703, %dma_start3A_704, %dma_start3A_705] : memref<2x8x128x32xf32, #tpu.memory_space<vmem>> -> memref<1x1x128x32xf32, #tpu.memory_space<vmem>>
      %dma_start3A_707 = tpu.memref_squeeze %dma_start3A_706 : memref<1x1x128x32xf32, #tpu.memory_space<vmem>> -> memref<128x32xf32, #tpu.memory_space<vmem>>
      %dma_start3A_708 = arith.constant 0 : i32
      %dma_start3A_709 = tpu.memref_slice %arg9[%add3A_702, %dma_start3A_708] : memref<308x128xi32, #tpu.memory_space<vmem>> -> memref<1x128xi32, #tpu.memory_space<vmem>>
      %dma_start3A_710 = tpu.memref_squeeze %dma_start3A_709 : memref<1x128xi32, #tpu.memory_space<vmem>> -> memref<128xi32, #tpu.memory_space<vmem>>
      %dma_start3A_711 = arith.constant 0 : i32
      %dma_start3A_712 = arith.constant 0 : i32
      %dma_start3A_713 = tpu.memref_slice %arg2[%dma_start3A_711, %dma_start3A_712] : memref<1000000x32xf32, #tpu.memory_space<hbm>> -> memref<1000000x32xf32, #tpu.memory_space<hbm>>
      tpu.enqueue_indirect_dma source(%dma_start3A_713 : memref<1000000x32xf32, #tpu.memory_space<hbm>>) target(%dma_start3A_707 : memref<128x32xf32, #tpu.memory_space<vmem>>) offsets(%dma_start3A_710 : memref<128xi32, #tpu.memory_space<vmem>>) semaphore(%arg11 : memref<!tpu.dma_semaphore, #tpu.memory_space<semaphore_mem>>)
      %mul3A_714 = arith.constant 8 : i32
      %mul3A_715 = arith.muli %scan3A_659, %mul3A_714 : i32
      %add3A_716 = arith.constant 0 : i32
      %add3A_717 = arith.addi %add3A_716, %mul3A_715 : i32
      %add3A_718 = arith.constant 3 : i32
      %add3A_719 = arith.addi %add3A_717, %add3A_718 : i32
      %dma_start3A_720 = arith.constant 3 : i32
      %dma_start3A_721 = arith.constant 0 : i32
      %dma_start3A_722 = arith.constant 0 : i32
      %dma_start3A_723 = tpu.memref_slice %arg10[%rem3A_660, %dma_start3A_720, %dma_start3A_721, %dma_start3A_722] : memref<2x8x128x32xf32, #tpu.memory_space<vmem>> -> memref<1x1x128x32xf32, #tpu.memory_space<vmem>>
      %dma_start3A_724 = tpu.memref_squeeze %dma_start3A_723 : memref<1x1x128x32xf32, #tpu.memory_space<vmem>> -> memref<128x32xf32, #tpu.memory_space<vmem>>
      %dma_start3A_725 = arith.constant 0 : i32
      %dma_start3A_726 = tpu.memref_slice %arg9[%add3A_719, %dma_start3A_725] : memref<308x128xi32, #tpu.memory_space<vmem>> -> memref<1x128xi32, #tpu.memory_space<vmem>>
      %dma_start3A_727 = tpu.memref_squeeze %dma_start3A_726 : memref<1x128xi32, #tpu.memory_space<vmem>> -> memref<128xi32, #tpu.memory_space<vmem>>
      %dma_start3A_728 = arith.constant 0 : i32
      %dma_start3A_729 = arith.constant 0 : i32
      %dma_start3A_730 = tpu.memref_slice %arg2[%dma_start3A_728, %dma_start3A_729] : memref<1000000x32xf32, #tpu.memory_space<hbm>> -> memref<1000000x32xf32, #tpu.memory_space<hbm>>
      tpu.enqueue_indirect_dma source(%dma_start3A_730 : memref<1000000x32xf32, #tpu.memory_space<hbm>>) target(%dma_start3A_724 : memref<128x32xf32, #tpu.memory_space<vmem>>) offsets(%dma_start3A_727 : memref<128xi32, #tpu.memory_space<vmem>>) semaphore(%arg11 : memref<!tpu.dma_semaphore, #tpu.memory_space<semaphore_mem>>)
      %mul3A_731 = arith.constant 8 : i32
      %mul3A_732 = arith.muli %scan3A_659, %mul3A_731 : i32
      %add3A_733 = arith.constant 0 : i32
      %add3A_734 = arith.addi %add3A_733, %mul3A_732 : i32
      %add3A_735 = arith.constant 4 : i32
      %add3A_736 = arith.addi %add3A_734, %add3A_735 : i32
      %dma_start3A_737 = arith.constant 4 : i32
      %dma_start3A_738 = arith.constant 0 : i32
      %dma_start3A_739 = arith.constant 0 : i32
      %dma_start3A_740 = tpu.memref_slice %arg10[%rem3A_660, %dma_start3A_737, %dma_start3A_738, %dma_start3A_739] : memref<2x8x128x32xf32, #tpu.memory_space<vmem>> -> memref<1x1x128x32xf32, #tpu.memory_space<vmem>>
      %dma_start3A_741 = tpu.memref_squeeze %dma_start3A_740 : memref<1x1x128x32xf32, #tpu.memory_space<vmem>> -> memref<128x32xf32, #tpu.memory_space<vmem>>
      %dma_start3A_742 = arith.constant 0 : i32
      %dma_start3A_743 = tpu.memref_slice %arg9[%add3A_736, %dma_start3A_742] : memref<308x128xi32, #tpu.memory_space<vmem>> -> memref<1x128xi32, #tpu.memory_space<vmem>>
      %dma_start3A_744 = tpu.memref_squeeze %dma_start3A_743 : memref<1x128xi32, #tpu.memory_space<vmem>> -> memref<128xi32, #tpu.memory_space<vmem>>
      %dma_start3A_745 = arith.constant 0 : i32
      %dma_start3A_746 = arith.constant 0 : i32
      %dma_start3A_747 = tpu.memref_slice %arg2[%dma_start3A_745, %dma_start3A_746] : memref<1000000x32xf32, #tpu.memory_space<hbm>> -> memref<1000000x32xf32, #tpu.memory_space<hbm>>
      tpu.enqueue_indirect_dma source(%dma_start3A_747 : memref<1000000x32xf32, #tpu.memory_space<hbm>>) target(%dma_start3A_741 : memref<128x32xf32, #tpu.memory_space<vmem>>) offsets(%dma_start3A_744 : memref<128xi32, #tpu.memory_space<vmem>>) semaphore(%arg11 : memref<!tpu.dma_semaphore, #tpu.memory_space<semaphore_mem>>)
      %mul3A_748 = arith.constant 8 : i32
      %mul3A_749 = arith.muli %scan3A_659, %mul3A_748 : i32
      %add3A_750 = arith.constant 0 : i32
      %add3A_751 = arith.addi %add3A_750, %mul3A_749 : i32
      %add3A_752 = arith.constant 5 : i32
      %add3A_753 = arith.addi %add3A_751, %add3A_752 : i32
      %dma_start3A_754 = arith.constant 5 : i32
      %dma_start3A_755 = arith.constant 0 : i32
      %dma_start3A_756 = arith.constant 0 : i32
      %dma_start3A_757 = tpu.memref_slice %arg10[%rem3A_660, %dma_start3A_754, %dma_start3A_755, %dma_start3A_756] : memref<2x8x128x32xf32, #tpu.memory_space<vmem>> -> memref<1x1x128x32xf32, #tpu.memory_space<vmem>>
      %dma_start3A_758 = tpu.memref_squeeze %dma_start3A_757 : memref<1x1x128x32xf32, #tpu.memory_space<vmem>> -> memref<128x32xf32, #tpu.memory_space<vmem>>
      %dma_start3A_759 = arith.constant 0 : i32
      %dma_start3A_760 = tpu.memref_slice %arg9[%add3A_753, %dma_start3A_759] : memref<308x128xi32, #tpu.memory_space<vmem>> -> memref<1x128xi32, #tpu.memory_space<vmem>>
      %dma_start3A_761 = tpu.memref_squeeze %dma_start3A_760 : memref<1x128xi32, #tpu.memory_space<vmem>> -> memref<128xi32, #tpu.memory_space<vmem>>
      %dma_start3A_762 = arith.constant 0 : i32
      %dma_start3A_763 = arith.constant 0 : i32
      %dma_start3A_764 = tpu.memref_slice %arg2[%dma_start3A_762, %dma_start3A_763] : memref<1000000x32xf32, #tpu.memory_space<hbm>> -> memref<1000000x32xf32, #tpu.memory_space<hbm>>
      tpu.enqueue_indirect_dma source(%dma_start3A_764 : memref<1000000x32xf32, #tpu.memory_space<hbm>>) target(%dma_start3A_758 : memref<128x32xf32, #tpu.memory_space<vmem>>) offsets(%dma_start3A_761 : memref<128xi32, #tpu.memory_space<vmem>>) semaphore(%arg11 : memref<!tpu.dma_semaphore, #tpu.memory_space<semaphore_mem>>)
      %mul3A_765 = arith.constant 8 : i32
      %mul3A_766 = arith.muli %scan3A_659, %mul3A_765 : i32
      %add3A_767 = arith.constant 0 : i32
      %add3A_768 = arith.addi %add3A_767, %mul3A_766 : i32
      %add3A_769 = arith.constant 6 : i32
      %add3A_770 = arith.addi %add3A_768, %add3A_769 : i32
      %dma_start3A_771 = arith.constant 6 : i32
      %dma_start3A_772 = arith.constant 0 : i32
      %dma_start3A_773 = arith.constant 0 : i32
      %dma_start3A_774 = tpu.memref_slice %arg10[%rem3A_660, %dma_start3A_771, %dma_start3A_772, %dma_start3A_773] : memref<2x8x128x32xf32, #tpu.memory_space<vmem>> -> memref<1x1x128x32xf32, #tpu.memory_space<vmem>>
      %dma_start3A_775 = tpu.memref_squeeze %dma_start3A_774 : memref<1x1x128x32xf32, #tpu.memory_space<vmem>> -> memref<128x32xf32, #tpu.memory_space<vmem>>
      %dma_start3A_776 = arith.constant 0 : i32
      %dma_start3A_777 = tpu.memref_slice %arg9[%add3A_770, %dma_start3A_776] : memref<308x128xi32, #tpu.memory_space<vmem>> -> memref<1x128xi32, #tpu.memory_space<vmem>>
      %dma_start3A_778 = tpu.memref_squeeze %dma_start3A_777 : memref<1x128xi32, #tpu.memory_space<vmem>> -> memref<128xi32, #tpu.memory_space<vmem>>
      %dma_start3A_779 = arith.constant 0 : i32
      %dma_start3A_780 = arith.constant 0 : i32
      %dma_start3A_781 = tpu.memref_slice %arg2[%dma_start3A_779, %dma_start3A_780] : memref<1000000x32xf32, #tpu.memory_space<hbm>> -> memref<1000000x32xf32, #tpu.memory_space<hbm>>
      tpu.enqueue_indirect_dma source(%dma_start3A_781 : memref<1000000x32xf32, #tpu.memory_space<hbm>>) target(%dma_start3A_775 : memref<128x32xf32, #tpu.memory_space<vmem>>) offsets(%dma_start3A_778 : memref<128xi32, #tpu.memory_space<vmem>>) semaphore(%arg11 : memref<!tpu.dma_semaphore, #tpu.memory_space<semaphore_mem>>)
      %mul3A_782 = arith.constant 8 : i32
      %mul3A_783 = arith.muli %scan3A_659, %mul3A_782 : i32
      %add3A_784 = arith.constant 0 : i32
      %add3A_785 = arith.addi %add3A_784, %mul3A_783 : i32
      %add3A_786 = arith.constant 7 : i32
      %add3A_787 = arith.addi %add3A_785, %add3A_786 : i32
      %dma_start3A_788 = arith.constant 7 : i32
      %dma_start3A_789 = arith.constant 0 : i32
      %dma_start3A_790 = arith.constant 0 : i32
      %dma_start3A_791 = tpu.memref_slice %arg10[%rem3A_660, %dma_start3A_788, %dma_start3A_789, %dma_start3A_790] : memref<2x8x128x32xf32, #tpu.memory_space<vmem>> -> memref<1x1x128x32xf32, #tpu.memory_space<vmem>>
      %dma_start3A_792 = tpu.memref_squeeze %dma_start3A_791 : memref<1x1x128x32xf32, #tpu.memory_space<vmem>> -> memref<128x32xf32, #tpu.memory_space<vmem>>
      %dma_start3A_793 = arith.constant 0 : i32
      %dma_start3A_794 = tpu.memref_slice %arg9[%add3A_787, %dma_start3A_793] : memref<308x128xi32, #tpu.memory_space<vmem>> -> memref<1x128xi32, #tpu.memory_space<vmem>>
      %dma_start3A_795 = tpu.memref_squeeze %dma_start3A_794 : memref<1x128xi32, #tpu.memory_space<vmem>> -> memref<128xi32, #tpu.memory_space<vmem>>
      %dma_start3A_796 = arith.constant 0 : i32
      %dma_start3A_797 = arith.constant 0 : i32
      %dma_start3A_798 = tpu.memref_slice %arg2[%dma_start3A_796, %dma_start3A_797] : memref<1000000x32xf32, #tpu.memory_space<hbm>> -> memref<1000000x32xf32, #tpu.memory_space<hbm>>
      tpu.enqueue_indirect_dma source(%dma_start3A_798 : memref<1000000x32xf32, #tpu.memory_space<hbm>>) target(%dma_start3A_792 : memref<128x32xf32, #tpu.memory_space<vmem>>) offsets(%dma_start3A_795 : memref<128xi32, #tpu.memory_space<vmem>>) semaphore(%arg11 : memref<!tpu.dma_semaphore, #tpu.memory_space<semaphore_mem>>)
      %dma_wait3A_799 = arith.constant 0 : i32
      %dma_wait3A_800 = arith.constant 0 : i32
      %dma_wait3A_801 = arith.constant 0 : i32
      %dma_wait3A_802 = tpu.memref_slice %arg10[%rem3A_660, %dma_wait3A_799, %dma_wait3A_800, %dma_wait3A_801] : memref<2x8x128x32xf32, #tpu.memory_space<vmem>> -> memref<1x1x128x32xf32, #tpu.memory_space<vmem>>
      %dma_wait3A_803 = tpu.memref_squeeze %dma_wait3A_802 : memref<1x1x128x32xf32, #tpu.memory_space<vmem>> -> memref<128x32xf32, #tpu.memory_space<vmem>>
      %dma_wait3A_804 = arith.constant 0 : i32
      %dma_wait3A_805 = tpu.memref_slice %arg9[%add3A_668, %dma_wait3A_804] : memref<308x128xi32, #tpu.memory_space<vmem>> -> memref<1x128xi32, #tpu.memory_space<vmem>>
      %dma_wait3A_806 = tpu.memref_squeeze %dma_wait3A_805 : memref<1x128xi32, #tpu.memory_space<vmem>> -> memref<128xi32, #tpu.memory_space<vmem>>
      %dma_wait3A_807 = arith.constant 0 : i32
      %dma_wait3A_808 = arith.constant 0 : i32
      %dma_wait3A_809 = tpu.memref_slice %arg2[%dma_wait3A_807, %dma_wait3A_808] : memref<1000000x32xf32, #tpu.memory_space<hbm>> -> memref<1000000x32xf32, #tpu.memory_space<hbm>>
      tpu.wait_indirect_dma semaphore(%arg11 : memref<!tpu.dma_semaphore, #tpu.memory_space<semaphore_mem>>) src(%dma_wait3A_809 : memref<1000000x32xf32, #tpu.memory_space<hbm>>) dst(%dma_wait3A_803 : memref<128x32xf32, #tpu.memory_space<vmem>>)
      %dma_wait3A_810 = arith.constant 1 : i32
      %dma_wait3A_811 = arith.constant 0 : i32
      %dma_wait3A_812 = arith.constant 0 : i32
      %dma_wait3A_813 = tpu.memref_slice %arg10[%rem3A_660, %dma_wait3A_810, %dma_wait3A_811, %dma_wait3A_812] : memref<2x8x128x32xf32, #tpu.memory_space<vmem>> -> memref<1x1x128x32xf32, #tpu.memory_space<vmem>>
      %dma_wait3A_814 = tpu.memref_squeeze %dma_wait3A_813 : memref<1x1x128x32xf32, #tpu.memory_space<vmem>> -> memref<128x32xf32, #tpu.memory_space<vmem>>
      %dma_wait3A_815 = arith.constant 0 : i32
      %dma_wait3A_816 = tpu.memref_slice %arg9[%add3A_685, %dma_wait3A_815] : memref<308x128xi32, #tpu.memory_space<vmem>> -> memref<1x128xi32, #tpu.memory_space<vmem>>
      %dma_wait3A_817 = tpu.memref_squeeze %dma_wait3A_816 : memref<1x128xi32, #tpu.memory_space<vmem>> -> memref<128xi32, #tpu.memory_space<vmem>>
      %dma_wait3A_818 = arith.constant 0 : i32
      %dma_wait3A_819 = arith.constant 0 : i32
      %dma_wait3A_820 = tpu.memref_slice %arg2[%dma_wait3A_818, %dma_wait3A_819] : memref<1000000x32xf32, #tpu.memory_space<hbm>> -> memref<1000000x32xf32, #tpu.memory_space<hbm>>
      tpu.wait_indirect_dma semaphore(%arg11 : memref<!tpu.dma_semaphore, #tpu.memory_space<semaphore_mem>>) src(%dma_wait3A_820 : memref<1000000x32xf32, #tpu.memory_space<hbm>>) dst(%dma_wait3A_814 : memref<128x32xf32, #tpu.memory_space<vmem>>)
      %dma_wait3A_821 = arith.constant 2 : i32
      %dma_wait3A_822 = arith.constant 0 : i32
      %dma_wait3A_823 = arith.constant 0 : i32
      %dma_wait3A_824 = tpu.memref_slice %arg10[%rem3A_660, %dma_wait3A_821, %dma_wait3A_822, %dma_wait3A_823] : memref<2x8x128x32xf32, #tpu.memory_space<vmem>> -> memref<1x1x128x32xf32, #tpu.memory_space<vmem>>
      %dma_wait3A_825 = tpu.memref_squeeze %dma_wait3A_824 : memref<1x1x128x32xf32, #tpu.memory_space<vmem>> -> memref<128x32xf32, #tpu.memory_space<vmem>>
      %dma_wait3A_826 = arith.constant 0 : i32
      %dma_wait3A_827 = tpu.memref_slice %arg9[%add3A_702, %dma_wait3A_826] : memref<308x128xi32, #tpu.memory_space<vmem>> -> memref<1x128xi32, #tpu.memory_space<vmem>>
      %dma_wait3A_828 = tpu.memref_squeeze %dma_wait3A_827 : memref<1x128xi32, #tpu.memory_space<vmem>> -> memref<128xi32, #tpu.memory_space<vmem>>
      %dma_wait3A_829 = arith.constant 0 : i32
      %dma_wait3A_830 = arith.constant 0 : i32
      %dma_wait3A_831 = tpu.memref_slice %arg2[%dma_wait3A_829, %dma_wait3A_830] : memref<1000000x32xf32, #tpu.memory_space<hbm>> -> memref<1000000x32xf32, #tpu.memory_space<hbm>>
      tpu.wait_indirect_dma semaphore(%arg11 : memref<!tpu.dma_semaphore, #tpu.memory_space<semaphore_mem>>) src(%dma_wait3A_831 : memref<1000000x32xf32, #tpu.memory_space<hbm>>) dst(%dma_wait3A_825 : memref<128x32xf32, #tpu.memory_space<vmem>>)
      %dma_wait3A_832 = arith.constant 3 : i32
      %dma_wait3A_833 = arith.constant 0 : i32
      %dma_wait3A_834 = arith.constant 0 : i32
      %dma_wait3A_835 = tpu.memref_slice %arg10[%rem3A_660, %dma_wait3A_832, %dma_wait3A_833, %dma_wait3A_834] : memref<2x8x128x32xf32, #tpu.memory_space<vmem>> -> memref<1x1x128x32xf32, #tpu.memory_space<vmem>>
      %dma_wait3A_836 = tpu.memref_squeeze %dma_wait3A_835 : memref<1x1x128x32xf32, #tpu.memory_space<vmem>> -> memref<128x32xf32, #tpu.memory_space<vmem>>
      %dma_wait3A_837 = arith.constant 0 : i32
      %dma_wait3A_838 = tpu.memref_slice %arg9[%add3A_719, %dma_wait3A_837] : memref<308x128xi32, #tpu.memory_space<vmem>> -> memref<1x128xi32, #tpu.memory_space<vmem>>
      %dma_wait3A_839 = tpu.memref_squeeze %dma_wait3A_838 : memref<1x128xi32, #tpu.memory_space<vmem>> -> memref<128xi32, #tpu.memory_space<vmem>>
      %dma_wait3A_840 = arith.constant 0 : i32
      %dma_wait3A_841 = arith.constant 0 : i32
      %dma_wait3A_842 = tpu.memref_slice %arg2[%dma_wait3A_840, %dma_wait3A_841] : memref<1000000x32xf32, #tpu.memory_space<hbm>> -> memref<1000000x32xf32, #tpu.memory_space<hbm>>
      tpu.wait_indirect_dma semaphore(%arg11 : memref<!tpu.dma_semaphore, #tpu.memory_space<semaphore_mem>>) src(%dma_wait3A_842 : memref<1000000x32xf32, #tpu.memory_space<hbm>>) dst(%dma_wait3A_836 : memref<128x32xf32, #tpu.memory_space<vmem>>)
      %dma_wait3A_843 = arith.constant 4 : i32
      %dma_wait3A_844 = arith.constant 0 : i32
      %dma_wait3A_845 = arith.constant 0 : i32
      %dma_wait3A_846 = tpu.memref_slice %arg10[%rem3A_660, %dma_wait3A_843, %dma_wait3A_844, %dma_wait3A_845] : memref<2x8x128x32xf32, #tpu.memory_space<vmem>> -> memref<1x1x128x32xf32, #tpu.memory_space<vmem>>
      %dma_wait3A_847 = tpu.memref_squeeze %dma_wait3A_846 : memref<1x1x128x32xf32, #tpu.memory_space<vmem>> -> memref<128x32xf32, #tpu.memory_space<vmem>>
      %dma_wait3A_848 = arith.constant 0 : i32
      %dma_wait3A_849 = tpu.memref_slice %arg9[%add3A_736, %dma_wait3A_848] : memref<308x128xi32, #tpu.memory_space<vmem>> -> memref<1x128xi32, #tpu.memory_space<vmem>>
      %dma_wait3A_850 = tpu.memref_squeeze %dma_wait3A_849 : memref<1x128xi32, #tpu.memory_space<vmem>> -> memref<128xi32, #tpu.memory_space<vmem>>
      %dma_wait3A_851 = arith.constant 0 : i32
      %dma_wait3A_852 = arith.constant 0 : i32
      %dma_wait3A_853 = tpu.memref_slice %arg2[%dma_wait3A_851, %dma_wait3A_852] : memref<1000000x32xf32, #tpu.memory_space<hbm>> -> memref<1000000x32xf32, #tpu.memory_space<hbm>>
      tpu.wait_indirect_dma semaphore(%arg11 : memref<!tpu.dma_semaphore, #tpu.memory_space<semaphore_mem>>) src(%dma_wait3A_853 : memref<1000000x32xf32, #tpu.memory_space<hbm>>) dst(%dma_wait3A_847 : memref<128x32xf32, #tpu.memory_space<vmem>>)
      %dma_wait3A_854 = arith.constant 5 : i32
      %dma_wait3A_855 = arith.constant 0 : i32
      %dma_wait3A_856 = arith.constant 0 : i32
      %dma_wait3A_857 = tpu.memref_slice %arg10[%rem3A_660, %dma_wait3A_854, %dma_wait3A_855, %dma_wait3A_856] : memref<2x8x128x32xf32, #tpu.memory_space<vmem>> -> memref<1x1x128x32xf32, #tpu.memory_space<vmem>>
      %dma_wait3A_858 = tpu.memref_squeeze %dma_wait3A_857 : memref<1x1x128x32xf32, #tpu.memory_space<vmem>> -> memref<128x32xf32, #tpu.memory_space<vmem>>
      %dma_wait3A_859 = arith.constant 0 : i32
      %dma_wait3A_860 = tpu.memref_slice %arg9[%add3A_753, %dma_wait3A_859] : memref<308x128xi32, #tpu.memory_space<vmem>> -> memref<1x128xi32, #tpu.memory_space<vmem>>
      %dma_wait3A_861 = tpu.memref_squeeze %dma_wait3A_860 : memref<1x128xi32, #tpu.memory_space<vmem>> -> memref<128xi32, #tpu.memory_space<vmem>>
      %dma_wait3A_862 = arith.constant 0 : i32
      %dma_wait3A_863 = arith.constant 0 : i32
      %dma_wait3A_864 = tpu.memref_slice %arg2[%dma_wait3A_862, %dma_wait3A_863] : memref<1000000x32xf32, #tpu.memory_space<hbm>> -> memref<1000000x32xf32, #tpu.memory_space<hbm>>
      tpu.wait_indirect_dma semaphore(%arg11 : memref<!tpu.dma_semaphore, #tpu.memory_space<semaphore_mem>>) src(%dma_wait3A_864 : memref<1000000x32xf32, #tpu.memory_space<hbm>>) dst(%dma_wait3A_858 : memref<128x32xf32, #tpu.memory_space<vmem>>)
      %dma_wait3A_865 = arith.constant 6 : i32
      %dma_wait3A_866 = arith.constant 0 : i32
      %dma_wait3A_867 = arith.constant 0 : i32
      %dma_wait3A_868 = tpu.memref_slice %arg10[%rem3A_660, %dma_wait3A_865, %dma_wait3A_866, %dma_wait3A_867] : memref<2x8x128x32xf32, #tpu.memory_space<vmem>> -> memref<1x1x128x32xf32, #tpu.memory_space<vmem>>
      %dma_wait3A_869 = tpu.memref_squeeze %dma_wait3A_868 : memref<1x1x128x32xf32, #tpu.memory_space<vmem>> -> memref<128x32xf32, #tpu.memory_space<vmem>>
      %dma_wait3A_870 = arith.constant 0 : i32
      %dma_wait3A_871 = tpu.memref_slice %arg9[%add3A_770, %dma_wait3A_870] : memref<308x128xi32, #tpu.memory_space<vmem>> -> memref<1x128xi32, #tpu.memory_space<vmem>>
      %dma_wait3A_872 = tpu.memref_squeeze %dma_wait3A_871 : memref<1x128xi32, #tpu.memory_space<vmem>> -> memref<128xi32, #tpu.memory_space<vmem>>
      %dma_wait3A_873 = arith.constant 0 : i32
      %dma_wait3A_874 = arith.constant 0 : i32
      %dma_wait3A_875 = tpu.memref_slice %arg2[%dma_wait3A_873, %dma_wait3A_874] : memref<1000000x32xf32, #tpu.memory_space<hbm>> -> memref<1000000x32xf32, #tpu.memory_space<hbm>>
      tpu.wait_indirect_dma semaphore(%arg11 : memref<!tpu.dma_semaphore, #tpu.memory_space<semaphore_mem>>) src(%dma_wait3A_875 : memref<1000000x32xf32, #tpu.memory_space<hbm>>) dst(%dma_wait3A_869 : memref<128x32xf32, #tpu.memory_space<vmem>>)
      %dma_wait3A_876 = arith.constant 7 : i32
      %dma_wait3A_877 = arith.constant 0 : i32
      %dma_wait3A_878 = arith.constant 0 : i32
      %dma_wait3A_879 = tpu.memref_slice %arg10[%rem3A_660, %dma_wait3A_876, %dma_wait3A_877, %dma_wait3A_878] : memref<2x8x128x32xf32, #tpu.memory_space<vmem>> -> memref<1x1x128x32xf32, #tpu.memory_space<vmem>>
      %dma_wait3A_880 = tpu.memref_squeeze %dma_wait3A_879 : memref<1x1x128x32xf32, #tpu.memory_space<vmem>> -> memref<128x32xf32, #tpu.memory_space<vmem>>
      %dma_wait3A_881 = arith.constant 0 : i32
      %dma_wait3A_882 = tpu.memref_slice %arg9[%add3A_787, %dma_wait3A_881] : memref<308x128xi32, #tpu.memory_space<vmem>> -> memref<1x128xi32, #tpu.memory_space<vmem>>
      %dma_wait3A_883 = tpu.memref_squeeze %dma_wait3A_882 : memref<1x128xi32, #tpu.memory_space<vmem>> -> memref<128xi32, #tpu.memory_space<vmem>>
      %dma_wait3A_884 = arith.constant 0 : i32
      %dma_wait3A_885 = arith.constant 0 : i32
      %dma_wait3A_886 = tpu.memref_slice %arg2[%dma_wait3A_884, %dma_wait3A_885] : memref<1000000x32xf32, #tpu.memory_space<hbm>> -> memref<1000000x32xf32, #tpu.memory_space<hbm>>
      tpu.wait_indirect_dma semaphore(%arg11 : memref<!tpu.dma_semaphore, #tpu.memory_space<semaphore_mem>>) src(%dma_wait3A_886 : memref<1000000x32xf32, #tpu.memory_space<hbm>>) dst(%dma_wait3A_880 : memref<128x32xf32, #tpu.memory_space<vmem>>)
      %mul3A_887 = arith.constant 8 : i32
      %mul3A_888 = arith.muli %scan3A_659, %mul3A_887 : i32
      %add3A_889 = arith.constant 0 : i32
      %add3A_890 = arith.addi %mul3A_888, %add3A_889 : i32
      %mul3A_891 = arith.constant 128 : i32
      %mul3A_892 = arith.muli %add3A_890, %mul3A_891 : i32
      %add3A_893 = arith.addi %mul3A_10, %mul3A_892 : i32
      %dma_start3A_894 = arith.constant 0 : i32
      %dma_start3A_895 = arith.constant 0 : i32
      %dma_start3A_896 = arith.constant 0 : i32
      %dma_start3A_897 = tpu.memref_slice %arg10[%rem3A_660, %dma_start3A_894, %dma_start3A_895, %dma_start3A_896] : memref<2x8x128x32xf32, #tpu.memory_space<vmem>> -> memref<1x1x128x32xf32, #tpu.memory_space<vmem>>
      %dma_start3A_898 = tpu.memref_squeeze %dma_start3A_897 : memref<1x1x128x32xf32, #tpu.memory_space<vmem>> -> memref<128x32xf32, #tpu.memory_space<vmem>>
      %dma_start3A_899 = arith.constant 0 : i32
      %dma_start3A_900 = tpu.memref_slice %arg6[%add3A_893, %dma_start3A_899] : memref<819200x32xf32, #tpu.memory_space<hbm>> -> memref<128x32xf32, #tpu.memory_space<hbm>>
      %dma_start3A_901 = arith.constant 0 : i32
      %dma_start3A_902 = tpu.memref_slice %arg6[%add3A_893, %dma_start3A_901] : memref<819200x32xf32, #tpu.memory_space<hbm>> -> memref<128x32xf32, #tpu.memory_space<hbm>>
      %dma_start3A_903 = arith.constant 0 : i32
      %dma_start3A_904 = arith.constant 0 : i32
      %dma_start3A_905 = tpu.memref_slice %arg10[%rem3A_660, %dma_start3A_894, %dma_start3A_903, %dma_start3A_904] : memref<2x8x128x32xf32, #tpu.memory_space<vmem>> -> memref<1x1x128x32xf32, #tpu.memory_space<vmem>>
      %dma_start3A_906 = tpu.memref_squeeze %dma_start3A_905 : memref<1x1x128x32xf32, #tpu.memory_space<vmem>> -> memref<128x32xf32, #tpu.memory_space<vmem>>
      tpu.enqueue_dma source(%dma_start3A_906 : memref<128x32xf32, #tpu.memory_space<vmem>>) target(%dma_start3A_902 : memref<128x32xf32, #tpu.memory_space<hbm>>) target_semaphore(%arg12 : memref<!tpu.dma_semaphore, #tpu.memory_space<semaphore_mem>>)
      %mul3A_907 = arith.constant 8 : i32
      %mul3A_908 = arith.muli %scan3A_659, %mul3A_907 : i32
      %add3A_909 = arith.constant 1 : i32
      %add3A_910 = arith.addi %mul3A_908, %add3A_909 : i32
      %mul3A_911 = arith.constant 128 : i32
      %mul3A_912 = arith.muli %add3A_910, %mul3A_911 : i32
      %add3A_913 = arith.addi %mul3A_10, %mul3A_912 : i32
      %dma_start3A_914 = arith.constant 1 : i32
      %dma_start3A_915 = arith.constant 0 : i32
      %dma_start3A_916 = arith.constant 0 : i32
      %dma_start3A_917 = tpu.memref_slice %arg10[%rem3A_660, %dma_start3A_914, %dma_start3A_915, %dma_start3A_916] : memref<2x8x128x32xf32, #tpu.memory_space<vmem>> -> memref<1x1x128x32xf32, #tpu.memory_space<vmem>>
      %dma_start3A_918 = tpu.memref_squeeze %dma_start3A_917 : memref<1x1x128x32xf32, #tpu.memory_space<vmem>> -> memref<128x32xf32, #tpu.memory_space<vmem>>
      %dma_start3A_919 = arith.constant 0 : i32
      %dma_start3A_920 = tpu.memref_slice %arg6[%add3A_913, %dma_start3A_919] : memref<819200x32xf32, #tpu.memory_space<hbm>> -> memref<128x32xf32, #tpu.memory_space<hbm>>
      %dma_start3A_921 = arith.constant 0 : i32
      %dma_start3A_922 = tpu.memref_slice %arg6[%add3A_913, %dma_start3A_921] : memref<819200x32xf32, #tpu.memory_space<hbm>> -> memref<128x32xf32, #tpu.memory_space<hbm>>
      %dma_start3A_923 = arith.constant 0 : i32
      %dma_start3A_924 = arith.constant 0 : i32
      %dma_start3A_925 = tpu.memref_slice %arg10[%rem3A_660, %dma_start3A_914, %dma_start3A_923, %dma_start3A_924] : memref<2x8x128x32xf32, #tpu.memory_space<vmem>> -> memref<1x1x128x32xf32, #tpu.memory_space<vmem>>
      %dma_start3A_926 = tpu.memref_squeeze %dma_start3A_925 : memref<1x1x128x32xf32, #tpu.memory_space<vmem>> -> memref<128x32xf32, #tpu.memory_space<vmem>>
      tpu.enqueue_dma source(%dma_start3A_926 : memref<128x32xf32, #tpu.memory_space<vmem>>) target(%dma_start3A_922 : memref<128x32xf32, #tpu.memory_space<hbm>>) target_semaphore(%arg12 : memref<!tpu.dma_semaphore, #tpu.memory_space<semaphore_mem>>)
      %mul3A_927 = arith.constant 8 : i32
      %mul3A_928 = arith.muli %scan3A_659, %mul3A_927 : i32
      %add3A_929 = arith.constant 2 : i32
      %add3A_930 = arith.addi %mul3A_928, %add3A_929 : i32
      %mul3A_931 = arith.constant 128 : i32
      %mul3A_932 = arith.muli %add3A_930, %mul3A_931 : i32
      %add3A_933 = arith.addi %mul3A_10, %mul3A_932 : i32
      %dma_start3A_934 = arith.constant 2 : i32
      %dma_start3A_935 = arith.constant 0 : i32
      %dma_start3A_936 = arith.constant 0 : i32
      %dma_start3A_937 = tpu.memref_slice %arg10[%rem3A_660, %dma_start3A_934, %dma_start3A_935, %dma_start3A_936] : memref<2x8x128x32xf32, #tpu.memory_space<vmem>> -> memref<1x1x128x32xf32, #tpu.memory_space<vmem>>
      %dma_start3A_938 = tpu.memref_squeeze %dma_start3A_937 : memref<1x1x128x32xf32, #tpu.memory_space<vmem>> -> memref<128x32xf32, #tpu.memory_space<vmem>>
      %dma_start3A_939 = arith.constant 0 : i32
      %dma_start3A_940 = tpu.memref_slice %arg6[%add3A_933, %dma_start3A_939] : memref<819200x32xf32, #tpu.memory_space<hbm>> -> memref<128x32xf32, #tpu.memory_space<hbm>>
      %dma_start3A_941 = arith.constant 0 : i32
      %dma_start3A_942 = tpu.memref_slice %arg6[%add3A_933, %dma_start3A_941] : memref<819200x32xf32, #tpu.memory_space<hbm>> -> memref<128x32xf32, #tpu.memory_space<hbm>>
      %dma_start3A_943 = arith.constant 0 : i32
      %dma_start3A_944 = arith.constant 0 : i32
      %dma_start3A_945 = tpu.memref_slice %arg10[%rem3A_660, %dma_start3A_934, %dma_start3A_943, %dma_start3A_944] : memref<2x8x128x32xf32, #tpu.memory_space<vmem>> -> memref<1x1x128x32xf32, #tpu.memory_space<vmem>>
      %dma_start3A_946 = tpu.memref_squeeze %dma_start3A_945 : memref<1x1x128x32xf32, #tpu.memory_space<vmem>> -> memref<128x32xf32, #tpu.memory_space<vmem>>
      tpu.enqueue_dma source(%dma_start3A_946 : memref<128x32xf32, #tpu.memory_space<vmem>>) target(%dma_start3A_942 : memref<128x32xf32, #tpu.memory_space<hbm>>) target_semaphore(%arg12 : memref<!tpu.dma_semaphore, #tpu.memory_space<semaphore_mem>>)
      %mul3A_947 = arith.constant 8 : i32
      %mul3A_948 = arith.muli %scan3A_659, %mul3A_947 : i32
      %add3A_949 = arith.constant 3 : i32
      %add3A_950 = arith.addi %mul3A_948, %add3A_949 : i32
      %mul3A_951 = arith.constant 128 : i32
      %mul3A_952 = arith.muli %add3A_950, %mul3A_951 : i32
      %add3A_953 = arith.addi %mul3A_10, %mul3A_952 : i32
      %dma_start3A_954 = arith.constant 3 : i32
      %dma_start3A_955 = arith.constant 0 : i32
      %dma_start3A_956 = arith.constant 0 : i32
      %dma_start3A_957 = tpu.memref_slice %arg10[%rem3A_660, %dma_start3A_954, %dma_start3A_955, %dma_start3A_956] : memref<2x8x128x32xf32, #tpu.memory_space<vmem>> -> memref<1x1x128x32xf32, #tpu.memory_space<vmem>>
      %dma_start3A_958 = tpu.memref_squeeze %dma_start3A_957 : memref<1x1x128x32xf32, #tpu.memory_space<vmem>> -> memref<128x32xf32, #tpu.memory_space<vmem>>
      %dma_start3A_959 = arith.constant 0 : i32
      %dma_start3A_960 = tpu.memref_slice %arg6[%add3A_953, %dma_start3A_959] : memref<819200x32xf32, #tpu.memory_space<hbm>> -> memref<128x32xf32, #tpu.memory_space<hbm>>
      %dma_start3A_961 = arith.constant 0 : i32
      %dma_start3A_962 = tpu.memref_slice %arg6[%add3A_953, %dma_start3A_961] : memref<819200x32xf32, #tpu.memory_space<hbm>> -> memref<128x32xf32, #tpu.memory_space<hbm>>
      %dma_start3A_963 = arith.constant 0 : i32
      %dma_start3A_964 = arith.constant 0 : i32
      %dma_start3A_965 = tpu.memref_slice %arg10[%rem3A_660, %dma_start3A_954, %dma_start3A_963, %dma_start3A_964] : memref<2x8x128x32xf32, #tpu.memory_space<vmem>> -> memref<1x1x128x32xf32, #tpu.memory_space<vmem>>
      %dma_start3A_966 = tpu.memref_squeeze %dma_start3A_965 : memref<1x1x128x32xf32, #tpu.memory_space<vmem>> -> memref<128x32xf32, #tpu.memory_space<vmem>>
      tpu.enqueue_dma source(%dma_start3A_966 : memref<128x32xf32, #tpu.memory_space<vmem>>) target(%dma_start3A_962 : memref<128x32xf32, #tpu.memory_space<hbm>>) target_semaphore(%arg12 : memref<!tpu.dma_semaphore, #tpu.memory_space<semaphore_mem>>)
      %mul3A_967 = arith.constant 8 : i32
      %mul3A_968 = arith.muli %scan3A_659, %mul3A_967 : i32
      %add3A_969 = arith.constant 4 : i32
      %add3A_970 = arith.addi %mul3A_968, %add3A_969 : i32
      %mul3A_971 = arith.constant 128 : i32
      %mul3A_972 = arith.muli %add3A_970, %mul3A_971 : i32
      %add3A_973 = arith.addi %mul3A_10, %mul3A_972 : i32
      %dma_start3A_974 = arith.constant 4 : i32
      %dma_start3A_975 = arith.constant 0 : i32
      %dma_start3A_976 = arith.constant 0 : i32
      %dma_start3A_977 = tpu.memref_slice %arg10[%rem3A_660, %dma_start3A_974, %dma_start3A_975, %dma_start3A_976] : memref<2x8x128x32xf32, #tpu.memory_space<vmem>> -> memref<1x1x128x32xf32, #tpu.memory_space<vmem>>
      %dma_start3A_978 = tpu.memref_squeeze %dma_start3A_977 : memref<1x1x128x32xf32, #tpu.memory_space<vmem>> -> memref<128x32xf32, #tpu.memory_space<vmem>>
      %dma_start3A_979 = arith.constant 0 : i32
      %dma_start3A_980 = tpu.memref_slice %arg6[%add3A_973, %dma_start3A_979] : memref<819200x32xf32, #tpu.memory_space<hbm>> -> memref<128x32xf32, #tpu.memory_space<hbm>>
      %dma_start3A_981 = arith.constant 0 : i32
      %dma_start3A_982 = tpu.memref_slice %arg6[%add3A_973, %dma_start3A_981] : memref<819200x32xf32, #tpu.memory_space<hbm>> -> memref<128x32xf32, #tpu.memory_space<hbm>>
      %dma_start3A_983 = arith.constant 0 : i32
      %dma_start3A_984 = arith.constant 0 : i32
      %dma_start3A_985 = tpu.memref_slice %arg10[%rem3A_660, %dma_start3A_974, %dma_start3A_983, %dma_start3A_984] : memref<2x8x128x32xf32, #tpu.memory_space<vmem>> -> memref<1x1x128x32xf32, #tpu.memory_space<vmem>>
      %dma_start3A_986 = tpu.memref_squeeze %dma_start3A_985 : memref<1x1x128x32xf32, #tpu.memory_space<vmem>> -> memref<128x32xf32, #tpu.memory_space<vmem>>
      tpu.enqueue_dma source(%dma_start3A_986 : memref<128x32xf32, #tpu.memory_space<vmem>>) target(%dma_start3A_982 : memref<128x32xf32, #tpu.memory_space<hbm>>) target_semaphore(%arg12 : memref<!tpu.dma_semaphore, #tpu.memory_space<semaphore_mem>>)
      %mul3A_987 = arith.constant 8 : i32
      %mul3A_988 = arith.muli %scan3A_659, %mul3A_987 : i32
      %add3A_989 = arith.constant 5 : i32
      %add3A_990 = arith.addi %mul3A_988, %add3A_989 : i32
      %mul3A_991 = arith.constant 128 : i32
      %mul3A_992 = arith.muli %add3A_990, %mul3A_991 : i32
      %add3A_993 = arith.addi %mul3A_10, %mul3A_992 : i32
      %dma_start3A_994 = arith.constant 5 : i32
      %dma_start3A_995 = arith.constant 0 : i32
      %dma_start3A_996 = arith.constant 0 : i32
      %dma_start3A_997 = tpu.memref_slice %arg10[%rem3A_660, %dma_start3A_994, %dma_start3A_995, %dma_start3A_996] : memref<2x8x128x32xf32, #tpu.memory_space<vmem>> -> memref<1x1x128x32xf32, #tpu.memory_space<vmem>>
      %dma_start3A_998 = tpu.memref_squeeze %dma_start3A_997 : memref<1x1x128x32xf32, #tpu.memory_space<vmem>> -> memref<128x32xf32, #tpu.memory_space<vmem>>
      %dma_start3A_999 = arith.constant 0 : i32
      %dma_start3A_1000 = tpu.memref_slice %arg6[%add3A_993, %dma_start3A_999] : memref<819200x32xf32, #tpu.memory_space<hbm>> -> memref<128x32xf32, #tpu.memory_space<hbm>>
      %dma_start3A_1001 = arith.constant 0 : i32
      %dma_start3A_1002 = tpu.memref_slice %arg6[%add3A_993, %dma_start3A_1001] : memref<819200x32xf32, #tpu.memory_space<hbm>> -> memref<128x32xf32, #tpu.memory_space<hbm>>
      %dma_start3A_1003 = arith.constant 0 : i32
      %dma_start3A_1004 = arith.constant 0 : i32
      %dma_start3A_1005 = tpu.memref_slice %arg10[%rem3A_660, %dma_start3A_994, %dma_start3A_1003, %dma_start3A_1004] : memref<2x8x128x32xf32, #tpu.memory_space<vmem>> -> memref<1x1x128x32xf32, #tpu.memory_space<vmem>>
      %dma_start3A_1006 = tpu.memref_squeeze %dma_start3A_1005 : memref<1x1x128x32xf32, #tpu.memory_space<vmem>> -> memref<128x32xf32, #tpu.memory_space<vmem>>
      tpu.enqueue_dma source(%dma_start3A_1006 : memref<128x32xf32, #tpu.memory_space<vmem>>) target(%dma_start3A_1002 : memref<128x32xf32, #tpu.memory_space<hbm>>) target_semaphore(%arg12 : memref<!tpu.dma_semaphore, #tpu.memory_space<semaphore_mem>>)
      %mul3A_1007 = arith.constant 8 : i32
      %mul3A_1008 = arith.muli %scan3A_659, %mul3A_1007 : i32
      %add3A_1009 = arith.constant 6 : i32
      %add3A_1010 = arith.addi %mul3A_1008, %add3A_1009 : i32
      %mul3A_1011 = arith.constant 128 : i32
      %mul3A_1012 = arith.muli %add3A_1010, %mul3A_1011 : i32
      %add3A_1013 = arith.addi %mul3A_10, %mul3A_1012 : i32
      %dma_start3A_1014 = arith.constant 6 : i32
      %dma_start3A_1015 = arith.constant 0 : i32
      %dma_start3A_1016 = arith.constant 0 : i32
      %dma_start3A_1017 = tpu.memref_slice %arg10[%rem3A_660, %dma_start3A_1014, %dma_start3A_1015, %dma_start3A_1016] : memref<2x8x128x32xf32, #tpu.memory_space<vmem>> -> memref<1x1x128x32xf32, #tpu.memory_space<vmem>>
      %dma_start3A_1018 = tpu.memref_squeeze %dma_start3A_1017 : memref<1x1x128x32xf32, #tpu.memory_space<vmem>> -> memref<128x32xf32, #tpu.memory_space<vmem>>
      %dma_start3A_1019 = arith.constant 0 : i32
      %dma_start3A_1020 = tpu.memref_slice %arg6[%add3A_1013, %dma_start3A_1019] : memref<819200x32xf32, #tpu.memory_space<hbm>> -> memref<128x32xf32, #tpu.memory_space<hbm>>
      %dma_start3A_1021 = arith.constant 0 : i32
      %dma_start3A_1022 = tpu.memref_slice %arg6[%add3A_1013, %dma_start3A_1021] : memref<819200x32xf32, #tpu.memory_space<hbm>> -> memref<128x32xf32, #tpu.memory_space<hbm>>
      %dma_start3A_1023 = arith.constant 0 : i32
      %dma_start3A_1024 = arith.constant 0 : i32
      %dma_start3A_1025 = tpu.memref_slice %arg10[%rem3A_660, %dma_start3A_1014, %dma_start3A_1023, %dma_start3A_1024] : memref<2x8x128x32xf32, #tpu.memory_space<vmem>> -> memref<1x1x128x32xf32, #tpu.memory_space<vmem>>
      %dma_start3A_1026 = tpu.memref_squeeze %dma_start3A_1025 : memref<1x1x128x32xf32, #tpu.memory_space<vmem>> -> memref<128x32xf32, #tpu.memory_space<vmem>>
      tpu.enqueue_dma source(%dma_start3A_1026 : memref<128x32xf32, #tpu.memory_space<vmem>>) target(%dma_start3A_1022 : memref<128x32xf32, #tpu.memory_space<hbm>>) target_semaphore(%arg12 : memref<!tpu.dma_semaphore, #tpu.memory_space<semaphore_mem>>)
      %mul3A_1027 = arith.constant 8 : i32
      %mul3A_1028 = arith.muli %scan3A_659, %mul3A_1027 : i32
      %add3A_1029 = arith.constant 7 : i32
      %add3A_1030 = arith.addi %mul3A_1028, %add3A_1029 : i32
      %mul3A_1031 = arith.constant 128 : i32
      %mul3A_1032 = arith.muli %add3A_1030, %mul3A_1031 : i32
      %add3A_1033 = arith.addi %mul3A_10, %mul3A_1032 : i32
      %dma_start3A_1034 = arith.constant 7 : i32
      %dma_start3A_1035 = arith.constant 0 : i32
      %dma_start3A_1036 = arith.constant 0 : i32
      %dma_start3A_1037 = tpu.memref_slice %arg10[%rem3A_660, %dma_start3A_1034, %dma_start3A_1035, %dma_start3A_1036] : memref<2x8x128x32xf32, #tpu.memory_space<vmem>> -> memref<1x1x128x32xf32, #tpu.memory_space<vmem>>
      %dma_start3A_1038 = tpu.memref_squeeze %dma_start3A_1037 : memref<1x1x128x32xf32, #tpu.memory_space<vmem>> -> memref<128x32xf32, #tpu.memory_space<vmem>>
      %dma_start3A_1039 = arith.constant 0 : i32
      %dma_start3A_1040 = tpu.memref_slice %arg6[%add3A_1033, %dma_start3A_1039] : memref<819200x32xf32, #tpu.memory_space<hbm>> -> memref<128x32xf32, #tpu.memory_space<hbm>>
      %dma_start3A_1041 = arith.constant 0 : i32
      %dma_start3A_1042 = tpu.memref_slice %arg6[%add3A_1033, %dma_start3A_1041] : memref<819200x32xf32, #tpu.memory_space<hbm>> -> memref<128x32xf32, #tpu.memory_space<hbm>>
      %dma_start3A_1043 = arith.constant 0 : i32
      %dma_start3A_1044 = arith.constant 0 : i32
      %dma_start3A_1045 = tpu.memref_slice %arg10[%rem3A_660, %dma_start3A_1034, %dma_start3A_1043, %dma_start3A_1044] : memref<2x8x128x32xf32, #tpu.memory_space<vmem>> -> memref<1x1x128x32xf32, #tpu.memory_space<vmem>>
      %dma_start3A_1046 = tpu.memref_squeeze %dma_start3A_1045 : memref<1x1x128x32xf32, #tpu.memory_space<vmem>> -> memref<128x32xf32, #tpu.memory_space<vmem>>
      tpu.enqueue_dma source(%dma_start3A_1046 : memref<128x32xf32, #tpu.memory_space<vmem>>) target(%dma_start3A_1042 : memref<128x32xf32, #tpu.memory_space<hbm>>) target_semaphore(%arg12 : memref<!tpu.dma_semaphore, #tpu.memory_space<semaphore_mem>>)
    }
    %scan3A_15 = arith.constant 25 : i32
    %dma_wait3A = arith.constant 0 : i32
    %dma_wait3A_16 = arith.constant 0 : i32
    %dma_wait3A_17 = arith.constant 0 : i32
    %dma_wait3A_18 = arith.constant 0 : i32
    %dma_wait3A_19 = tpu.memref_slice %arg10[%dma_wait3A, %dma_wait3A_16, %dma_wait3A_17, %dma_wait3A_18] : memref<2x8x128x32xf32, #tpu.memory_space<vmem>> -> memref<1x1x128x32xf32, #tpu.memory_space<vmem>>
    %dma_wait3A_20 = tpu.memref_squeeze %dma_wait3A_19 : memref<1x1x128x32xf32, #tpu.memory_space<vmem>> -> memref<128x32xf32, #tpu.memory_space<vmem>>
    %dma_wait3A_21 = arith.constant 0 : i32
    %dma_wait3A_22 = arith.constant 0 : i32
    %dma_wait3A_23 = tpu.memref_slice %arg6[%dma_wait3A_21, %dma_wait3A_22] : memref<819200x32xf32, #tpu.memory_space<hbm>> -> memref<128x32xf32, #tpu.memory_space<hbm>>
    %dma_wait3A_24 = arith.constant 0 : i32
    %dma_wait3A_25 = arith.constant 0 : i32
    %dma_wait3A_26 = tpu.memref_slice %arg10[%dma_wait3A, %dma_wait3A_16, %dma_wait3A_24, %dma_wait3A_25] : memref<2x8x128x32xf32, #tpu.memory_space<vmem>> -> memref<1x1x128x32xf32, #tpu.memory_space<vmem>>
    %dma_wait3A_27 = tpu.memref_squeeze %dma_wait3A_26 : memref<1x1x128x32xf32, #tpu.memory_space<vmem>> -> memref<128x32xf32, #tpu.memory_space<vmem>>
    %dma_wait3A_28 = arith.constant 0 : i32
    %dma_wait3A_29 = arith.constant 0 : i32
    %dma_wait3A_30 = tpu.memref_slice %arg6[%dma_wait3A_28, %dma_wait3A_29] : memref<819200x32xf32, #tpu.memory_space<hbm>> -> memref<128x32xf32, #tpu.memory_space<hbm>>
    tpu.wait_dma2 semaphore(%arg12 : memref<!tpu.dma_semaphore, #tpu.memory_space<semaphore_mem>>) src(%dma_wait3A_30 : memref<128x32xf32, #tpu.memory_space<hbm>>) dst(%dma_wait3A_27 : memref<128x32xf32, #tpu.memory_space<vmem>>)
    %dma_wait3A_31 = arith.constant 0 : i32
    %dma_wait3A_32 = arith.constant 0 : i32
    %dma_wait3A_33 = arith.constant 0 : i32
    %dma_wait3A_34 = arith.constant 0 : i32
    %dma_wait3A_35 = tpu.memref_slice %arg10[%dma_wait3A_31, %dma_wait3A_32, %dma_wait3A_33, %dma_wait3A_34] : memref<2x8x128x32xf32, #tpu.memory_space<vmem>> -> memref<1x1x128x32xf32, #tpu.memory_space<vmem>>
    %dma_wait3A_36 = tpu.memref_squeeze %dma_wait3A_35 : memref<1x1x128x32xf32, #tpu.memory_space<vmem>> -> memref<128x32xf32, #tpu.memory_space<vmem>>
    %dma_wait3A_37 = arith.constant 0 : i32
    %dma_wait3A_38 = arith.constant 0 : i32
    %dma_wait3A_39 = tpu.memref_slice %arg6[%dma_wait3A_37, %dma_wait3A_38] : memref<819200x32xf32, #tpu.memory_space<hbm>> -> memref<128x32xf32, #tpu.memory_space<hbm>>
    %dma_wait3A_40 = arith.constant 0 : i32
    %dma_wait3A_41 = arith.constant 0 : i32
    %dma_wait3A_42 = tpu.memref_slice %arg10[%dma_wait3A_31, %dma_wait3A_32, %dma_wait3A_40, %dma_wait3A_41] : memref<2x8x128x32xf32, #tpu.memory_space<vmem>> -> memref<1x1x128x32xf32, #tpu.memory_space<vmem>>
    %dma_wait3A_43 = tpu.memref_squeeze %dma_wait3A_42 : memref<1x1x128x32xf32, #tpu.memory_space<vmem>> -> memref<128x32xf32, #tpu.memory_space<vmem>>
    %dma_wait3A_44 = arith.constant 0 : i32
    %dma_wait3A_45 = arith.constant 0 : i32
    %dma_wait3A_46 = tpu.memref_slice %arg6[%dma_wait3A_44, %dma_wait3A_45] : memref<819200x32xf32, #tpu.memory_space<hbm>> -> memref<128x32xf32, #tpu.memory_space<hbm>>
    tpu.wait_dma2 semaphore(%arg12 : memref<!tpu.dma_semaphore, #tpu.memory_space<semaphore_mem>>) src(%dma_wait3A_46 : memref<128x32xf32, #tpu.memory_space<hbm>>) dst(%dma_wait3A_43 : memref<128x32xf32, #tpu.memory_space<vmem>>)
    %dma_wait3A_47 = arith.constant 0 : i32
    %dma_wait3A_48 = arith.constant 0 : i32
    %dma_wait3A_49 = arith.constant 0 : i32
    %dma_wait3A_50 = arith.constant 0 : i32
    %dma_wait3A_51 = tpu.memref_slice %arg10[%dma_wait3A_47, %dma_wait3A_48, %dma_wait3A_49, %dma_wait3A_50] : memref<2x8x128x32xf32, #tpu.memory_space<vmem>> -> memref<1x1x128x32xf32, #tpu.memory_space<vmem>>
    %dma_wait3A_52 = tpu.memref_squeeze %dma_wait3A_51 : memref<1x1x128x32xf32, #tpu.memory_space<vmem>> -> memref<128x32xf32, #tpu.memory_space<vmem>>
    %dma_wait3A_53 = arith.constant 0 : i32
    %dma_wait3A_54 = arith.constant 0 : i32
    %dma_wait3A_55 = tpu.memref_slice %arg6[%dma_wait3A_53, %dma_wait3A_54] : memref<819200x32xf32, #tpu.memory_space<hbm>> -> memref<128x32xf32, #tpu.memory_space<hbm>>
    %dma_wait3A_56 = arith.constant 0 : i32
    %dma_wait3A_57 = arith.constant 0 : i32
    %dma_wait3A_58 = tpu.memref_slice %arg10[%dma_wait3A_47, %dma_wait3A_48, %dma_wait3A_56, %dma_wait3A_57] : memref<2x8x128x32xf32, #tpu.memory_space<vmem>> -> memref<1x1x128x32xf32, #tpu.memory_space<vmem>>
    %dma_wait3A_59 = tpu.memref_squeeze %dma_wait3A_58 : memref<1x1x128x32xf32, #tpu.memory_space<vmem>> -> memref<128x32xf32, #tpu.memory_space<vmem>>
    %dma_wait3A_60 = arith.constant 0 : i32
    %dma_wait3A_61 = arith.constant 0 : i32
    %dma_wait3A_62 = tpu.memref_slice %arg6[%dma_wait3A_60, %dma_wait3A_61] : memref<819200x32xf32, #tpu.memory_space<hbm>> -> memref<128x32xf32, #tpu.memory_space<hbm>>
    tpu.wait_dma2 semaphore(%arg12 : memref<!tpu.dma_semaphore, #tpu.memory_space<semaphore_mem>>) src(%dma_wait3A_62 : memref<128x32xf32, #tpu.memory_space<hbm>>) dst(%dma_wait3A_59 : memref<128x32xf32, #tpu.memory_space<vmem>>)
    %dma_wait3A_63 = arith.constant 0 : i32
    %dma_wait3A_64 = arith.constant 0 : i32
    %dma_wait3A_65 = arith.constant 0 : i32
    %dma_wait3A_66 = arith.constant 0 : i32
    %dma_wait3A_67 = tpu.memref_slice %arg10[%dma_wait3A_63, %dma_wait3A_64, %dma_wait3A_65, %dma_wait3A_66] : memref<2x8x128x32xf32, #tpu.memory_space<vmem>> -> memref<1x1x128x32xf32, #tpu.memory_space<vmem>>
    %dma_wait3A_68 = tpu.memref_squeeze %dma_wait3A_67 : memref<1x1x128x32xf32, #tpu.memory_space<vmem>> -> memref<128x32xf32, #tpu.memory_space<vmem>>
    %dma_wait3A_69 = arith.constant 0 : i32
    %dma_wait3A_70 = arith.constant 0 : i32
    %dma_wait3A_71 = tpu.memref_slice %arg6[%dma_wait3A_69, %dma_wait3A_70] : memref<819200x32xf32, #tpu.memory_space<hbm>> -> memref<128x32xf32, #tpu.memory_space<hbm>>
    %dma_wait3A_72 = arith.constant 0 : i32
    %dma_wait3A_73 = arith.constant 0 : i32
    %dma_wait3A_74 = tpu.memref_slice %arg10[%dma_wait3A_63, %dma_wait3A_64, %dma_wait3A_72, %dma_wait3A_73] : memref<2x8x128x32xf32, #tpu.memory_space<vmem>> -> memref<1x1x128x32xf32, #tpu.memory_space<vmem>>
    %dma_wait3A_75 = tpu.memref_squeeze %dma_wait3A_74 : memref<1x1x128x32xf32, #tpu.memory_space<vmem>> -> memref<128x32xf32, #tpu.memory_space<vmem>>
    %dma_wait3A_76 = arith.constant 0 : i32
    %dma_wait3A_77 = arith.constant 0 : i32
    %dma_wait3A_78 = tpu.memref_slice %arg6[%dma_wait3A_76, %dma_wait3A_77] : memref<819200x32xf32, #tpu.memory_space<hbm>> -> memref<128x32xf32, #tpu.memory_space<hbm>>
    tpu.wait_dma2 semaphore(%arg12 : memref<!tpu.dma_semaphore, #tpu.memory_space<semaphore_mem>>) src(%dma_wait3A_78 : memref<128x32xf32, #tpu.memory_space<hbm>>) dst(%dma_wait3A_75 : memref<128x32xf32, #tpu.memory_space<vmem>>)
    %dma_wait3A_79 = arith.constant 0 : i32
    %dma_wait3A_80 = arith.constant 0 : i32
    %dma_wait3A_81 = arith.constant 0 : i32
    %dma_wait3A_82 = arith.constant 0 : i32
    %dma_wait3A_83 = tpu.memref_slice %arg10[%dma_wait3A_79, %dma_wait3A_80, %dma_wait3A_81, %dma_wait3A_82] : memref<2x8x128x32xf32, #tpu.memory_space<vmem>> -> memref<1x1x128x32xf32, #tpu.memory_space<vmem>>
    %dma_wait3A_84 = tpu.memref_squeeze %dma_wait3A_83 : memref<1x1x128x32xf32, #tpu.memory_space<vmem>> -> memref<128x32xf32, #tpu.memory_space<vmem>>
    %dma_wait3A_85 = arith.constant 0 : i32
    %dma_wait3A_86 = arith.constant 0 : i32
    %dma_wait3A_87 = tpu.memref_slice %arg6[%dma_wait3A_85, %dma_wait3A_86] : memref<819200x32xf32, #tpu.memory_space<hbm>> -> memref<128x32xf32, #tpu.memory_space<hbm>>
    %dma_wait3A_88 = arith.constant 0 : i32
    %dma_wait3A_89 = arith.constant 0 : i32
    %dma_wait3A_90 = tpu.memref_slice %arg10[%dma_wait3A_79, %dma_wait3A_80, %dma_wait3A_88, %dma_wait3A_89] : memref<2x8x128x32xf32, #tpu.memory_space<vmem>> -> memref<1x1x128x32xf32, #tpu.memory_space<vmem>>
    %dma_wait3A_91 = tpu.memref_squeeze %dma_wait3A_90 : memref<1x1x128x32xf32, #tpu.memory_space<vmem>> -> memref<128x32xf32, #tpu.memory_space<vmem>>
    %dma_wait3A_92 = arith.constant 0 : i32
    %dma_wait3A_93 = arith.constant 0 : i32
    %dma_wait3A_94 = tpu.memref_slice %arg6[%dma_wait3A_92, %dma_wait3A_93] : memref<819200x32xf32, #tpu.memory_space<hbm>> -> memref<128x32xf32, #tpu.memory_space<hbm>>
    tpu.wait_dma2 semaphore(%arg12 : memref<!tpu.dma_semaphore, #tpu.memory_space<semaphore_mem>>) src(%dma_wait3A_94 : memref<128x32xf32, #tpu.memory_space<hbm>>) dst(%dma_wait3A_91 : memref<128x32xf32, #tpu.memory_space<vmem>>)
    %dma_wait3A_95 = arith.constant 0 : i32
    %dma_wait3A_96 = arith.constant 0 : i32
    %dma_wait3A_97 = arith.constant 0 : i32
    %dma_wait3A_98 = arith.constant 0 : i32
    %dma_wait3A_99 = tpu.memref_slice %arg10[%dma_wait3A_95, %dma_wait3A_96, %dma_wait3A_97, %dma_wait3A_98] : memref<2x8x128x32xf32, #tpu.memory_space<vmem>> -> memref<1x1x128x32xf32, #tpu.memory_space<vmem>>
    %dma_wait3A_100 = tpu.memref_squeeze %dma_wait3A_99 : memref<1x1x128x32xf32, #tpu.memory_space<vmem>> -> memref<128x32xf32, #tpu.memory_space<vmem>>
    %dma_wait3A_101 = arith.constant 0 : i32
    %dma_wait3A_102 = arith.constant 0 : i32
    %dma_wait3A_103 = tpu.memref_slice %arg6[%dma_wait3A_101, %dma_wait3A_102] : memref<819200x32xf32, #tpu.memory_space<hbm>> -> memref<128x32xf32, #tpu.memory_space<hbm>>
    %dma_wait3A_104 = arith.constant 0 : i32
    %dma_wait3A_105 = arith.constant 0 : i32
    %dma_wait3A_106 = tpu.memref_slice %arg10[%dma_wait3A_95, %dma_wait3A_96, %dma_wait3A_104, %dma_wait3A_105] : memref<2x8x128x32xf32, #tpu.memory_space<vmem>> -> memref<1x1x128x32xf32, #tpu.memory_space<vmem>>
    %dma_wait3A_107 = tpu.memref_squeeze %dma_wait3A_106 : memref<1x1x128x32xf32, #tpu.memory_space<vmem>> -> memref<128x32xf32, #tpu.memory_space<vmem>>
    %dma_wait3A_108 = arith.constant 0 : i32
    %dma_wait3A_109 = arith.constant 0 : i32
    %dma_wait3A_110 = tpu.memref_slice %arg6[%dma_wait3A_108, %dma_wait3A_109] : memref<819200x32xf32, #tpu.memory_space<hbm>> -> memref<128x32xf32, #tpu.memory_space<hbm>>
    tpu.wait_dma2 semaphore(%arg12 : memref<!tpu.dma_semaphore, #tpu.memory_space<semaphore_mem>>) src(%dma_wait3A_110 : memref<128x32xf32, #tpu.memory_space<hbm>>) dst(%dma_wait3A_107 : memref<128x32xf32, #tpu.memory_space<vmem>>)
    %dma_wait3A_111 = arith.constant 0 : i32
    %dma_wait3A_112 = arith.constant 0 : i32
    %dma_wait3A_113 = arith.constant 0 : i32
    %dma_wait3A_114 = arith.constant 0 : i32
    %dma_wait3A_115 = tpu.memref_slice %arg10[%dma_wait3A_111, %dma_wait3A_112, %dma_wait3A_113, %dma_wait3A_114] : memref<2x8x128x32xf32, #tpu.memory_space<vmem>> -> memref<1x1x128x32xf32, #tpu.memory_space<vmem>>
    %dma_wait3A_116 = tpu.memref_squeeze %dma_wait3A_115 : memref<1x1x128x32xf32, #tpu.memory_space<vmem>> -> memref<128x32xf32, #tpu.memory_space<vmem>>
    %dma_wait3A_117 = arith.constant 0 : i32
    %dma_wait3A_118 = arith.constant 0 : i32
    %dma_wait3A_119 = tpu.memref_slice %arg6[%dma_wait3A_117, %dma_wait3A_118] : memref<819200x32xf32, #tpu.memory_space<hbm>> -> memref<128x32xf32, #tpu.memory_space<hbm>>
    %dma_wait3A_120 = arith.constant 0 : i32
    %dma_wait3A_121 = arith.constant 0 : i32
    %dma_wait3A_122 = tpu.memref_slice %arg10[%dma_wait3A_111, %dma_wait3A_112, %dma_wait3A_120, %dma_wait3A_121] : memref<2x8x128x32xf32, #tpu.memory_space<vmem>> -> memref<1x1x128x32xf32, #tpu.memory_space<vmem>>
    %dma_wait3A_123 = tpu.memref_squeeze %dma_wait3A_122 : memref<1x1x128x32xf32, #tpu.memory_space<vmem>> -> memref<128x32xf32, #tpu.memory_space<vmem>>
    %dma_wait3A_124 = arith.constant 0 : i32
    %dma_wait3A_125 = arith.constant 0 : i32
    %dma_wait3A_126 = tpu.memref_slice %arg6[%dma_wait3A_124, %dma_wait3A_125] : memref<819200x32xf32, #tpu.memory_space<hbm>> -> memref<128x32xf32, #tpu.memory_space<hbm>>
    tpu.wait_dma2 semaphore(%arg12 : memref<!tpu.dma_semaphore, #tpu.memory_space<semaphore_mem>>) src(%dma_wait3A_126 : memref<128x32xf32, #tpu.memory_space<hbm>>) dst(%dma_wait3A_123 : memref<128x32xf32, #tpu.memory_space<vmem>>)
    %dma_wait3A_127 = arith.constant 0 : i32
    %dma_wait3A_128 = arith.constant 0 : i32
    %dma_wait3A_129 = arith.constant 0 : i32
    %dma_wait3A_130 = arith.constant 0 : i32
    %dma_wait3A_131 = tpu.memref_slice %arg10[%dma_wait3A_127, %dma_wait3A_128, %dma_wait3A_129, %dma_wait3A_130] : memref<2x8x128x32xf32, #tpu.memory_space<vmem>> -> memref<1x1x128x32xf32, #tpu.memory_space<vmem>>
    %dma_wait3A_132 = tpu.memref_squeeze %dma_wait3A_131 : memref<1x1x128x32xf32, #tpu.memory_space<vmem>> -> memref<128x32xf32, #tpu.memory_space<vmem>>
    %dma_wait3A_133 = arith.constant 0 : i32
    %dma_wait3A_134 = arith.constant 0 : i32
    %dma_wait3A_135 = tpu.memref_slice %arg6[%dma_wait3A_133, %dma_wait3A_134] : memref<819200x32xf32, #tpu.memory_space<hbm>> -> memref<128x32xf32, #tpu.memory_space<hbm>>
    %dma_wait3A_136 = arith.constant 0 : i32
    %dma_wait3A_137 = arith.constant 0 : i32
    %dma_wait3A_138 = tpu.memref_slice %arg10[%dma_wait3A_127, %dma_wait3A_128, %dma_wait3A_136, %dma_wait3A_137] : memref<2x8x128x32xf32, #tpu.memory_space<vmem>> -> memref<1x1x128x32xf32, #tpu.memory_space<vmem>>
    %dma_wait3A_139 = tpu.memref_squeeze %dma_wait3A_138 : memref<1x1x128x32xf32, #tpu.memory_space<vmem>> -> memref<128x32xf32, #tpu.memory_space<vmem>>
    %dma_wait3A_140 = arith.constant 0 : i32
    %dma_wait3A_141 = arith.constant 0 : i32
    %dma_wait3A_142 = tpu.memref_slice %arg6[%dma_wait3A_140, %dma_wait3A_141] : memref<819200x32xf32, #tpu.memory_space<hbm>> -> memref<128x32xf32, #tpu.memory_space<hbm>>
    tpu.wait_dma2 semaphore(%arg12 : memref<!tpu.dma_semaphore, #tpu.memory_space<semaphore_mem>>) src(%dma_wait3A_142 : memref<128x32xf32, #tpu.memory_space<hbm>>) dst(%dma_wait3A_139 : memref<128x32xf32, #tpu.memory_space<vmem>>)
    %dma_wait3A_143 = arith.constant 0 : i32
    %dma_wait3A_144 = arith.constant 0 : i32
    %dma_wait3A_145 = arith.constant 0 : i32
    %dma_wait3A_146 = arith.constant 0 : i32
    %dma_wait3A_147 = tpu.memref_slice %arg10[%dma_wait3A_143, %dma_wait3A_144, %dma_wait3A_145, %dma_wait3A_146] : memref<2x8x128x32xf32, #tpu.memory_space<vmem>> -> memref<1x1x128x32xf32, #tpu.memory_space<vmem>>
    %dma_wait3A_148 = tpu.memref_squeeze %dma_wait3A_147 : memref<1x1x128x32xf32, #tpu.memory_space<vmem>> -> memref<128x32xf32, #tpu.memory_space<vmem>>
    %dma_wait3A_149 = arith.constant 0 : i32
    %dma_wait3A_150 = arith.constant 0 : i32
    %dma_wait3A_151 = tpu.memref_slice %arg6[%dma_wait3A_149, %dma_wait3A_150] : memref<819200x32xf32, #tpu.memory_space<hbm>> -> memref<128x32xf32, #tpu.memory_space<hbm>>
    %dma_wait3A_152 = arith.constant 0 : i32
    %dma_wait3A_153 = arith.constant 0 : i32
    %dma_wait3A_154 = tpu.memref_slice %arg10[%dma_wait3A_143, %dma_wait3A_144, %dma_wait3A_152, %dma_wait3A_153] : memref<2x8x128x32xf32, #tpu.memory_space<vmem>> -> memref<1x1x128x32xf32, #tpu.memory_space<vmem>>
    %dma_wait3A_155 = tpu.memref_squeeze %dma_wait3A_154 : memref<1x1x128x32xf32, #tpu.memory_space<vmem>> -> memref<128x32xf32, #tpu.memory_space<vmem>>
    %dma_wait3A_156 = arith.constant 0 : i32
    %dma_wait3A_157 = arith.constant 0 : i32
    %dma_wait3A_158 = tpu.memref_slice %arg6[%dma_wait3A_156, %dma_wait3A_157] : memref<819200x32xf32, #tpu.memory_space<hbm>> -> memref<128x32xf32, #tpu.memory_space<hbm>>
    tpu.wait_dma2 semaphore(%arg12 : memref<!tpu.dma_semaphore, #tpu.memory_space<semaphore_mem>>) src(%dma_wait3A_158 : memref<128x32xf32, #tpu.memory_space<hbm>>) dst(%dma_wait3A_155 : memref<128x32xf32, #tpu.memory_space<vmem>>)
    %dma_wait3A_159 = arith.constant 0 : i32
    %dma_wait3A_160 = arith.constant 0 : i32
    %dma_wait3A_161 = arith.constant 0 : i32
    %dma_wait3A_162 = arith.constant 0 : i32
    %dma_wait3A_163 = tpu.memref_slice %arg10[%dma_wait3A_159, %dma_wait3A_160, %dma_wait3A_161, %dma_wait3A_162] : memref<2x8x128x32xf32, #tpu.memory_space<vmem>> -> memref<1x1x128x32xf32, #tpu.memory_space<vmem>>
    %dma_wait3A_164 = tpu.memref_squeeze %dma_wait3A_163 : memref<1x1x128x32xf32, #tpu.memory_space<vmem>> -> memref<128x32xf32, #tpu.memory_space<vmem>>
    %dma_wait3A_165 = arith.constant 0 : i32
    %dma_wait3A_166 = arith.constant 0 : i32
    %dma_wait3A_167 = tpu.memref_slice %arg6[%dma_wait3A_165, %dma_wait3A_166] : memref<819200x32xf32, #tpu.memory_space<hbm>> -> memref<128x32xf32, #tpu.memory_space<hbm>>
    %dma_wait3A_168 = arith.constant 0 : i32
    %dma_wait3A_169 = arith.constant 0 : i32
    %dma_wait3A_170 = tpu.memref_slice %arg10[%dma_wait3A_159, %dma_wait3A_160, %dma_wait3A_168, %dma_wait3A_169] : memref<2x8x128x32xf32, #tpu.memory_space<vmem>> -> memref<1x1x128x32xf32, #tpu.memory_space<vmem>>
    %dma_wait3A_171 = tpu.memref_squeeze %dma_wait3A_170 : memref<1x1x128x32xf32, #tpu.memory_space<vmem>> -> memref<128x32xf32, #tpu.memory_space<vmem>>
    %dma_wait3A_172 = arith.constant 0 : i32
    %dma_wait3A_173 = arith.constant 0 : i32
    %dma_wait3A_174 = tpu.memref_slice %arg6[%dma_wait3A_172, %dma_wait3A_173] : memref<819200x32xf32, #tpu.memory_space<hbm>> -> memref<128x32xf32, #tpu.memory_space<hbm>>
    tpu.wait_dma2 semaphore(%arg12 : memref<!tpu.dma_semaphore, #tpu.memory_space<semaphore_mem>>) src(%dma_wait3A_174 : memref<128x32xf32, #tpu.memory_space<hbm>>) dst(%dma_wait3A_171 : memref<128x32xf32, #tpu.memory_space<vmem>>)
    %dma_wait3A_175 = arith.constant 0 : i32
    %dma_wait3A_176 = arith.constant 0 : i32
    %dma_wait3A_177 = arith.constant 0 : i32
    %dma_wait3A_178 = arith.constant 0 : i32
    %dma_wait3A_179 = tpu.memref_slice %arg10[%dma_wait3A_175, %dma_wait3A_176, %dma_wait3A_177, %dma_wait3A_178] : memref<2x8x128x32xf32, #tpu.memory_space<vmem>> -> memref<1x1x128x32xf32, #tpu.memory_space<vmem>>
    %dma_wait3A_180 = tpu.memref_squeeze %dma_wait3A_179 : memref<1x1x128x32xf32, #tpu.memory_space<vmem>> -> memref<128x32xf32, #tpu.memory_space<vmem>>
    %dma_wait3A_181 = arith.constant 0 : i32
    %dma_wait3A_182 = arith.constant 0 : i32
    %dma_wait3A_183 = tpu.memref_slice %arg6[%dma_wait3A_181, %dma_wait3A_182] : memref<819200x32xf32, #tpu.memory_space<hbm>> -> memref<128x32xf32, #tpu.memory_space<hbm>>
    %dma_wait3A_184 = arith.constant 0 : i32
    %dma_wait3A_185 = arith.constant 0 : i32
    %dma_wait3A_186 = tpu.memref_slice %arg10[%dma_wait3A_175, %dma_wait3A_176, %dma_wait3A_184, %dma_wait3A_185] : memref<2x8x128x32xf32, #tpu.memory_space<vmem>> -> memref<1x1x128x32xf32, #tpu.memory_space<vmem>>
    %dma_wait3A_187 = tpu.memref_squeeze %dma_wait3A_186 : memref<1x1x128x32xf32, #tpu.memory_space<vmem>> -> memref<128x32xf32, #tpu.memory_space<vmem>>
    %dma_wait3A_188 = arith.constant 0 : i32
    %dma_wait3A_189 = arith.constant 0 : i32
    %dma_wait3A_190 = tpu.memref_slice %arg6[%dma_wait3A_188, %dma_wait3A_189] : memref<819200x32xf32, #tpu.memory_space<hbm>> -> memref<128x32xf32, #tpu.memory_space<hbm>>
    tpu.wait_dma2 semaphore(%arg12 : memref<!tpu.dma_semaphore, #tpu.memory_space<semaphore_mem>>) src(%dma_wait3A_190 : memref<128x32xf32, #tpu.memory_space<hbm>>) dst(%dma_wait3A_187 : memref<128x32xf32, #tpu.memory_space<vmem>>)
    %dma_wait3A_191 = arith.constant 0 : i32
    %dma_wait3A_192 = arith.constant 0 : i32
    %dma_wait3A_193 = arith.constant 0 : i32
    %dma_wait3A_194 = arith.constant 0 : i32
    %dma_wait3A_195 = tpu.memref_slice %arg10[%dma_wait3A_191, %dma_wait3A_192, %dma_wait3A_193, %dma_wait3A_194] : memref<2x8x128x32xf32, #tpu.memory_space<vmem>> -> memref<1x1x128x32xf32, #tpu.memory_space<vmem>>
    %dma_wait3A_196 = tpu.memref_squeeze %dma_wait3A_195 : memref<1x1x128x32xf32, #tpu.memory_space<vmem>> -> memref<128x32xf32, #tpu.memory_space<vmem>>
    %dma_wait3A_197 = arith.constant 0 : i32
    %dma_wait3A_198 = arith.constant 0 : i32
    %dma_wait3A_199 = tpu.memref_slice %arg6[%dma_wait3A_197, %dma_wait3A_198] : memref<819200x32xf32, #tpu.memory_space<hbm>> -> memref<128x32xf32, #tpu.memory_space<hbm>>
    %dma_wait3A_200 = arith.constant 0 : i32
    %dma_wait3A_201 = arith.constant 0 : i32
    %dma_wait3A_202 = tpu.memref_slice %arg10[%dma_wait3A_191, %dma_wait3A_192, %dma_wait3A_200, %dma_wait3A_201] : memref<2x8x128x32xf32, #tpu.memory_space<vmem>> -> memref<1x1x128x32xf32, #tpu.memory_space<vmem>>
    %dma_wait3A_203 = tpu.memref_squeeze %dma_wait3A_202 : memref<1x1x128x32xf32, #tpu.memory_space<vmem>> -> memref<128x32xf32, #tpu.memory_space<vmem>>
    %dma_wait3A_204 = arith.constant 0 : i32
    %dma_wait3A_205 = arith.constant 0 : i32
    %dma_wait3A_206 = tpu.memref_slice %arg6[%dma_wait3A_204, %dma_wait3A_205] : memref<819200x32xf32, #tpu.memory_space<hbm>> -> memref<128x32xf32, #tpu.memory_space<hbm>>
    tpu.wait_dma2 semaphore(%arg12 : memref<!tpu.dma_semaphore, #tpu.memory_space<semaphore_mem>>) src(%dma_wait3A_206 : memref<128x32xf32, #tpu.memory_space<hbm>>) dst(%dma_wait3A_203 : memref<128x32xf32, #tpu.memory_space<vmem>>)
    %dma_wait3A_207 = arith.constant 0 : i32
    %dma_wait3A_208 = arith.constant 0 : i32
    %dma_wait3A_209 = arith.constant 0 : i32
    %dma_wait3A_210 = arith.constant 0 : i32
    %dma_wait3A_211 = tpu.memref_slice %arg10[%dma_wait3A_207, %dma_wait3A_208, %dma_wait3A_209, %dma_wait3A_210] : memref<2x8x128x32xf32, #tpu.memory_space<vmem>> -> memref<1x1x128x32xf32, #tpu.memory_space<vmem>>
    %dma_wait3A_212 = tpu.memref_squeeze %dma_wait3A_211 : memref<1x1x128x32xf32, #tpu.memory_space<vmem>> -> memref<128x32xf32, #tpu.memory_space<vmem>>
    %dma_wait3A_213 = arith.constant 0 : i32
    %dma_wait3A_214 = arith.constant 0 : i32
    %dma_wait3A_215 = tpu.memref_slice %arg6[%dma_wait3A_213, %dma_wait3A_214] : memref<819200x32xf32, #tpu.memory_space<hbm>> -> memref<128x32xf32, #tpu.memory_space<hbm>>
    %dma_wait3A_216 = arith.constant 0 : i32
    %dma_wait3A_217 = arith.constant 0 : i32
    %dma_wait3A_218 = tpu.memref_slice %arg10[%dma_wait3A_207, %dma_wait3A_208, %dma_wait3A_216, %dma_wait3A_217] : memref<2x8x128x32xf32, #tpu.memory_space<vmem>> -> memref<1x1x128x32xf32, #tpu.memory_space<vmem>>
    %dma_wait3A_219 = tpu.memref_squeeze %dma_wait3A_218 : memref<1x1x128x32xf32, #tpu.memory_space<vmem>> -> memref<128x32xf32, #tpu.memory_space<vmem>>
    %dma_wait3A_220 = arith.constant 0 : i32
    %dma_wait3A_221 = arith.constant 0 : i32
    %dma_wait3A_222 = tpu.memref_slice %arg6[%dma_wait3A_220, %dma_wait3A_221] : memref<819200x32xf32, #tpu.memory_space<hbm>> -> memref<128x32xf32, #tpu.memory_space<hbm>>
    tpu.wait_dma2 semaphore(%arg12 : memref<!tpu.dma_semaphore, #tpu.memory_space<semaphore_mem>>) src(%dma_wait3A_222 : memref<128x32xf32, #tpu.memory_space<hbm>>) dst(%dma_wait3A_219 : memref<128x32xf32, #tpu.memory_space<vmem>>)
    %dma_wait3A_223 = arith.constant 0 : i32
    %dma_wait3A_224 = arith.constant 0 : i32
    %dma_wait3A_225 = arith.constant 0 : i32
    %dma_wait3A_226 = arith.constant 0 : i32
    %dma_wait3A_227 = tpu.memref_slice %arg10[%dma_wait3A_223, %dma_wait3A_224, %dma_wait3A_225, %dma_wait3A_226] : memref<2x8x128x32xf32, #tpu.memory_space<vmem>> -> memref<1x1x128x32xf32, #tpu.memory_space<vmem>>
    %dma_wait3A_228 = tpu.memref_squeeze %dma_wait3A_227 : memref<1x1x128x32xf32, #tpu.memory_space<vmem>> -> memref<128x32xf32, #tpu.memory_space<vmem>>
    %dma_wait3A_229 = arith.constant 0 : i32
    %dma_wait3A_230 = arith.constant 0 : i32
    %dma_wait3A_231 = tpu.memref_slice %arg6[%dma_wait3A_229, %dma_wait3A_230] : memref<819200x32xf32, #tpu.memory_space<hbm>> -> memref<128x32xf32, #tpu.memory_space<hbm>>
    %dma_wait3A_232 = arith.constant 0 : i32
    %dma_wait3A_233 = arith.constant 0 : i32
    %dma_wait3A_234 = tpu.memref_slice %arg10[%dma_wait3A_223, %dma_wait3A_224, %dma_wait3A_232, %dma_wait3A_233] : memref<2x8x128x32xf32, #tpu.memory_space<vmem>> -> memref<1x1x128x32xf32, #tpu.memory_space<vmem>>
    %dma_wait3A_235 = tpu.memref_squeeze %dma_wait3A_234 : memref<1x1x128x32xf32, #tpu.memory_space<vmem>> -> memref<128x32xf32, #tpu.memory_space<vmem>>
    %dma_wait3A_236 = arith.constant 0 : i32
    %dma_wait3A_237 = arith.constant 0 : i32
    %dma_wait3A_238 = tpu.memref_slice %arg6[%dma_wait3A_236, %dma_wait3A_237] : memref<819200x32xf32, #tpu.memory_space<hbm>> -> memref<128x32xf32, #tpu.memory_space<hbm>>
    tpu.wait_dma2 semaphore(%arg12 : memref<!tpu.dma_semaphore, #tpu.memory_space<semaphore_mem>>) src(%dma_wait3A_238 : memref<128x32xf32, #tpu.memory_space<hbm>>) dst(%dma_wait3A_235 : memref<128x32xf32, #tpu.memory_space<vmem>>)
    %dma_wait3A_239 = arith.constant 0 : i32
    %dma_wait3A_240 = arith.constant 0 : i32
    %dma_wait3A_241 = arith.constant 0 : i32
    %dma_wait3A_242 = arith.constant 0 : i32
    %dma_wait3A_243 = tpu.memref_slice %arg10[%dma_wait3A_239, %dma_wait3A_240, %dma_wait3A_241, %dma_wait3A_242] : memref<2x8x128x32xf32, #tpu.memory_space<vmem>> -> memref<1x1x128x32xf32, #tpu.memory_space<vmem>>
    %dma_wait3A_244 = tpu.memref_squeeze %dma_wait3A_243 : memref<1x1x128x32xf32, #tpu.memory_space<vmem>> -> memref<128x32xf32, #tpu.memory_space<vmem>>
    %dma_wait3A_245 = arith.constant 0 : i32
    %dma_wait3A_246 = arith.constant 0 : i32
    %dma_wait3A_247 = tpu.memref_slice %arg6[%dma_wait3A_245, %dma_wait3A_246] : memref<819200x32xf32, #tpu.memory_space<hbm>> -> memref<128x32xf32, #tpu.memory_space<hbm>>
    %dma_wait3A_248 = arith.constant 0 : i32
    %dma_wait3A_249 = arith.constant 0 : i32
    %dma_wait3A_250 = tpu.memref_slice %arg10[%dma_wait3A_239, %dma_wait3A_240, %dma_wait3A_248, %dma_wait3A_249] : memref<2x8x128x32xf32, #tpu.memory_space<vmem>> -> memref<1x1x128x32xf32, #tpu.memory_space<vmem>>
    %dma_wait3A_251 = tpu.memref_squeeze %dma_wait3A_250 : memref<1x1x128x32xf32, #tpu.memory_space<vmem>> -> memref<128x32xf32, #tpu.memory_space<vmem>>
    %dma_wait3A_252 = arith.constant 0 : i32
    %dma_wait3A_253 = arith.constant 0 : i32
    %dma_wait3A_254 = tpu.memref_slice %arg6[%dma_wait3A_252, %dma_wait3A_253] : memref<819200x32xf32, #tpu.memory_space<hbm>> -> memref<128x32xf32, #tpu.memory_space<hbm>>
    tpu.wait_dma2 semaphore(%arg12 : memref<!tpu.dma_semaphore, #tpu.memory_space<semaphore_mem>>) src(%dma_wait3A_254 : memref<128x32xf32, #tpu.memory_space<hbm>>) dst(%dma_wait3A_251 : memref<128x32xf32, #tpu.memory_space<vmem>>)
    %dma_wait3A_255 = arith.constant 0 : i32
    %dma_wait3A_256 = arith.constant 0 : i32
    %dma_wait3A_257 = arith.constant 0 : i32
    %dma_wait3A_258 = arith.constant 0 : i32
    %dma_wait3A_259 = tpu.memref_slice %arg10[%dma_wait3A_255, %dma_wait3A_256, %dma_wait3A_257, %dma_wait3A_258] : memref<2x8x128x32xf32, #tpu.memory_space<vmem>> -> memref<1x1x128x32xf32, #tpu.memory_space<vmem>>
    %dma_wait3A_260 = tpu.memref_squeeze %dma_wait3A_259 : memref<1x1x128x32xf32, #tpu.memory_space<vmem>> -> memref<128x32xf32, #tpu.memory_space<vmem>>
    %dma_wait3A_261 = arith.constant 0 : i32
    %dma_wait3A_262 = arith.constant 0 : i32
    %dma_wait3A_263 = tpu.memref_slice %arg6[%dma_wait3A_261, %dma_wait3A_262] : memref<819200x32xf32, #tpu.memory_space<hbm>> -> memref<128x32xf32, #tpu.memory_space<hbm>>
    %dma_wait3A_264 = arith.constant 0 : i32
    %dma_wait3A_265 = arith.constant 0 : i32
    %dma_wait3A_266 = tpu.memref_slice %arg10[%dma_wait3A_255, %dma_wait3A_256, %dma_wait3A_264, %dma_wait3A_265] : memref<2x8x128x32xf32, #tpu.memory_space<vmem>> -> memref<1x1x128x32xf32, #tpu.memory_space<vmem>>
    %dma_wait3A_267 = tpu.memref_squeeze %dma_wait3A_266 : memref<1x1x128x32xf32, #tpu.memory_space<vmem>> -> memref<128x32xf32, #tpu.memory_space<vmem>>
    %dma_wait3A_268 = arith.constant 0 : i32
    %dma_wait3A_269 = arith.constant 0 : i32
    %dma_wait3A_270 = tpu.memref_slice %arg6[%dma_wait3A_268, %dma_wait3A_269] : memref<819200x32xf32, #tpu.memory_space<hbm>> -> memref<128x32xf32, #tpu.memory_space<hbm>>
    tpu.wait_dma2 semaphore(%arg12 : memref<!tpu.dma_semaphore, #tpu.memory_space<semaphore_mem>>) src(%dma_wait3A_270 : memref<128x32xf32, #tpu.memory_space<hbm>>) dst(%dma_wait3A_267 : memref<128x32xf32, #tpu.memory_space<vmem>>)
    %mul3A_271 = arith.constant 4 : i32
    %mul3A_272 = arith.muli %add3A, %mul3A_271 : i32
    %mul3A_273 = arith.constant 128 : i32
    %mul3A_274 = arith.muli %mul3A_272, %mul3A_273 : i32
    %dma_start3A = arith.constant 200 : i32
    %dma_start3A_275 = arith.constant 0 : i32
    %dma_start3A_276 = arith.constant 0 : i32
    %dma_start3A_277 = arith.constant 0 : i32
    %dma_start3A_278 = arith.constant 0 : i32
    %dma_start3A_279 = tpu.memref_slice %arg10[%dma_start3A_275, %dma_start3A_276, %dma_start3A_277, %dma_start3A_278] : memref<2x8x128x32xf32, #tpu.memory_space<vmem>> -> memref<1x1x128x32xf32, #tpu.memory_space<vmem>>
    %dma_start3A_280 = tpu.memref_squeeze %dma_start3A_279 : memref<1x1x128x32xf32, #tpu.memory_space<vmem>> -> memref<128x32xf32, #tpu.memory_space<vmem>>
    %dma_start3A_281 = arith.constant 0 : i32
    %dma_start3A_282 = tpu.memref_slice %arg9[%dma_start3A, %dma_start3A_281] : memref<308x128xi32, #tpu.memory_space<vmem>> -> memref<1x128xi32, #tpu.memory_space<vmem>>
    %dma_start3A_283 = tpu.memref_squeeze %dma_start3A_282 : memref<1x128xi32, #tpu.memory_space<vmem>> -> memref<128xi32, #tpu.memory_space<vmem>>
    %dma_start3A_284 = arith.constant 0 : i32
    %dma_start3A_285 = arith.constant 0 : i32
    %dma_start3A_286 = tpu.memref_slice %arg2[%dma_start3A_284, %dma_start3A_285] : memref<1000000x32xf32, #tpu.memory_space<hbm>> -> memref<1000000x32xf32, #tpu.memory_space<hbm>>
    tpu.enqueue_indirect_dma source(%dma_start3A_286 : memref<1000000x32xf32, #tpu.memory_space<hbm>>) target(%dma_start3A_280 : memref<128x32xf32, #tpu.memory_space<vmem>>) offsets(%dma_start3A_283 : memref<128xi32, #tpu.memory_space<vmem>>) semaphore(%arg11 : memref<!tpu.dma_semaphore, #tpu.memory_space<semaphore_mem>>)
    %dma_wait3A_287 = arith.constant 200 : i32
    %dma_wait3A_288 = arith.constant 0 : i32
    %dma_wait3A_289 = arith.constant 0 : i32
    %dma_wait3A_290 = arith.constant 0 : i32
    %dma_wait3A_291 = arith.constant 0 : i32
    %dma_wait3A_292 = tpu.memref_slice %arg10[%dma_wait3A_288, %dma_wait3A_289, %dma_wait3A_290, %dma_wait3A_291] : memref<2x8x128x32xf32, #tpu.memory_space<vmem>> -> memref<1x1x128x32xf32, #tpu.memory_space<vmem>>
    %dma_wait3A_293 = tpu.memref_squeeze %dma_wait3A_292 : memref<1x1x128x32xf32, #tpu.memory_space<vmem>> -> memref<128x32xf32, #tpu.memory_space<vmem>>
    %dma_wait3A_294 = arith.constant 0 : i32
    %dma_wait3A_295 = tpu.memref_slice %arg9[%dma_wait3A_287, %dma_wait3A_294] : memref<308x128xi32, #tpu.memory_space<vmem>> -> memref<1x128xi32, #tpu.memory_space<vmem>>
    %dma_wait3A_296 = tpu.memref_squeeze %dma_wait3A_295 : memref<1x128xi32, #tpu.memory_space<vmem>> -> memref<128xi32, #tpu.memory_space<vmem>>
    %dma_wait3A_297 = arith.constant 0 : i32
    %dma_wait3A_298 = arith.constant 0 : i32
    %dma_wait3A_299 = tpu.memref_slice %arg2[%dma_wait3A_297, %dma_wait3A_298] : memref<1000000x32xf32, #tpu.memory_space<hbm>> -> memref<1000000x32xf32, #tpu.memory_space<hbm>>
    tpu.wait_indirect_dma semaphore(%arg11 : memref<!tpu.dma_semaphore, #tpu.memory_space<semaphore_mem>>) src(%dma_wait3A_299 : memref<1000000x32xf32, #tpu.memory_space<hbm>>) dst(%dma_wait3A_293 : memref<128x32xf32, #tpu.memory_space<vmem>>)
    %add3A_300 = arith.constant 0 : i32
    %add3A_301 = arith.addi %mul3A_274, %add3A_300 : i32
    %run_scoped3A = arith.constant 0 : i32
    %run_scoped3A_302 = arith.constant 0 : i32
    "tpu.region"() ({
      %run_scoped3A_659 = tpu.sem_alloc : memref<!tpu.dma_semaphore, #tpu.memory_space<semaphore_mem>>
      %dma_start3A_660 = arith.constant 0 : i32
      %dma_start3A_661 = arith.constant 0 : i32
      %dma_start3A_662 = tpu.memref_slice %arg10[%run_scoped3A, %run_scoped3A_302, %dma_start3A_660, %dma_start3A_661] : memref<2x8x128x32xf32, #tpu.memory_space<vmem>> -> memref<1x1x128x32xf32, #tpu.memory_space<vmem>>
      %dma_start3A_663 = tpu.memref_squeeze %dma_start3A_662 : memref<1x1x128x32xf32, #tpu.memory_space<vmem>> -> memref<128x32xf32, #tpu.memory_space<vmem>>
      %dma_start3A_664 = arith.constant 0 : i32
      %dma_start3A_665 = tpu.memref_slice %arg7[%add3A_301, %dma_start3A_664] : memref<16384x32xf32, #tpu.memory_space<hbm>> -> memref<128x32xf32, #tpu.memory_space<hbm>>
      %dma_start3A_666 = arith.constant 0 : i32
      %dma_start3A_667 = tpu.memref_slice %arg7[%add3A_301, %dma_start3A_666] : memref<16384x32xf32, #tpu.memory_space<hbm>> -> memref<128x32xf32, #tpu.memory_space<hbm>>
      %dma_start3A_668 = arith.constant 0 : i32
      %dma_start3A_669 = arith.constant 0 : i32
      %dma_start3A_670 = tpu.memref_slice %arg10[%run_scoped3A, %run_scoped3A_302, %dma_start3A_668, %dma_start3A_669] : memref<2x8x128x32xf32, #tpu.memory_space<vmem>> -> memref<1x1x128x32xf32, #tpu.memory_space<vmem>>
      %dma_start3A_671 = tpu.memref_squeeze %dma_start3A_670 : memref<1x1x128x32xf32, #tpu.memory_space<vmem>> -> memref<128x32xf32, #tpu.memory_space<vmem>>
      tpu.enqueue_dma source(%dma_start3A_671 : memref<128x32xf32, #tpu.memory_space<vmem>>) target(%dma_start3A_667 : memref<128x32xf32, #tpu.memory_space<hbm>>) target_semaphore(%run_scoped3A_659 : memref<!tpu.dma_semaphore, #tpu.memory_space<semaphore_mem>>)
      %dma_wait3A_672 = arith.constant 0 : i32
      %dma_wait3A_673 = arith.constant 0 : i32
      %dma_wait3A_674 = tpu.memref_slice %arg10[%run_scoped3A, %run_scoped3A_302, %dma_wait3A_672, %dma_wait3A_673] : memref<2x8x128x32xf32, #tpu.memory_space<vmem>> -> memref<1x1x128x32xf32, #tpu.memory_space<vmem>>
      %dma_wait3A_675 = tpu.memref_squeeze %dma_wait3A_674 : memref<1x1x128x32xf32, #tpu.memory_space<vmem>> -> memref<128x32xf32, #tpu.memory_space<vmem>>
      %dma_wait3A_676 = arith.constant 0 : i32
      %dma_wait3A_677 = tpu.memref_slice %arg7[%add3A_301, %dma_wait3A_676] : memref<16384x32xf32, #tpu.memory_space<hbm>> -> memref<128x32xf32, #tpu.memory_space<hbm>>
      %dma_wait3A_678 = arith.constant 0 : i32
      %dma_wait3A_679 = tpu.memref_slice %arg7[%add3A_301, %dma_wait3A_678] : memref<16384x32xf32, #tpu.memory_space<hbm>> -> memref<128x32xf32, #tpu.memory_space<hbm>>
      %dma_wait3A_680 = arith.constant 0 : i32
      %dma_wait3A_681 = arith.constant 0 : i32
      %dma_wait3A_682 = tpu.memref_slice %arg10[%run_scoped3A, %run_scoped3A_302, %dma_wait3A_680, %dma_wait3A_681] : memref<2x8x128x32xf32, #tpu.memory_space<vmem>> -> memref<1x1x128x32xf32, #tpu.memory_space<vmem>>
      %dma_wait3A_683 = tpu.memref_squeeze %dma_wait3A_682 : memref<1x1x128x32xf32, #tpu.memory_space<vmem>> -> memref<128x32xf32, #tpu.memory_space<vmem>>
      tpu.wait_dma2 semaphore(%run_scoped3A_659 : memref<!tpu.dma_semaphore, #tpu.memory_space<semaphore_mem>>) src(%dma_wait3A_683 : memref<128x32xf32, #tpu.memory_space<vmem>>) dst(%dma_wait3A_679 : memref<128x32xf32, #tpu.memory_space<hbm>>)
      tpu.yield
    }) : () -> ()
    %dma_start3A_303 = arith.constant 201 : i32
    %dma_start3A_304 = arith.constant 0 : i32
    %dma_start3A_305 = arith.constant 0 : i32
    %dma_start3A_306 = arith.constant 0 : i32
    %dma_start3A_307 = arith.constant 0 : i32
    %dma_start3A_308 = tpu.memref_slice %arg10[%dma_start3A_304, %dma_start3A_305, %dma_start3A_306, %dma_start3A_307] : memref<2x8x128x32xf32, #tpu.memory_space<vmem>> -> memref<1x1x128x32xf32, #tpu.memory_space<vmem>>
    %dma_start3A_309 = tpu.memref_squeeze %dma_start3A_308 : memref<1x1x128x32xf32, #tpu.memory_space<vmem>> -> memref<128x32xf32, #tpu.memory_space<vmem>>
    %dma_start3A_310 = arith.constant 0 : i32
    %dma_start3A_311 = tpu.memref_slice %arg9[%dma_start3A_303, %dma_start3A_310] : memref<308x128xi32, #tpu.memory_space<vmem>> -> memref<1x128xi32, #tpu.memory_space<vmem>>
    %dma_start3A_312 = tpu.memref_squeeze %dma_start3A_311 : memref<1x128xi32, #tpu.memory_space<vmem>> -> memref<128xi32, #tpu.memory_space<vmem>>
    %dma_start3A_313 = arith.constant 0 : i32
    %dma_start3A_314 = arith.constant 0 : i32
    %dma_start3A_315 = tpu.memref_slice %arg2[%dma_start3A_313, %dma_start3A_314] : memref<1000000x32xf32, #tpu.memory_space<hbm>> -> memref<1000000x32xf32, #tpu.memory_space<hbm>>
    tpu.enqueue_indirect_dma source(%dma_start3A_315 : memref<1000000x32xf32, #tpu.memory_space<hbm>>) target(%dma_start3A_309 : memref<128x32xf32, #tpu.memory_space<vmem>>) offsets(%dma_start3A_312 : memref<128xi32, #tpu.memory_space<vmem>>) semaphore(%arg11 : memref<!tpu.dma_semaphore, #tpu.memory_space<semaphore_mem>>)
    %dma_wait3A_316 = arith.constant 201 : i32
    %dma_wait3A_317 = arith.constant 0 : i32
    %dma_wait3A_318 = arith.constant 0 : i32
    %dma_wait3A_319 = arith.constant 0 : i32
    %dma_wait3A_320 = arith.constant 0 : i32
    %dma_wait3A_321 = tpu.memref_slice %arg10[%dma_wait3A_317, %dma_wait3A_318, %dma_wait3A_319, %dma_wait3A_320] : memref<2x8x128x32xf32, #tpu.memory_space<vmem>> -> memref<1x1x128x32xf32, #tpu.memory_space<vmem>>
    %dma_wait3A_322 = tpu.memref_squeeze %dma_wait3A_321 : memref<1x1x128x32xf32, #tpu.memory_space<vmem>> -> memref<128x32xf32, #tpu.memory_space<vmem>>
    %dma_wait3A_323 = arith.constant 0 : i32
    %dma_wait3A_324 = tpu.memref_slice %arg9[%dma_wait3A_316, %dma_wait3A_323] : memref<308x128xi32, #tpu.memory_space<vmem>> -> memref<1x128xi32, #tpu.memory_space<vmem>>
    %dma_wait3A_325 = tpu.memref_squeeze %dma_wait3A_324 : memref<1x128xi32, #tpu.memory_space<vmem>> -> memref<128xi32, #tpu.memory_space<vmem>>
    %dma_wait3A_326 = arith.constant 0 : i32
    %dma_wait3A_327 = arith.constant 0 : i32
    %dma_wait3A_328 = tpu.memref_slice %arg2[%dma_wait3A_326, %dma_wait3A_327] : memref<1000000x32xf32, #tpu.memory_space<hbm>> -> memref<1000000x32xf32, #tpu.memory_space<hbm>>
    tpu.wait_indirect_dma semaphore(%arg11 : memref<!tpu.dma_semaphore, #tpu.memory_space<semaphore_mem>>) src(%dma_wait3A_328 : memref<1000000x32xf32, #tpu.memory_space<hbm>>) dst(%dma_wait3A_322 : memref<128x32xf32, #tpu.memory_space<vmem>>)
    %add3A_329 = arith.constant 128 : i32
    %add3A_330 = arith.addi %mul3A_274, %add3A_329 : i32
    %run_scoped3A_331 = arith.constant 0 : i32
    %run_scoped3A_332 = arith.constant 0 : i32
    "tpu.region"() ({
      %run_scoped3A_659 = tpu.sem_alloc : memref<!tpu.dma_semaphore, #tpu.memory_space<semaphore_mem>>
      %dma_start3A_660 = arith.constant 0 : i32
      %dma_start3A_661 = arith.constant 0 : i32
      %dma_start3A_662 = tpu.memref_slice %arg10[%run_scoped3A_331, %run_scoped3A_332, %dma_start3A_660, %dma_start3A_661] : memref<2x8x128x32xf32, #tpu.memory_space<vmem>> -> memref<1x1x128x32xf32, #tpu.memory_space<vmem>>
      %dma_start3A_663 = tpu.memref_squeeze %dma_start3A_662 : memref<1x1x128x32xf32, #tpu.memory_space<vmem>> -> memref<128x32xf32, #tpu.memory_space<vmem>>
      %dma_start3A_664 = arith.constant 0 : i32
      %dma_start3A_665 = tpu.memref_slice %arg7[%add3A_330, %dma_start3A_664] : memref<16384x32xf32, #tpu.memory_space<hbm>> -> memref<128x32xf32, #tpu.memory_space<hbm>>
      %dma_start3A_666 = arith.constant 0 : i32
      %dma_start3A_667 = tpu.memref_slice %arg7[%add3A_330, %dma_start3A_666] : memref<16384x32xf32, #tpu.memory_space<hbm>> -> memref<128x32xf32, #tpu.memory_space<hbm>>
      %dma_start3A_668 = arith.constant 0 : i32
      %dma_start3A_669 = arith.constant 0 : i32
      %dma_start3A_670 = tpu.memref_slice %arg10[%run_scoped3A_331, %run_scoped3A_332, %dma_start3A_668, %dma_start3A_669] : memref<2x8x128x32xf32, #tpu.memory_space<vmem>> -> memref<1x1x128x32xf32, #tpu.memory_space<vmem>>
      %dma_start3A_671 = tpu.memref_squeeze %dma_start3A_670 : memref<1x1x128x32xf32, #tpu.memory_space<vmem>> -> memref<128x32xf32, #tpu.memory_space<vmem>>
      tpu.enqueue_dma source(%dma_start3A_671 : memref<128x32xf32, #tpu.memory_space<vmem>>) target(%dma_start3A_667 : memref<128x32xf32, #tpu.memory_space<hbm>>) target_semaphore(%run_scoped3A_659 : memref<!tpu.dma_semaphore, #tpu.memory_space<semaphore_mem>>)
      %dma_wait3A_672 = arith.constant 0 : i32
      %dma_wait3A_673 = arith.constant 0 : i32
      %dma_wait3A_674 = tpu.memref_slice %arg10[%run_scoped3A_331, %run_scoped3A_332, %dma_wait3A_672, %dma_wait3A_673] : memref<2x8x128x32xf32, #tpu.memory_space<vmem>> -> memref<1x1x128x32xf32, #tpu.memory_space<vmem>>
      %dma_wait3A_675 = tpu.memref_squeeze %dma_wait3A_674 : memref<1x1x128x32xf32, #tpu.memory_space<vmem>> -> memref<128x32xf32, #tpu.memory_space<vmem>>
      %dma_wait3A_676 = arith.constant 0 : i32
      %dma_wait3A_677 = tpu.memref_slice %arg7[%add3A_330, %dma_wait3A_676] : memref<16384x32xf32, #tpu.memory_space<hbm>> -> memref<128x32xf32, #tpu.memory_space<hbm>>
      %dma_wait3A_678 = arith.constant 0 : i32
      %dma_wait3A_679 = tpu.memref_slice %arg7[%add3A_330, %dma_wait3A_678] : memref<16384x32xf32, #tpu.memory_space<hbm>> -> memref<128x32xf32, #tpu.memory_space<hbm>>
      %dma_wait3A_680 = arith.constant 0 : i32
      %dma_wait3A_681 = arith.constant 0 : i32
      %dma_wait3A_682 = tpu.memref_slice %arg10[%run_scoped3A_331, %run_scoped3A_332, %dma_wait3A_680, %dma_wait3A_681] : memref<2x8x128x32xf32, #tpu.memory_space<vmem>> -> memref<1x1x128x32xf32, #tpu.memory_space<vmem>>
      %dma_wait3A_683 = tpu.memref_squeeze %dma_wait3A_682 : memref<1x1x128x32xf32, #tpu.memory_space<vmem>> -> memref<128x32xf32, #tpu.memory_space<vmem>>
      tpu.wait_dma2 semaphore(%run_scoped3A_659 : memref<!tpu.dma_semaphore, #tpu.memory_space<semaphore_mem>>) src(%dma_wait3A_683 : memref<128x32xf32, #tpu.memory_space<vmem>>) dst(%dma_wait3A_679 : memref<128x32xf32, #tpu.memory_space<hbm>>)
      tpu.yield
    }) : () -> ()
    %dma_start3A_333 = arith.constant 202 : i32
    %dma_start3A_334 = arith.constant 0 : i32
    %dma_start3A_335 = arith.constant 0 : i32
    %dma_start3A_336 = arith.constant 0 : i32
    %dma_start3A_337 = arith.constant 0 : i32
    %dma_start3A_338 = tpu.memref_slice %arg10[%dma_start3A_334, %dma_start3A_335, %dma_start3A_336, %dma_start3A_337] : memref<2x8x128x32xf32, #tpu.memory_space<vmem>> -> memref<1x1x128x32xf32, #tpu.memory_space<vmem>>
    %dma_start3A_339 = tpu.memref_squeeze %dma_start3A_338 : memref<1x1x128x32xf32, #tpu.memory_space<vmem>> -> memref<128x32xf32, #tpu.memory_space<vmem>>
    %dma_start3A_340 = arith.constant 0 : i32
    %dma_start3A_341 = tpu.memref_slice %arg9[%dma_start3A_333, %dma_start3A_340] : memref<308x128xi32, #tpu.memory_space<vmem>> -> memref<1x128xi32, #tpu.memory_space<vmem>>
    %dma_start3A_342 = tpu.memref_squeeze %dma_start3A_341 : memref<1x128xi32, #tpu.memory_space<vmem>> -> memref<128xi32, #tpu.memory_space<vmem>>
    %dma_start3A_343 = arith.constant 0 : i32
    %dma_start3A_344 = arith.constant 0 : i32
    %dma_start3A_345 = tpu.memref_slice %arg2[%dma_start3A_343, %dma_start3A_344] : memref<1000000x32xf32, #tpu.memory_space<hbm>> -> memref<1000000x32xf32, #tpu.memory_space<hbm>>
    tpu.enqueue_indirect_dma source(%dma_start3A_345 : memref<1000000x32xf32, #tpu.memory_space<hbm>>) target(%dma_start3A_339 : memref<128x32xf32, #tpu.memory_space<vmem>>) offsets(%dma_start3A_342 : memref<128xi32, #tpu.memory_space<vmem>>) semaphore(%arg11 : memref<!tpu.dma_semaphore, #tpu.memory_space<semaphore_mem>>)
    %dma_wait3A_346 = arith.constant 202 : i32
    %dma_wait3A_347 = arith.constant 0 : i32
    %dma_wait3A_348 = arith.constant 0 : i32
    %dma_wait3A_349 = arith.constant 0 : i32
    %dma_wait3A_350 = arith.constant 0 : i32
    %dma_wait3A_351 = tpu.memref_slice %arg10[%dma_wait3A_347, %dma_wait3A_348, %dma_wait3A_349, %dma_wait3A_350] : memref<2x8x128x32xf32, #tpu.memory_space<vmem>> -> memref<1x1x128x32xf32, #tpu.memory_space<vmem>>
    %dma_wait3A_352 = tpu.memref_squeeze %dma_wait3A_351 : memref<1x1x128x32xf32, #tpu.memory_space<vmem>> -> memref<128x32xf32, #tpu.memory_space<vmem>>
    %dma_wait3A_353 = arith.constant 0 : i32
    %dma_wait3A_354 = tpu.memref_slice %arg9[%dma_wait3A_346, %dma_wait3A_353] : memref<308x128xi32, #tpu.memory_space<vmem>> -> memref<1x128xi32, #tpu.memory_space<vmem>>
    %dma_wait3A_355 = tpu.memref_squeeze %dma_wait3A_354 : memref<1x128xi32, #tpu.memory_space<vmem>> -> memref<128xi32, #tpu.memory_space<vmem>>
    %dma_wait3A_356 = arith.constant 0 : i32
    %dma_wait3A_357 = arith.constant 0 : i32
    %dma_wait3A_358 = tpu.memref_slice %arg2[%dma_wait3A_356, %dma_wait3A_357] : memref<1000000x32xf32, #tpu.memory_space<hbm>> -> memref<1000000x32xf32, #tpu.memory_space<hbm>>
    tpu.wait_indirect_dma semaphore(%arg11 : memref<!tpu.dma_semaphore, #tpu.memory_space<semaphore_mem>>) src(%dma_wait3A_358 : memref<1000000x32xf32, #tpu.memory_space<hbm>>) dst(%dma_wait3A_352 : memref<128x32xf32, #tpu.memory_space<vmem>>)
    %add3A_359 = arith.constant 256 : i32
    %add3A_360 = arith.addi %mul3A_274, %add3A_359 : i32
    %run_scoped3A_361 = arith.constant 0 : i32
    %run_scoped3A_362 = arith.constant 0 : i32
    "tpu.region"() ({
      %run_scoped3A_659 = tpu.sem_alloc : memref<!tpu.dma_semaphore, #tpu.memory_space<semaphore_mem>>
      %dma_start3A_660 = arith.constant 0 : i32
      %dma_start3A_661 = arith.constant 0 : i32
      %dma_start3A_662 = tpu.memref_slice %arg10[%run_scoped3A_361, %run_scoped3A_362, %dma_start3A_660, %dma_start3A_661] : memref<2x8x128x32xf32, #tpu.memory_space<vmem>> -> memref<1x1x128x32xf32, #tpu.memory_space<vmem>>
      %dma_start3A_663 = tpu.memref_squeeze %dma_start3A_662 : memref<1x1x128x32xf32, #tpu.memory_space<vmem>> -> memref<128x32xf32, #tpu.memory_space<vmem>>
      %dma_start3A_664 = arith.constant 0 : i32
      %dma_start3A_665 = tpu.memref_slice %arg7[%add3A_360, %dma_start3A_664] : memref<16384x32xf32, #tpu.memory_space<hbm>> -> memref<128x32xf32, #tpu.memory_space<hbm>>
      %dma_start3A_666 = arith.constant 0 : i32
      %dma_start3A_667 = tpu.memref_slice %arg7[%add3A_360, %dma_start3A_666] : memref<16384x32xf32, #tpu.memory_space<hbm>> -> memref<128x32xf32, #tpu.memory_space<hbm>>
      %dma_start3A_668 = arith.constant 0 : i32
      %dma_start3A_669 = arith.constant 0 : i32
      %dma_start3A_670 = tpu.memref_slice %arg10[%run_scoped3A_361, %run_scoped3A_362, %dma_start3A_668, %dma_start3A_669] : memref<2x8x128x32xf32, #tpu.memory_space<vmem>> -> memref<1x1x128x32xf32, #tpu.memory_space<vmem>>
      %dma_start3A_671 = tpu.memref_squeeze %dma_start3A_670 : memref<1x1x128x32xf32, #tpu.memory_space<vmem>> -> memref<128x32xf32, #tpu.memory_space<vmem>>
      tpu.enqueue_dma source(%dma_start3A_671 : memref<128x32xf32, #tpu.memory_space<vmem>>) target(%dma_start3A_667 : memref<128x32xf32, #tpu.memory_space<hbm>>) target_semaphore(%run_scoped3A_659 : memref<!tpu.dma_semaphore, #tpu.memory_space<semaphore_mem>>)
      %dma_wait3A_672 = arith.constant 0 : i32
      %dma_wait3A_673 = arith.constant 0 : i32
      %dma_wait3A_674 = tpu.memref_slice %arg10[%run_scoped3A_361, %run_scoped3A_362, %dma_wait3A_672, %dma_wait3A_673] : memref<2x8x128x32xf32, #tpu.memory_space<vmem>> -> memref<1x1x128x32xf32, #tpu.memory_space<vmem>>
      %dma_wait3A_675 = tpu.memref_squeeze %dma_wait3A_674 : memref<1x1x128x32xf32, #tpu.memory_space<vmem>> -> memref<128x32xf32, #tpu.memory_space<vmem>>
      %dma_wait3A_676 = arith.constant 0 : i32
      %dma_wait3A_677 = tpu.memref_slice %arg7[%add3A_360, %dma_wait3A_676] : memref<16384x32xf32, #tpu.memory_space<hbm>> -> memref<128x32xf32, #tpu.memory_space<hbm>>
      %dma_wait3A_678 = arith.constant 0 : i32
      %dma_wait3A_679 = tpu.memref_slice %arg7[%add3A_360, %dma_wait3A_678] : memref<16384x32xf32, #tpu.memory_space<hbm>> -> memref<128x32xf32, #tpu.memory_space<hbm>>
      %dma_wait3A_680 = arith.constant 0 : i32
      %dma_wait3A_681 = arith.constant 0 : i32
      %dma_wait3A_682 = tpu.memref_slice %arg10[%run_scoped3A_361, %run_scoped3A_362, %dma_wait3A_680, %dma_wait3A_681] : memref<2x8x128x32xf32, #tpu.memory_space<vmem>> -> memref<1x1x128x32xf32, #tpu.memory_space<vmem>>
      %dma_wait3A_683 = tpu.memref_squeeze %dma_wait3A_682 : memref<1x1x128x32xf32, #tpu.memory_space<vmem>> -> memref<128x32xf32, #tpu.memory_space<vmem>>
      tpu.wait_dma2 semaphore(%run_scoped3A_659 : memref<!tpu.dma_semaphore, #tpu.memory_space<semaphore_mem>>) src(%dma_wait3A_683 : memref<128x32xf32, #tpu.memory_space<vmem>>) dst(%dma_wait3A_679 : memref<128x32xf32, #tpu.memory_space<hbm>>)
      tpu.yield
    }) : () -> ()
    %dma_start3A_363 = arith.constant 203 : i32
    %dma_start3A_364 = arith.constant 0 : i32
    %dma_start3A_365 = arith.constant 0 : i32
    %dma_start3A_366 = arith.constant 0 : i32
    %dma_start3A_367 = arith.constant 0 : i32
    %dma_start3A_368 = tpu.memref_slice %arg10[%dma_start3A_364, %dma_start3A_365, %dma_start3A_366, %dma_start3A_367] : memref<2x8x128x32xf32, #tpu.memory_space<vmem>> -> memref<1x1x128x32xf32, #tpu.memory_space<vmem>>
    %dma_start3A_369 = tpu.memref_squeeze %dma_start3A_368 : memref<1x1x128x32xf32, #tpu.memory_space<vmem>> -> memref<128x32xf32, #tpu.memory_space<vmem>>
    %dma_start3A_370 = arith.constant 0 : i32
    %dma_start3A_371 = tpu.memref_slice %arg9[%dma_start3A_363, %dma_start3A_370] : memref<308x128xi32, #tpu.memory_space<vmem>> -> memref<1x128xi32, #tpu.memory_space<vmem>>
    %dma_start3A_372 = tpu.memref_squeeze %dma_start3A_371 : memref<1x128xi32, #tpu.memory_space<vmem>> -> memref<128xi32, #tpu.memory_space<vmem>>
    %dma_start3A_373 = arith.constant 0 : i32
    %dma_start3A_374 = arith.constant 0 : i32
    %dma_start3A_375 = tpu.memref_slice %arg2[%dma_start3A_373, %dma_start3A_374] : memref<1000000x32xf32, #tpu.memory_space<hbm>> -> memref<1000000x32xf32, #tpu.memory_space<hbm>>
    tpu.enqueue_indirect_dma source(%dma_start3A_375 : memref<1000000x32xf32, #tpu.memory_space<hbm>>) target(%dma_start3A_369 : memref<128x32xf32, #tpu.memory_space<vmem>>) offsets(%dma_start3A_372 : memref<128xi32, #tpu.memory_space<vmem>>) semaphore(%arg11 : memref<!tpu.dma_semaphore, #tpu.memory_space<semaphore_mem>>)
    %dma_wait3A_376 = arith.constant 203 : i32
    %dma_wait3A_377 = arith.constant 0 : i32
    %dma_wait3A_378 = arith.constant 0 : i32
    %dma_wait3A_379 = arith.constant 0 : i32
    %dma_wait3A_380 = arith.constant 0 : i32
    %dma_wait3A_381 = tpu.memref_slice %arg10[%dma_wait3A_377, %dma_wait3A_378, %dma_wait3A_379, %dma_wait3A_380] : memref<2x8x128x32xf32, #tpu.memory_space<vmem>> -> memref<1x1x128x32xf32, #tpu.memory_space<vmem>>
    %dma_wait3A_382 = tpu.memref_squeeze %dma_wait3A_381 : memref<1x1x128x32xf32, #tpu.memory_space<vmem>> -> memref<128x32xf32, #tpu.memory_space<vmem>>
    %dma_wait3A_383 = arith.constant 0 : i32
    %dma_wait3A_384 = tpu.memref_slice %arg9[%dma_wait3A_376, %dma_wait3A_383] : memref<308x128xi32, #tpu.memory_space<vmem>> -> memref<1x128xi32, #tpu.memory_space<vmem>>
    %dma_wait3A_385 = tpu.memref_squeeze %dma_wait3A_384 : memref<1x128xi32, #tpu.memory_space<vmem>> -> memref<128xi32, #tpu.memory_space<vmem>>
    %dma_wait3A_386 = arith.constant 0 : i32
    %dma_wait3A_387 = arith.constant 0 : i32
    %dma_wait3A_388 = tpu.memref_slice %arg2[%dma_wait3A_386, %dma_wait3A_387] : memref<1000000x32xf32, #tpu.memory_space<hbm>> -> memref<1000000x32xf32, #tpu.memory_space<hbm>>
    tpu.wait_indirect_dma semaphore(%arg11 : memref<!tpu.dma_semaphore, #tpu.memory_space<semaphore_mem>>) src(%dma_wait3A_388 : memref<1000000x32xf32, #tpu.memory_space<hbm>>) dst(%dma_wait3A_382 : memref<128x32xf32, #tpu.memory_space<vmem>>)
    %add3A_389 = arith.constant 384 : i32
    %add3A_390 = arith.addi %mul3A_274, %add3A_389 : i32
    %run_scoped3A_391 = arith.constant 0 : i32
    %run_scoped3A_392 = arith.constant 0 : i32
    "tpu.region"() ({
      %run_scoped3A_659 = tpu.sem_alloc : memref<!tpu.dma_semaphore, #tpu.memory_space<semaphore_mem>>
      %dma_start3A_660 = arith.constant 0 : i32
      %dma_start3A_661 = arith.constant 0 : i32
      %dma_start3A_662 = tpu.memref_slice %arg10[%run_scoped3A_391, %run_scoped3A_392, %dma_start3A_660, %dma_start3A_661] : memref<2x8x128x32xf32, #tpu.memory_space<vmem>> -> memref<1x1x128x32xf32, #tpu.memory_space<vmem>>
      %dma_start3A_663 = tpu.memref_squeeze %dma_start3A_662 : memref<1x1x128x32xf32, #tpu.memory_space<vmem>> -> memref<128x32xf32, #tpu.memory_space<vmem>>
      %dma_start3A_664 = arith.constant 0 : i32
      %dma_start3A_665 = tpu.memref_slice %arg7[%add3A_390, %dma_start3A_664] : memref<16384x32xf32, #tpu.memory_space<hbm>> -> memref<128x32xf32, #tpu.memory_space<hbm>>
      %dma_start3A_666 = arith.constant 0 : i32
      %dma_start3A_667 = tpu.memref_slice %arg7[%add3A_390, %dma_start3A_666] : memref<16384x32xf32, #tpu.memory_space<hbm>> -> memref<128x32xf32, #tpu.memory_space<hbm>>
      %dma_start3A_668 = arith.constant 0 : i32
      %dma_start3A_669 = arith.constant 0 : i32
      %dma_start3A_670 = tpu.memref_slice %arg10[%run_scoped3A_391, %run_scoped3A_392, %dma_start3A_668, %dma_start3A_669] : memref<2x8x128x32xf32, #tpu.memory_space<vmem>> -> memref<1x1x128x32xf32, #tpu.memory_space<vmem>>
      %dma_start3A_671 = tpu.memref_squeeze %dma_start3A_670 : memref<1x1x128x32xf32, #tpu.memory_space<vmem>> -> memref<128x32xf32, #tpu.memory_space<vmem>>
      tpu.enqueue_dma source(%dma_start3A_671 : memref<128x32xf32, #tpu.memory_space<vmem>>) target(%dma_start3A_667 : memref<128x32xf32, #tpu.memory_space<hbm>>) target_semaphore(%run_scoped3A_659 : memref<!tpu.dma_semaphore, #tpu.memory_space<semaphore_mem>>)
      %dma_wait3A_672 = arith.constant 0 : i32
      %dma_wait3A_673 = arith.constant 0 : i32
      %dma_wait3A_674 = tpu.memref_slice %arg10[%run_scoped3A_391, %run_scoped3A_392, %dma_wait3A_672, %dma_wait3A_673] : memref<2x8x128x32xf32, #tpu.memory_space<vmem>> -> memref<1x1x128x32xf32, #tpu.memory_space<vmem>>
      %dma_wait3A_675 = tpu.memref_squeeze %dma_wait3A_674 : memref<1x1x128x32xf32, #tpu.memory_space<vmem>> -> memref<128x32xf32, #tpu.memory_space<vmem>>
      %dma_wait3A_676 = arith.constant 0 : i32
      %dma_wait3A_677 = tpu.memref_slice %arg7[%add3A_390, %dma_wait3A_676] : memref<16384x32xf32, #tpu.memory_space<hbm>> -> memref<128x32xf32, #tpu.memory_space<hbm>>
      %dma_wait3A_678 = arith.constant 0 : i32
      %dma_wait3A_679 = tpu.memref_slice %arg7[%add3A_390, %dma_wait3A_678] : memref<16384x32xf32, #tpu.memory_space<hbm>> -> memref<128x32xf32, #tpu.memory_space<hbm>>
      %dma_wait3A_680 = arith.constant 0 : i32
      %dma_wait3A_681 = arith.constant 0 : i32
      %dma_wait3A_682 = tpu.memref_slice %arg10[%run_scoped3A_391, %run_scoped3A_392, %dma_wait3A_680, %dma_wait3A_681] : memref<2x8x128x32xf32, #tpu.memory_space<vmem>> -> memref<1x1x128x32xf32, #tpu.memory_space<vmem>>
      %dma_wait3A_683 = tpu.memref_squeeze %dma_wait3A_682 : memref<1x1x128x32xf32, #tpu.memory_space<vmem>> -> memref<128x32xf32, #tpu.memory_space<vmem>>
      tpu.wait_dma2 semaphore(%run_scoped3A_659 : memref<!tpu.dma_semaphore, #tpu.memory_space<semaphore_mem>>) src(%dma_wait3A_683 : memref<128x32xf32, #tpu.memory_space<vmem>>) dst(%dma_wait3A_679 : memref<128x32xf32, #tpu.memory_space<hbm>>)
      tpu.yield
    }) : () -> ()
    %mul3A_393 = arith.constant 104 : i32
    %mul3A_394 = arith.muli %add3A, %mul3A_393 : i32
    %mul3A_395 = arith.constant 128 : i32
    %mul3A_396 = arith.muli %mul3A_394, %mul3A_395 : i32
    %scan3A_397 = arith.constant 0 : i32
    %scan3A_398 = arith.constant 0 : i32
    %scan3A_399 = arith.constant 13 : i32
    %scan3A_400 = arith.addi %scan3A_398, %scan3A_399 : i32
    %scan3A_401 = arith.constant 1 : i32
    scf.for %scan3A_659 = %scan3A_398 to %scan3A_400 step %scan3A_401  : i32 {
      %rem3A = arith.constant 2 : i32
      %rem3A_660 = arith.remsi %scan3A_659, %rem3A : i32
      %ge3A = arith.constant 2 : i32
      %ge3A_661 = arith.cmpi sge, %scan3A_659, %ge3A : i32
      %convert_element_type3A = arith.extui %ge3A_661 : i1 to i32
      %cond3A = arith.constant 0 : i32
      %cond3A_662 = arith.cmpi ne, %convert_element_type3A, %cond3A : i32
      scf.if %cond3A_662 {
        %dma_wait3A_1047 = arith.constant 0 : i32
        %dma_wait3A_1048 = arith.constant 0 : i32
        %dma_wait3A_1049 = arith.constant 0 : i32
        %dma_wait3A_1050 = arith.constant 0 : i32
        %dma_wait3A_1051 = tpu.memref_slice %arg10[%dma_wait3A_1047, %dma_wait3A_1048, %dma_wait3A_1049, %dma_wait3A_1050] : memref<2x8x128x32xf32, #tpu.memory_space<vmem>> -> memref<1x1x128x32xf32, #tpu.memory_space<vmem>>
        %dma_wait3A_1052 = tpu.memref_squeeze %dma_wait3A_1051 : memref<1x1x128x32xf32, #tpu.memory_space<vmem>> -> memref<128x32xf32, #tpu.memory_space<vmem>>
        %dma_wait3A_1053 = arith.constant 0 : i32
        %dma_wait3A_1054 = arith.constant 0 : i32
        %dma_wait3A_1055 = tpu.memref_slice %arg8[%dma_wait3A_1053, %dma_wait3A_1054] : memref<425984x32xf32, #tpu.memory_space<hbm>> -> memref<128x32xf32, #tpu.memory_space<hbm>>
        %dma_wait3A_1056 = arith.constant 0 : i32
        %dma_wait3A_1057 = arith.constant 0 : i32
        %dma_wait3A_1058 = tpu.memref_slice %arg10[%dma_wait3A_1047, %dma_wait3A_1048, %dma_wait3A_1056, %dma_wait3A_1057] : memref<2x8x128x32xf32, #tpu.memory_space<vmem>> -> memref<1x1x128x32xf32, #tpu.memory_space<vmem>>
        %dma_wait3A_1059 = tpu.memref_squeeze %dma_wait3A_1058 : memref<1x1x128x32xf32, #tpu.memory_space<vmem>> -> memref<128x32xf32, #tpu.memory_space<vmem>>
        %dma_wait3A_1060 = arith.constant 0 : i32
        %dma_wait3A_1061 = arith.constant 0 : i32
        %dma_wait3A_1062 = tpu.memref_slice %arg8[%dma_wait3A_1060, %dma_wait3A_1061] : memref<425984x32xf32, #tpu.memory_space<hbm>> -> memref<128x32xf32, #tpu.memory_space<hbm>>
        tpu.wait_dma2 semaphore(%arg12 : memref<!tpu.dma_semaphore, #tpu.memory_space<semaphore_mem>>) src(%dma_wait3A_1062 : memref<128x32xf32, #tpu.memory_space<hbm>>) dst(%dma_wait3A_1059 : memref<128x32xf32, #tpu.memory_space<vmem>>)
        %dma_wait3A_1063 = arith.constant 0 : i32
        %dma_wait3A_1064 = arith.constant 0 : i32
        %dma_wait3A_1065 = arith.constant 0 : i32
        %dma_wait3A_1066 = arith.constant 0 : i32
        %dma_wait3A_1067 = tpu.memref_slice %arg10[%dma_wait3A_1063, %dma_wait3A_1064, %dma_wait3A_1065, %dma_wait3A_1066] : memref<2x8x128x32xf32, #tpu.memory_space<vmem>> -> memref<1x1x128x32xf32, #tpu.memory_space<vmem>>
        %dma_wait3A_1068 = tpu.memref_squeeze %dma_wait3A_1067 : memref<1x1x128x32xf32, #tpu.memory_space<vmem>> -> memref<128x32xf32, #tpu.memory_space<vmem>>
        %dma_wait3A_1069 = arith.constant 0 : i32
        %dma_wait3A_1070 = arith.constant 0 : i32
        %dma_wait3A_1071 = tpu.memref_slice %arg8[%dma_wait3A_1069, %dma_wait3A_1070] : memref<425984x32xf32, #tpu.memory_space<hbm>> -> memref<128x32xf32, #tpu.memory_space<hbm>>
        %dma_wait3A_1072 = arith.constant 0 : i32
        %dma_wait3A_1073 = arith.constant 0 : i32
        %dma_wait3A_1074 = tpu.memref_slice %arg10[%dma_wait3A_1063, %dma_wait3A_1064, %dma_wait3A_1072, %dma_wait3A_1073] : memref<2x8x128x32xf32, #tpu.memory_space<vmem>> -> memref<1x1x128x32xf32, #tpu.memory_space<vmem>>
        %dma_wait3A_1075 = tpu.memref_squeeze %dma_wait3A_1074 : memref<1x1x128x32xf32, #tpu.memory_space<vmem>> -> memref<128x32xf32, #tpu.memory_space<vmem>>
        %dma_wait3A_1076 = arith.constant 0 : i32
        %dma_wait3A_1077 = arith.constant 0 : i32
        %dma_wait3A_1078 = tpu.memref_slice %arg8[%dma_wait3A_1076, %dma_wait3A_1077] : memref<425984x32xf32, #tpu.memory_space<hbm>> -> memref<128x32xf32, #tpu.memory_space<hbm>>
        tpu.wait_dma2 semaphore(%arg12 : memref<!tpu.dma_semaphore, #tpu.memory_space<semaphore_mem>>) src(%dma_wait3A_1078 : memref<128x32xf32, #tpu.memory_space<hbm>>) dst(%dma_wait3A_1075 : memref<128x32xf32, #tpu.memory_space<vmem>>)
        %dma_wait3A_1079 = arith.constant 0 : i32
        %dma_wait3A_1080 = arith.constant 0 : i32
        %dma_wait3A_1081 = arith.constant 0 : i32
        %dma_wait3A_1082 = arith.constant 0 : i32
        %dma_wait3A_1083 = tpu.memref_slice %arg10[%dma_wait3A_1079, %dma_wait3A_1080, %dma_wait3A_1081, %dma_wait3A_1082] : memref<2x8x128x32xf32, #tpu.memory_space<vmem>> -> memref<1x1x128x32xf32, #tpu.memory_space<vmem>>
        %dma_wait3A_1084 = tpu.memref_squeeze %dma_wait3A_1083 : memref<1x1x128x32xf32, #tpu.memory_space<vmem>> -> memref<128x32xf32, #tpu.memory_space<vmem>>
        %dma_wait3A_1085 = arith.constant 0 : i32
        %dma_wait3A_1086 = arith.constant 0 : i32
        %dma_wait3A_1087 = tpu.memref_slice %arg8[%dma_wait3A_1085, %dma_wait3A_1086] : memref<425984x32xf32, #tpu.memory_space<hbm>> -> memref<128x32xf32, #tpu.memory_space<hbm>>
        %dma_wait3A_1088 = arith.constant 0 : i32
        %dma_wait3A_1089 = arith.constant 0 : i32
        %dma_wait3A_1090 = tpu.memref_slice %arg10[%dma_wait3A_1079, %dma_wait3A_1080, %dma_wait3A_1088, %dma_wait3A_1089] : memref<2x8x128x32xf32, #tpu.memory_space<vmem>> -> memref<1x1x128x32xf32, #tpu.memory_space<vmem>>
        %dma_wait3A_1091 = tpu.memref_squeeze %dma_wait3A_1090 : memref<1x1x128x32xf32, #tpu.memory_space<vmem>> -> memref<128x32xf32, #tpu.memory_space<vmem>>
        %dma_wait3A_1092 = arith.constant 0 : i32
        %dma_wait3A_1093 = arith.constant 0 : i32
        %dma_wait3A_1094 = tpu.memref_slice %arg8[%dma_wait3A_1092, %dma_wait3A_1093] : memref<425984x32xf32, #tpu.memory_space<hbm>> -> memref<128x32xf32, #tpu.memory_space<hbm>>
        tpu.wait_dma2 semaphore(%arg12 : memref<!tpu.dma_semaphore, #tpu.memory_space<semaphore_mem>>) src(%dma_wait3A_1094 : memref<128x32xf32, #tpu.memory_space<hbm>>) dst(%dma_wait3A_1091 : memref<128x32xf32, #tpu.memory_space<vmem>>)
        %dma_wait3A_1095 = arith.constant 0 : i32
        %dma_wait3A_1096 = arith.constant 0 : i32
        %dma_wait3A_1097 = arith.constant 0 : i32
        %dma_wait3A_1098 = arith.constant 0 : i32
        %dma_wait3A_1099 = tpu.memref_slice %arg10[%dma_wait3A_1095, %dma_wait3A_1096, %dma_wait3A_1097, %dma_wait3A_1098] : memref<2x8x128x32xf32, #tpu.memory_space<vmem>> -> memref<1x1x128x32xf32, #tpu.memory_space<vmem>>
        %dma_wait3A_1100 = tpu.memref_squeeze %dma_wait3A_1099 : memref<1x1x128x32xf32, #tpu.memory_space<vmem>> -> memref<128x32xf32, #tpu.memory_space<vmem>>
        %dma_wait3A_1101 = arith.constant 0 : i32
        %dma_wait3A_1102 = arith.constant 0 : i32
        %dma_wait3A_1103 = tpu.memref_slice %arg8[%dma_wait3A_1101, %dma_wait3A_1102] : memref<425984x32xf32, #tpu.memory_space<hbm>> -> memref<128x32xf32, #tpu.memory_space<hbm>>
        %dma_wait3A_1104 = arith.constant 0 : i32
        %dma_wait3A_1105 = arith.constant 0 : i32
        %dma_wait3A_1106 = tpu.memref_slice %arg10[%dma_wait3A_1095, %dma_wait3A_1096, %dma_wait3A_1104, %dma_wait3A_1105] : memref<2x8x128x32xf32, #tpu.memory_space<vmem>> -> memref<1x1x128x32xf32, #tpu.memory_space<vmem>>
        %dma_wait3A_1107 = tpu.memref_squeeze %dma_wait3A_1106 : memref<1x1x128x32xf32, #tpu.memory_space<vmem>> -> memref<128x32xf32, #tpu.memory_space<vmem>>
        %dma_wait3A_1108 = arith.constant 0 : i32
        %dma_wait3A_1109 = arith.constant 0 : i32
        %dma_wait3A_1110 = tpu.memref_slice %arg8[%dma_wait3A_1108, %dma_wait3A_1109] : memref<425984x32xf32, #tpu.memory_space<hbm>> -> memref<128x32xf32, #tpu.memory_space<hbm>>
        tpu.wait_dma2 semaphore(%arg12 : memref<!tpu.dma_semaphore, #tpu.memory_space<semaphore_mem>>) src(%dma_wait3A_1110 : memref<128x32xf32, #tpu.memory_space<hbm>>) dst(%dma_wait3A_1107 : memref<128x32xf32, #tpu.memory_space<vmem>>)
        %dma_wait3A_1111 = arith.constant 0 : i32
        %dma_wait3A_1112 = arith.constant 0 : i32
        %dma_wait3A_1113 = arith.constant 0 : i32
        %dma_wait3A_1114 = arith.constant 0 : i32
        %dma_wait3A_1115 = tpu.memref_slice %arg10[%dma_wait3A_1111, %dma_wait3A_1112, %dma_wait3A_1113, %dma_wait3A_1114] : memref<2x8x128x32xf32, #tpu.memory_space<vmem>> -> memref<1x1x128x32xf32, #tpu.memory_space<vmem>>
        %dma_wait3A_1116 = tpu.memref_squeeze %dma_wait3A_1115 : memref<1x1x128x32xf32, #tpu.memory_space<vmem>> -> memref<128x32xf32, #tpu.memory_space<vmem>>
        %dma_wait3A_1117 = arith.constant 0 : i32
        %dma_wait3A_1118 = arith.constant 0 : i32
        %dma_wait3A_1119 = tpu.memref_slice %arg8[%dma_wait3A_1117, %dma_wait3A_1118] : memref<425984x32xf32, #tpu.memory_space<hbm>> -> memref<128x32xf32, #tpu.memory_space<hbm>>
        %dma_wait3A_1120 = arith.constant 0 : i32
        %dma_wait3A_1121 = arith.constant 0 : i32
        %dma_wait3A_1122 = tpu.memref_slice %arg10[%dma_wait3A_1111, %dma_wait3A_1112, %dma_wait3A_1120, %dma_wait3A_1121] : memref<2x8x128x32xf32, #tpu.memory_space<vmem>> -> memref<1x1x128x32xf32, #tpu.memory_space<vmem>>
        %dma_wait3A_1123 = tpu.memref_squeeze %dma_wait3A_1122 : memref<1x1x128x32xf32, #tpu.memory_space<vmem>> -> memref<128x32xf32, #tpu.memory_space<vmem>>
        %dma_wait3A_1124 = arith.constant 0 : i32
        %dma_wait3A_1125 = arith.constant 0 : i32
        %dma_wait3A_1126 = tpu.memref_slice %arg8[%dma_wait3A_1124, %dma_wait3A_1125] : memref<425984x32xf32, #tpu.memory_space<hbm>> -> memref<128x32xf32, #tpu.memory_space<hbm>>
        tpu.wait_dma2 semaphore(%arg12 : memref<!tpu.dma_semaphore, #tpu.memory_space<semaphore_mem>>) src(%dma_wait3A_1126 : memref<128x32xf32, #tpu.memory_space<hbm>>) dst(%dma_wait3A_1123 : memref<128x32xf32, #tpu.memory_space<vmem>>)
        %dma_wait3A_1127 = arith.constant 0 : i32
        %dma_wait3A_1128 = arith.constant 0 : i32
        %dma_wait3A_1129 = arith.constant 0 : i32
        %dma_wait3A_1130 = arith.constant 0 : i32
        %dma_wait3A_1131 = tpu.memref_slice %arg10[%dma_wait3A_1127, %dma_wait3A_1128, %dma_wait3A_1129, %dma_wait3A_1130] : memref<2x8x128x32xf32, #tpu.memory_space<vmem>> -> memref<1x1x128x32xf32, #tpu.memory_space<vmem>>
        %dma_wait3A_1132 = tpu.memref_squeeze %dma_wait3A_1131 : memref<1x1x128x32xf32, #tpu.memory_space<vmem>> -> memref<128x32xf32, #tpu.memory_space<vmem>>
        %dma_wait3A_1133 = arith.constant 0 : i32
        %dma_wait3A_1134 = arith.constant 0 : i32
        %dma_wait3A_1135 = tpu.memref_slice %arg8[%dma_wait3A_1133, %dma_wait3A_1134] : memref<425984x32xf32, #tpu.memory_space<hbm>> -> memref<128x32xf32, #tpu.memory_space<hbm>>
        %dma_wait3A_1136 = arith.constant 0 : i32
        %dma_wait3A_1137 = arith.constant 0 : i32
        %dma_wait3A_1138 = tpu.memref_slice %arg10[%dma_wait3A_1127, %dma_wait3A_1128, %dma_wait3A_1136, %dma_wait3A_1137] : memref<2x8x128x32xf32, #tpu.memory_space<vmem>> -> memref<1x1x128x32xf32, #tpu.memory_space<vmem>>
        %dma_wait3A_1139 = tpu.memref_squeeze %dma_wait3A_1138 : memref<1x1x128x32xf32, #tpu.memory_space<vmem>> -> memref<128x32xf32, #tpu.memory_space<vmem>>
        %dma_wait3A_1140 = arith.constant 0 : i32
        %dma_wait3A_1141 = arith.constant 0 : i32
        %dma_wait3A_1142 = tpu.memref_slice %arg8[%dma_wait3A_1140, %dma_wait3A_1141] : memref<425984x32xf32, #tpu.memory_space<hbm>> -> memref<128x32xf32, #tpu.memory_space<hbm>>
        tpu.wait_dma2 semaphore(%arg12 : memref<!tpu.dma_semaphore, #tpu.memory_space<semaphore_mem>>) src(%dma_wait3A_1142 : memref<128x32xf32, #tpu.memory_space<hbm>>) dst(%dma_wait3A_1139 : memref<128x32xf32, #tpu.memory_space<vmem>>)
        %dma_wait3A_1143 = arith.constant 0 : i32
        %dma_wait3A_1144 = arith.constant 0 : i32
        %dma_wait3A_1145 = arith.constant 0 : i32
        %dma_wait3A_1146 = arith.constant 0 : i32
        %dma_wait3A_1147 = tpu.memref_slice %arg10[%dma_wait3A_1143, %dma_wait3A_1144, %dma_wait3A_1145, %dma_wait3A_1146] : memref<2x8x128x32xf32, #tpu.memory_space<vmem>> -> memref<1x1x128x32xf32, #tpu.memory_space<vmem>>
        %dma_wait3A_1148 = tpu.memref_squeeze %dma_wait3A_1147 : memref<1x1x128x32xf32, #tpu.memory_space<vmem>> -> memref<128x32xf32, #tpu.memory_space<vmem>>
        %dma_wait3A_1149 = arith.constant 0 : i32
        %dma_wait3A_1150 = arith.constant 0 : i32
        %dma_wait3A_1151 = tpu.memref_slice %arg8[%dma_wait3A_1149, %dma_wait3A_1150] : memref<425984x32xf32, #tpu.memory_space<hbm>> -> memref<128x32xf32, #tpu.memory_space<hbm>>
        %dma_wait3A_1152 = arith.constant 0 : i32
        %dma_wait3A_1153 = arith.constant 0 : i32
        %dma_wait3A_1154 = tpu.memref_slice %arg10[%dma_wait3A_1143, %dma_wait3A_1144, %dma_wait3A_1152, %dma_wait3A_1153] : memref<2x8x128x32xf32, #tpu.memory_space<vmem>> -> memref<1x1x128x32xf32, #tpu.memory_space<vmem>>
        %dma_wait3A_1155 = tpu.memref_squeeze %dma_wait3A_1154 : memref<1x1x128x32xf32, #tpu.memory_space<vmem>> -> memref<128x32xf32, #tpu.memory_space<vmem>>
        %dma_wait3A_1156 = arith.constant 0 : i32
        %dma_wait3A_1157 = arith.constant 0 : i32
        %dma_wait3A_1158 = tpu.memref_slice %arg8[%dma_wait3A_1156, %dma_wait3A_1157] : memref<425984x32xf32, #tpu.memory_space<hbm>> -> memref<128x32xf32, #tpu.memory_space<hbm>>
        tpu.wait_dma2 semaphore(%arg12 : memref<!tpu.dma_semaphore, #tpu.memory_space<semaphore_mem>>) src(%dma_wait3A_1158 : memref<128x32xf32, #tpu.memory_space<hbm>>) dst(%dma_wait3A_1155 : memref<128x32xf32, #tpu.memory_space<vmem>>)
        %dma_wait3A_1159 = arith.constant 0 : i32
        %dma_wait3A_1160 = arith.constant 0 : i32
        %dma_wait3A_1161 = arith.constant 0 : i32
        %dma_wait3A_1162 = arith.constant 0 : i32
        %dma_wait3A_1163 = tpu.memref_slice %arg10[%dma_wait3A_1159, %dma_wait3A_1160, %dma_wait3A_1161, %dma_wait3A_1162] : memref<2x8x128x32xf32, #tpu.memory_space<vmem>> -> memref<1x1x128x32xf32, #tpu.memory_space<vmem>>
        %dma_wait3A_1164 = tpu.memref_squeeze %dma_wait3A_1163 : memref<1x1x128x32xf32, #tpu.memory_space<vmem>> -> memref<128x32xf32, #tpu.memory_space<vmem>>
        %dma_wait3A_1165 = arith.constant 0 : i32
        %dma_wait3A_1166 = arith.constant 0 : i32
        %dma_wait3A_1167 = tpu.memref_slice %arg8[%dma_wait3A_1165, %dma_wait3A_1166] : memref<425984x32xf32, #tpu.memory_space<hbm>> -> memref<128x32xf32, #tpu.memory_space<hbm>>
        %dma_wait3A_1168 = arith.constant 0 : i32
        %dma_wait3A_1169 = arith.constant 0 : i32
        %dma_wait3A_1170 = tpu.memref_slice %arg10[%dma_wait3A_1159, %dma_wait3A_1160, %dma_wait3A_1168, %dma_wait3A_1169] : memref<2x8x128x32xf32, #tpu.memory_space<vmem>> -> memref<1x1x128x32xf32, #tpu.memory_space<vmem>>
        %dma_wait3A_1171 = tpu.memref_squeeze %dma_wait3A_1170 : memref<1x1x128x32xf32, #tpu.memory_space<vmem>> -> memref<128x32xf32, #tpu.memory_space<vmem>>
        %dma_wait3A_1172 = arith.constant 0 : i32
        %dma_wait3A_1173 = arith.constant 0 : i32
        %dma_wait3A_1174 = tpu.memref_slice %arg8[%dma_wait3A_1172, %dma_wait3A_1173] : memref<425984x32xf32, #tpu.memory_space<hbm>> -> memref<128x32xf32, #tpu.memory_space<hbm>>
        tpu.wait_dma2 semaphore(%arg12 : memref<!tpu.dma_semaphore, #tpu.memory_space<semaphore_mem>>) src(%dma_wait3A_1174 : memref<128x32xf32, #tpu.memory_space<hbm>>) dst(%dma_wait3A_1171 : memref<128x32xf32, #tpu.memory_space<vmem>>)
      } else {
      }
      %mul3A_663 = arith.constant 8 : i32
      %mul3A_664 = arith.muli %scan3A_659, %mul3A_663 : i32
      %add3A_665 = arith.constant 204 : i32
      %add3A_666 = arith.addi %add3A_665, %mul3A_664 : i32
      %add3A_667 = arith.constant 0 : i32
      %add3A_668 = arith.addi %add3A_666, %add3A_667 : i32
      %dma_start3A_669 = arith.constant 0 : i32
      %dma_start3A_670 = arith.constant 0 : i32
      %dma_start3A_671 = arith.constant 0 : i32
      %dma_start3A_672 = tpu.memref_slice %arg10[%rem3A_660, %dma_start3A_669, %dma_start3A_670, %dma_start3A_671] : memref<2x8x128x32xf32, #tpu.memory_space<vmem>> -> memref<1x1x128x32xf32, #tpu.memory_space<vmem>>
      %dma_start3A_673 = tpu.memref_squeeze %dma_start3A_672 : memref<1x1x128x32xf32, #tpu.memory_space<vmem>> -> memref<128x32xf32, #tpu.memory_space<vmem>>
      %dma_start3A_674 = arith.constant 0 : i32
      %dma_start3A_675 = tpu.memref_slice %arg9[%add3A_668, %dma_start3A_674] : memref<308x128xi32, #tpu.memory_space<vmem>> -> memref<1x128xi32, #tpu.memory_space<vmem>>
      %dma_start3A_676 = tpu.memref_squeeze %dma_start3A_675 : memref<1x128xi32, #tpu.memory_space<vmem>> -> memref<128xi32, #tpu.memory_space<vmem>>
      %dma_start3A_677 = arith.constant 0 : i32
      %dma_start3A_678 = arith.constant 0 : i32
      %dma_start3A_679 = tpu.memref_slice %arg2[%dma_start3A_677, %dma_start3A_678] : memref<1000000x32xf32, #tpu.memory_space<hbm>> -> memref<1000000x32xf32, #tpu.memory_space<hbm>>
      tpu.enqueue_indirect_dma source(%dma_start3A_679 : memref<1000000x32xf32, #tpu.memory_space<hbm>>) target(%dma_start3A_673 : memref<128x32xf32, #tpu.memory_space<vmem>>) offsets(%dma_start3A_676 : memref<128xi32, #tpu.memory_space<vmem>>) semaphore(%arg11 : memref<!tpu.dma_semaphore, #tpu.memory_space<semaphore_mem>>)
      %mul3A_680 = arith.constant 8 : i32
      %mul3A_681 = arith.muli %scan3A_659, %mul3A_680 : i32
      %add3A_682 = arith.constant 204 : i32
      %add3A_683 = arith.addi %add3A_682, %mul3A_681 : i32
      %add3A_684 = arith.constant 1 : i32
      %add3A_685 = arith.addi %add3A_683, %add3A_684 : i32
      %dma_start3A_686 = arith.constant 1 : i32
      %dma_start3A_687 = arith.constant 0 : i32
      %dma_start3A_688 = arith.constant 0 : i32
      %dma_start3A_689 = tpu.memref_slice %arg10[%rem3A_660, %dma_start3A_686, %dma_start3A_687, %dma_start3A_688] : memref<2x8x128x32xf32, #tpu.memory_space<vmem>> -> memref<1x1x128x32xf32, #tpu.memory_space<vmem>>
      %dma_start3A_690 = tpu.memref_squeeze %dma_start3A_689 : memref<1x1x128x32xf32, #tpu.memory_space<vmem>> -> memref<128x32xf32, #tpu.memory_space<vmem>>
      %dma_start3A_691 = arith.constant 0 : i32
      %dma_start3A_692 = tpu.memref_slice %arg9[%add3A_685, %dma_start3A_691] : memref<308x128xi32, #tpu.memory_space<vmem>> -> memref<1x128xi32, #tpu.memory_space<vmem>>
      %dma_start3A_693 = tpu.memref_squeeze %dma_start3A_692 : memref<1x128xi32, #tpu.memory_space<vmem>> -> memref<128xi32, #tpu.memory_space<vmem>>
      %dma_start3A_694 = arith.constant 0 : i32
      %dma_start3A_695 = arith.constant 0 : i32
      %dma_start3A_696 = tpu.memref_slice %arg2[%dma_start3A_694, %dma_start3A_695] : memref<1000000x32xf32, #tpu.memory_space<hbm>> -> memref<1000000x32xf32, #tpu.memory_space<hbm>>
      tpu.enqueue_indirect_dma source(%dma_start3A_696 : memref<1000000x32xf32, #tpu.memory_space<hbm>>) target(%dma_start3A_690 : memref<128x32xf32, #tpu.memory_space<vmem>>) offsets(%dma_start3A_693 : memref<128xi32, #tpu.memory_space<vmem>>) semaphore(%arg11 : memref<!tpu.dma_semaphore, #tpu.memory_space<semaphore_mem>>)
      %mul3A_697 = arith.constant 8 : i32
      %mul3A_698 = arith.muli %scan3A_659, %mul3A_697 : i32
      %add3A_699 = arith.constant 204 : i32
      %add3A_700 = arith.addi %add3A_699, %mul3A_698 : i32
      %add3A_701 = arith.constant 2 : i32
      %add3A_702 = arith.addi %add3A_700, %add3A_701 : i32
      %dma_start3A_703 = arith.constant 2 : i32
      %dma_start3A_704 = arith.constant 0 : i32
      %dma_start3A_705 = arith.constant 0 : i32
      %dma_start3A_706 = tpu.memref_slice %arg10[%rem3A_660, %dma_start3A_703, %dma_start3A_704, %dma_start3A_705] : memref<2x8x128x32xf32, #tpu.memory_space<vmem>> -> memref<1x1x128x32xf32, #tpu.memory_space<vmem>>
      %dma_start3A_707 = tpu.memref_squeeze %dma_start3A_706 : memref<1x1x128x32xf32, #tpu.memory_space<vmem>> -> memref<128x32xf32, #tpu.memory_space<vmem>>
      %dma_start3A_708 = arith.constant 0 : i32
      %dma_start3A_709 = tpu.memref_slice %arg9[%add3A_702, %dma_start3A_708] : memref<308x128xi32, #tpu.memory_space<vmem>> -> memref<1x128xi32, #tpu.memory_space<vmem>>
      %dma_start3A_710 = tpu.memref_squeeze %dma_start3A_709 : memref<1x128xi32, #tpu.memory_space<vmem>> -> memref<128xi32, #tpu.memory_space<vmem>>
      %dma_start3A_711 = arith.constant 0 : i32
      %dma_start3A_712 = arith.constant 0 : i32
      %dma_start3A_713 = tpu.memref_slice %arg2[%dma_start3A_711, %dma_start3A_712] : memref<1000000x32xf32, #tpu.memory_space<hbm>> -> memref<1000000x32xf32, #tpu.memory_space<hbm>>
      tpu.enqueue_indirect_dma source(%dma_start3A_713 : memref<1000000x32xf32, #tpu.memory_space<hbm>>) target(%dma_start3A_707 : memref<128x32xf32, #tpu.memory_space<vmem>>) offsets(%dma_start3A_710 : memref<128xi32, #tpu.memory_space<vmem>>) semaphore(%arg11 : memref<!tpu.dma_semaphore, #tpu.memory_space<semaphore_mem>>)
      %mul3A_714 = arith.constant 8 : i32
      %mul3A_715 = arith.muli %scan3A_659, %mul3A_714 : i32
      %add3A_716 = arith.constant 204 : i32
      %add3A_717 = arith.addi %add3A_716, %mul3A_715 : i32
      %add3A_718 = arith.constant 3 : i32
      %add3A_719 = arith.addi %add3A_717, %add3A_718 : i32
      %dma_start3A_720 = arith.constant 3 : i32
      %dma_start3A_721 = arith.constant 0 : i32
      %dma_start3A_722 = arith.constant 0 : i32
      %dma_start3A_723 = tpu.memref_slice %arg10[%rem3A_660, %dma_start3A_720, %dma_start3A_721, %dma_start3A_722] : memref<2x8x128x32xf32, #tpu.memory_space<vmem>> -> memref<1x1x128x32xf32, #tpu.memory_space<vmem>>
      %dma_start3A_724 = tpu.memref_squeeze %dma_start3A_723 : memref<1x1x128x32xf32, #tpu.memory_space<vmem>> -> memref<128x32xf32, #tpu.memory_space<vmem>>
      %dma_start3A_725 = arith.constant 0 : i32
      %dma_start3A_726 = tpu.memref_slice %arg9[%add3A_719, %dma_start3A_725] : memref<308x128xi32, #tpu.memory_space<vmem>> -> memref<1x128xi32, #tpu.memory_space<vmem>>
      %dma_start3A_727 = tpu.memref_squeeze %dma_start3A_726 : memref<1x128xi32, #tpu.memory_space<vmem>> -> memref<128xi32, #tpu.memory_space<vmem>>
      %dma_start3A_728 = arith.constant 0 : i32
      %dma_start3A_729 = arith.constant 0 : i32
      %dma_start3A_730 = tpu.memref_slice %arg2[%dma_start3A_728, %dma_start3A_729] : memref<1000000x32xf32, #tpu.memory_space<hbm>> -> memref<1000000x32xf32, #tpu.memory_space<hbm>>
      tpu.enqueue_indirect_dma source(%dma_start3A_730 : memref<1000000x32xf32, #tpu.memory_space<hbm>>) target(%dma_start3A_724 : memref<128x32xf32, #tpu.memory_space<vmem>>) offsets(%dma_start3A_727 : memref<128xi32, #tpu.memory_space<vmem>>) semaphore(%arg11 : memref<!tpu.dma_semaphore, #tpu.memory_space<semaphore_mem>>)
      %mul3A_731 = arith.constant 8 : i32
      %mul3A_732 = arith.muli %scan3A_659, %mul3A_731 : i32
      %add3A_733 = arith.constant 204 : i32
      %add3A_734 = arith.addi %add3A_733, %mul3A_732 : i32
      %add3A_735 = arith.constant 4 : i32
      %add3A_736 = arith.addi %add3A_734, %add3A_735 : i32
      %dma_start3A_737 = arith.constant 4 : i32
      %dma_start3A_738 = arith.constant 0 : i32
      %dma_start3A_739 = arith.constant 0 : i32
      %dma_start3A_740 = tpu.memref_slice %arg10[%rem3A_660, %dma_start3A_737, %dma_start3A_738, %dma_start3A_739] : memref<2x8x128x32xf32, #tpu.memory_space<vmem>> -> memref<1x1x128x32xf32, #tpu.memory_space<vmem>>
      %dma_start3A_741 = tpu.memref_squeeze %dma_start3A_740 : memref<1x1x128x32xf32, #tpu.memory_space<vmem>> -> memref<128x32xf32, #tpu.memory_space<vmem>>
      %dma_start3A_742 = arith.constant 0 : i32
      %dma_start3A_743 = tpu.memref_slice %arg9[%add3A_736, %dma_start3A_742] : memref<308x128xi32, #tpu.memory_space<vmem>> -> memref<1x128xi32, #tpu.memory_space<vmem>>
      %dma_start3A_744 = tpu.memref_squeeze %dma_start3A_743 : memref<1x128xi32, #tpu.memory_space<vmem>> -> memref<128xi32, #tpu.memory_space<vmem>>
      %dma_start3A_745 = arith.constant 0 : i32
      %dma_start3A_746 = arith.constant 0 : i32
      %dma_start3A_747 = tpu.memref_slice %arg2[%dma_start3A_745, %dma_start3A_746] : memref<1000000x32xf32, #tpu.memory_space<hbm>> -> memref<1000000x32xf32, #tpu.memory_space<hbm>>
      tpu.enqueue_indirect_dma source(%dma_start3A_747 : memref<1000000x32xf32, #tpu.memory_space<hbm>>) target(%dma_start3A_741 : memref<128x32xf32, #tpu.memory_space<vmem>>) offsets(%dma_start3A_744 : memref<128xi32, #tpu.memory_space<vmem>>) semaphore(%arg11 : memref<!tpu.dma_semaphore, #tpu.memory_space<semaphore_mem>>)
      %mul3A_748 = arith.constant 8 : i32
      %mul3A_749 = arith.muli %scan3A_659, %mul3A_748 : i32
      %add3A_750 = arith.constant 204 : i32
      %add3A_751 = arith.addi %add3A_750, %mul3A_749 : i32
      %add3A_752 = arith.constant 5 : i32
      %add3A_753 = arith.addi %add3A_751, %add3A_752 : i32
      %dma_start3A_754 = arith.constant 5 : i32
      %dma_start3A_755 = arith.constant 0 : i32
      %dma_start3A_756 = arith.constant 0 : i32
      %dma_start3A_757 = tpu.memref_slice %arg10[%rem3A_660, %dma_start3A_754, %dma_start3A_755, %dma_start3A_756] : memref<2x8x128x32xf32, #tpu.memory_space<vmem>> -> memref<1x1x128x32xf32, #tpu.memory_space<vmem>>
      %dma_start3A_758 = tpu.memref_squeeze %dma_start3A_757 : memref<1x1x128x32xf32, #tpu.memory_space<vmem>> -> memref<128x32xf32, #tpu.memory_space<vmem>>
      %dma_start3A_759 = arith.constant 0 : i32
      %dma_start3A_760 = tpu.memref_slice %arg9[%add3A_753, %dma_start3A_759] : memref<308x128xi32, #tpu.memory_space<vmem>> -> memref<1x128xi32, #tpu.memory_space<vmem>>
      %dma_start3A_761 = tpu.memref_squeeze %dma_start3A_760 : memref<1x128xi32, #tpu.memory_space<vmem>> -> memref<128xi32, #tpu.memory_space<vmem>>
      %dma_start3A_762 = arith.constant 0 : i32
      %dma_start3A_763 = arith.constant 0 : i32
      %dma_start3A_764 = tpu.memref_slice %arg2[%dma_start3A_762, %dma_start3A_763] : memref<1000000x32xf32, #tpu.memory_space<hbm>> -> memref<1000000x32xf32, #tpu.memory_space<hbm>>
      tpu.enqueue_indirect_dma source(%dma_start3A_764 : memref<1000000x32xf32, #tpu.memory_space<hbm>>) target(%dma_start3A_758 : memref<128x32xf32, #tpu.memory_space<vmem>>) offsets(%dma_start3A_761 : memref<128xi32, #tpu.memory_space<vmem>>) semaphore(%arg11 : memref<!tpu.dma_semaphore, #tpu.memory_space<semaphore_mem>>)
      %mul3A_765 = arith.constant 8 : i32
      %mul3A_766 = arith.muli %scan3A_659, %mul3A_765 : i32
      %add3A_767 = arith.constant 204 : i32
      %add3A_768 = arith.addi %add3A_767, %mul3A_766 : i32
      %add3A_769 = arith.constant 6 : i32
      %add3A_770 = arith.addi %add3A_768, %add3A_769 : i32
      %dma_start3A_771 = arith.constant 6 : i32
      %dma_start3A_772 = arith.constant 0 : i32
      %dma_start3A_773 = arith.constant 0 : i32
      %dma_start3A_774 = tpu.memref_slice %arg10[%rem3A_660, %dma_start3A_771, %dma_start3A_772, %dma_start3A_773] : memref<2x8x128x32xf32, #tpu.memory_space<vmem>> -> memref<1x1x128x32xf32, #tpu.memory_space<vmem>>
      %dma_start3A_775 = tpu.memref_squeeze %dma_start3A_774 : memref<1x1x128x32xf32, #tpu.memory_space<vmem>> -> memref<128x32xf32, #tpu.memory_space<vmem>>
      %dma_start3A_776 = arith.constant 0 : i32
      %dma_start3A_777 = tpu.memref_slice %arg9[%add3A_770, %dma_start3A_776] : memref<308x128xi32, #tpu.memory_space<vmem>> -> memref<1x128xi32, #tpu.memory_space<vmem>>
      %dma_start3A_778 = tpu.memref_squeeze %dma_start3A_777 : memref<1x128xi32, #tpu.memory_space<vmem>> -> memref<128xi32, #tpu.memory_space<vmem>>
      %dma_start3A_779 = arith.constant 0 : i32
      %dma_start3A_780 = arith.constant 0 : i32
      %dma_start3A_781 = tpu.memref_slice %arg2[%dma_start3A_779, %dma_start3A_780] : memref<1000000x32xf32, #tpu.memory_space<hbm>> -> memref<1000000x32xf32, #tpu.memory_space<hbm>>
      tpu.enqueue_indirect_dma source(%dma_start3A_781 : memref<1000000x32xf32, #tpu.memory_space<hbm>>) target(%dma_start3A_775 : memref<128x32xf32, #tpu.memory_space<vmem>>) offsets(%dma_start3A_778 : memref<128xi32, #tpu.memory_space<vmem>>) semaphore(%arg11 : memref<!tpu.dma_semaphore, #tpu.memory_space<semaphore_mem>>)
      %mul3A_782 = arith.constant 8 : i32
      %mul3A_783 = arith.muli %scan3A_659, %mul3A_782 : i32
      %add3A_784 = arith.constant 204 : i32
      %add3A_785 = arith.addi %add3A_784, %mul3A_783 : i32
      %add3A_786 = arith.constant 7 : i32
      %add3A_787 = arith.addi %add3A_785, %add3A_786 : i32
      %dma_start3A_788 = arith.constant 7 : i32
      %dma_start3A_789 = arith.constant 0 : i32
      %dma_start3A_790 = arith.constant 0 : i32
      %dma_start3A_791 = tpu.memref_slice %arg10[%rem3A_660, %dma_start3A_788, %dma_start3A_789, %dma_start3A_790] : memref<2x8x128x32xf32, #tpu.memory_space<vmem>> -> memref<1x1x128x32xf32, #tpu.memory_space<vmem>>
      %dma_start3A_792 = tpu.memref_squeeze %dma_start3A_791 : memref<1x1x128x32xf32, #tpu.memory_space<vmem>> -> memref<128x32xf32, #tpu.memory_space<vmem>>
      %dma_start3A_793 = arith.constant 0 : i32
      %dma_start3A_794 = tpu.memref_slice %arg9[%add3A_787, %dma_start3A_793] : memref<308x128xi32, #tpu.memory_space<vmem>> -> memref<1x128xi32, #tpu.memory_space<vmem>>
      %dma_start3A_795 = tpu.memref_squeeze %dma_start3A_794 : memref<1x128xi32, #tpu.memory_space<vmem>> -> memref<128xi32, #tpu.memory_space<vmem>>
      %dma_start3A_796 = arith.constant 0 : i32
      %dma_start3A_797 = arith.constant 0 : i32
      %dma_start3A_798 = tpu.memref_slice %arg2[%dma_start3A_796, %dma_start3A_797] : memref<1000000x32xf32, #tpu.memory_space<hbm>> -> memref<1000000x32xf32, #tpu.memory_space<hbm>>
      tpu.enqueue_indirect_dma source(%dma_start3A_798 : memref<1000000x32xf32, #tpu.memory_space<hbm>>) target(%dma_start3A_792 : memref<128x32xf32, #tpu.memory_space<vmem>>) offsets(%dma_start3A_795 : memref<128xi32, #tpu.memory_space<vmem>>) semaphore(%arg11 : memref<!tpu.dma_semaphore, #tpu.memory_space<semaphore_mem>>)
      %dma_wait3A_799 = arith.constant 0 : i32
      %dma_wait3A_800 = arith.constant 0 : i32
      %dma_wait3A_801 = arith.constant 0 : i32
      %dma_wait3A_802 = tpu.memref_slice %arg10[%rem3A_660, %dma_wait3A_799, %dma_wait3A_800, %dma_wait3A_801] : memref<2x8x128x32xf32, #tpu.memory_space<vmem>> -> memref<1x1x128x32xf32, #tpu.memory_space<vmem>>
      %dma_wait3A_803 = tpu.memref_squeeze %dma_wait3A_802 : memref<1x1x128x32xf32, #tpu.memory_space<vmem>> -> memref<128x32xf32, #tpu.memory_space<vmem>>
      %dma_wait3A_804 = arith.constant 0 : i32
      %dma_wait3A_805 = tpu.memref_slice %arg9[%add3A_668, %dma_wait3A_804] : memref<308x128xi32, #tpu.memory_space<vmem>> -> memref<1x128xi32, #tpu.memory_space<vmem>>
      %dma_wait3A_806 = tpu.memref_squeeze %dma_wait3A_805 : memref<1x128xi32, #tpu.memory_space<vmem>> -> memref<128xi32, #tpu.memory_space<vmem>>
      %dma_wait3A_807 = arith.constant 0 : i32
      %dma_wait3A_808 = arith.constant 0 : i32
      %dma_wait3A_809 = tpu.memref_slice %arg2[%dma_wait3A_807, %dma_wait3A_808] : memref<1000000x32xf32, #tpu.memory_space<hbm>> -> memref<1000000x32xf32, #tpu.memory_space<hbm>>
      tpu.wait_indirect_dma semaphore(%arg11 : memref<!tpu.dma_semaphore, #tpu.memory_space<semaphore_mem>>) src(%dma_wait3A_809 : memref<1000000x32xf32, #tpu.memory_space<hbm>>) dst(%dma_wait3A_803 : memref<128x32xf32, #tpu.memory_space<vmem>>)
      %dma_wait3A_810 = arith.constant 1 : i32
      %dma_wait3A_811 = arith.constant 0 : i32
      %dma_wait3A_812 = arith.constant 0 : i32
      %dma_wait3A_813 = tpu.memref_slice %arg10[%rem3A_660, %dma_wait3A_810, %dma_wait3A_811, %dma_wait3A_812] : memref<2x8x128x32xf32, #tpu.memory_space<vmem>> -> memref<1x1x128x32xf32, #tpu.memory_space<vmem>>
      %dma_wait3A_814 = tpu.memref_squeeze %dma_wait3A_813 : memref<1x1x128x32xf32, #tpu.memory_space<vmem>> -> memref<128x32xf32, #tpu.memory_space<vmem>>
      %dma_wait3A_815 = arith.constant 0 : i32
      %dma_wait3A_816 = tpu.memref_slice %arg9[%add3A_685, %dma_wait3A_815] : memref<308x128xi32, #tpu.memory_space<vmem>> -> memref<1x128xi32, #tpu.memory_space<vmem>>
      %dma_wait3A_817 = tpu.memref_squeeze %dma_wait3A_816 : memref<1x128xi32, #tpu.memory_space<vmem>> -> memref<128xi32, #tpu.memory_space<vmem>>
      %dma_wait3A_818 = arith.constant 0 : i32
      %dma_wait3A_819 = arith.constant 0 : i32
      %dma_wait3A_820 = tpu.memref_slice %arg2[%dma_wait3A_818, %dma_wait3A_819] : memref<1000000x32xf32, #tpu.memory_space<hbm>> -> memref<1000000x32xf32, #tpu.memory_space<hbm>>
      tpu.wait_indirect_dma semaphore(%arg11 : memref<!tpu.dma_semaphore, #tpu.memory_space<semaphore_mem>>) src(%dma_wait3A_820 : memref<1000000x32xf32, #tpu.memory_space<hbm>>) dst(%dma_wait3A_814 : memref<128x32xf32, #tpu.memory_space<vmem>>)
      %dma_wait3A_821 = arith.constant 2 : i32
      %dma_wait3A_822 = arith.constant 0 : i32
      %dma_wait3A_823 = arith.constant 0 : i32
      %dma_wait3A_824 = tpu.memref_slice %arg10[%rem3A_660, %dma_wait3A_821, %dma_wait3A_822, %dma_wait3A_823] : memref<2x8x128x32xf32, #tpu.memory_space<vmem>> -> memref<1x1x128x32xf32, #tpu.memory_space<vmem>>
      %dma_wait3A_825 = tpu.memref_squeeze %dma_wait3A_824 : memref<1x1x128x32xf32, #tpu.memory_space<vmem>> -> memref<128x32xf32, #tpu.memory_space<vmem>>
      %dma_wait3A_826 = arith.constant 0 : i32
      %dma_wait3A_827 = tpu.memref_slice %arg9[%add3A_702, %dma_wait3A_826] : memref<308x128xi32, #tpu.memory_space<vmem>> -> memref<1x128xi32, #tpu.memory_space<vmem>>
      %dma_wait3A_828 = tpu.memref_squeeze %dma_wait3A_827 : memref<1x128xi32, #tpu.memory_space<vmem>> -> memref<128xi32, #tpu.memory_space<vmem>>
      %dma_wait3A_829 = arith.constant 0 : i32
      %dma_wait3A_830 = arith.constant 0 : i32
      %dma_wait3A_831 = tpu.memref_slice %arg2[%dma_wait3A_829, %dma_wait3A_830] : memref<1000000x32xf32, #tpu.memory_space<hbm>> -> memref<1000000x32xf32, #tpu.memory_space<hbm>>
      tpu.wait_indirect_dma semaphore(%arg11 : memref<!tpu.dma_semaphore, #tpu.memory_space<semaphore_mem>>) src(%dma_wait3A_831 : memref<1000000x32xf32, #tpu.memory_space<hbm>>) dst(%dma_wait3A_825 : memref<128x32xf32, #tpu.memory_space<vmem>>)
      %dma_wait3A_832 = arith.constant 3 : i32
      %dma_wait3A_833 = arith.constant 0 : i32
      %dma_wait3A_834 = arith.constant 0 : i32
      %dma_wait3A_835 = tpu.memref_slice %arg10[%rem3A_660, %dma_wait3A_832, %dma_wait3A_833, %dma_wait3A_834] : memref<2x8x128x32xf32, #tpu.memory_space<vmem>> -> memref<1x1x128x32xf32, #tpu.memory_space<vmem>>
      %dma_wait3A_836 = tpu.memref_squeeze %dma_wait3A_835 : memref<1x1x128x32xf32, #tpu.memory_space<vmem>> -> memref<128x32xf32, #tpu.memory_space<vmem>>
      %dma_wait3A_837 = arith.constant 0 : i32
      %dma_wait3A_838 = tpu.memref_slice %arg9[%add3A_719, %dma_wait3A_837] : memref<308x128xi32, #tpu.memory_space<vmem>> -> memref<1x128xi32, #tpu.memory_space<vmem>>
      %dma_wait3A_839 = tpu.memref_squeeze %dma_wait3A_838 : memref<1x128xi32, #tpu.memory_space<vmem>> -> memref<128xi32, #tpu.memory_space<vmem>>
      %dma_wait3A_840 = arith.constant 0 : i32
      %dma_wait3A_841 = arith.constant 0 : i32
      %dma_wait3A_842 = tpu.memref_slice %arg2[%dma_wait3A_840, %dma_wait3A_841] : memref<1000000x32xf32, #tpu.memory_space<hbm>> -> memref<1000000x32xf32, #tpu.memory_space<hbm>>
      tpu.wait_indirect_dma semaphore(%arg11 : memref<!tpu.dma_semaphore, #tpu.memory_space<semaphore_mem>>) src(%dma_wait3A_842 : memref<1000000x32xf32, #tpu.memory_space<hbm>>) dst(%dma_wait3A_836 : memref<128x32xf32, #tpu.memory_space<vmem>>)
      %dma_wait3A_843 = arith.constant 4 : i32
      %dma_wait3A_844 = arith.constant 0 : i32
      %dma_wait3A_845 = arith.constant 0 : i32
      %dma_wait3A_846 = tpu.memref_slice %arg10[%rem3A_660, %dma_wait3A_843, %dma_wait3A_844, %dma_wait3A_845] : memref<2x8x128x32xf32, #tpu.memory_space<vmem>> -> memref<1x1x128x32xf32, #tpu.memory_space<vmem>>
      %dma_wait3A_847 = tpu.memref_squeeze %dma_wait3A_846 : memref<1x1x128x32xf32, #tpu.memory_space<vmem>> -> memref<128x32xf32, #tpu.memory_space<vmem>>
      %dma_wait3A_848 = arith.constant 0 : i32
      %dma_wait3A_849 = tpu.memref_slice %arg9[%add3A_736, %dma_wait3A_848] : memref<308x128xi32, #tpu.memory_space<vmem>> -> memref<1x128xi32, #tpu.memory_space<vmem>>
      %dma_wait3A_850 = tpu.memref_squeeze %dma_wait3A_849 : memref<1x128xi32, #tpu.memory_space<vmem>> -> memref<128xi32, #tpu.memory_space<vmem>>
      %dma_wait3A_851 = arith.constant 0 : i32
      %dma_wait3A_852 = arith.constant 0 : i32
      %dma_wait3A_853 = tpu.memref_slice %arg2[%dma_wait3A_851, %dma_wait3A_852] : memref<1000000x32xf32, #tpu.memory_space<hbm>> -> memref<1000000x32xf32, #tpu.memory_space<hbm>>
      tpu.wait_indirect_dma semaphore(%arg11 : memref<!tpu.dma_semaphore, #tpu.memory_space<semaphore_mem>>) src(%dma_wait3A_853 : memref<1000000x32xf32, #tpu.memory_space<hbm>>) dst(%dma_wait3A_847 : memref<128x32xf32, #tpu.memory_space<vmem>>)
      %dma_wait3A_854 = arith.constant 5 : i32
      %dma_wait3A_855 = arith.constant 0 : i32
      %dma_wait3A_856 = arith.constant 0 : i32
      %dma_wait3A_857 = tpu.memref_slice %arg10[%rem3A_660, %dma_wait3A_854, %dma_wait3A_855, %dma_wait3A_856] : memref<2x8x128x32xf32, #tpu.memory_space<vmem>> -> memref<1x1x128x32xf32, #tpu.memory_space<vmem>>
      %dma_wait3A_858 = tpu.memref_squeeze %dma_wait3A_857 : memref<1x1x128x32xf32, #tpu.memory_space<vmem>> -> memref<128x32xf32, #tpu.memory_space<vmem>>
      %dma_wait3A_859 = arith.constant 0 : i32
      %dma_wait3A_860 = tpu.memref_slice %arg9[%add3A_753, %dma_wait3A_859] : memref<308x128xi32, #tpu.memory_space<vmem>> -> memref<1x128xi32, #tpu.memory_space<vmem>>
      %dma_wait3A_861 = tpu.memref_squeeze %dma_wait3A_860 : memref<1x128xi32, #tpu.memory_space<vmem>> -> memref<128xi32, #tpu.memory_space<vmem>>
      %dma_wait3A_862 = arith.constant 0 : i32
      %dma_wait3A_863 = arith.constant 0 : i32
      %dma_wait3A_864 = tpu.memref_slice %arg2[%dma_wait3A_862, %dma_wait3A_863] : memref<1000000x32xf32, #tpu.memory_space<hbm>> -> memref<1000000x32xf32, #tpu.memory_space<hbm>>
      tpu.wait_indirect_dma semaphore(%arg11 : memref<!tpu.dma_semaphore, #tpu.memory_space<semaphore_mem>>) src(%dma_wait3A_864 : memref<1000000x32xf32, #tpu.memory_space<hbm>>) dst(%dma_wait3A_858 : memref<128x32xf32, #tpu.memory_space<vmem>>)
      %dma_wait3A_865 = arith.constant 6 : i32
      %dma_wait3A_866 = arith.constant 0 : i32
      %dma_wait3A_867 = arith.constant 0 : i32
      %dma_wait3A_868 = tpu.memref_slice %arg10[%rem3A_660, %dma_wait3A_865, %dma_wait3A_866, %dma_wait3A_867] : memref<2x8x128x32xf32, #tpu.memory_space<vmem>> -> memref<1x1x128x32xf32, #tpu.memory_space<vmem>>
      %dma_wait3A_869 = tpu.memref_squeeze %dma_wait3A_868 : memref<1x1x128x32xf32, #tpu.memory_space<vmem>> -> memref<128x32xf32, #tpu.memory_space<vmem>>
      %dma_wait3A_870 = arith.constant 0 : i32
      %dma_wait3A_871 = tpu.memref_slice %arg9[%add3A_770, %dma_wait3A_870] : memref<308x128xi32, #tpu.memory_space<vmem>> -> memref<1x128xi32, #tpu.memory_space<vmem>>
      %dma_wait3A_872 = tpu.memref_squeeze %dma_wait3A_871 : memref<1x128xi32, #tpu.memory_space<vmem>> -> memref<128xi32, #tpu.memory_space<vmem>>
      %dma_wait3A_873 = arith.constant 0 : i32
      %dma_wait3A_874 = arith.constant 0 : i32
      %dma_wait3A_875 = tpu.memref_slice %arg2[%dma_wait3A_873, %dma_wait3A_874] : memref<1000000x32xf32, #tpu.memory_space<hbm>> -> memref<1000000x32xf32, #tpu.memory_space<hbm>>
      tpu.wait_indirect_dma semaphore(%arg11 : memref<!tpu.dma_semaphore, #tpu.memory_space<semaphore_mem>>) src(%dma_wait3A_875 : memref<1000000x32xf32, #tpu.memory_space<hbm>>) dst(%dma_wait3A_869 : memref<128x32xf32, #tpu.memory_space<vmem>>)
      %dma_wait3A_876 = arith.constant 7 : i32
      %dma_wait3A_877 = arith.constant 0 : i32
      %dma_wait3A_878 = arith.constant 0 : i32
      %dma_wait3A_879 = tpu.memref_slice %arg10[%rem3A_660, %dma_wait3A_876, %dma_wait3A_877, %dma_wait3A_878] : memref<2x8x128x32xf32, #tpu.memory_space<vmem>> -> memref<1x1x128x32xf32, #tpu.memory_space<vmem>>
      %dma_wait3A_880 = tpu.memref_squeeze %dma_wait3A_879 : memref<1x1x128x32xf32, #tpu.memory_space<vmem>> -> memref<128x32xf32, #tpu.memory_space<vmem>>
      %dma_wait3A_881 = arith.constant 0 : i32
      %dma_wait3A_882 = tpu.memref_slice %arg9[%add3A_787, %dma_wait3A_881] : memref<308x128xi32, #tpu.memory_space<vmem>> -> memref<1x128xi32, #tpu.memory_space<vmem>>
      %dma_wait3A_883 = tpu.memref_squeeze %dma_wait3A_882 : memref<1x128xi32, #tpu.memory_space<vmem>> -> memref<128xi32, #tpu.memory_space<vmem>>
      %dma_wait3A_884 = arith.constant 0 : i32
      %dma_wait3A_885 = arith.constant 0 : i32
      %dma_wait3A_886 = tpu.memref_slice %arg2[%dma_wait3A_884, %dma_wait3A_885] : memref<1000000x32xf32, #tpu.memory_space<hbm>> -> memref<1000000x32xf32, #tpu.memory_space<hbm>>
      tpu.wait_indirect_dma semaphore(%arg11 : memref<!tpu.dma_semaphore, #tpu.memory_space<semaphore_mem>>) src(%dma_wait3A_886 : memref<1000000x32xf32, #tpu.memory_space<hbm>>) dst(%dma_wait3A_880 : memref<128x32xf32, #tpu.memory_space<vmem>>)
      %mul3A_887 = arith.constant 8 : i32
      %mul3A_888 = arith.muli %scan3A_659, %mul3A_887 : i32
      %add3A_889 = arith.constant 0 : i32
      %add3A_890 = arith.addi %mul3A_888, %add3A_889 : i32
      %mul3A_891 = arith.constant 128 : i32
      %mul3A_892 = arith.muli %add3A_890, %mul3A_891 : i32
      %add3A_893 = arith.addi %mul3A_396, %mul3A_892 : i32
      %dma_start3A_894 = arith.constant 0 : i32
      %dma_start3A_895 = arith.constant 0 : i32
      %dma_start3A_896 = arith.constant 0 : i32
      %dma_start3A_897 = tpu.memref_slice %arg10[%rem3A_660, %dma_start3A_894, %dma_start3A_895, %dma_start3A_896] : memref<2x8x128x32xf32, #tpu.memory_space<vmem>> -> memref<1x1x128x32xf32, #tpu.memory_space<vmem>>
      %dma_start3A_898 = tpu.memref_squeeze %dma_start3A_897 : memref<1x1x128x32xf32, #tpu.memory_space<vmem>> -> memref<128x32xf32, #tpu.memory_space<vmem>>
      %dma_start3A_899 = arith.constant 0 : i32
      %dma_start3A_900 = tpu.memref_slice %arg8[%add3A_893, %dma_start3A_899] : memref<425984x32xf32, #tpu.memory_space<hbm>> -> memref<128x32xf32, #tpu.memory_space<hbm>>
      %dma_start3A_901 = arith.constant 0 : i32
      %dma_start3A_902 = tpu.memref_slice %arg8[%add3A_893, %dma_start3A_901] : memref<425984x32xf32, #tpu.memory_space<hbm>> -> memref<128x32xf32, #tpu.memory_space<hbm>>
      %dma_start3A_903 = arith.constant 0 : i32
      %dma_start3A_904 = arith.constant 0 : i32
      %dma_start3A_905 = tpu.memref_slice %arg10[%rem3A_660, %dma_start3A_894, %dma_start3A_903, %dma_start3A_904] : memref<2x8x128x32xf32, #tpu.memory_space<vmem>> -> memref<1x1x128x32xf32, #tpu.memory_space<vmem>>
      %dma_start3A_906 = tpu.memref_squeeze %dma_start3A_905 : memref<1x1x128x32xf32, #tpu.memory_space<vmem>> -> memref<128x32xf32, #tpu.memory_space<vmem>>
      tpu.enqueue_dma source(%dma_start3A_906 : memref<128x32xf32, #tpu.memory_space<vmem>>) target(%dma_start3A_902 : memref<128x32xf32, #tpu.memory_space<hbm>>) target_semaphore(%arg12 : memref<!tpu.dma_semaphore, #tpu.memory_space<semaphore_mem>>)
      %mul3A_907 = arith.constant 8 : i32
      %mul3A_908 = arith.muli %scan3A_659, %mul3A_907 : i32
      %add3A_909 = arith.constant 1 : i32
      %add3A_910 = arith.addi %mul3A_908, %add3A_909 : i32
      %mul3A_911 = arith.constant 128 : i32
      %mul3A_912 = arith.muli %add3A_910, %mul3A_911 : i32
      %add3A_913 = arith.addi %mul3A_396, %mul3A_912 : i32
      %dma_start3A_914 = arith.constant 1 : i32
      %dma_start3A_915 = arith.constant 0 : i32
      %dma_start3A_916 = arith.constant 0 : i32
      %dma_start3A_917 = tpu.memref_slice %arg10[%rem3A_660, %dma_start3A_914, %dma_start3A_915, %dma_start3A_916] : memref<2x8x128x32xf32, #tpu.memory_space<vmem>> -> memref<1x1x128x32xf32, #tpu.memory_space<vmem>>
      %dma_start3A_918 = tpu.memref_squeeze %dma_start3A_917 : memref<1x1x128x32xf32, #tpu.memory_space<vmem>> -> memref<128x32xf32, #tpu.memory_space<vmem>>
      %dma_start3A_919 = arith.constant 0 : i32
      %dma_start3A_920 = tpu.memref_slice %arg8[%add3A_913, %dma_start3A_919] : memref<425984x32xf32, #tpu.memory_space<hbm>> -> memref<128x32xf32, #tpu.memory_space<hbm>>
      %dma_start3A_921 = arith.constant 0 : i32
      %dma_start3A_922 = tpu.memref_slice %arg8[%add3A_913, %dma_start3A_921] : memref<425984x32xf32, #tpu.memory_space<hbm>> -> memref<128x32xf32, #tpu.memory_space<hbm>>
      %dma_start3A_923 = arith.constant 0 : i32
      %dma_start3A_924 = arith.constant 0 : i32
      %dma_start3A_925 = tpu.memref_slice %arg10[%rem3A_660, %dma_start3A_914, %dma_start3A_923, %dma_start3A_924] : memref<2x8x128x32xf32, #tpu.memory_space<vmem>> -> memref<1x1x128x32xf32, #tpu.memory_space<vmem>>
      %dma_start3A_926 = tpu.memref_squeeze %dma_start3A_925 : memref<1x1x128x32xf32, #tpu.memory_space<vmem>> -> memref<128x32xf32, #tpu.memory_space<vmem>>
      tpu.enqueue_dma source(%dma_start3A_926 : memref<128x32xf32, #tpu.memory_space<vmem>>) target(%dma_start3A_922 : memref<128x32xf32, #tpu.memory_space<hbm>>) target_semaphore(%arg12 : memref<!tpu.dma_semaphore, #tpu.memory_space<semaphore_mem>>)
      %mul3A_927 = arith.constant 8 : i32
      %mul3A_928 = arith.muli %scan3A_659, %mul3A_927 : i32
      %add3A_929 = arith.constant 2 : i32
      %add3A_930 = arith.addi %mul3A_928, %add3A_929 : i32
      %mul3A_931 = arith.constant 128 : i32
      %mul3A_932 = arith.muli %add3A_930, %mul3A_931 : i32
      %add3A_933 = arith.addi %mul3A_396, %mul3A_932 : i32
      %dma_start3A_934 = arith.constant 2 : i32
      %dma_start3A_935 = arith.constant 0 : i32
      %dma_start3A_936 = arith.constant 0 : i32
      %dma_start3A_937 = tpu.memref_slice %arg10[%rem3A_660, %dma_start3A_934, %dma_start3A_935, %dma_start3A_936] : memref<2x8x128x32xf32, #tpu.memory_space<vmem>> -> memref<1x1x128x32xf32, #tpu.memory_space<vmem>>
      %dma_start3A_938 = tpu.memref_squeeze %dma_start3A_937 : memref<1x1x128x32xf32, #tpu.memory_space<vmem>> -> memref<128x32xf32, #tpu.memory_space<vmem>>
      %dma_start3A_939 = arith.constant 0 : i32
      %dma_start3A_940 = tpu.memref_slice %arg8[%add3A_933, %dma_start3A_939] : memref<425984x32xf32, #tpu.memory_space<hbm>> -> memref<128x32xf32, #tpu.memory_space<hbm>>
      %dma_start3A_941 = arith.constant 0 : i32
      %dma_start3A_942 = tpu.memref_slice %arg8[%add3A_933, %dma_start3A_941] : memref<425984x32xf32, #tpu.memory_space<hbm>> -> memref<128x32xf32, #tpu.memory_space<hbm>>
      %dma_start3A_943 = arith.constant 0 : i32
      %dma_start3A_944 = arith.constant 0 : i32
      %dma_start3A_945 = tpu.memref_slice %arg10[%rem3A_660, %dma_start3A_934, %dma_start3A_943, %dma_start3A_944] : memref<2x8x128x32xf32, #tpu.memory_space<vmem>> -> memref<1x1x128x32xf32, #tpu.memory_space<vmem>>
      %dma_start3A_946 = tpu.memref_squeeze %dma_start3A_945 : memref<1x1x128x32xf32, #tpu.memory_space<vmem>> -> memref<128x32xf32, #tpu.memory_space<vmem>>
      tpu.enqueue_dma source(%dma_start3A_946 : memref<128x32xf32, #tpu.memory_space<vmem>>) target(%dma_start3A_942 : memref<128x32xf32, #tpu.memory_space<hbm>>) target_semaphore(%arg12 : memref<!tpu.dma_semaphore, #tpu.memory_space<semaphore_mem>>)
      %mul3A_947 = arith.constant 8 : i32
      %mul3A_948 = arith.muli %scan3A_659, %mul3A_947 : i32
      %add3A_949 = arith.constant 3 : i32
      %add3A_950 = arith.addi %mul3A_948, %add3A_949 : i32
      %mul3A_951 = arith.constant 128 : i32
      %mul3A_952 = arith.muli %add3A_950, %mul3A_951 : i32
      %add3A_953 = arith.addi %mul3A_396, %mul3A_952 : i32
      %dma_start3A_954 = arith.constant 3 : i32
      %dma_start3A_955 = arith.constant 0 : i32
      %dma_start3A_956 = arith.constant 0 : i32
      %dma_start3A_957 = tpu.memref_slice %arg10[%rem3A_660, %dma_start3A_954, %dma_start3A_955, %dma_start3A_956] : memref<2x8x128x32xf32, #tpu.memory_space<vmem>> -> memref<1x1x128x32xf32, #tpu.memory_space<vmem>>
      %dma_start3A_958 = tpu.memref_squeeze %dma_start3A_957 : memref<1x1x128x32xf32, #tpu.memory_space<vmem>> -> memref<128x32xf32, #tpu.memory_space<vmem>>
      %dma_start3A_959 = arith.constant 0 : i32
      %dma_start3A_960 = tpu.memref_slice %arg8[%add3A_953, %dma_start3A_959] : memref<425984x32xf32, #tpu.memory_space<hbm>> -> memref<128x32xf32, #tpu.memory_space<hbm>>
      %dma_start3A_961 = arith.constant 0 : i32
      %dma_start3A_962 = tpu.memref_slice %arg8[%add3A_953, %dma_start3A_961] : memref<425984x32xf32, #tpu.memory_space<hbm>> -> memref<128x32xf32, #tpu.memory_space<hbm>>
      %dma_start3A_963 = arith.constant 0 : i32
      %dma_start3A_964 = arith.constant 0 : i32
      %dma_start3A_965 = tpu.memref_slice %arg10[%rem3A_660, %dma_start3A_954, %dma_start3A_963, %dma_start3A_964] : memref<2x8x128x32xf32, #tpu.memory_space<vmem>> -> memref<1x1x128x32xf32, #tpu.memory_space<vmem>>
      %dma_start3A_966 = tpu.memref_squeeze %dma_start3A_965 : memref<1x1x128x32xf32, #tpu.memory_space<vmem>> -> memref<128x32xf32, #tpu.memory_space<vmem>>
      tpu.enqueue_dma source(%dma_start3A_966 : memref<128x32xf32, #tpu.memory_space<vmem>>) target(%dma_start3A_962 : memref<128x32xf32, #tpu.memory_space<hbm>>) target_semaphore(%arg12 : memref<!tpu.dma_semaphore, #tpu.memory_space<semaphore_mem>>)
      %mul3A_967 = arith.constant 8 : i32
      %mul3A_968 = arith.muli %scan3A_659, %mul3A_967 : i32
      %add3A_969 = arith.constant 4 : i32
      %add3A_970 = arith.addi %mul3A_968, %add3A_969 : i32
      %mul3A_971 = arith.constant 128 : i32
      %mul3A_972 = arith.muli %add3A_970, %mul3A_971 : i32
      %add3A_973 = arith.addi %mul3A_396, %mul3A_972 : i32
      %dma_start3A_974 = arith.constant 4 : i32
      %dma_start3A_975 = arith.constant 0 : i32
      %dma_start3A_976 = arith.constant 0 : i32
      %dma_start3A_977 = tpu.memref_slice %arg10[%rem3A_660, %dma_start3A_974, %dma_start3A_975, %dma_start3A_976] : memref<2x8x128x32xf32, #tpu.memory_space<vmem>> -> memref<1x1x128x32xf32, #tpu.memory_space<vmem>>
      %dma_start3A_978 = tpu.memref_squeeze %dma_start3A_977 : memref<1x1x128x32xf32, #tpu.memory_space<vmem>> -> memref<128x32xf32, #tpu.memory_space<vmem>>
      %dma_start3A_979 = arith.constant 0 : i32
      %dma_start3A_980 = tpu.memref_slice %arg8[%add3A_973, %dma_start3A_979] : memref<425984x32xf32, #tpu.memory_space<hbm>> -> memref<128x32xf32, #tpu.memory_space<hbm>>
      %dma_start3A_981 = arith.constant 0 : i32
      %dma_start3A_982 = tpu.memref_slice %arg8[%add3A_973, %dma_start3A_981] : memref<425984x32xf32, #tpu.memory_space<hbm>> -> memref<128x32xf32, #tpu.memory_space<hbm>>
      %dma_start3A_983 = arith.constant 0 : i32
      %dma_start3A_984 = arith.constant 0 : i32
      %dma_start3A_985 = tpu.memref_slice %arg10[%rem3A_660, %dma_start3A_974, %dma_start3A_983, %dma_start3A_984] : memref<2x8x128x32xf32, #tpu.memory_space<vmem>> -> memref<1x1x128x32xf32, #tpu.memory_space<vmem>>
      %dma_start3A_986 = tpu.memref_squeeze %dma_start3A_985 : memref<1x1x128x32xf32, #tpu.memory_space<vmem>> -> memref<128x32xf32, #tpu.memory_space<vmem>>
      tpu.enqueue_dma source(%dma_start3A_986 : memref<128x32xf32, #tpu.memory_space<vmem>>) target(%dma_start3A_982 : memref<128x32xf32, #tpu.memory_space<hbm>>) target_semaphore(%arg12 : memref<!tpu.dma_semaphore, #tpu.memory_space<semaphore_mem>>)
      %mul3A_987 = arith.constant 8 : i32
      %mul3A_988 = arith.muli %scan3A_659, %mul3A_987 : i32
      %add3A_989 = arith.constant 5 : i32
      %add3A_990 = arith.addi %mul3A_988, %add3A_989 : i32
      %mul3A_991 = arith.constant 128 : i32
      %mul3A_992 = arith.muli %add3A_990, %mul3A_991 : i32
      %add3A_993 = arith.addi %mul3A_396, %mul3A_992 : i32
      %dma_start3A_994 = arith.constant 5 : i32
      %dma_start3A_995 = arith.constant 0 : i32
      %dma_start3A_996 = arith.constant 0 : i32
      %dma_start3A_997 = tpu.memref_slice %arg10[%rem3A_660, %dma_start3A_994, %dma_start3A_995, %dma_start3A_996] : memref<2x8x128x32xf32, #tpu.memory_space<vmem>> -> memref<1x1x128x32xf32, #tpu.memory_space<vmem>>
      %dma_start3A_998 = tpu.memref_squeeze %dma_start3A_997 : memref<1x1x128x32xf32, #tpu.memory_space<vmem>> -> memref<128x32xf32, #tpu.memory_space<vmem>>
      %dma_start3A_999 = arith.constant 0 : i32
      %dma_start3A_1000 = tpu.memref_slice %arg8[%add3A_993, %dma_start3A_999] : memref<425984x32xf32, #tpu.memory_space<hbm>> -> memref<128x32xf32, #tpu.memory_space<hbm>>
      %dma_start3A_1001 = arith.constant 0 : i32
      %dma_start3A_1002 = tpu.memref_slice %arg8[%add3A_993, %dma_start3A_1001] : memref<425984x32xf32, #tpu.memory_space<hbm>> -> memref<128x32xf32, #tpu.memory_space<hbm>>
      %dma_start3A_1003 = arith.constant 0 : i32
      %dma_start3A_1004 = arith.constant 0 : i32
      %dma_start3A_1005 = tpu.memref_slice %arg10[%rem3A_660, %dma_start3A_994, %dma_start3A_1003, %dma_start3A_1004] : memref<2x8x128x32xf32, #tpu.memory_space<vmem>> -> memref<1x1x128x32xf32, #tpu.memory_space<vmem>>
      %dma_start3A_1006 = tpu.memref_squeeze %dma_start3A_1005 : memref<1x1x128x32xf32, #tpu.memory_space<vmem>> -> memref<128x32xf32, #tpu.memory_space<vmem>>
      tpu.enqueue_dma source(%dma_start3A_1006 : memref<128x32xf32, #tpu.memory_space<vmem>>) target(%dma_start3A_1002 : memref<128x32xf32, #tpu.memory_space<hbm>>) target_semaphore(%arg12 : memref<!tpu.dma_semaphore, #tpu.memory_space<semaphore_mem>>)
      %mul3A_1007 = arith.constant 8 : i32
      %mul3A_1008 = arith.muli %scan3A_659, %mul3A_1007 : i32
      %add3A_1009 = arith.constant 6 : i32
      %add3A_1010 = arith.addi %mul3A_1008, %add3A_1009 : i32
      %mul3A_1011 = arith.constant 128 : i32
      %mul3A_1012 = arith.muli %add3A_1010, %mul3A_1011 : i32
      %add3A_1013 = arith.addi %mul3A_396, %mul3A_1012 : i32
      %dma_start3A_1014 = arith.constant 6 : i32
      %dma_start3A_1015 = arith.constant 0 : i32
      %dma_start3A_1016 = arith.constant 0 : i32
      %dma_start3A_1017 = tpu.memref_slice %arg10[%rem3A_660, %dma_start3A_1014, %dma_start3A_1015, %dma_start3A_1016] : memref<2x8x128x32xf32, #tpu.memory_space<vmem>> -> memref<1x1x128x32xf32, #tpu.memory_space<vmem>>
      %dma_start3A_1018 = tpu.memref_squeeze %dma_start3A_1017 : memref<1x1x128x32xf32, #tpu.memory_space<vmem>> -> memref<128x32xf32, #tpu.memory_space<vmem>>
      %dma_start3A_1019 = arith.constant 0 : i32
      %dma_start3A_1020 = tpu.memref_slice %arg8[%add3A_1013, %dma_start3A_1019] : memref<425984x32xf32, #tpu.memory_space<hbm>> -> memref<128x32xf32, #tpu.memory_space<hbm>>
      %dma_start3A_1021 = arith.constant 0 : i32
      %dma_start3A_1022 = tpu.memref_slice %arg8[%add3A_1013, %dma_start3A_1021] : memref<425984x32xf32, #tpu.memory_space<hbm>> -> memref<128x32xf32, #tpu.memory_space<hbm>>
      %dma_start3A_1023 = arith.constant 0 : i32
      %dma_start3A_1024 = arith.constant 0 : i32
      %dma_start3A_1025 = tpu.memref_slice %arg10[%rem3A_660, %dma_start3A_1014, %dma_start3A_1023, %dma_start3A_1024] : memref<2x8x128x32xf32, #tpu.memory_space<vmem>> -> memref<1x1x128x32xf32, #tpu.memory_space<vmem>>
      %dma_start3A_1026 = tpu.memref_squeeze %dma_start3A_1025 : memref<1x1x128x32xf32, #tpu.memory_space<vmem>> -> memref<128x32xf32, #tpu.memory_space<vmem>>
      tpu.enqueue_dma source(%dma_start3A_1026 : memref<128x32xf32, #tpu.memory_space<vmem>>) target(%dma_start3A_1022 : memref<128x32xf32, #tpu.memory_space<hbm>>) target_semaphore(%arg12 : memref<!tpu.dma_semaphore, #tpu.memory_space<semaphore_mem>>)
      %mul3A_1027 = arith.constant 8 : i32
      %mul3A_1028 = arith.muli %scan3A_659, %mul3A_1027 : i32
      %add3A_1029 = arith.constant 7 : i32
      %add3A_1030 = arith.addi %mul3A_1028, %add3A_1029 : i32
      %mul3A_1031 = arith.constant 128 : i32
      %mul3A_1032 = arith.muli %add3A_1030, %mul3A_1031 : i32
      %add3A_1033 = arith.addi %mul3A_396, %mul3A_1032 : i32
      %dma_start3A_1034 = arith.constant 7 : i32
      %dma_start3A_1035 = arith.constant 0 : i32
      %dma_start3A_1036 = arith.constant 0 : i32
      %dma_start3A_1037 = tpu.memref_slice %arg10[%rem3A_660, %dma_start3A_1034, %dma_start3A_1035, %dma_start3A_1036] : memref<2x8x128x32xf32, #tpu.memory_space<vmem>> -> memref<1x1x128x32xf32, #tpu.memory_space<vmem>>
      %dma_start3A_1038 = tpu.memref_squeeze %dma_start3A_1037 : memref<1x1x128x32xf32, #tpu.memory_space<vmem>> -> memref<128x32xf32, #tpu.memory_space<vmem>>
      %dma_start3A_1039 = arith.constant 0 : i32
      %dma_start3A_1040 = tpu.memref_slice %arg8[%add3A_1033, %dma_start3A_1039] : memref<425984x32xf32, #tpu.memory_space<hbm>> -> memref<128x32xf32, #tpu.memory_space<hbm>>
      %dma_start3A_1041 = arith.constant 0 : i32
      %dma_start3A_1042 = tpu.memref_slice %arg8[%add3A_1033, %dma_start3A_1041] : memref<425984x32xf32, #tpu.memory_space<hbm>> -> memref<128x32xf32, #tpu.memory_space<hbm>>
      %dma_start3A_1043 = arith.constant 0 : i32
      %dma_start3A_1044 = arith.constant 0 : i32
      %dma_start3A_1045 = tpu.memref_slice %arg10[%rem3A_660, %dma_start3A_1034, %dma_start3A_1043, %dma_start3A_1044] : memref<2x8x128x32xf32, #tpu.memory_space<vmem>> -> memref<1x1x128x32xf32, #tpu.memory_space<vmem>>
      %dma_start3A_1046 = tpu.memref_squeeze %dma_start3A_1045 : memref<1x1x128x32xf32, #tpu.memory_space<vmem>> -> memref<128x32xf32, #tpu.memory_space<vmem>>
      tpu.enqueue_dma source(%dma_start3A_1046 : memref<128x32xf32, #tpu.memory_space<vmem>>) target(%dma_start3A_1042 : memref<128x32xf32, #tpu.memory_space<hbm>>) target_semaphore(%arg12 : memref<!tpu.dma_semaphore, #tpu.memory_space<semaphore_mem>>)
    }
    %scan3A_402 = arith.constant 13 : i32
    %dma_wait3A_403 = arith.constant 0 : i32
    %dma_wait3A_404 = arith.constant 0 : i32
    %dma_wait3A_405 = arith.constant 0 : i32
    %dma_wait3A_406 = arith.constant 0 : i32
    %dma_wait3A_407 = tpu.memref_slice %arg10[%dma_wait3A_403, %dma_wait3A_404, %dma_wait3A_405, %dma_wait3A_406] : memref<2x8x128x32xf32, #tpu.memory_space<vmem>> -> memref<1x1x128x32xf32, #tpu.memory_space<vmem>>
    %dma_wait3A_408 = tpu.memref_squeeze %dma_wait3A_407 : memref<1x1x128x32xf32, #tpu.memory_space<vmem>> -> memref<128x32xf32, #tpu.memory_space<vmem>>
    %dma_wait3A_409 = arith.constant 0 : i32
    %dma_wait3A_410 = arith.constant 0 : i32
    %dma_wait3A_411 = tpu.memref_slice %arg8[%dma_wait3A_409, %dma_wait3A_410] : memref<425984x32xf32, #tpu.memory_space<hbm>> -> memref<128x32xf32, #tpu.memory_space<hbm>>
    %dma_wait3A_412 = arith.constant 0 : i32
    %dma_wait3A_413 = arith.constant 0 : i32
    %dma_wait3A_414 = tpu.memref_slice %arg10[%dma_wait3A_403, %dma_wait3A_404, %dma_wait3A_412, %dma_wait3A_413] : memref<2x8x128x32xf32, #tpu.memory_space<vmem>> -> memref<1x1x128x32xf32, #tpu.memory_space<vmem>>
    %dma_wait3A_415 = tpu.memref_squeeze %dma_wait3A_414 : memref<1x1x128x32xf32, #tpu.memory_space<vmem>> -> memref<128x32xf32, #tpu.memory_space<vmem>>
    %dma_wait3A_416 = arith.constant 0 : i32
    %dma_wait3A_417 = arith.constant 0 : i32
    %dma_wait3A_418 = tpu.memref_slice %arg8[%dma_wait3A_416, %dma_wait3A_417] : memref<425984x32xf32, #tpu.memory_space<hbm>> -> memref<128x32xf32, #tpu.memory_space<hbm>>
    tpu.wait_dma2 semaphore(%arg12 : memref<!tpu.dma_semaphore, #tpu.memory_space<semaphore_mem>>) src(%dma_wait3A_418 : memref<128x32xf32, #tpu.memory_space<hbm>>) dst(%dma_wait3A_415 : memref<128x32xf32, #tpu.memory_space<vmem>>)
    %dma_wait3A_419 = arith.constant 0 : i32
    %dma_wait3A_420 = arith.constant 0 : i32
    %dma_wait3A_421 = arith.constant 0 : i32
    %dma_wait3A_422 = arith.constant 0 : i32
    %dma_wait3A_423 = tpu.memref_slice %arg10[%dma_wait3A_419, %dma_wait3A_420, %dma_wait3A_421, %dma_wait3A_422] : memref<2x8x128x32xf32, #tpu.memory_space<vmem>> -> memref<1x1x128x32xf32, #tpu.memory_space<vmem>>
    %dma_wait3A_424 = tpu.memref_squeeze %dma_wait3A_423 : memref<1x1x128x32xf32, #tpu.memory_space<vmem>> -> memref<128x32xf32, #tpu.memory_space<vmem>>
    %dma_wait3A_425 = arith.constant 0 : i32
    %dma_wait3A_426 = arith.constant 0 : i32
    %dma_wait3A_427 = tpu.memref_slice %arg8[%dma_wait3A_425, %dma_wait3A_426] : memref<425984x32xf32, #tpu.memory_space<hbm>> -> memref<128x32xf32, #tpu.memory_space<hbm>>
    %dma_wait3A_428 = arith.constant 0 : i32
    %dma_wait3A_429 = arith.constant 0 : i32
    %dma_wait3A_430 = tpu.memref_slice %arg10[%dma_wait3A_419, %dma_wait3A_420, %dma_wait3A_428, %dma_wait3A_429] : memref<2x8x128x32xf32, #tpu.memory_space<vmem>> -> memref<1x1x128x32xf32, #tpu.memory_space<vmem>>
    %dma_wait3A_431 = tpu.memref_squeeze %dma_wait3A_430 : memref<1x1x128x32xf32, #tpu.memory_space<vmem>> -> memref<128x32xf32, #tpu.memory_space<vmem>>
    %dma_wait3A_432 = arith.constant 0 : i32
    %dma_wait3A_433 = arith.constant 0 : i32
    %dma_wait3A_434 = tpu.memref_slice %arg8[%dma_wait3A_432, %dma_wait3A_433] : memref<425984x32xf32, #tpu.memory_space<hbm>> -> memref<128x32xf32, #tpu.memory_space<hbm>>
    tpu.wait_dma2 semaphore(%arg12 : memref<!tpu.dma_semaphore, #tpu.memory_space<semaphore_mem>>) src(%dma_wait3A_434 : memref<128x32xf32, #tpu.memory_space<hbm>>) dst(%dma_wait3A_431 : memref<128x32xf32, #tpu.memory_space<vmem>>)
    %dma_wait3A_435 = arith.constant 0 : i32
    %dma_wait3A_436 = arith.constant 0 : i32
    %dma_wait3A_437 = arith.constant 0 : i32
    %dma_wait3A_438 = arith.constant 0 : i32
    %dma_wait3A_439 = tpu.memref_slice %arg10[%dma_wait3A_435, %dma_wait3A_436, %dma_wait3A_437, %dma_wait3A_438] : memref<2x8x128x32xf32, #tpu.memory_space<vmem>> -> memref<1x1x128x32xf32, #tpu.memory_space<vmem>>
    %dma_wait3A_440 = tpu.memref_squeeze %dma_wait3A_439 : memref<1x1x128x32xf32, #tpu.memory_space<vmem>> -> memref<128x32xf32, #tpu.memory_space<vmem>>
    %dma_wait3A_441 = arith.constant 0 : i32
    %dma_wait3A_442 = arith.constant 0 : i32
    %dma_wait3A_443 = tpu.memref_slice %arg8[%dma_wait3A_441, %dma_wait3A_442] : memref<425984x32xf32, #tpu.memory_space<hbm>> -> memref<128x32xf32, #tpu.memory_space<hbm>>
    %dma_wait3A_444 = arith.constant 0 : i32
    %dma_wait3A_445 = arith.constant 0 : i32
    %dma_wait3A_446 = tpu.memref_slice %arg10[%dma_wait3A_435, %dma_wait3A_436, %dma_wait3A_444, %dma_wait3A_445] : memref<2x8x128x32xf32, #tpu.memory_space<vmem>> -> memref<1x1x128x32xf32, #tpu.memory_space<vmem>>
    %dma_wait3A_447 = tpu.memref_squeeze %dma_wait3A_446 : memref<1x1x128x32xf32, #tpu.memory_space<vmem>> -> memref<128x32xf32, #tpu.memory_space<vmem>>
    %dma_wait3A_448 = arith.constant 0 : i32
    %dma_wait3A_449 = arith.constant 0 : i32
    %dma_wait3A_450 = tpu.memref_slice %arg8[%dma_wait3A_448, %dma_wait3A_449] : memref<425984x32xf32, #tpu.memory_space<hbm>> -> memref<128x32xf32, #tpu.memory_space<hbm>>
    tpu.wait_dma2 semaphore(%arg12 : memref<!tpu.dma_semaphore, #tpu.memory_space<semaphore_mem>>) src(%dma_wait3A_450 : memref<128x32xf32, #tpu.memory_space<hbm>>) dst(%dma_wait3A_447 : memref<128x32xf32, #tpu.memory_space<vmem>>)
    %dma_wait3A_451 = arith.constant 0 : i32
    %dma_wait3A_452 = arith.constant 0 : i32
    %dma_wait3A_453 = arith.constant 0 : i32
    %dma_wait3A_454 = arith.constant 0 : i32
    %dma_wait3A_455 = tpu.memref_slice %arg10[%dma_wait3A_451, %dma_wait3A_452, %dma_wait3A_453, %dma_wait3A_454] : memref<2x8x128x32xf32, #tpu.memory_space<vmem>> -> memref<1x1x128x32xf32, #tpu.memory_space<vmem>>
    %dma_wait3A_456 = tpu.memref_squeeze %dma_wait3A_455 : memref<1x1x128x32xf32, #tpu.memory_space<vmem>> -> memref<128x32xf32, #tpu.memory_space<vmem>>
    %dma_wait3A_457 = arith.constant 0 : i32
    %dma_wait3A_458 = arith.constant 0 : i32
    %dma_wait3A_459 = tpu.memref_slice %arg8[%dma_wait3A_457, %dma_wait3A_458] : memref<425984x32xf32, #tpu.memory_space<hbm>> -> memref<128x32xf32, #tpu.memory_space<hbm>>
    %dma_wait3A_460 = arith.constant 0 : i32
    %dma_wait3A_461 = arith.constant 0 : i32
    %dma_wait3A_462 = tpu.memref_slice %arg10[%dma_wait3A_451, %dma_wait3A_452, %dma_wait3A_460, %dma_wait3A_461] : memref<2x8x128x32xf32, #tpu.memory_space<vmem>> -> memref<1x1x128x32xf32, #tpu.memory_space<vmem>>
    %dma_wait3A_463 = tpu.memref_squeeze %dma_wait3A_462 : memref<1x1x128x32xf32, #tpu.memory_space<vmem>> -> memref<128x32xf32, #tpu.memory_space<vmem>>
    %dma_wait3A_464 = arith.constant 0 : i32
    %dma_wait3A_465 = arith.constant 0 : i32
    %dma_wait3A_466 = tpu.memref_slice %arg8[%dma_wait3A_464, %dma_wait3A_465] : memref<425984x32xf32, #tpu.memory_space<hbm>> -> memref<128x32xf32, #tpu.memory_space<hbm>>
    tpu.wait_dma2 semaphore(%arg12 : memref<!tpu.dma_semaphore, #tpu.memory_space<semaphore_mem>>) src(%dma_wait3A_466 : memref<128x32xf32, #tpu.memory_space<hbm>>) dst(%dma_wait3A_463 : memref<128x32xf32, #tpu.memory_space<vmem>>)
    %dma_wait3A_467 = arith.constant 0 : i32
    %dma_wait3A_468 = arith.constant 0 : i32
    %dma_wait3A_469 = arith.constant 0 : i32
    %dma_wait3A_470 = arith.constant 0 : i32
    %dma_wait3A_471 = tpu.memref_slice %arg10[%dma_wait3A_467, %dma_wait3A_468, %dma_wait3A_469, %dma_wait3A_470] : memref<2x8x128x32xf32, #tpu.memory_space<vmem>> -> memref<1x1x128x32xf32, #tpu.memory_space<vmem>>
    %dma_wait3A_472 = tpu.memref_squeeze %dma_wait3A_471 : memref<1x1x128x32xf32, #tpu.memory_space<vmem>> -> memref<128x32xf32, #tpu.memory_space<vmem>>
    %dma_wait3A_473 = arith.constant 0 : i32
    %dma_wait3A_474 = arith.constant 0 : i32
    %dma_wait3A_475 = tpu.memref_slice %arg8[%dma_wait3A_473, %dma_wait3A_474] : memref<425984x32xf32, #tpu.memory_space<hbm>> -> memref<128x32xf32, #tpu.memory_space<hbm>>
    %dma_wait3A_476 = arith.constant 0 : i32
    %dma_wait3A_477 = arith.constant 0 : i32
    %dma_wait3A_478 = tpu.memref_slice %arg10[%dma_wait3A_467, %dma_wait3A_468, %dma_wait3A_476, %dma_wait3A_477] : memref<2x8x128x32xf32, #tpu.memory_space<vmem>> -> memref<1x1x128x32xf32, #tpu.memory_space<vmem>>
    %dma_wait3A_479 = tpu.memref_squeeze %dma_wait3A_478 : memref<1x1x128x32xf32, #tpu.memory_space<vmem>> -> memref<128x32xf32, #tpu.memory_space<vmem>>
    %dma_wait3A_480 = arith.constant 0 : i32
    %dma_wait3A_481 = arith.constant 0 : i32
    %dma_wait3A_482 = tpu.memref_slice %arg8[%dma_wait3A_480, %dma_wait3A_481] : memref<425984x32xf32, #tpu.memory_space<hbm>> -> memref<128x32xf32, #tpu.memory_space<hbm>>
    tpu.wait_dma2 semaphore(%arg12 : memref<!tpu.dma_semaphore, #tpu.memory_space<semaphore_mem>>) src(%dma_wait3A_482 : memref<128x32xf32, #tpu.memory_space<hbm>>) dst(%dma_wait3A_479 : memref<128x32xf32, #tpu.memory_space<vmem>>)
    %dma_wait3A_483 = arith.constant 0 : i32
    %dma_wait3A_484 = arith.constant 0 : i32
    %dma_wait3A_485 = arith.constant 0 : i32
    %dma_wait3A_486 = arith.constant 0 : i32
    %dma_wait3A_487 = tpu.memref_slice %arg10[%dma_wait3A_483, %dma_wait3A_484, %dma_wait3A_485, %dma_wait3A_486] : memref<2x8x128x32xf32, #tpu.memory_space<vmem>> -> memref<1x1x128x32xf32, #tpu.memory_space<vmem>>
    %dma_wait3A_488 = tpu.memref_squeeze %dma_wait3A_487 : memref<1x1x128x32xf32, #tpu.memory_space<vmem>> -> memref<128x32xf32, #tpu.memory_space<vmem>>
    %dma_wait3A_489 = arith.constant 0 : i32
    %dma_wait3A_490 = arith.constant 0 : i32
    %dma_wait3A_491 = tpu.memref_slice %arg8[%dma_wait3A_489, %dma_wait3A_490] : memref<425984x32xf32, #tpu.memory_space<hbm>> -> memref<128x32xf32, #tpu.memory_space<hbm>>
    %dma_wait3A_492 = arith.constant 0 : i32
    %dma_wait3A_493 = arith.constant 0 : i32
    %dma_wait3A_494 = tpu.memref_slice %arg10[%dma_wait3A_483, %dma_wait3A_484, %dma_wait3A_492, %dma_wait3A_493] : memref<2x8x128x32xf32, #tpu.memory_space<vmem>> -> memref<1x1x128x32xf32, #tpu.memory_space<vmem>>
    %dma_wait3A_495 = tpu.memref_squeeze %dma_wait3A_494 : memref<1x1x128x32xf32, #tpu.memory_space<vmem>> -> memref<128x32xf32, #tpu.memory_space<vmem>>
    %dma_wait3A_496 = arith.constant 0 : i32
    %dma_wait3A_497 = arith.constant 0 : i32
    %dma_wait3A_498 = tpu.memref_slice %arg8[%dma_wait3A_496, %dma_wait3A_497] : memref<425984x32xf32, #tpu.memory_space<hbm>> -> memref<128x32xf32, #tpu.memory_space<hbm>>
    tpu.wait_dma2 semaphore(%arg12 : memref<!tpu.dma_semaphore, #tpu.memory_space<semaphore_mem>>) src(%dma_wait3A_498 : memref<128x32xf32, #tpu.memory_space<hbm>>) dst(%dma_wait3A_495 : memref<128x32xf32, #tpu.memory_space<vmem>>)
    %dma_wait3A_499 = arith.constant 0 : i32
    %dma_wait3A_500 = arith.constant 0 : i32
    %dma_wait3A_501 = arith.constant 0 : i32
    %dma_wait3A_502 = arith.constant 0 : i32
    %dma_wait3A_503 = tpu.memref_slice %arg10[%dma_wait3A_499, %dma_wait3A_500, %dma_wait3A_501, %dma_wait3A_502] : memref<2x8x128x32xf32, #tpu.memory_space<vmem>> -> memref<1x1x128x32xf32, #tpu.memory_space<vmem>>
    %dma_wait3A_504 = tpu.memref_squeeze %dma_wait3A_503 : memref<1x1x128x32xf32, #tpu.memory_space<vmem>> -> memref<128x32xf32, #tpu.memory_space<vmem>>
    %dma_wait3A_505 = arith.constant 0 : i32
    %dma_wait3A_506 = arith.constant 0 : i32
    %dma_wait3A_507 = tpu.memref_slice %arg8[%dma_wait3A_505, %dma_wait3A_506] : memref<425984x32xf32, #tpu.memory_space<hbm>> -> memref<128x32xf32, #tpu.memory_space<hbm>>
    %dma_wait3A_508 = arith.constant 0 : i32
    %dma_wait3A_509 = arith.constant 0 : i32
    %dma_wait3A_510 = tpu.memref_slice %arg10[%dma_wait3A_499, %dma_wait3A_500, %dma_wait3A_508, %dma_wait3A_509] : memref<2x8x128x32xf32, #tpu.memory_space<vmem>> -> memref<1x1x128x32xf32, #tpu.memory_space<vmem>>
    %dma_wait3A_511 = tpu.memref_squeeze %dma_wait3A_510 : memref<1x1x128x32xf32, #tpu.memory_space<vmem>> -> memref<128x32xf32, #tpu.memory_space<vmem>>
    %dma_wait3A_512 = arith.constant 0 : i32
    %dma_wait3A_513 = arith.constant 0 : i32
    %dma_wait3A_514 = tpu.memref_slice %arg8[%dma_wait3A_512, %dma_wait3A_513] : memref<425984x32xf32, #tpu.memory_space<hbm>> -> memref<128x32xf32, #tpu.memory_space<hbm>>
    tpu.wait_dma2 semaphore(%arg12 : memref<!tpu.dma_semaphore, #tpu.memory_space<semaphore_mem>>) src(%dma_wait3A_514 : memref<128x32xf32, #tpu.memory_space<hbm>>) dst(%dma_wait3A_511 : memref<128x32xf32, #tpu.memory_space<vmem>>)
    %dma_wait3A_515 = arith.constant 0 : i32
    %dma_wait3A_516 = arith.constant 0 : i32
    %dma_wait3A_517 = arith.constant 0 : i32
    %dma_wait3A_518 = arith.constant 0 : i32
    %dma_wait3A_519 = tpu.memref_slice %arg10[%dma_wait3A_515, %dma_wait3A_516, %dma_wait3A_517, %dma_wait3A_518] : memref<2x8x128x32xf32, #tpu.memory_space<vmem>> -> memref<1x1x128x32xf32, #tpu.memory_space<vmem>>
    %dma_wait3A_520 = tpu.memref_squeeze %dma_wait3A_519 : memref<1x1x128x32xf32, #tpu.memory_space<vmem>> -> memref<128x32xf32, #tpu.memory_space<vmem>>
    %dma_wait3A_521 = arith.constant 0 : i32
    %dma_wait3A_522 = arith.constant 0 : i32
    %dma_wait3A_523 = tpu.memref_slice %arg8[%dma_wait3A_521, %dma_wait3A_522] : memref<425984x32xf32, #tpu.memory_space<hbm>> -> memref<128x32xf32, #tpu.memory_space<hbm>>
    %dma_wait3A_524 = arith.constant 0 : i32
    %dma_wait3A_525 = arith.constant 0 : i32
    %dma_wait3A_526 = tpu.memref_slice %arg10[%dma_wait3A_515, %dma_wait3A_516, %dma_wait3A_524, %dma_wait3A_525] : memref<2x8x128x32xf32, #tpu.memory_space<vmem>> -> memref<1x1x128x32xf32, #tpu.memory_space<vmem>>
    %dma_wait3A_527 = tpu.memref_squeeze %dma_wait3A_526 : memref<1x1x128x32xf32, #tpu.memory_space<vmem>> -> memref<128x32xf32, #tpu.memory_space<vmem>>
    %dma_wait3A_528 = arith.constant 0 : i32
    %dma_wait3A_529 = arith.constant 0 : i32
    %dma_wait3A_530 = tpu.memref_slice %arg8[%dma_wait3A_528, %dma_wait3A_529] : memref<425984x32xf32, #tpu.memory_space<hbm>> -> memref<128x32xf32, #tpu.memory_space<hbm>>
    tpu.wait_dma2 semaphore(%arg12 : memref<!tpu.dma_semaphore, #tpu.memory_space<semaphore_mem>>) src(%dma_wait3A_530 : memref<128x32xf32, #tpu.memory_space<hbm>>) dst(%dma_wait3A_527 : memref<128x32xf32, #tpu.memory_space<vmem>>)
    %dma_wait3A_531 = arith.constant 0 : i32
    %dma_wait3A_532 = arith.constant 0 : i32
    %dma_wait3A_533 = arith.constant 0 : i32
    %dma_wait3A_534 = arith.constant 0 : i32
    %dma_wait3A_535 = tpu.memref_slice %arg10[%dma_wait3A_531, %dma_wait3A_532, %dma_wait3A_533, %dma_wait3A_534] : memref<2x8x128x32xf32, #tpu.memory_space<vmem>> -> memref<1x1x128x32xf32, #tpu.memory_space<vmem>>
    %dma_wait3A_536 = tpu.memref_squeeze %dma_wait3A_535 : memref<1x1x128x32xf32, #tpu.memory_space<vmem>> -> memref<128x32xf32, #tpu.memory_space<vmem>>
    %dma_wait3A_537 = arith.constant 0 : i32
    %dma_wait3A_538 = arith.constant 0 : i32
    %dma_wait3A_539 = tpu.memref_slice %arg8[%dma_wait3A_537, %dma_wait3A_538] : memref<425984x32xf32, #tpu.memory_space<hbm>> -> memref<128x32xf32, #tpu.memory_space<hbm>>
    %dma_wait3A_540 = arith.constant 0 : i32
    %dma_wait3A_541 = arith.constant 0 : i32
    %dma_wait3A_542 = tpu.memref_slice %arg10[%dma_wait3A_531, %dma_wait3A_532, %dma_wait3A_540, %dma_wait3A_541] : memref<2x8x128x32xf32, #tpu.memory_space<vmem>> -> memref<1x1x128x32xf32, #tpu.memory_space<vmem>>
    %dma_wait3A_543 = tpu.memref_squeeze %dma_wait3A_542 : memref<1x1x128x32xf32, #tpu.memory_space<vmem>> -> memref<128x32xf32, #tpu.memory_space<vmem>>
    %dma_wait3A_544 = arith.constant 0 : i32
    %dma_wait3A_545 = arith.constant 0 : i32
    %dma_wait3A_546 = tpu.memref_slice %arg8[%dma_wait3A_544, %dma_wait3A_545] : memref<425984x32xf32, #tpu.memory_space<hbm>> -> memref<128x32xf32, #tpu.memory_space<hbm>>
    tpu.wait_dma2 semaphore(%arg12 : memref<!tpu.dma_semaphore, #tpu.memory_space<semaphore_mem>>) src(%dma_wait3A_546 : memref<128x32xf32, #tpu.memory_space<hbm>>) dst(%dma_wait3A_543 : memref<128x32xf32, #tpu.memory_space<vmem>>)
    %dma_wait3A_547 = arith.constant 0 : i32
    %dma_wait3A_548 = arith.constant 0 : i32
    %dma_wait3A_549 = arith.constant 0 : i32
    %dma_wait3A_550 = arith.constant 0 : i32
    %dma_wait3A_551 = tpu.memref_slice %arg10[%dma_wait3A_547, %dma_wait3A_548, %dma_wait3A_549, %dma_wait3A_550] : memref<2x8x128x32xf32, #tpu.memory_space<vmem>> -> memref<1x1x128x32xf32, #tpu.memory_space<vmem>>
    %dma_wait3A_552 = tpu.memref_squeeze %dma_wait3A_551 : memref<1x1x128x32xf32, #tpu.memory_space<vmem>> -> memref<128x32xf32, #tpu.memory_space<vmem>>
    %dma_wait3A_553 = arith.constant 0 : i32
    %dma_wait3A_554 = arith.constant 0 : i32
    %dma_wait3A_555 = tpu.memref_slice %arg8[%dma_wait3A_553, %dma_wait3A_554] : memref<425984x32xf32, #tpu.memory_space<hbm>> -> memref<128x32xf32, #tpu.memory_space<hbm>>
    %dma_wait3A_556 = arith.constant 0 : i32
    %dma_wait3A_557 = arith.constant 0 : i32
    %dma_wait3A_558 = tpu.memref_slice %arg10[%dma_wait3A_547, %dma_wait3A_548, %dma_wait3A_556, %dma_wait3A_557] : memref<2x8x128x32xf32, #tpu.memory_space<vmem>> -> memref<1x1x128x32xf32, #tpu.memory_space<vmem>>
    %dma_wait3A_559 = tpu.memref_squeeze %dma_wait3A_558 : memref<1x1x128x32xf32, #tpu.memory_space<vmem>> -> memref<128x32xf32, #tpu.memory_space<vmem>>
    %dma_wait3A_560 = arith.constant 0 : i32
    %dma_wait3A_561 = arith.constant 0 : i32
    %dma_wait3A_562 = tpu.memref_slice %arg8[%dma_wait3A_560, %dma_wait3A_561] : memref<425984x32xf32, #tpu.memory_space<hbm>> -> memref<128x32xf32, #tpu.memory_space<hbm>>
    tpu.wait_dma2 semaphore(%arg12 : memref<!tpu.dma_semaphore, #tpu.memory_space<semaphore_mem>>) src(%dma_wait3A_562 : memref<128x32xf32, #tpu.memory_space<hbm>>) dst(%dma_wait3A_559 : memref<128x32xf32, #tpu.memory_space<vmem>>)
    %dma_wait3A_563 = arith.constant 0 : i32
    %dma_wait3A_564 = arith.constant 0 : i32
    %dma_wait3A_565 = arith.constant 0 : i32
    %dma_wait3A_566 = arith.constant 0 : i32
    %dma_wait3A_567 = tpu.memref_slice %arg10[%dma_wait3A_563, %dma_wait3A_564, %dma_wait3A_565, %dma_wait3A_566] : memref<2x8x128x32xf32, #tpu.memory_space<vmem>> -> memref<1x1x128x32xf32, #tpu.memory_space<vmem>>
    %dma_wait3A_568 = tpu.memref_squeeze %dma_wait3A_567 : memref<1x1x128x32xf32, #tpu.memory_space<vmem>> -> memref<128x32xf32, #tpu.memory_space<vmem>>
    %dma_wait3A_569 = arith.constant 0 : i32
    %dma_wait3A_570 = arith.constant 0 : i32
    %dma_wait3A_571 = tpu.memref_slice %arg8[%dma_wait3A_569, %dma_wait3A_570] : memref<425984x32xf32, #tpu.memory_space<hbm>> -> memref<128x32xf32, #tpu.memory_space<hbm>>
    %dma_wait3A_572 = arith.constant 0 : i32
    %dma_wait3A_573 = arith.constant 0 : i32
    %dma_wait3A_574 = tpu.memref_slice %arg10[%dma_wait3A_563, %dma_wait3A_564, %dma_wait3A_572, %dma_wait3A_573] : memref<2x8x128x32xf32, #tpu.memory_space<vmem>> -> memref<1x1x128x32xf32, #tpu.memory_space<vmem>>
    %dma_wait3A_575 = tpu.memref_squeeze %dma_wait3A_574 : memref<1x1x128x32xf32, #tpu.memory_space<vmem>> -> memref<128x32xf32, #tpu.memory_space<vmem>>
    %dma_wait3A_576 = arith.constant 0 : i32
    %dma_wait3A_577 = arith.constant 0 : i32
    %dma_wait3A_578 = tpu.memref_slice %arg8[%dma_wait3A_576, %dma_wait3A_577] : memref<425984x32xf32, #tpu.memory_space<hbm>> -> memref<128x32xf32, #tpu.memory_space<hbm>>
    tpu.wait_dma2 semaphore(%arg12 : memref<!tpu.dma_semaphore, #tpu.memory_space<semaphore_mem>>) src(%dma_wait3A_578 : memref<128x32xf32, #tpu.memory_space<hbm>>) dst(%dma_wait3A_575 : memref<128x32xf32, #tpu.memory_space<vmem>>)
    %dma_wait3A_579 = arith.constant 0 : i32
    %dma_wait3A_580 = arith.constant 0 : i32
    %dma_wait3A_581 = arith.constant 0 : i32
    %dma_wait3A_582 = arith.constant 0 : i32
    %dma_wait3A_583 = tpu.memref_slice %arg10[%dma_wait3A_579, %dma_wait3A_580, %dma_wait3A_581, %dma_wait3A_582] : memref<2x8x128x32xf32, #tpu.memory_space<vmem>> -> memref<1x1x128x32xf32, #tpu.memory_space<vmem>>
    %dma_wait3A_584 = tpu.memref_squeeze %dma_wait3A_583 : memref<1x1x128x32xf32, #tpu.memory_space<vmem>> -> memref<128x32xf32, #tpu.memory_space<vmem>>
    %dma_wait3A_585 = arith.constant 0 : i32
    %dma_wait3A_586 = arith.constant 0 : i32
    %dma_wait3A_587 = tpu.memref_slice %arg8[%dma_wait3A_585, %dma_wait3A_586] : memref<425984x32xf32, #tpu.memory_space<hbm>> -> memref<128x32xf32, #tpu.memory_space<hbm>>
    %dma_wait3A_588 = arith.constant 0 : i32
    %dma_wait3A_589 = arith.constant 0 : i32
    %dma_wait3A_590 = tpu.memref_slice %arg10[%dma_wait3A_579, %dma_wait3A_580, %dma_wait3A_588, %dma_wait3A_589] : memref<2x8x128x32xf32, #tpu.memory_space<vmem>> -> memref<1x1x128x32xf32, #tpu.memory_space<vmem>>
    %dma_wait3A_591 = tpu.memref_squeeze %dma_wait3A_590 : memref<1x1x128x32xf32, #tpu.memory_space<vmem>> -> memref<128x32xf32, #tpu.memory_space<vmem>>
    %dma_wait3A_592 = arith.constant 0 : i32
    %dma_wait3A_593 = arith.constant 0 : i32
    %dma_wait3A_594 = tpu.memref_slice %arg8[%dma_wait3A_592, %dma_wait3A_593] : memref<425984x32xf32, #tpu.memory_space<hbm>> -> memref<128x32xf32, #tpu.memory_space<hbm>>
    tpu.wait_dma2 semaphore(%arg12 : memref<!tpu.dma_semaphore, #tpu.memory_space<semaphore_mem>>) src(%dma_wait3A_594 : memref<128x32xf32, #tpu.memory_space<hbm>>) dst(%dma_wait3A_591 : memref<128x32xf32, #tpu.memory_space<vmem>>)
    %dma_wait3A_595 = arith.constant 0 : i32
    %dma_wait3A_596 = arith.constant 0 : i32
    %dma_wait3A_597 = arith.constant 0 : i32
    %dma_wait3A_598 = arith.constant 0 : i32
    %dma_wait3A_599 = tpu.memref_slice %arg10[%dma_wait3A_595, %dma_wait3A_596, %dma_wait3A_597, %dma_wait3A_598] : memref<2x8x128x32xf32, #tpu.memory_space<vmem>> -> memref<1x1x128x32xf32, #tpu.memory_space<vmem>>
    %dma_wait3A_600 = tpu.memref_squeeze %dma_wait3A_599 : memref<1x1x128x32xf32, #tpu.memory_space<vmem>> -> memref<128x32xf32, #tpu.memory_space<vmem>>
    %dma_wait3A_601 = arith.constant 0 : i32
    %dma_wait3A_602 = arith.constant 0 : i32
    %dma_wait3A_603 = tpu.memref_slice %arg8[%dma_wait3A_601, %dma_wait3A_602] : memref<425984x32xf32, #tpu.memory_space<hbm>> -> memref<128x32xf32, #tpu.memory_space<hbm>>
    %dma_wait3A_604 = arith.constant 0 : i32
    %dma_wait3A_605 = arith.constant 0 : i32
    %dma_wait3A_606 = tpu.memref_slice %arg10[%dma_wait3A_595, %dma_wait3A_596, %dma_wait3A_604, %dma_wait3A_605] : memref<2x8x128x32xf32, #tpu.memory_space<vmem>> -> memref<1x1x128x32xf32, #tpu.memory_space<vmem>>
    %dma_wait3A_607 = tpu.memref_squeeze %dma_wait3A_606 : memref<1x1x128x32xf32, #tpu.memory_space<vmem>> -> memref<128x32xf32, #tpu.memory_space<vmem>>
    %dma_wait3A_608 = arith.constant 0 : i32
    %dma_wait3A_609 = arith.constant 0 : i32
    %dma_wait3A_610 = tpu.memref_slice %arg8[%dma_wait3A_608, %dma_wait3A_609] : memref<425984x32xf32, #tpu.memory_space<hbm>> -> memref<128x32xf32, #tpu.memory_space<hbm>>
    tpu.wait_dma2 semaphore(%arg12 : memref<!tpu.dma_semaphore, #tpu.memory_space<semaphore_mem>>) src(%dma_wait3A_610 : memref<128x32xf32, #tpu.memory_space<hbm>>) dst(%dma_wait3A_607 : memref<128x32xf32, #tpu.memory_space<vmem>>)
    %dma_wait3A_611 = arith.constant 0 : i32
    %dma_wait3A_612 = arith.constant 0 : i32
    %dma_wait3A_613 = arith.constant 0 : i32
    %dma_wait3A_614 = arith.constant 0 : i32
    %dma_wait3A_615 = tpu.memref_slice %arg10[%dma_wait3A_611, %dma_wait3A_612, %dma_wait3A_613, %dma_wait3A_614] : memref<2x8x128x32xf32, #tpu.memory_space<vmem>> -> memref<1x1x128x32xf32, #tpu.memory_space<vmem>>
    %dma_wait3A_616 = tpu.memref_squeeze %dma_wait3A_615 : memref<1x1x128x32xf32, #tpu.memory_space<vmem>> -> memref<128x32xf32, #tpu.memory_space<vmem>>
    %dma_wait3A_617 = arith.constant 0 : i32
    %dma_wait3A_618 = arith.constant 0 : i32
    %dma_wait3A_619 = tpu.memref_slice %arg8[%dma_wait3A_617, %dma_wait3A_618] : memref<425984x32xf32, #tpu.memory_space<hbm>> -> memref<128x32xf32, #tpu.memory_space<hbm>>
    %dma_wait3A_620 = arith.constant 0 : i32
    %dma_wait3A_621 = arith.constant 0 : i32
    %dma_wait3A_622 = tpu.memref_slice %arg10[%dma_wait3A_611, %dma_wait3A_612, %dma_wait3A_620, %dma_wait3A_621] : memref<2x8x128x32xf32, #tpu.memory_space<vmem>> -> memref<1x1x128x32xf32, #tpu.memory_space<vmem>>
    %dma_wait3A_623 = tpu.memref_squeeze %dma_wait3A_622 : memref<1x1x128x32xf32, #tpu.memory_space<vmem>> -> memref<128x32xf32, #tpu.memory_space<vmem>>
    %dma_wait3A_624 = arith.constant 0 : i32
    %dma_wait3A_625 = arith.constant 0 : i32
    %dma_wait3A_626 = tpu.memref_slice %arg8[%dma_wait3A_624, %dma_wait3A_625] : memref<425984x32xf32, #tpu.memory_space<hbm>> -> memref<128x32xf32, #tpu.memory_space<hbm>>
    tpu.wait_dma2 semaphore(%arg12 : memref<!tpu.dma_semaphore, #tpu.memory_space<semaphore_mem>>) src(%dma_wait3A_626 : memref<128x32xf32, #tpu.memory_space<hbm>>) dst(%dma_wait3A_623 : memref<128x32xf32, #tpu.memory_space<vmem>>)
    %dma_wait3A_627 = arith.constant 0 : i32
    %dma_wait3A_628 = arith.constant 0 : i32
    %dma_wait3A_629 = arith.constant 0 : i32
    %dma_wait3A_630 = arith.constant 0 : i32
    %dma_wait3A_631 = tpu.memref_slice %arg10[%dma_wait3A_627, %dma_wait3A_628, %dma_wait3A_629, %dma_wait3A_630] : memref<2x8x128x32xf32, #tpu.memory_space<vmem>> -> memref<1x1x128x32xf32, #tpu.memory_space<vmem>>
    %dma_wait3A_632 = tpu.memref_squeeze %dma_wait3A_631 : memref<1x1x128x32xf32, #tpu.memory_space<vmem>> -> memref<128x32xf32, #tpu.memory_space<vmem>>
    %dma_wait3A_633 = arith.constant 0 : i32
    %dma_wait3A_634 = arith.constant 0 : i32
    %dma_wait3A_635 = tpu.memref_slice %arg8[%dma_wait3A_633, %dma_wait3A_634] : memref<425984x32xf32, #tpu.memory_space<hbm>> -> memref<128x32xf32, #tpu.memory_space<hbm>>
    %dma_wait3A_636 = arith.constant 0 : i32
    %dma_wait3A_637 = arith.constant 0 : i32
    %dma_wait3A_638 = tpu.memref_slice %arg10[%dma_wait3A_627, %dma_wait3A_628, %dma_wait3A_636, %dma_wait3A_637] : memref<2x8x128x32xf32, #tpu.memory_space<vmem>> -> memref<1x1x128x32xf32, #tpu.memory_space<vmem>>
    %dma_wait3A_639 = tpu.memref_squeeze %dma_wait3A_638 : memref<1x1x128x32xf32, #tpu.memory_space<vmem>> -> memref<128x32xf32, #tpu.memory_space<vmem>>
    %dma_wait3A_640 = arith.constant 0 : i32
    %dma_wait3A_641 = arith.constant 0 : i32
    %dma_wait3A_642 = tpu.memref_slice %arg8[%dma_wait3A_640, %dma_wait3A_641] : memref<425984x32xf32, #tpu.memory_space<hbm>> -> memref<128x32xf32, #tpu.memory_space<hbm>>
    tpu.wait_dma2 semaphore(%arg12 : memref<!tpu.dma_semaphore, #tpu.memory_space<semaphore_mem>>) src(%dma_wait3A_642 : memref<128x32xf32, #tpu.memory_space<hbm>>) dst(%dma_wait3A_639 : memref<128x32xf32, #tpu.memory_space<vmem>>)
    %dma_wait3A_643 = arith.constant 0 : i32
    %dma_wait3A_644 = arith.constant 0 : i32
    %dma_wait3A_645 = arith.constant 0 : i32
    %dma_wait3A_646 = arith.constant 0 : i32
    %dma_wait3A_647 = tpu.memref_slice %arg10[%dma_wait3A_643, %dma_wait3A_644, %dma_wait3A_645, %dma_wait3A_646] : memref<2x8x128x32xf32, #tpu.memory_space<vmem>> -> memref<1x1x128x32xf32, #tpu.memory_space<vmem>>
    %dma_wait3A_648 = tpu.memref_squeeze %dma_wait3A_647 : memref<1x1x128x32xf32, #tpu.memory_space<vmem>> -> memref<128x32xf32, #tpu.memory_space<vmem>>
    %dma_wait3A_649 = arith.constant 0 : i32
    %dma_wait3A_650 = arith.constant 0 : i32
    %dma_wait3A_651 = tpu.memref_slice %arg8[%dma_wait3A_649, %dma_wait3A_650] : memref<425984x32xf32, #tpu.memory_space<hbm>> -> memref<128x32xf32, #tpu.memory_space<hbm>>
    %dma_wait3A_652 = arith.constant 0 : i32
    %dma_wait3A_653 = arith.constant 0 : i32
    %dma_wait3A_654 = tpu.memref_slice %arg10[%dma_wait3A_643, %dma_wait3A_644, %dma_wait3A_652, %dma_wait3A_653] : memref<2x8x128x32xf32, #tpu.memory_space<vmem>> -> memref<1x1x128x32xf32, #tpu.memory_space<vmem>>
    %dma_wait3A_655 = tpu.memref_squeeze %dma_wait3A_654 : memref<1x1x128x32xf32, #tpu.memory_space<vmem>> -> memref<128x32xf32, #tpu.memory_space<vmem>>
    %dma_wait3A_656 = arith.constant 0 : i32
    %dma_wait3A_657 = arith.constant 0 : i32
    %dma_wait3A_658 = tpu.memref_slice %arg8[%dma_wait3A_656, %dma_wait3A_657] : memref<425984x32xf32, #tpu.memory_space<hbm>> -> memref<128x32xf32, #tpu.memory_space<hbm>>
    tpu.wait_dma2 semaphore(%arg12 : memref<!tpu.dma_semaphore, #tpu.memory_space<semaphore_mem>>) src(%dma_wait3A_658 : memref<128x32xf32, #tpu.memory_space<hbm>>) dst(%dma_wait3A_655 : memref<128x32xf32, #tpu.memory_space<vmem>>)
    return
  }
}

module attributes {stable_mosaic.version = 14 : i64} {
  func.func @body(%arg0: i32, %arg1: i32, %arg2: memref<32x2048xf32, #tpu.memory_space<vmem>>, %arg3: memref<25x512x128xf32, #tpu.memory_space<vmem>>, %arg4: memref<25x1x2048xf32, #tpu.memory_space<vmem>>, %arg5: memref<80x96xf32, #tpu.memory_space<vmem>>, %arg6: memref<80x1xf32, #tpu.memory_space<vmem>>, %arg7: memref<1x80xf32, #tpu.memory_space<vmem>>, %arg8: memref<1x1xf32, #tpu.memory_space<vmem>>, %arg9: memref<32x2048xf32, #tpu.memory_space<vmem>>) attributes {dimension_semantics = [#tpu.dimension_semantics<arbitrary>, #tpu.dimension_semantics<arbitrary>], iteration_bounds = array<i64: 8, 2>, scalar_prefetch = 0 : i64, scratch_operands = 0 : i64, tpu.core_type = #tpu.core_type<tc>, window_params = [{transform_indices = @transform_0, window_bounds = array<i64: 32, 2048>}, {transform_indices = @transform_1, window_bounds = array<i64: 25, 512, 128>}, {transform_indices = @transform_2, window_bounds = array<i64: 25, 1, 2048>}, {pipeline_mode = #tpu.pipeline_mode<synchronous>, transform_indices = @transform_3, window_bounds = array<i64: 80, 96>}, {pipeline_mode = #tpu.pipeline_mode<synchronous>, transform_indices = @transform_4, window_bounds = array<i64: 80, 1>}, {pipeline_mode = #tpu.pipeline_mode<synchronous>, transform_indices = @transform_5, window_bounds = array<i64: 1, 80>}, {pipeline_mode = #tpu.pipeline_mode<synchronous>, transform_indices = @transform_6, window_bounds = array<i64: 1, 1>}, {transform_indices = @transform_7, window_bounds = array<i64: 32, 2048>}]} {
    %get3A = arith.constant 0 : index
    %get3A_0 = arith.constant 0 : index
    %get3A_1 = vector.load %arg2[%get3A, %get3A_0] : memref<32x2048xf32, #tpu.memory_space<vmem>>, vector<32x2048xf32>
    %get3A_2 = arith.constant 0 : index
    %get3A_3 = arith.constant 0 : index
    %get3A_4 = arith.constant 0 : index
    %get3A_5 = vector.load %arg3[%get3A_2, %get3A_3, %get3A_4] : memref<25x512x128xf32, #tpu.memory_space<vmem>>, vector<1x512x128xf32>
    %get3A_6 = vector.shape_cast %get3A_5 : vector<1x512x128xf32> to vector<512x128xf32>
    %transpose3A = tpu.transpose %get3A_6, [1, 0] : vector<512x128xf32> -> vector<128x512xf32>
    %slice3A = vector.extract_strided_slice %transpose3A {offsets = [0, 0], sizes = [32, 512], strides = [1, 1]} : vector<128x512xf32> to vector<32x512xf32>
    %slice3A_7 = vector.extract_strided_slice %transpose3A {offsets = [32, 0], sizes = [32, 512], strides = [1, 1]} : vector<128x512xf32> to vector<32x512xf32>
    %slice3A_8 = vector.extract_strided_slice %transpose3A {offsets = [64, 0], sizes = [32, 512], strides = [1, 1]} : vector<128x512xf32> to vector<32x512xf32>
    %slice3A_9 = vector.extract_strided_slice %transpose3A {offsets = [96, 0], sizes = [32, 512], strides = [1, 1]} : vector<128x512xf32> to vector<32x512xf32>
    %concatenate3A = tpu.concatenate %slice3A, %slice3A_7, %slice3A_8, %slice3A_9 in 1 : vector<32x512xf32>, vector<32x512xf32>, vector<32x512xf32>, vector<32x512xf32> -> vector<32x2048xf32>
    %mul3A = arith.mulf %get3A_1, %concatenate3A : vector<32x2048xf32>
    %concatenate3A_10 = tpu.concatenate %get3A_1, %concatenate3A, %mul3A in 0 : vector<32x2048xf32>, vector<32x2048xf32>, vector<32x2048xf32> -> vector<96x2048xf32>
    %get3A_11 = arith.constant 0 : index
    %get3A_12 = arith.constant 0 : index
    %get3A_13 = vector.load %arg5[%get3A_11, %get3A_12] : memref<80x96xf32, #tpu.memory_space<vmem>>, vector<80x96xf32>
    %dot_general3A = arith.constant dense<0.000000e+00> : vector<80x2048xf32>
    %dot_general3A_14 = tpu.matmul %get3A_13, %concatenate3A_10, %dot_general3A {dimension_numbers = #tpu.dot_dimension_numbers<[1], [0], [0], [1], [0, 0, 1, 1], [], []>, transpose_lhs_hint = false} : vector<80x96xf32>, vector<96x2048xf32>, vector<80x2048xf32> -> vector<80x2048xf32>
    %get3A_15 = arith.constant 0 : index
    %get3A_16 = arith.constant 0 : index
    %get3A_17 = vector.load %arg6[%get3A_15, %get3A_16] : memref<80x1xf32, #tpu.memory_space<vmem>>, vector<80x1xf32>
    %add3A = vector.broadcast %get3A_17 : vector<80x1xf32> to vector<80x2048xf32>
    %add3A_18 = arith.addf %dot_general3A_14, %add3A : vector<80x2048xf32>
    %max3A = arith.constant 0.000000e+00 : f32
    %max3A_19 = vector.broadcast %max3A : f32 to vector<80x2048xf32>
    %max3A_20 = arith.maximumf %add3A_18, %max3A_19 : vector<80x2048xf32>
    %get3A_21 = arith.constant 0 : index
    %get3A_22 = arith.constant 0 : index
    %get3A_23 = vector.load %arg7[%get3A_21, %get3A_22] : memref<1x80xf32, #tpu.memory_space<vmem>>, vector<1x80xf32>
    %dot_general3A_24 = arith.constant dense<0.000000e+00> : vector<1x2048xf32>
    %dot_general3A_25 = tpu.matmul %get3A_23, %max3A_20, %dot_general3A_24 {dimension_numbers = #tpu.dot_dimension_numbers<[1], [0], [0], [1], [0, 0, 1, 1], [], []>, transpose_lhs_hint = false} : vector<1x80xf32>, vector<80x2048xf32>, vector<1x2048xf32> -> vector<1x2048xf32>
    %get3A_26 = arith.constant 0 : index
    %get3A_27 = arith.constant 0 : index
    %get3A_28 = vector.load %arg8[%get3A_26, %get3A_27] : memref<1x1xf32, #tpu.memory_space<vmem>>, vector<1x1xf32>
    %add3A_29 = vector.broadcast %get3A_28 : vector<1x1xf32> to vector<1x2048xf32>
    %add3A_30 = arith.addf %dot_general3A_25, %add3A_29 : vector<1x2048xf32>
    %get3A_31 = arith.constant 0 : index
    %get3A_32 = arith.constant 0 : index
    %get3A_33 = arith.constant 0 : index
    %get3A_34 = vector.load %arg4[%get3A_31, %get3A_32, %get3A_33] : memref<25x1x2048xf32, #tpu.memory_space<vmem>>, vector<1x1x2048xf32>
    %get3A_35 = vector.shape_cast %get3A_34 : vector<1x1x2048xf32> to vector<1x2048xf32>
    %mul3A_36 = arith.mulf %add3A_30, %get3A_35 : vector<1x2048xf32>
    %mul3A_37 = vector.broadcast %mul3A_36 : vector<1x2048xf32> to vector<32x2048xf32>
    %mul3A_38 = arith.mulf %mul3A_37, %concatenate3A : vector<32x2048xf32>
    %eq3A = arith.constant 0 : i32
    %eq3A_39 = arith.cmpi eq, %arg1, %eq3A : i32
    %convert_element_type3A = arith.extui %eq3A_39 : i1 to i32
    %cond3A = arith.constant 0 : i32
    %cond3A_40 = arith.cmpi ne, %convert_element_type3A, %cond3A : i32
    scf.if %cond3A_40 {
      %swap3A_1268 = arith.constant 0 : index
      %swap3A_1269 = arith.constant 0 : index
      %swap3A_1270 = vector.load %arg9[%swap3A_1268, %swap3A_1269] : memref<32x2048xf32, #tpu.memory_space<vmem>>, vector<32x2048xf32>
      tpu.vector_store %arg9[%swap3A_1268, %swap3A_1269], %mul3A_38 {strides = array<i32>} : memref<32x2048xf32, #tpu.memory_space<vmem>>, vector<32x2048xf32>,
    } else {
    }
    %gt3A = arith.constant 0 : i32
    %gt3A_41 = arith.cmpi sgt, %arg1, %gt3A : i32
    %convert_element_type3A_42 = arith.extui %gt3A_41 : i1 to i32
    %cond3A_43 = arith.constant 0 : i32
    %cond3A_44 = arith.cmpi ne, %convert_element_type3A_42, %cond3A_43 : i32
    scf.if %cond3A_44 {
      %get3A_1268 = arith.constant 0 : index
      %get3A_1269 = arith.constant 0 : index
      %get3A_1270 = vector.load %arg9[%get3A_1268, %get3A_1269] : memref<32x2048xf32, #tpu.memory_space<vmem>>, vector<32x2048xf32>
      %add3A_1271 = arith.addf %get3A_1270, %mul3A_38 : vector<32x2048xf32>
      %swap3A_1272 = arith.constant 0 : index
      %swap3A_1273 = arith.constant 0 : index
      %swap3A_1274 = vector.load %arg9[%swap3A_1272, %swap3A_1273] : memref<32x2048xf32, #tpu.memory_space<vmem>>, vector<32x2048xf32>
      tpu.vector_store %arg9[%swap3A_1272, %swap3A_1273], %add3A_1271 {strides = array<i32>} : memref<32x2048xf32, #tpu.memory_space<vmem>>, vector<32x2048xf32>,
    } else {
    }
    %get3A_45 = arith.constant 1 : index
    %get3A_46 = arith.constant 0 : index
    %get3A_47 = arith.constant 0 : index
    %get3A_48 = vector.load %arg3[%get3A_45, %get3A_46, %get3A_47] : memref<25x512x128xf32, #tpu.memory_space<vmem>>, vector<1x512x128xf32>
    %get3A_49 = vector.shape_cast %get3A_48 : vector<1x512x128xf32> to vector<512x128xf32>
    %transpose3A_50 = tpu.transpose %get3A_49, [1, 0] : vector<512x128xf32> -> vector<128x512xf32>
    %slice3A_51 = vector.extract_strided_slice %transpose3A_50 {offsets = [0, 0], sizes = [32, 512], strides = [1, 1]} : vector<128x512xf32> to vector<32x512xf32>
    %slice3A_52 = vector.extract_strided_slice %transpose3A_50 {offsets = [32, 0], sizes = [32, 512], strides = [1, 1]} : vector<128x512xf32> to vector<32x512xf32>
    %slice3A_53 = vector.extract_strided_slice %transpose3A_50 {offsets = [64, 0], sizes = [32, 512], strides = [1, 1]} : vector<128x512xf32> to vector<32x512xf32>
    %slice3A_54 = vector.extract_strided_slice %transpose3A_50 {offsets = [96, 0], sizes = [32, 512], strides = [1, 1]} : vector<128x512xf32> to vector<32x512xf32>
    %concatenate3A_55 = tpu.concatenate %slice3A_51, %slice3A_52, %slice3A_53, %slice3A_54 in 1 : vector<32x512xf32>, vector<32x512xf32>, vector<32x512xf32>, vector<32x512xf32> -> vector<32x2048xf32>
    %mul3A_56 = arith.mulf %get3A_1, %concatenate3A_55 : vector<32x2048xf32>
    %concatenate3A_57 = tpu.concatenate %get3A_1, %concatenate3A_55, %mul3A_56 in 0 : vector<32x2048xf32>, vector<32x2048xf32>, vector<32x2048xf32> -> vector<96x2048xf32>
    %get3A_58 = arith.constant 0 : index
    %get3A_59 = arith.constant 0 : index
    %get3A_60 = vector.load %arg5[%get3A_58, %get3A_59] : memref<80x96xf32, #tpu.memory_space<vmem>>, vector<80x96xf32>
    %dot_general3A_61 = arith.constant dense<0.000000e+00> : vector<80x2048xf32>
    %dot_general3A_62 = tpu.matmul %get3A_60, %concatenate3A_57, %dot_general3A_61 {dimension_numbers = #tpu.dot_dimension_numbers<[1], [0], [0], [1], [0, 0, 1, 1], [], []>, transpose_lhs_hint = false} : vector<80x96xf32>, vector<96x2048xf32>, vector<80x2048xf32> -> vector<80x2048xf32>
    %get3A_63 = arith.constant 0 : index
    %get3A_64 = arith.constant 0 : index
    %get3A_65 = vector.load %arg6[%get3A_63, %get3A_64] : memref<80x1xf32, #tpu.memory_space<vmem>>, vector<80x1xf32>
    %add3A_66 = vector.broadcast %get3A_65 : vector<80x1xf32> to vector<80x2048xf32>
    %add3A_67 = arith.addf %dot_general3A_62, %add3A_66 : vector<80x2048xf32>
    %max3A_68 = arith.constant 0.000000e+00 : f32
    %max3A_69 = vector.broadcast %max3A_68 : f32 to vector<80x2048xf32>
    %max3A_70 = arith.maximumf %add3A_67, %max3A_69 : vector<80x2048xf32>
    %get3A_71 = arith.constant 0 : index
    %get3A_72 = arith.constant 0 : index
    %get3A_73 = vector.load %arg7[%get3A_71, %get3A_72] : memref<1x80xf32, #tpu.memory_space<vmem>>, vector<1x80xf32>
    %dot_general3A_74 = arith.constant dense<0.000000e+00> : vector<1x2048xf32>
    %dot_general3A_75 = tpu.matmul %get3A_73, %max3A_70, %dot_general3A_74 {dimension_numbers = #tpu.dot_dimension_numbers<[1], [0], [0], [1], [0, 0, 1, 1], [], []>, transpose_lhs_hint = false} : vector<1x80xf32>, vector<80x2048xf32>, vector<1x2048xf32> -> vector<1x2048xf32>
    %get3A_76 = arith.constant 0 : index
    %get3A_77 = arith.constant 0 : index
    %get3A_78 = vector.load %arg8[%get3A_76, %get3A_77] : memref<1x1xf32, #tpu.memory_space<vmem>>, vector<1x1xf32>
    %add3A_79 = vector.broadcast %get3A_78 : vector<1x1xf32> to vector<1x2048xf32>
    %add3A_80 = arith.addf %dot_general3A_75, %add3A_79 : vector<1x2048xf32>
    %get3A_81 = arith.constant 1 : index
    %get3A_82 = arith.constant 0 : index
    %get3A_83 = arith.constant 0 : index
    %get3A_84 = vector.load %arg4[%get3A_81, %get3A_82, %get3A_83] : memref<25x1x2048xf32, #tpu.memory_space<vmem>>, vector<1x1x2048xf32>
    %get3A_85 = vector.shape_cast %get3A_84 : vector<1x1x2048xf32> to vector<1x2048xf32>
    %mul3A_86 = arith.mulf %add3A_80, %get3A_85 : vector<1x2048xf32>
    %mul3A_87 = vector.broadcast %mul3A_86 : vector<1x2048xf32> to vector<32x2048xf32>
    %mul3A_88 = arith.mulf %mul3A_87, %concatenate3A_55 : vector<32x2048xf32>
    %get3A_89 = arith.constant 0 : index
    %get3A_90 = arith.constant 0 : index
    %get3A_91 = vector.load %arg9[%get3A_89, %get3A_90] : memref<32x2048xf32, #tpu.memory_space<vmem>>, vector<32x2048xf32>
    %add3A_92 = arith.addf %get3A_91, %mul3A_88 : vector<32x2048xf32>
    %swap3A = arith.constant 0 : index
    %swap3A_93 = arith.constant 0 : index
    %swap3A_94 = vector.load %arg9[%swap3A, %swap3A_93] : memref<32x2048xf32, #tpu.memory_space<vmem>>, vector<32x2048xf32>
    tpu.vector_store %arg9[%swap3A, %swap3A_93], %add3A_92 {strides = array<i32>} : memref<32x2048xf32, #tpu.memory_space<vmem>>, vector<32x2048xf32>,
    %get3A_95 = arith.constant 2 : index
    %get3A_96 = arith.constant 0 : index
    %get3A_97 = arith.constant 0 : index
    %get3A_98 = vector.load %arg3[%get3A_95, %get3A_96, %get3A_97] : memref<25x512x128xf32, #tpu.memory_space<vmem>>, vector<1x512x128xf32>
    %get3A_99 = vector.shape_cast %get3A_98 : vector<1x512x128xf32> to vector<512x128xf32>
    %transpose3A_100 = tpu.transpose %get3A_99, [1, 0] : vector<512x128xf32> -> vector<128x512xf32>
    %slice3A_101 = vector.extract_strided_slice %transpose3A_100 {offsets = [0, 0], sizes = [32, 512], strides = [1, 1]} : vector<128x512xf32> to vector<32x512xf32>
    %slice3A_102 = vector.extract_strided_slice %transpose3A_100 {offsets = [32, 0], sizes = [32, 512], strides = [1, 1]} : vector<128x512xf32> to vector<32x512xf32>
    %slice3A_103 = vector.extract_strided_slice %transpose3A_100 {offsets = [64, 0], sizes = [32, 512], strides = [1, 1]} : vector<128x512xf32> to vector<32x512xf32>
    %slice3A_104 = vector.extract_strided_slice %transpose3A_100 {offsets = [96, 0], sizes = [32, 512], strides = [1, 1]} : vector<128x512xf32> to vector<32x512xf32>
    %concatenate3A_105 = tpu.concatenate %slice3A_101, %slice3A_102, %slice3A_103, %slice3A_104 in 1 : vector<32x512xf32>, vector<32x512xf32>, vector<32x512xf32>, vector<32x512xf32> -> vector<32x2048xf32>
    %mul3A_106 = arith.mulf %get3A_1, %concatenate3A_105 : vector<32x2048xf32>
    %concatenate3A_107 = tpu.concatenate %get3A_1, %concatenate3A_105, %mul3A_106 in 0 : vector<32x2048xf32>, vector<32x2048xf32>, vector<32x2048xf32> -> vector<96x2048xf32>
    %get3A_108 = arith.constant 0 : index
    %get3A_109 = arith.constant 0 : index
    %get3A_110 = vector.load %arg5[%get3A_108, %get3A_109] : memref<80x96xf32, #tpu.memory_space<vmem>>, vector<80x96xf32>
    %dot_general3A_111 = arith.constant dense<0.000000e+00> : vector<80x2048xf32>
    %dot_general3A_112 = tpu.matmul %get3A_110, %concatenate3A_107, %dot_general3A_111 {dimension_numbers = #tpu.dot_dimension_numbers<[1], [0], [0], [1], [0, 0, 1, 1], [], []>, transpose_lhs_hint = false} : vector<80x96xf32>, vector<96x2048xf32>, vector<80x2048xf32> -> vector<80x2048xf32>
    %get3A_113 = arith.constant 0 : index
    %get3A_114 = arith.constant 0 : index
    %get3A_115 = vector.load %arg6[%get3A_113, %get3A_114] : memref<80x1xf32, #tpu.memory_space<vmem>>, vector<80x1xf32>
    %add3A_116 = vector.broadcast %get3A_115 : vector<80x1xf32> to vector<80x2048xf32>
    %add3A_117 = arith.addf %dot_general3A_112, %add3A_116 : vector<80x2048xf32>
    %max3A_118 = arith.constant 0.000000e+00 : f32
    %max3A_119 = vector.broadcast %max3A_118 : f32 to vector<80x2048xf32>
    %max3A_120 = arith.maximumf %add3A_117, %max3A_119 : vector<80x2048xf32>
    %get3A_121 = arith.constant 0 : index
    %get3A_122 = arith.constant 0 : index
    %get3A_123 = vector.load %arg7[%get3A_121, %get3A_122] : memref<1x80xf32, #tpu.memory_space<vmem>>, vector<1x80xf32>
    %dot_general3A_124 = arith.constant dense<0.000000e+00> : vector<1x2048xf32>
    %dot_general3A_125 = tpu.matmul %get3A_123, %max3A_120, %dot_general3A_124 {dimension_numbers = #tpu.dot_dimension_numbers<[1], [0], [0], [1], [0, 0, 1, 1], [], []>, transpose_lhs_hint = false} : vector<1x80xf32>, vector<80x2048xf32>, vector<1x2048xf32> -> vector<1x2048xf32>
    %get3A_126 = arith.constant 0 : index
    %get3A_127 = arith.constant 0 : index
    %get3A_128 = vector.load %arg8[%get3A_126, %get3A_127] : memref<1x1xf32, #tpu.memory_space<vmem>>, vector<1x1xf32>
    %add3A_129 = vector.broadcast %get3A_128 : vector<1x1xf32> to vector<1x2048xf32>
    %add3A_130 = arith.addf %dot_general3A_125, %add3A_129 : vector<1x2048xf32>
    %get3A_131 = arith.constant 2 : index
    %get3A_132 = arith.constant 0 : index
    %get3A_133 = arith.constant 0 : index
    %get3A_134 = vector.load %arg4[%get3A_131, %get3A_132, %get3A_133] : memref<25x1x2048xf32, #tpu.memory_space<vmem>>, vector<1x1x2048xf32>
    %get3A_135 = vector.shape_cast %get3A_134 : vector<1x1x2048xf32> to vector<1x2048xf32>
    %mul3A_136 = arith.mulf %add3A_130, %get3A_135 : vector<1x2048xf32>
    %mul3A_137 = vector.broadcast %mul3A_136 : vector<1x2048xf32> to vector<32x2048xf32>
    %mul3A_138 = arith.mulf %mul3A_137, %concatenate3A_105 : vector<32x2048xf32>
    %get3A_139 = arith.constant 0 : index
    %get3A_140 = arith.constant 0 : index
    %get3A_141 = vector.load %arg9[%get3A_139, %get3A_140] : memref<32x2048xf32, #tpu.memory_space<vmem>>, vector<32x2048xf32>
    %add3A_142 = arith.addf %get3A_141, %mul3A_138 : vector<32x2048xf32>
    %swap3A_143 = arith.constant 0 : index
    %swap3A_144 = arith.constant 0 : index
    %swap3A_145 = vector.load %arg9[%swap3A_143, %swap3A_144] : memref<32x2048xf32, #tpu.memory_space<vmem>>, vector<32x2048xf32>
    tpu.vector_store %arg9[%swap3A_143, %swap3A_144], %add3A_142 {strides = array<i32>} : memref<32x2048xf32, #tpu.memory_space<vmem>>, vector<32x2048xf32>,
    %get3A_146 = arith.constant 3 : index
    %get3A_147 = arith.constant 0 : index
    %get3A_148 = arith.constant 0 : index
    %get3A_149 = vector.load %arg3[%get3A_146, %get3A_147, %get3A_148] : memref<25x512x128xf32, #tpu.memory_space<vmem>>, vector<1x512x128xf32>
    %get3A_150 = vector.shape_cast %get3A_149 : vector<1x512x128xf32> to vector<512x128xf32>
    %transpose3A_151 = tpu.transpose %get3A_150, [1, 0] : vector<512x128xf32> -> vector<128x512xf32>
    %slice3A_152 = vector.extract_strided_slice %transpose3A_151 {offsets = [0, 0], sizes = [32, 512], strides = [1, 1]} : vector<128x512xf32> to vector<32x512xf32>
    %slice3A_153 = vector.extract_strided_slice %transpose3A_151 {offsets = [32, 0], sizes = [32, 512], strides = [1, 1]} : vector<128x512xf32> to vector<32x512xf32>
    %slice3A_154 = vector.extract_strided_slice %transpose3A_151 {offsets = [64, 0], sizes = [32, 512], strides = [1, 1]} : vector<128x512xf32> to vector<32x512xf32>
    %slice3A_155 = vector.extract_strided_slice %transpose3A_151 {offsets = [96, 0], sizes = [32, 512], strides = [1, 1]} : vector<128x512xf32> to vector<32x512xf32>
    %concatenate3A_156 = tpu.concatenate %slice3A_152, %slice3A_153, %slice3A_154, %slice3A_155 in 1 : vector<32x512xf32>, vector<32x512xf32>, vector<32x512xf32>, vector<32x512xf32> -> vector<32x2048xf32>
    %mul3A_157 = arith.mulf %get3A_1, %concatenate3A_156 : vector<32x2048xf32>
    %concatenate3A_158 = tpu.concatenate %get3A_1, %concatenate3A_156, %mul3A_157 in 0 : vector<32x2048xf32>, vector<32x2048xf32>, vector<32x2048xf32> -> vector<96x2048xf32>
    %get3A_159 = arith.constant 0 : index
    %get3A_160 = arith.constant 0 : index
    %get3A_161 = vector.load %arg5[%get3A_159, %get3A_160] : memref<80x96xf32, #tpu.memory_space<vmem>>, vector<80x96xf32>
    %dot_general3A_162 = arith.constant dense<0.000000e+00> : vector<80x2048xf32>
    %dot_general3A_163 = tpu.matmul %get3A_161, %concatenate3A_158, %dot_general3A_162 {dimension_numbers = #tpu.dot_dimension_numbers<[1], [0], [0], [1], [0, 0, 1, 1], [], []>, transpose_lhs_hint = false} : vector<80x96xf32>, vector<96x2048xf32>, vector<80x2048xf32> -> vector<80x2048xf32>
    %get3A_164 = arith.constant 0 : index
    %get3A_165 = arith.constant 0 : index
    %get3A_166 = vector.load %arg6[%get3A_164, %get3A_165] : memref<80x1xf32, #tpu.memory_space<vmem>>, vector<80x1xf32>
    %add3A_167 = vector.broadcast %get3A_166 : vector<80x1xf32> to vector<80x2048xf32>
    %add3A_168 = arith.addf %dot_general3A_163, %add3A_167 : vector<80x2048xf32>
    %max3A_169 = arith.constant 0.000000e+00 : f32
    %max3A_170 = vector.broadcast %max3A_169 : f32 to vector<80x2048xf32>
    %max3A_171 = arith.maximumf %add3A_168, %max3A_170 : vector<80x2048xf32>
    %get3A_172 = arith.constant 0 : index
    %get3A_173 = arith.constant 0 : index
    %get3A_174 = vector.load %arg7[%get3A_172, %get3A_173] : memref<1x80xf32, #tpu.memory_space<vmem>>, vector<1x80xf32>
    %dot_general3A_175 = arith.constant dense<0.000000e+00> : vector<1x2048xf32>
    %dot_general3A_176 = tpu.matmul %get3A_174, %max3A_171, %dot_general3A_175 {dimension_numbers = #tpu.dot_dimension_numbers<[1], [0], [0], [1], [0, 0, 1, 1], [], []>, transpose_lhs_hint = false} : vector<1x80xf32>, vector<80x2048xf32>, vector<1x2048xf32> -> vector<1x2048xf32>
    %get3A_177 = arith.constant 0 : index
    %get3A_178 = arith.constant 0 : index
    %get3A_179 = vector.load %arg8[%get3A_177, %get3A_178] : memref<1x1xf32, #tpu.memory_space<vmem>>, vector<1x1xf32>
    %add3A_180 = vector.broadcast %get3A_179 : vector<1x1xf32> to vector<1x2048xf32>
    %add3A_181 = arith.addf %dot_general3A_176, %add3A_180 : vector<1x2048xf32>
    %get3A_182 = arith.constant 3 : index
    %get3A_183 = arith.constant 0 : index
    %get3A_184 = arith.constant 0 : index
    %get3A_185 = vector.load %arg4[%get3A_182, %get3A_183, %get3A_184] : memref<25x1x2048xf32, #tpu.memory_space<vmem>>, vector<1x1x2048xf32>
    %get3A_186 = vector.shape_cast %get3A_185 : vector<1x1x2048xf32> to vector<1x2048xf32>
    %mul3A_187 = arith.mulf %add3A_181, %get3A_186 : vector<1x2048xf32>
    %mul3A_188 = vector.broadcast %mul3A_187 : vector<1x2048xf32> to vector<32x2048xf32>
    %mul3A_189 = arith.mulf %mul3A_188, %concatenate3A_156 : vector<32x2048xf32>
    %get3A_190 = arith.constant 0 : index
    %get3A_191 = arith.constant 0 : index
    %get3A_192 = vector.load %arg9[%get3A_190, %get3A_191] : memref<32x2048xf32, #tpu.memory_space<vmem>>, vector<32x2048xf32>
    %add3A_193 = arith.addf %get3A_192, %mul3A_189 : vector<32x2048xf32>
    %swap3A_194 = arith.constant 0 : index
    %swap3A_195 = arith.constant 0 : index
    %swap3A_196 = vector.load %arg9[%swap3A_194, %swap3A_195] : memref<32x2048xf32, #tpu.memory_space<vmem>>, vector<32x2048xf32>
    tpu.vector_store %arg9[%swap3A_194, %swap3A_195], %add3A_193 {strides = array<i32>} : memref<32x2048xf32, #tpu.memory_space<vmem>>, vector<32x2048xf32>,
    %get3A_197 = arith.constant 4 : index
    %get3A_198 = arith.constant 0 : index
    %get3A_199 = arith.constant 0 : index
    %get3A_200 = vector.load %arg3[%get3A_197, %get3A_198, %get3A_199] : memref<25x512x128xf32, #tpu.memory_space<vmem>>, vector<1x512x128xf32>
    %get3A_201 = vector.shape_cast %get3A_200 : vector<1x512x128xf32> to vector<512x128xf32>
    %transpose3A_202 = tpu.transpose %get3A_201, [1, 0] : vector<512x128xf32> -> vector<128x512xf32>
    %slice3A_203 = vector.extract_strided_slice %transpose3A_202 {offsets = [0, 0], sizes = [32, 512], strides = [1, 1]} : vector<128x512xf32> to vector<32x512xf32>
    %slice3A_204 = vector.extract_strided_slice %transpose3A_202 {offsets = [32, 0], sizes = [32, 512], strides = [1, 1]} : vector<128x512xf32> to vector<32x512xf32>
    %slice3A_205 = vector.extract_strided_slice %transpose3A_202 {offsets = [64, 0], sizes = [32, 512], strides = [1, 1]} : vector<128x512xf32> to vector<32x512xf32>
    %slice3A_206 = vector.extract_strided_slice %transpose3A_202 {offsets = [96, 0], sizes = [32, 512], strides = [1, 1]} : vector<128x512xf32> to vector<32x512xf32>
    %concatenate3A_207 = tpu.concatenate %slice3A_203, %slice3A_204, %slice3A_205, %slice3A_206 in 1 : vector<32x512xf32>, vector<32x512xf32>, vector<32x512xf32>, vector<32x512xf32> -> vector<32x2048xf32>
    %mul3A_208 = arith.mulf %get3A_1, %concatenate3A_207 : vector<32x2048xf32>
    %concatenate3A_209 = tpu.concatenate %get3A_1, %concatenate3A_207, %mul3A_208 in 0 : vector<32x2048xf32>, vector<32x2048xf32>, vector<32x2048xf32> -> vector<96x2048xf32>
    %get3A_210 = arith.constant 0 : index
    %get3A_211 = arith.constant 0 : index
    %get3A_212 = vector.load %arg5[%get3A_210, %get3A_211] : memref<80x96xf32, #tpu.memory_space<vmem>>, vector<80x96xf32>
    %dot_general3A_213 = arith.constant dense<0.000000e+00> : vector<80x2048xf32>
    %dot_general3A_214 = tpu.matmul %get3A_212, %concatenate3A_209, %dot_general3A_213 {dimension_numbers = #tpu.dot_dimension_numbers<[1], [0], [0], [1], [0, 0, 1, 1], [], []>, transpose_lhs_hint = false} : vector<80x96xf32>, vector<96x2048xf32>, vector<80x2048xf32> -> vector<80x2048xf32>
    %get3A_215 = arith.constant 0 : index
    %get3A_216 = arith.constant 0 : index
    %get3A_217 = vector.load %arg6[%get3A_215, %get3A_216] : memref<80x1xf32, #tpu.memory_space<vmem>>, vector<80x1xf32>
    %add3A_218 = vector.broadcast %get3A_217 : vector<80x1xf32> to vector<80x2048xf32>
    %add3A_219 = arith.addf %dot_general3A_214, %add3A_218 : vector<80x2048xf32>
    %max3A_220 = arith.constant 0.000000e+00 : f32
    %max3A_221 = vector.broadcast %max3A_220 : f32 to vector<80x2048xf32>
    %max3A_222 = arith.maximumf %add3A_219, %max3A_221 : vector<80x2048xf32>
    %get3A_223 = arith.constant 0 : index
    %get3A_224 = arith.constant 0 : index
    %get3A_225 = vector.load %arg7[%get3A_223, %get3A_224] : memref<1x80xf32, #tpu.memory_space<vmem>>, vector<1x80xf32>
    %dot_general3A_226 = arith.constant dense<0.000000e+00> : vector<1x2048xf32>
    %dot_general3A_227 = tpu.matmul %get3A_225, %max3A_222, %dot_general3A_226 {dimension_numbers = #tpu.dot_dimension_numbers<[1], [0], [0], [1], [0, 0, 1, 1], [], []>, transpose_lhs_hint = false} : vector<1x80xf32>, vector<80x2048xf32>, vector<1x2048xf32> -> vector<1x2048xf32>
    %get3A_228 = arith.constant 0 : index
    %get3A_229 = arith.constant 0 : index
    %get3A_230 = vector.load %arg8[%get3A_228, %get3A_229] : memref<1x1xf32, #tpu.memory_space<vmem>>, vector<1x1xf32>
    %add3A_231 = vector.broadcast %get3A_230 : vector<1x1xf32> to vector<1x2048xf32>
    %add3A_232 = arith.addf %dot_general3A_227, %add3A_231 : vector<1x2048xf32>
    %get3A_233 = arith.constant 4 : index
    %get3A_234 = arith.constant 0 : index
    %get3A_235 = arith.constant 0 : index
    %get3A_236 = vector.load %arg4[%get3A_233, %get3A_234, %get3A_235] : memref<25x1x2048xf32, #tpu.memory_space<vmem>>, vector<1x1x2048xf32>
    %get3A_237 = vector.shape_cast %get3A_236 : vector<1x1x2048xf32> to vector<1x2048xf32>
    %mul3A_238 = arith.mulf %add3A_232, %get3A_237 : vector<1x2048xf32>
    %mul3A_239 = vector.broadcast %mul3A_238 : vector<1x2048xf32> to vector<32x2048xf32>
    %mul3A_240 = arith.mulf %mul3A_239, %concatenate3A_207 : vector<32x2048xf32>
    %get3A_241 = arith.constant 0 : index
    %get3A_242 = arith.constant 0 : index
    %get3A_243 = vector.load %arg9[%get3A_241, %get3A_242] : memref<32x2048xf32, #tpu.memory_space<vmem>>, vector<32x2048xf32>
    %add3A_244 = arith.addf %get3A_243, %mul3A_240 : vector<32x2048xf32>
    %swap3A_245 = arith.constant 0 : index
    %swap3A_246 = arith.constant 0 : index
    %swap3A_247 = vector.load %arg9[%swap3A_245, %swap3A_246] : memref<32x2048xf32, #tpu.memory_space<vmem>>, vector<32x2048xf32>
    tpu.vector_store %arg9[%swap3A_245, %swap3A_246], %add3A_244 {strides = array<i32>} : memref<32x2048xf32, #tpu.memory_space<vmem>>, vector<32x2048xf32>,
    %get3A_248 = arith.constant 5 : index
    %get3A_249 = arith.constant 0 : index
    %get3A_250 = arith.constant 0 : index
    %get3A_251 = vector.load %arg3[%get3A_248, %get3A_249, %get3A_250] : memref<25x512x128xf32, #tpu.memory_space<vmem>>, vector<1x512x128xf32>
    %get3A_252 = vector.shape_cast %get3A_251 : vector<1x512x128xf32> to vector<512x128xf32>
    %transpose3A_253 = tpu.transpose %get3A_252, [1, 0] : vector<512x128xf32> -> vector<128x512xf32>
    %slice3A_254 = vector.extract_strided_slice %transpose3A_253 {offsets = [0, 0], sizes = [32, 512], strides = [1, 1]} : vector<128x512xf32> to vector<32x512xf32>
    %slice3A_255 = vector.extract_strided_slice %transpose3A_253 {offsets = [32, 0], sizes = [32, 512], strides = [1, 1]} : vector<128x512xf32> to vector<32x512xf32>
    %slice3A_256 = vector.extract_strided_slice %transpose3A_253 {offsets = [64, 0], sizes = [32, 512], strides = [1, 1]} : vector<128x512xf32> to vector<32x512xf32>
    %slice3A_257 = vector.extract_strided_slice %transpose3A_253 {offsets = [96, 0], sizes = [32, 512], strides = [1, 1]} : vector<128x512xf32> to vector<32x512xf32>
    %concatenate3A_258 = tpu.concatenate %slice3A_254, %slice3A_255, %slice3A_256, %slice3A_257 in 1 : vector<32x512xf32>, vector<32x512xf32>, vector<32x512xf32>, vector<32x512xf32> -> vector<32x2048xf32>
    %mul3A_259 = arith.mulf %get3A_1, %concatenate3A_258 : vector<32x2048xf32>
    %concatenate3A_260 = tpu.concatenate %get3A_1, %concatenate3A_258, %mul3A_259 in 0 : vector<32x2048xf32>, vector<32x2048xf32>, vector<32x2048xf32> -> vector<96x2048xf32>
    %get3A_261 = arith.constant 0 : index
    %get3A_262 = arith.constant 0 : index
    %get3A_263 = vector.load %arg5[%get3A_261, %get3A_262] : memref<80x96xf32, #tpu.memory_space<vmem>>, vector<80x96xf32>
    %dot_general3A_264 = arith.constant dense<0.000000e+00> : vector<80x2048xf32>
    %dot_general3A_265 = tpu.matmul %get3A_263, %concatenate3A_260, %dot_general3A_264 {dimension_numbers = #tpu.dot_dimension_numbers<[1], [0], [0], [1], [0, 0, 1, 1], [], []>, transpose_lhs_hint = false} : vector<80x96xf32>, vector<96x2048xf32>, vector<80x2048xf32> -> vector<80x2048xf32>
    %get3A_266 = arith.constant 0 : index
    %get3A_267 = arith.constant 0 : index
    %get3A_268 = vector.load %arg6[%get3A_266, %get3A_267] : memref<80x1xf32, #tpu.memory_space<vmem>>, vector<80x1xf32>
    %add3A_269 = vector.broadcast %get3A_268 : vector<80x1xf32> to vector<80x2048xf32>
    %add3A_270 = arith.addf %dot_general3A_265, %add3A_269 : vector<80x2048xf32>
    %max3A_271 = arith.constant 0.000000e+00 : f32
    %max3A_272 = vector.broadcast %max3A_271 : f32 to vector<80x2048xf32>
    %max3A_273 = arith.maximumf %add3A_270, %max3A_272 : vector<80x2048xf32>
    %get3A_274 = arith.constant 0 : index
    %get3A_275 = arith.constant 0 : index
    %get3A_276 = vector.load %arg7[%get3A_274, %get3A_275] : memref<1x80xf32, #tpu.memory_space<vmem>>, vector<1x80xf32>
    %dot_general3A_277 = arith.constant dense<0.000000e+00> : vector<1x2048xf32>
    %dot_general3A_278 = tpu.matmul %get3A_276, %max3A_273, %dot_general3A_277 {dimension_numbers = #tpu.dot_dimension_numbers<[1], [0], [0], [1], [0, 0, 1, 1], [], []>, transpose_lhs_hint = false} : vector<1x80xf32>, vector<80x2048xf32>, vector<1x2048xf32> -> vector<1x2048xf32>
    %get3A_279 = arith.constant 0 : index
    %get3A_280 = arith.constant 0 : index
    %get3A_281 = vector.load %arg8[%get3A_279, %get3A_280] : memref<1x1xf32, #tpu.memory_space<vmem>>, vector<1x1xf32>
    %add3A_282 = vector.broadcast %get3A_281 : vector<1x1xf32> to vector<1x2048xf32>
    %add3A_283 = arith.addf %dot_general3A_278, %add3A_282 : vector<1x2048xf32>
    %get3A_284 = arith.constant 5 : index
    %get3A_285 = arith.constant 0 : index
    %get3A_286 = arith.constant 0 : index
    %get3A_287 = vector.load %arg4[%get3A_284, %get3A_285, %get3A_286] : memref<25x1x2048xf32, #tpu.memory_space<vmem>>, vector<1x1x2048xf32>
    %get3A_288 = vector.shape_cast %get3A_287 : vector<1x1x2048xf32> to vector<1x2048xf32>
    %mul3A_289 = arith.mulf %add3A_283, %get3A_288 : vector<1x2048xf32>
    %mul3A_290 = vector.broadcast %mul3A_289 : vector<1x2048xf32> to vector<32x2048xf32>
    %mul3A_291 = arith.mulf %mul3A_290, %concatenate3A_258 : vector<32x2048xf32>
    %get3A_292 = arith.constant 0 : index
    %get3A_293 = arith.constant 0 : index
    %get3A_294 = vector.load %arg9[%get3A_292, %get3A_293] : memref<32x2048xf32, #tpu.memory_space<vmem>>, vector<32x2048xf32>
    %add3A_295 = arith.addf %get3A_294, %mul3A_291 : vector<32x2048xf32>
    %swap3A_296 = arith.constant 0 : index
    %swap3A_297 = arith.constant 0 : index
    %swap3A_298 = vector.load %arg9[%swap3A_296, %swap3A_297] : memref<32x2048xf32, #tpu.memory_space<vmem>>, vector<32x2048xf32>
    tpu.vector_store %arg9[%swap3A_296, %swap3A_297], %add3A_295 {strides = array<i32>} : memref<32x2048xf32, #tpu.memory_space<vmem>>, vector<32x2048xf32>,
    %get3A_299 = arith.constant 6 : index
    %get3A_300 = arith.constant 0 : index
    %get3A_301 = arith.constant 0 : index
    %get3A_302 = vector.load %arg3[%get3A_299, %get3A_300, %get3A_301] : memref<25x512x128xf32, #tpu.memory_space<vmem>>, vector<1x512x128xf32>
    %get3A_303 = vector.shape_cast %get3A_302 : vector<1x512x128xf32> to vector<512x128xf32>
    %transpose3A_304 = tpu.transpose %get3A_303, [1, 0] : vector<512x128xf32> -> vector<128x512xf32>
    %slice3A_305 = vector.extract_strided_slice %transpose3A_304 {offsets = [0, 0], sizes = [32, 512], strides = [1, 1]} : vector<128x512xf32> to vector<32x512xf32>
    %slice3A_306 = vector.extract_strided_slice %transpose3A_304 {offsets = [32, 0], sizes = [32, 512], strides = [1, 1]} : vector<128x512xf32> to vector<32x512xf32>
    %slice3A_307 = vector.extract_strided_slice %transpose3A_304 {offsets = [64, 0], sizes = [32, 512], strides = [1, 1]} : vector<128x512xf32> to vector<32x512xf32>
    %slice3A_308 = vector.extract_strided_slice %transpose3A_304 {offsets = [96, 0], sizes = [32, 512], strides = [1, 1]} : vector<128x512xf32> to vector<32x512xf32>
    %concatenate3A_309 = tpu.concatenate %slice3A_305, %slice3A_306, %slice3A_307, %slice3A_308 in 1 : vector<32x512xf32>, vector<32x512xf32>, vector<32x512xf32>, vector<32x512xf32> -> vector<32x2048xf32>
    %mul3A_310 = arith.mulf %get3A_1, %concatenate3A_309 : vector<32x2048xf32>
    %concatenate3A_311 = tpu.concatenate %get3A_1, %concatenate3A_309, %mul3A_310 in 0 : vector<32x2048xf32>, vector<32x2048xf32>, vector<32x2048xf32> -> vector<96x2048xf32>
    %get3A_312 = arith.constant 0 : index
    %get3A_313 = arith.constant 0 : index
    %get3A_314 = vector.load %arg5[%get3A_312, %get3A_313] : memref<80x96xf32, #tpu.memory_space<vmem>>, vector<80x96xf32>
    %dot_general3A_315 = arith.constant dense<0.000000e+00> : vector<80x2048xf32>
    %dot_general3A_316 = tpu.matmul %get3A_314, %concatenate3A_311, %dot_general3A_315 {dimension_numbers = #tpu.dot_dimension_numbers<[1], [0], [0], [1], [0, 0, 1, 1], [], []>, transpose_lhs_hint = false} : vector<80x96xf32>, vector<96x2048xf32>, vector<80x2048xf32> -> vector<80x2048xf32>
    %get3A_317 = arith.constant 0 : index
    %get3A_318 = arith.constant 0 : index
    %get3A_319 = vector.load %arg6[%get3A_317, %get3A_318] : memref<80x1xf32, #tpu.memory_space<vmem>>, vector<80x1xf32>
    %add3A_320 = vector.broadcast %get3A_319 : vector<80x1xf32> to vector<80x2048xf32>
    %add3A_321 = arith.addf %dot_general3A_316, %add3A_320 : vector<80x2048xf32>
    %max3A_322 = arith.constant 0.000000e+00 : f32
    %max3A_323 = vector.broadcast %max3A_322 : f32 to vector<80x2048xf32>
    %max3A_324 = arith.maximumf %add3A_321, %max3A_323 : vector<80x2048xf32>
    %get3A_325 = arith.constant 0 : index
    %get3A_326 = arith.constant 0 : index
    %get3A_327 = vector.load %arg7[%get3A_325, %get3A_326] : memref<1x80xf32, #tpu.memory_space<vmem>>, vector<1x80xf32>
    %dot_general3A_328 = arith.constant dense<0.000000e+00> : vector<1x2048xf32>
    %dot_general3A_329 = tpu.matmul %get3A_327, %max3A_324, %dot_general3A_328 {dimension_numbers = #tpu.dot_dimension_numbers<[1], [0], [0], [1], [0, 0, 1, 1], [], []>, transpose_lhs_hint = false} : vector<1x80xf32>, vector<80x2048xf32>, vector<1x2048xf32> -> vector<1x2048xf32>
    %get3A_330 = arith.constant 0 : index
    %get3A_331 = arith.constant 0 : index
    %get3A_332 = vector.load %arg8[%get3A_330, %get3A_331] : memref<1x1xf32, #tpu.memory_space<vmem>>, vector<1x1xf32>
    %add3A_333 = vector.broadcast %get3A_332 : vector<1x1xf32> to vector<1x2048xf32>
    %add3A_334 = arith.addf %dot_general3A_329, %add3A_333 : vector<1x2048xf32>
    %get3A_335 = arith.constant 6 : index
    %get3A_336 = arith.constant 0 : index
    %get3A_337 = arith.constant 0 : index
    %get3A_338 = vector.load %arg4[%get3A_335, %get3A_336, %get3A_337] : memref<25x1x2048xf32, #tpu.memory_space<vmem>>, vector<1x1x2048xf32>
    %get3A_339 = vector.shape_cast %get3A_338 : vector<1x1x2048xf32> to vector<1x2048xf32>
    %mul3A_340 = arith.mulf %add3A_334, %get3A_339 : vector<1x2048xf32>
    %mul3A_341 = vector.broadcast %mul3A_340 : vector<1x2048xf32> to vector<32x2048xf32>
    %mul3A_342 = arith.mulf %mul3A_341, %concatenate3A_309 : vector<32x2048xf32>
    %get3A_343 = arith.constant 0 : index
    %get3A_344 = arith.constant 0 : index
    %get3A_345 = vector.load %arg9[%get3A_343, %get3A_344] : memref<32x2048xf32, #tpu.memory_space<vmem>>, vector<32x2048xf32>
    %add3A_346 = arith.addf %get3A_345, %mul3A_342 : vector<32x2048xf32>
    %swap3A_347 = arith.constant 0 : index
    %swap3A_348 = arith.constant 0 : index
    %swap3A_349 = vector.load %arg9[%swap3A_347, %swap3A_348] : memref<32x2048xf32, #tpu.memory_space<vmem>>, vector<32x2048xf32>
    tpu.vector_store %arg9[%swap3A_347, %swap3A_348], %add3A_346 {strides = array<i32>} : memref<32x2048xf32, #tpu.memory_space<vmem>>, vector<32x2048xf32>,
    %get3A_350 = arith.constant 7 : index
    %get3A_351 = arith.constant 0 : index
    %get3A_352 = arith.constant 0 : index
    %get3A_353 = vector.load %arg3[%get3A_350, %get3A_351, %get3A_352] : memref<25x512x128xf32, #tpu.memory_space<vmem>>, vector<1x512x128xf32>
    %get3A_354 = vector.shape_cast %get3A_353 : vector<1x512x128xf32> to vector<512x128xf32>
    %transpose3A_355 = tpu.transpose %get3A_354, [1, 0] : vector<512x128xf32> -> vector<128x512xf32>
    %slice3A_356 = vector.extract_strided_slice %transpose3A_355 {offsets = [0, 0], sizes = [32, 512], strides = [1, 1]} : vector<128x512xf32> to vector<32x512xf32>
    %slice3A_357 = vector.extract_strided_slice %transpose3A_355 {offsets = [32, 0], sizes = [32, 512], strides = [1, 1]} : vector<128x512xf32> to vector<32x512xf32>
    %slice3A_358 = vector.extract_strided_slice %transpose3A_355 {offsets = [64, 0], sizes = [32, 512], strides = [1, 1]} : vector<128x512xf32> to vector<32x512xf32>
    %slice3A_359 = vector.extract_strided_slice %transpose3A_355 {offsets = [96, 0], sizes = [32, 512], strides = [1, 1]} : vector<128x512xf32> to vector<32x512xf32>
    %concatenate3A_360 = tpu.concatenate %slice3A_356, %slice3A_357, %slice3A_358, %slice3A_359 in 1 : vector<32x512xf32>, vector<32x512xf32>, vector<32x512xf32>, vector<32x512xf32> -> vector<32x2048xf32>
    %mul3A_361 = arith.mulf %get3A_1, %concatenate3A_360 : vector<32x2048xf32>
    %concatenate3A_362 = tpu.concatenate %get3A_1, %concatenate3A_360, %mul3A_361 in 0 : vector<32x2048xf32>, vector<32x2048xf32>, vector<32x2048xf32> -> vector<96x2048xf32>
    %get3A_363 = arith.constant 0 : index
    %get3A_364 = arith.constant 0 : index
    %get3A_365 = vector.load %arg5[%get3A_363, %get3A_364] : memref<80x96xf32, #tpu.memory_space<vmem>>, vector<80x96xf32>
    %dot_general3A_366 = arith.constant dense<0.000000e+00> : vector<80x2048xf32>
    %dot_general3A_367 = tpu.matmul %get3A_365, %concatenate3A_362, %dot_general3A_366 {dimension_numbers = #tpu.dot_dimension_numbers<[1], [0], [0], [1], [0, 0, 1, 1], [], []>, transpose_lhs_hint = false} : vector<80x96xf32>, vector<96x2048xf32>, vector<80x2048xf32> -> vector<80x2048xf32>
    %get3A_368 = arith.constant 0 : index
    %get3A_369 = arith.constant 0 : index
    %get3A_370 = vector.load %arg6[%get3A_368, %get3A_369] : memref<80x1xf32, #tpu.memory_space<vmem>>, vector<80x1xf32>
    %add3A_371 = vector.broadcast %get3A_370 : vector<80x1xf32> to vector<80x2048xf32>
    %add3A_372 = arith.addf %dot_general3A_367, %add3A_371 : vector<80x2048xf32>
    %max3A_373 = arith.constant 0.000000e+00 : f32
    %max3A_374 = vector.broadcast %max3A_373 : f32 to vector<80x2048xf32>
    %max3A_375 = arith.maximumf %add3A_372, %max3A_374 : vector<80x2048xf32>
    %get3A_376 = arith.constant 0 : index
    %get3A_377 = arith.constant 0 : index
    %get3A_378 = vector.load %arg7[%get3A_376, %get3A_377] : memref<1x80xf32, #tpu.memory_space<vmem>>, vector<1x80xf32>
    %dot_general3A_379 = arith.constant dense<0.000000e+00> : vector<1x2048xf32>
    %dot_general3A_380 = tpu.matmul %get3A_378, %max3A_375, %dot_general3A_379 {dimension_numbers = #tpu.dot_dimension_numbers<[1], [0], [0], [1], [0, 0, 1, 1], [], []>, transpose_lhs_hint = false} : vector<1x80xf32>, vector<80x2048xf32>, vector<1x2048xf32> -> vector<1x2048xf32>
    %get3A_381 = arith.constant 0 : index
    %get3A_382 = arith.constant 0 : index
    %get3A_383 = vector.load %arg8[%get3A_381, %get3A_382] : memref<1x1xf32, #tpu.memory_space<vmem>>, vector<1x1xf32>
    %add3A_384 = vector.broadcast %get3A_383 : vector<1x1xf32> to vector<1x2048xf32>
    %add3A_385 = arith.addf %dot_general3A_380, %add3A_384 : vector<1x2048xf32>
    %get3A_386 = arith.constant 7 : index
    %get3A_387 = arith.constant 0 : index
    %get3A_388 = arith.constant 0 : index
    %get3A_389 = vector.load %arg4[%get3A_386, %get3A_387, %get3A_388] : memref<25x1x2048xf32, #tpu.memory_space<vmem>>, vector<1x1x2048xf32>
    %get3A_390 = vector.shape_cast %get3A_389 : vector<1x1x2048xf32> to vector<1x2048xf32>
    %mul3A_391 = arith.mulf %add3A_385, %get3A_390 : vector<1x2048xf32>
    %mul3A_392 = vector.broadcast %mul3A_391 : vector<1x2048xf32> to vector<32x2048xf32>
    %mul3A_393 = arith.mulf %mul3A_392, %concatenate3A_360 : vector<32x2048xf32>
    %get3A_394 = arith.constant 0 : index
    %get3A_395 = arith.constant 0 : index
    %get3A_396 = vector.load %arg9[%get3A_394, %get3A_395] : memref<32x2048xf32, #tpu.memory_space<vmem>>, vector<32x2048xf32>
    %add3A_397 = arith.addf %get3A_396, %mul3A_393 : vector<32x2048xf32>
    %swap3A_398 = arith.constant 0 : index
    %swap3A_399 = arith.constant 0 : index
    %swap3A_400 = vector.load %arg9[%swap3A_398, %swap3A_399] : memref<32x2048xf32, #tpu.memory_space<vmem>>, vector<32x2048xf32>
    tpu.vector_store %arg9[%swap3A_398, %swap3A_399], %add3A_397 {strides = array<i32>} : memref<32x2048xf32, #tpu.memory_space<vmem>>, vector<32x2048xf32>,
    %get3A_401 = arith.constant 8 : index
    %get3A_402 = arith.constant 0 : index
    %get3A_403 = arith.constant 0 : index
    %get3A_404 = vector.load %arg3[%get3A_401, %get3A_402, %get3A_403] : memref<25x512x128xf32, #tpu.memory_space<vmem>>, vector<1x512x128xf32>
    %get3A_405 = vector.shape_cast %get3A_404 : vector<1x512x128xf32> to vector<512x128xf32>
    %transpose3A_406 = tpu.transpose %get3A_405, [1, 0] : vector<512x128xf32> -> vector<128x512xf32>
    %slice3A_407 = vector.extract_strided_slice %transpose3A_406 {offsets = [0, 0], sizes = [32, 512], strides = [1, 1]} : vector<128x512xf32> to vector<32x512xf32>
    %slice3A_408 = vector.extract_strided_slice %transpose3A_406 {offsets = [32, 0], sizes = [32, 512], strides = [1, 1]} : vector<128x512xf32> to vector<32x512xf32>
    %slice3A_409 = vector.extract_strided_slice %transpose3A_406 {offsets = [64, 0], sizes = [32, 512], strides = [1, 1]} : vector<128x512xf32> to vector<32x512xf32>
    %slice3A_410 = vector.extract_strided_slice %transpose3A_406 {offsets = [96, 0], sizes = [32, 512], strides = [1, 1]} : vector<128x512xf32> to vector<32x512xf32>
    %concatenate3A_411 = tpu.concatenate %slice3A_407, %slice3A_408, %slice3A_409, %slice3A_410 in 1 : vector<32x512xf32>, vector<32x512xf32>, vector<32x512xf32>, vector<32x512xf32> -> vector<32x2048xf32>
    %mul3A_412 = arith.mulf %get3A_1, %concatenate3A_411 : vector<32x2048xf32>
    %concatenate3A_413 = tpu.concatenate %get3A_1, %concatenate3A_411, %mul3A_412 in 0 : vector<32x2048xf32>, vector<32x2048xf32>, vector<32x2048xf32> -> vector<96x2048xf32>
    %get3A_414 = arith.constant 0 : index
    %get3A_415 = arith.constant 0 : index
    %get3A_416 = vector.load %arg5[%get3A_414, %get3A_415] : memref<80x96xf32, #tpu.memory_space<vmem>>, vector<80x96xf32>
    %dot_general3A_417 = arith.constant dense<0.000000e+00> : vector<80x2048xf32>
    %dot_general3A_418 = tpu.matmul %get3A_416, %concatenate3A_413, %dot_general3A_417 {dimension_numbers = #tpu.dot_dimension_numbers<[1], [0], [0], [1], [0, 0, 1, 1], [], []>, transpose_lhs_hint = false} : vector<80x96xf32>, vector<96x2048xf32>, vector<80x2048xf32> -> vector<80x2048xf32>
    %get3A_419 = arith.constant 0 : index
    %get3A_420 = arith.constant 0 : index
    %get3A_421 = vector.load %arg6[%get3A_419, %get3A_420] : memref<80x1xf32, #tpu.memory_space<vmem>>, vector<80x1xf32>
    %add3A_422 = vector.broadcast %get3A_421 : vector<80x1xf32> to vector<80x2048xf32>
    %add3A_423 = arith.addf %dot_general3A_418, %add3A_422 : vector<80x2048xf32>
    %max3A_424 = arith.constant 0.000000e+00 : f32
    %max3A_425 = vector.broadcast %max3A_424 : f32 to vector<80x2048xf32>
    %max3A_426 = arith.maximumf %add3A_423, %max3A_425 : vector<80x2048xf32>
    %get3A_427 = arith.constant 0 : index
    %get3A_428 = arith.constant 0 : index
    %get3A_429 = vector.load %arg7[%get3A_427, %get3A_428] : memref<1x80xf32, #tpu.memory_space<vmem>>, vector<1x80xf32>
    %dot_general3A_430 = arith.constant dense<0.000000e+00> : vector<1x2048xf32>
    %dot_general3A_431 = tpu.matmul %get3A_429, %max3A_426, %dot_general3A_430 {dimension_numbers = #tpu.dot_dimension_numbers<[1], [0], [0], [1], [0, 0, 1, 1], [], []>, transpose_lhs_hint = false} : vector<1x80xf32>, vector<80x2048xf32>, vector<1x2048xf32> -> vector<1x2048xf32>
    %get3A_432 = arith.constant 0 : index
    %get3A_433 = arith.constant 0 : index
    %get3A_434 = vector.load %arg8[%get3A_432, %get3A_433] : memref<1x1xf32, #tpu.memory_space<vmem>>, vector<1x1xf32>
    %add3A_435 = vector.broadcast %get3A_434 : vector<1x1xf32> to vector<1x2048xf32>
    %add3A_436 = arith.addf %dot_general3A_431, %add3A_435 : vector<1x2048xf32>
    %get3A_437 = arith.constant 8 : index
    %get3A_438 = arith.constant 0 : index
    %get3A_439 = arith.constant 0 : index
    %get3A_440 = vector.load %arg4[%get3A_437, %get3A_438, %get3A_439] : memref<25x1x2048xf32, #tpu.memory_space<vmem>>, vector<1x1x2048xf32>
    %get3A_441 = vector.shape_cast %get3A_440 : vector<1x1x2048xf32> to vector<1x2048xf32>
    %mul3A_442 = arith.mulf %add3A_436, %get3A_441 : vector<1x2048xf32>
    %mul3A_443 = vector.broadcast %mul3A_442 : vector<1x2048xf32> to vector<32x2048xf32>
    %mul3A_444 = arith.mulf %mul3A_443, %concatenate3A_411 : vector<32x2048xf32>
    %get3A_445 = arith.constant 0 : index
    %get3A_446 = arith.constant 0 : index
    %get3A_447 = vector.load %arg9[%get3A_445, %get3A_446] : memref<32x2048xf32, #tpu.memory_space<vmem>>, vector<32x2048xf32>
    %add3A_448 = arith.addf %get3A_447, %mul3A_444 : vector<32x2048xf32>
    %swap3A_449 = arith.constant 0 : index
    %swap3A_450 = arith.constant 0 : index
    %swap3A_451 = vector.load %arg9[%swap3A_449, %swap3A_450] : memref<32x2048xf32, #tpu.memory_space<vmem>>, vector<32x2048xf32>
    tpu.vector_store %arg9[%swap3A_449, %swap3A_450], %add3A_448 {strides = array<i32>} : memref<32x2048xf32, #tpu.memory_space<vmem>>, vector<32x2048xf32>,
    %get3A_452 = arith.constant 9 : index
    %get3A_453 = arith.constant 0 : index
    %get3A_454 = arith.constant 0 : index
    %get3A_455 = vector.load %arg3[%get3A_452, %get3A_453, %get3A_454] : memref<25x512x128xf32, #tpu.memory_space<vmem>>, vector<1x512x128xf32>
    %get3A_456 = vector.shape_cast %get3A_455 : vector<1x512x128xf32> to vector<512x128xf32>
    %transpose3A_457 = tpu.transpose %get3A_456, [1, 0] : vector<512x128xf32> -> vector<128x512xf32>
    %slice3A_458 = vector.extract_strided_slice %transpose3A_457 {offsets = [0, 0], sizes = [32, 512], strides = [1, 1]} : vector<128x512xf32> to vector<32x512xf32>
    %slice3A_459 = vector.extract_strided_slice %transpose3A_457 {offsets = [32, 0], sizes = [32, 512], strides = [1, 1]} : vector<128x512xf32> to vector<32x512xf32>
    %slice3A_460 = vector.extract_strided_slice %transpose3A_457 {offsets = [64, 0], sizes = [32, 512], strides = [1, 1]} : vector<128x512xf32> to vector<32x512xf32>
    %slice3A_461 = vector.extract_strided_slice %transpose3A_457 {offsets = [96, 0], sizes = [32, 512], strides = [1, 1]} : vector<128x512xf32> to vector<32x512xf32>
    %concatenate3A_462 = tpu.concatenate %slice3A_458, %slice3A_459, %slice3A_460, %slice3A_461 in 1 : vector<32x512xf32>, vector<32x512xf32>, vector<32x512xf32>, vector<32x512xf32> -> vector<32x2048xf32>
    %mul3A_463 = arith.mulf %get3A_1, %concatenate3A_462 : vector<32x2048xf32>
    %concatenate3A_464 = tpu.concatenate %get3A_1, %concatenate3A_462, %mul3A_463 in 0 : vector<32x2048xf32>, vector<32x2048xf32>, vector<32x2048xf32> -> vector<96x2048xf32>
    %get3A_465 = arith.constant 0 : index
    %get3A_466 = arith.constant 0 : index
    %get3A_467 = vector.load %arg5[%get3A_465, %get3A_466] : memref<80x96xf32, #tpu.memory_space<vmem>>, vector<80x96xf32>
    %dot_general3A_468 = arith.constant dense<0.000000e+00> : vector<80x2048xf32>
    %dot_general3A_469 = tpu.matmul %get3A_467, %concatenate3A_464, %dot_general3A_468 {dimension_numbers = #tpu.dot_dimension_numbers<[1], [0], [0], [1], [0, 0, 1, 1], [], []>, transpose_lhs_hint = false} : vector<80x96xf32>, vector<96x2048xf32>, vector<80x2048xf32> -> vector<80x2048xf32>
    %get3A_470 = arith.constant 0 : index
    %get3A_471 = arith.constant 0 : index
    %get3A_472 = vector.load %arg6[%get3A_470, %get3A_471] : memref<80x1xf32, #tpu.memory_space<vmem>>, vector<80x1xf32>
    %add3A_473 = vector.broadcast %get3A_472 : vector<80x1xf32> to vector<80x2048xf32>
    %add3A_474 = arith.addf %dot_general3A_469, %add3A_473 : vector<80x2048xf32>
    %max3A_475 = arith.constant 0.000000e+00 : f32
    %max3A_476 = vector.broadcast %max3A_475 : f32 to vector<80x2048xf32>
    %max3A_477 = arith.maximumf %add3A_474, %max3A_476 : vector<80x2048xf32>
    %get3A_478 = arith.constant 0 : index
    %get3A_479 = arith.constant 0 : index
    %get3A_480 = vector.load %arg7[%get3A_478, %get3A_479] : memref<1x80xf32, #tpu.memory_space<vmem>>, vector<1x80xf32>
    %dot_general3A_481 = arith.constant dense<0.000000e+00> : vector<1x2048xf32>
    %dot_general3A_482 = tpu.matmul %get3A_480, %max3A_477, %dot_general3A_481 {dimension_numbers = #tpu.dot_dimension_numbers<[1], [0], [0], [1], [0, 0, 1, 1], [], []>, transpose_lhs_hint = false} : vector<1x80xf32>, vector<80x2048xf32>, vector<1x2048xf32> -> vector<1x2048xf32>
    %get3A_483 = arith.constant 0 : index
    %get3A_484 = arith.constant 0 : index
    %get3A_485 = vector.load %arg8[%get3A_483, %get3A_484] : memref<1x1xf32, #tpu.memory_space<vmem>>, vector<1x1xf32>
    %add3A_486 = vector.broadcast %get3A_485 : vector<1x1xf32> to vector<1x2048xf32>
    %add3A_487 = arith.addf %dot_general3A_482, %add3A_486 : vector<1x2048xf32>
    %get3A_488 = arith.constant 9 : index
    %get3A_489 = arith.constant 0 : index
    %get3A_490 = arith.constant 0 : index
    %get3A_491 = vector.load %arg4[%get3A_488, %get3A_489, %get3A_490] : memref<25x1x2048xf32, #tpu.memory_space<vmem>>, vector<1x1x2048xf32>
    %get3A_492 = vector.shape_cast %get3A_491 : vector<1x1x2048xf32> to vector<1x2048xf32>
    %mul3A_493 = arith.mulf %add3A_487, %get3A_492 : vector<1x2048xf32>
    %mul3A_494 = vector.broadcast %mul3A_493 : vector<1x2048xf32> to vector<32x2048xf32>
    %mul3A_495 = arith.mulf %mul3A_494, %concatenate3A_462 : vector<32x2048xf32>
    %get3A_496 = arith.constant 0 : index
    %get3A_497 = arith.constant 0 : index
    %get3A_498 = vector.load %arg9[%get3A_496, %get3A_497] : memref<32x2048xf32, #tpu.memory_space<vmem>>, vector<32x2048xf32>
    %add3A_499 = arith.addf %get3A_498, %mul3A_495 : vector<32x2048xf32>
    %swap3A_500 = arith.constant 0 : index
    %swap3A_501 = arith.constant 0 : index
    %swap3A_502 = vector.load %arg9[%swap3A_500, %swap3A_501] : memref<32x2048xf32, #tpu.memory_space<vmem>>, vector<32x2048xf32>
    tpu.vector_store %arg9[%swap3A_500, %swap3A_501], %add3A_499 {strides = array<i32>} : memref<32x2048xf32, #tpu.memory_space<vmem>>, vector<32x2048xf32>,
    %get3A_503 = arith.constant 10 : index
    %get3A_504 = arith.constant 0 : index
    %get3A_505 = arith.constant 0 : index
    %get3A_506 = vector.load %arg3[%get3A_503, %get3A_504, %get3A_505] : memref<25x512x128xf32, #tpu.memory_space<vmem>>, vector<1x512x128xf32>
    %get3A_507 = vector.shape_cast %get3A_506 : vector<1x512x128xf32> to vector<512x128xf32>
    %transpose3A_508 = tpu.transpose %get3A_507, [1, 0] : vector<512x128xf32> -> vector<128x512xf32>
    %slice3A_509 = vector.extract_strided_slice %transpose3A_508 {offsets = [0, 0], sizes = [32, 512], strides = [1, 1]} : vector<128x512xf32> to vector<32x512xf32>
    %slice3A_510 = vector.extract_strided_slice %transpose3A_508 {offsets = [32, 0], sizes = [32, 512], strides = [1, 1]} : vector<128x512xf32> to vector<32x512xf32>
    %slice3A_511 = vector.extract_strided_slice %transpose3A_508 {offsets = [64, 0], sizes = [32, 512], strides = [1, 1]} : vector<128x512xf32> to vector<32x512xf32>
    %slice3A_512 = vector.extract_strided_slice %transpose3A_508 {offsets = [96, 0], sizes = [32, 512], strides = [1, 1]} : vector<128x512xf32> to vector<32x512xf32>
    %concatenate3A_513 = tpu.concatenate %slice3A_509, %slice3A_510, %slice3A_511, %slice3A_512 in 1 : vector<32x512xf32>, vector<32x512xf32>, vector<32x512xf32>, vector<32x512xf32> -> vector<32x2048xf32>
    %mul3A_514 = arith.mulf %get3A_1, %concatenate3A_513 : vector<32x2048xf32>
    %concatenate3A_515 = tpu.concatenate %get3A_1, %concatenate3A_513, %mul3A_514 in 0 : vector<32x2048xf32>, vector<32x2048xf32>, vector<32x2048xf32> -> vector<96x2048xf32>
    %get3A_516 = arith.constant 0 : index
    %get3A_517 = arith.constant 0 : index
    %get3A_518 = vector.load %arg5[%get3A_516, %get3A_517] : memref<80x96xf32, #tpu.memory_space<vmem>>, vector<80x96xf32>
    %dot_general3A_519 = arith.constant dense<0.000000e+00> : vector<80x2048xf32>
    %dot_general3A_520 = tpu.matmul %get3A_518, %concatenate3A_515, %dot_general3A_519 {dimension_numbers = #tpu.dot_dimension_numbers<[1], [0], [0], [1], [0, 0, 1, 1], [], []>, transpose_lhs_hint = false} : vector<80x96xf32>, vector<96x2048xf32>, vector<80x2048xf32> -> vector<80x2048xf32>
    %get3A_521 = arith.constant 0 : index
    %get3A_522 = arith.constant 0 : index
    %get3A_523 = vector.load %arg6[%get3A_521, %get3A_522] : memref<80x1xf32, #tpu.memory_space<vmem>>, vector<80x1xf32>
    %add3A_524 = vector.broadcast %get3A_523 : vector<80x1xf32> to vector<80x2048xf32>
    %add3A_525 = arith.addf %dot_general3A_520, %add3A_524 : vector<80x2048xf32>
    %max3A_526 = arith.constant 0.000000e+00 : f32
    %max3A_527 = vector.broadcast %max3A_526 : f32 to vector<80x2048xf32>
    %max3A_528 = arith.maximumf %add3A_525, %max3A_527 : vector<80x2048xf32>
    %get3A_529 = arith.constant 0 : index
    %get3A_530 = arith.constant 0 : index
    %get3A_531 = vector.load %arg7[%get3A_529, %get3A_530] : memref<1x80xf32, #tpu.memory_space<vmem>>, vector<1x80xf32>
    %dot_general3A_532 = arith.constant dense<0.000000e+00> : vector<1x2048xf32>
    %dot_general3A_533 = tpu.matmul %get3A_531, %max3A_528, %dot_general3A_532 {dimension_numbers = #tpu.dot_dimension_numbers<[1], [0], [0], [1], [0, 0, 1, 1], [], []>, transpose_lhs_hint = false} : vector<1x80xf32>, vector<80x2048xf32>, vector<1x2048xf32> -> vector<1x2048xf32>
    %get3A_534 = arith.constant 0 : index
    %get3A_535 = arith.constant 0 : index
    %get3A_536 = vector.load %arg8[%get3A_534, %get3A_535] : memref<1x1xf32, #tpu.memory_space<vmem>>, vector<1x1xf32>
    %add3A_537 = vector.broadcast %get3A_536 : vector<1x1xf32> to vector<1x2048xf32>
    %add3A_538 = arith.addf %dot_general3A_533, %add3A_537 : vector<1x2048xf32>
    %get3A_539 = arith.constant 10 : index
    %get3A_540 = arith.constant 0 : index
    %get3A_541 = arith.constant 0 : index
    %get3A_542 = vector.load %arg4[%get3A_539, %get3A_540, %get3A_541] : memref<25x1x2048xf32, #tpu.memory_space<vmem>>, vector<1x1x2048xf32>
    %get3A_543 = vector.shape_cast %get3A_542 : vector<1x1x2048xf32> to vector<1x2048xf32>
    %mul3A_544 = arith.mulf %add3A_538, %get3A_543 : vector<1x2048xf32>
    %mul3A_545 = vector.broadcast %mul3A_544 : vector<1x2048xf32> to vector<32x2048xf32>
    %mul3A_546 = arith.mulf %mul3A_545, %concatenate3A_513 : vector<32x2048xf32>
    %get3A_547 = arith.constant 0 : index
    %get3A_548 = arith.constant 0 : index
    %get3A_549 = vector.load %arg9[%get3A_547, %get3A_548] : memref<32x2048xf32, #tpu.memory_space<vmem>>, vector<32x2048xf32>
    %add3A_550 = arith.addf %get3A_549, %mul3A_546 : vector<32x2048xf32>
    %swap3A_551 = arith.constant 0 : index
    %swap3A_552 = arith.constant 0 : index
    %swap3A_553 = vector.load %arg9[%swap3A_551, %swap3A_552] : memref<32x2048xf32, #tpu.memory_space<vmem>>, vector<32x2048xf32>
    tpu.vector_store %arg9[%swap3A_551, %swap3A_552], %add3A_550 {strides = array<i32>} : memref<32x2048xf32, #tpu.memory_space<vmem>>, vector<32x2048xf32>,
    %get3A_554 = arith.constant 11 : index
    %get3A_555 = arith.constant 0 : index
    %get3A_556 = arith.constant 0 : index
    %get3A_557 = vector.load %arg3[%get3A_554, %get3A_555, %get3A_556] : memref<25x512x128xf32, #tpu.memory_space<vmem>>, vector<1x512x128xf32>
    %get3A_558 = vector.shape_cast %get3A_557 : vector<1x512x128xf32> to vector<512x128xf32>
    %transpose3A_559 = tpu.transpose %get3A_558, [1, 0] : vector<512x128xf32> -> vector<128x512xf32>
    %slice3A_560 = vector.extract_strided_slice %transpose3A_559 {offsets = [0, 0], sizes = [32, 512], strides = [1, 1]} : vector<128x512xf32> to vector<32x512xf32>
    %slice3A_561 = vector.extract_strided_slice %transpose3A_559 {offsets = [32, 0], sizes = [32, 512], strides = [1, 1]} : vector<128x512xf32> to vector<32x512xf32>
    %slice3A_562 = vector.extract_strided_slice %transpose3A_559 {offsets = [64, 0], sizes = [32, 512], strides = [1, 1]} : vector<128x512xf32> to vector<32x512xf32>
    %slice3A_563 = vector.extract_strided_slice %transpose3A_559 {offsets = [96, 0], sizes = [32, 512], strides = [1, 1]} : vector<128x512xf32> to vector<32x512xf32>
    %concatenate3A_564 = tpu.concatenate %slice3A_560, %slice3A_561, %slice3A_562, %slice3A_563 in 1 : vector<32x512xf32>, vector<32x512xf32>, vector<32x512xf32>, vector<32x512xf32> -> vector<32x2048xf32>
    %mul3A_565 = arith.mulf %get3A_1, %concatenate3A_564 : vector<32x2048xf32>
    %concatenate3A_566 = tpu.concatenate %get3A_1, %concatenate3A_564, %mul3A_565 in 0 : vector<32x2048xf32>, vector<32x2048xf32>, vector<32x2048xf32> -> vector<96x2048xf32>
    %get3A_567 = arith.constant 0 : index
    %get3A_568 = arith.constant 0 : index
    %get3A_569 = vector.load %arg5[%get3A_567, %get3A_568] : memref<80x96xf32, #tpu.memory_space<vmem>>, vector<80x96xf32>
    %dot_general3A_570 = arith.constant dense<0.000000e+00> : vector<80x2048xf32>
    %dot_general3A_571 = tpu.matmul %get3A_569, %concatenate3A_566, %dot_general3A_570 {dimension_numbers = #tpu.dot_dimension_numbers<[1], [0], [0], [1], [0, 0, 1, 1], [], []>, transpose_lhs_hint = false} : vector<80x96xf32>, vector<96x2048xf32>, vector<80x2048xf32> -> vector<80x2048xf32>
    %get3A_572 = arith.constant 0 : index
    %get3A_573 = arith.constant 0 : index
    %get3A_574 = vector.load %arg6[%get3A_572, %get3A_573] : memref<80x1xf32, #tpu.memory_space<vmem>>, vector<80x1xf32>
    %add3A_575 = vector.broadcast %get3A_574 : vector<80x1xf32> to vector<80x2048xf32>
    %add3A_576 = arith.addf %dot_general3A_571, %add3A_575 : vector<80x2048xf32>
    %max3A_577 = arith.constant 0.000000e+00 : f32
    %max3A_578 = vector.broadcast %max3A_577 : f32 to vector<80x2048xf32>
    %max3A_579 = arith.maximumf %add3A_576, %max3A_578 : vector<80x2048xf32>
    %get3A_580 = arith.constant 0 : index
    %get3A_581 = arith.constant 0 : index
    %get3A_582 = vector.load %arg7[%get3A_580, %get3A_581] : memref<1x80xf32, #tpu.memory_space<vmem>>, vector<1x80xf32>
    %dot_general3A_583 = arith.constant dense<0.000000e+00> : vector<1x2048xf32>
    %dot_general3A_584 = tpu.matmul %get3A_582, %max3A_579, %dot_general3A_583 {dimension_numbers = #tpu.dot_dimension_numbers<[1], [0], [0], [1], [0, 0, 1, 1], [], []>, transpose_lhs_hint = false} : vector<1x80xf32>, vector<80x2048xf32>, vector<1x2048xf32> -> vector<1x2048xf32>
    %get3A_585 = arith.constant 0 : index
    %get3A_586 = arith.constant 0 : index
    %get3A_587 = vector.load %arg8[%get3A_585, %get3A_586] : memref<1x1xf32, #tpu.memory_space<vmem>>, vector<1x1xf32>
    %add3A_588 = vector.broadcast %get3A_587 : vector<1x1xf32> to vector<1x2048xf32>
    %add3A_589 = arith.addf %dot_general3A_584, %add3A_588 : vector<1x2048xf32>
    %get3A_590 = arith.constant 11 : index
    %get3A_591 = arith.constant 0 : index
    %get3A_592 = arith.constant 0 : index
    %get3A_593 = vector.load %arg4[%get3A_590, %get3A_591, %get3A_592] : memref<25x1x2048xf32, #tpu.memory_space<vmem>>, vector<1x1x2048xf32>
    %get3A_594 = vector.shape_cast %get3A_593 : vector<1x1x2048xf32> to vector<1x2048xf32>
    %mul3A_595 = arith.mulf %add3A_589, %get3A_594 : vector<1x2048xf32>
    %mul3A_596 = vector.broadcast %mul3A_595 : vector<1x2048xf32> to vector<32x2048xf32>
    %mul3A_597 = arith.mulf %mul3A_596, %concatenate3A_564 : vector<32x2048xf32>
    %get3A_598 = arith.constant 0 : index
    %get3A_599 = arith.constant 0 : index
    %get3A_600 = vector.load %arg9[%get3A_598, %get3A_599] : memref<32x2048xf32, #tpu.memory_space<vmem>>, vector<32x2048xf32>
    %add3A_601 = arith.addf %get3A_600, %mul3A_597 : vector<32x2048xf32>
    %swap3A_602 = arith.constant 0 : index
    %swap3A_603 = arith.constant 0 : index
    %swap3A_604 = vector.load %arg9[%swap3A_602, %swap3A_603] : memref<32x2048xf32, #tpu.memory_space<vmem>>, vector<32x2048xf32>
    tpu.vector_store %arg9[%swap3A_602, %swap3A_603], %add3A_601 {strides = array<i32>} : memref<32x2048xf32, #tpu.memory_space<vmem>>, vector<32x2048xf32>,
    %get3A_605 = arith.constant 12 : index
    %get3A_606 = arith.constant 0 : index
    %get3A_607 = arith.constant 0 : index
    %get3A_608 = vector.load %arg3[%get3A_605, %get3A_606, %get3A_607] : memref<25x512x128xf32, #tpu.memory_space<vmem>>, vector<1x512x128xf32>
    %get3A_609 = vector.shape_cast %get3A_608 : vector<1x512x128xf32> to vector<512x128xf32>
    %transpose3A_610 = tpu.transpose %get3A_609, [1, 0] : vector<512x128xf32> -> vector<128x512xf32>
    %slice3A_611 = vector.extract_strided_slice %transpose3A_610 {offsets = [0, 0], sizes = [32, 512], strides = [1, 1]} : vector<128x512xf32> to vector<32x512xf32>
    %slice3A_612 = vector.extract_strided_slice %transpose3A_610 {offsets = [32, 0], sizes = [32, 512], strides = [1, 1]} : vector<128x512xf32> to vector<32x512xf32>
    %slice3A_613 = vector.extract_strided_slice %transpose3A_610 {offsets = [64, 0], sizes = [32, 512], strides = [1, 1]} : vector<128x512xf32> to vector<32x512xf32>
    %slice3A_614 = vector.extract_strided_slice %transpose3A_610 {offsets = [96, 0], sizes = [32, 512], strides = [1, 1]} : vector<128x512xf32> to vector<32x512xf32>
    %concatenate3A_615 = tpu.concatenate %slice3A_611, %slice3A_612, %slice3A_613, %slice3A_614 in 1 : vector<32x512xf32>, vector<32x512xf32>, vector<32x512xf32>, vector<32x512xf32> -> vector<32x2048xf32>
    %mul3A_616 = arith.mulf %get3A_1, %concatenate3A_615 : vector<32x2048xf32>
    %concatenate3A_617 = tpu.concatenate %get3A_1, %concatenate3A_615, %mul3A_616 in 0 : vector<32x2048xf32>, vector<32x2048xf32>, vector<32x2048xf32> -> vector<96x2048xf32>
    %get3A_618 = arith.constant 0 : index
    %get3A_619 = arith.constant 0 : index
    %get3A_620 = vector.load %arg5[%get3A_618, %get3A_619] : memref<80x96xf32, #tpu.memory_space<vmem>>, vector<80x96xf32>
    %dot_general3A_621 = arith.constant dense<0.000000e+00> : vector<80x2048xf32>
    %dot_general3A_622 = tpu.matmul %get3A_620, %concatenate3A_617, %dot_general3A_621 {dimension_numbers = #tpu.dot_dimension_numbers<[1], [0], [0], [1], [0, 0, 1, 1], [], []>, transpose_lhs_hint = false} : vector<80x96xf32>, vector<96x2048xf32>, vector<80x2048xf32> -> vector<80x2048xf32>
    %get3A_623 = arith.constant 0 : index
    %get3A_624 = arith.constant 0 : index
    %get3A_625 = vector.load %arg6[%get3A_623, %get3A_624] : memref<80x1xf32, #tpu.memory_space<vmem>>, vector<80x1xf32>
    %add3A_626 = vector.broadcast %get3A_625 : vector<80x1xf32> to vector<80x2048xf32>
    %add3A_627 = arith.addf %dot_general3A_622, %add3A_626 : vector<80x2048xf32>
    %max3A_628 = arith.constant 0.000000e+00 : f32
    %max3A_629 = vector.broadcast %max3A_628 : f32 to vector<80x2048xf32>
    %max3A_630 = arith.maximumf %add3A_627, %max3A_629 : vector<80x2048xf32>
    %get3A_631 = arith.constant 0 : index
    %get3A_632 = arith.constant 0 : index
    %get3A_633 = vector.load %arg7[%get3A_631, %get3A_632] : memref<1x80xf32, #tpu.memory_space<vmem>>, vector<1x80xf32>
    %dot_general3A_634 = arith.constant dense<0.000000e+00> : vector<1x2048xf32>
    %dot_general3A_635 = tpu.matmul %get3A_633, %max3A_630, %dot_general3A_634 {dimension_numbers = #tpu.dot_dimension_numbers<[1], [0], [0], [1], [0, 0, 1, 1], [], []>, transpose_lhs_hint = false} : vector<1x80xf32>, vector<80x2048xf32>, vector<1x2048xf32> -> vector<1x2048xf32>
    %get3A_636 = arith.constant 0 : index
    %get3A_637 = arith.constant 0 : index
    %get3A_638 = vector.load %arg8[%get3A_636, %get3A_637] : memref<1x1xf32, #tpu.memory_space<vmem>>, vector<1x1xf32>
    %add3A_639 = vector.broadcast %get3A_638 : vector<1x1xf32> to vector<1x2048xf32>
    %add3A_640 = arith.addf %dot_general3A_635, %add3A_639 : vector<1x2048xf32>
    %get3A_641 = arith.constant 12 : index
    %get3A_642 = arith.constant 0 : index
    %get3A_643 = arith.constant 0 : index
    %get3A_644 = vector.load %arg4[%get3A_641, %get3A_642, %get3A_643] : memref<25x1x2048xf32, #tpu.memory_space<vmem>>, vector<1x1x2048xf32>
    %get3A_645 = vector.shape_cast %get3A_644 : vector<1x1x2048xf32> to vector<1x2048xf32>
    %mul3A_646 = arith.mulf %add3A_640, %get3A_645 : vector<1x2048xf32>
    %mul3A_647 = vector.broadcast %mul3A_646 : vector<1x2048xf32> to vector<32x2048xf32>
    %mul3A_648 = arith.mulf %mul3A_647, %concatenate3A_615 : vector<32x2048xf32>
    %get3A_649 = arith.constant 0 : index
    %get3A_650 = arith.constant 0 : index
    %get3A_651 = vector.load %arg9[%get3A_649, %get3A_650] : memref<32x2048xf32, #tpu.memory_space<vmem>>, vector<32x2048xf32>
    %add3A_652 = arith.addf %get3A_651, %mul3A_648 : vector<32x2048xf32>
    %swap3A_653 = arith.constant 0 : index
    %swap3A_654 = arith.constant 0 : index
    %swap3A_655 = vector.load %arg9[%swap3A_653, %swap3A_654] : memref<32x2048xf32, #tpu.memory_space<vmem>>, vector<32x2048xf32>
    tpu.vector_store %arg9[%swap3A_653, %swap3A_654], %add3A_652 {strides = array<i32>} : memref<32x2048xf32, #tpu.memory_space<vmem>>, vector<32x2048xf32>,
    %get3A_656 = arith.constant 13 : index
    %get3A_657 = arith.constant 0 : index
    %get3A_658 = arith.constant 0 : index
    %get3A_659 = vector.load %arg3[%get3A_656, %get3A_657, %get3A_658] : memref<25x512x128xf32, #tpu.memory_space<vmem>>, vector<1x512x128xf32>
    %get3A_660 = vector.shape_cast %get3A_659 : vector<1x512x128xf32> to vector<512x128xf32>
    %transpose3A_661 = tpu.transpose %get3A_660, [1, 0] : vector<512x128xf32> -> vector<128x512xf32>
    %slice3A_662 = vector.extract_strided_slice %transpose3A_661 {offsets = [0, 0], sizes = [32, 512], strides = [1, 1]} : vector<128x512xf32> to vector<32x512xf32>
    %slice3A_663 = vector.extract_strided_slice %transpose3A_661 {offsets = [32, 0], sizes = [32, 512], strides = [1, 1]} : vector<128x512xf32> to vector<32x512xf32>
    %slice3A_664 = vector.extract_strided_slice %transpose3A_661 {offsets = [64, 0], sizes = [32, 512], strides = [1, 1]} : vector<128x512xf32> to vector<32x512xf32>
    %slice3A_665 = vector.extract_strided_slice %transpose3A_661 {offsets = [96, 0], sizes = [32, 512], strides = [1, 1]} : vector<128x512xf32> to vector<32x512xf32>
    %concatenate3A_666 = tpu.concatenate %slice3A_662, %slice3A_663, %slice3A_664, %slice3A_665 in 1 : vector<32x512xf32>, vector<32x512xf32>, vector<32x512xf32>, vector<32x512xf32> -> vector<32x2048xf32>
    %mul3A_667 = arith.mulf %get3A_1, %concatenate3A_666 : vector<32x2048xf32>
    %concatenate3A_668 = tpu.concatenate %get3A_1, %concatenate3A_666, %mul3A_667 in 0 : vector<32x2048xf32>, vector<32x2048xf32>, vector<32x2048xf32> -> vector<96x2048xf32>
    %get3A_669 = arith.constant 0 : index
    %get3A_670 = arith.constant 0 : index
    %get3A_671 = vector.load %arg5[%get3A_669, %get3A_670] : memref<80x96xf32, #tpu.memory_space<vmem>>, vector<80x96xf32>
    %dot_general3A_672 = arith.constant dense<0.000000e+00> : vector<80x2048xf32>
    %dot_general3A_673 = tpu.matmul %get3A_671, %concatenate3A_668, %dot_general3A_672 {dimension_numbers = #tpu.dot_dimension_numbers<[1], [0], [0], [1], [0, 0, 1, 1], [], []>, transpose_lhs_hint = false} : vector<80x96xf32>, vector<96x2048xf32>, vector<80x2048xf32> -> vector<80x2048xf32>
    %get3A_674 = arith.constant 0 : index
    %get3A_675 = arith.constant 0 : index
    %get3A_676 = vector.load %arg6[%get3A_674, %get3A_675] : memref<80x1xf32, #tpu.memory_space<vmem>>, vector<80x1xf32>
    %add3A_677 = vector.broadcast %get3A_676 : vector<80x1xf32> to vector<80x2048xf32>
    %add3A_678 = arith.addf %dot_general3A_673, %add3A_677 : vector<80x2048xf32>
    %max3A_679 = arith.constant 0.000000e+00 : f32
    %max3A_680 = vector.broadcast %max3A_679 : f32 to vector<80x2048xf32>
    %max3A_681 = arith.maximumf %add3A_678, %max3A_680 : vector<80x2048xf32>
    %get3A_682 = arith.constant 0 : index
    %get3A_683 = arith.constant 0 : index
    %get3A_684 = vector.load %arg7[%get3A_682, %get3A_683] : memref<1x80xf32, #tpu.memory_space<vmem>>, vector<1x80xf32>
    %dot_general3A_685 = arith.constant dense<0.000000e+00> : vector<1x2048xf32>
    %dot_general3A_686 = tpu.matmul %get3A_684, %max3A_681, %dot_general3A_685 {dimension_numbers = #tpu.dot_dimension_numbers<[1], [0], [0], [1], [0, 0, 1, 1], [], []>, transpose_lhs_hint = false} : vector<1x80xf32>, vector<80x2048xf32>, vector<1x2048xf32> -> vector<1x2048xf32>
    %get3A_687 = arith.constant 0 : index
    %get3A_688 = arith.constant 0 : index
    %get3A_689 = vector.load %arg8[%get3A_687, %get3A_688] : memref<1x1xf32, #tpu.memory_space<vmem>>, vector<1x1xf32>
    %add3A_690 = vector.broadcast %get3A_689 : vector<1x1xf32> to vector<1x2048xf32>
    %add3A_691 = arith.addf %dot_general3A_686, %add3A_690 : vector<1x2048xf32>
    %get3A_692 = arith.constant 13 : index
    %get3A_693 = arith.constant 0 : index
    %get3A_694 = arith.constant 0 : index
    %get3A_695 = vector.load %arg4[%get3A_692, %get3A_693, %get3A_694] : memref<25x1x2048xf32, #tpu.memory_space<vmem>>, vector<1x1x2048xf32>
    %get3A_696 = vector.shape_cast %get3A_695 : vector<1x1x2048xf32> to vector<1x2048xf32>
    %mul3A_697 = arith.mulf %add3A_691, %get3A_696 : vector<1x2048xf32>
    %mul3A_698 = vector.broadcast %mul3A_697 : vector<1x2048xf32> to vector<32x2048xf32>
    %mul3A_699 = arith.mulf %mul3A_698, %concatenate3A_666 : vector<32x2048xf32>
    %get3A_700 = arith.constant 0 : index
    %get3A_701 = arith.constant 0 : index
    %get3A_702 = vector.load %arg9[%get3A_700, %get3A_701] : memref<32x2048xf32, #tpu.memory_space<vmem>>, vector<32x2048xf32>
    %add3A_703 = arith.addf %get3A_702, %mul3A_699 : vector<32x2048xf32>
    %swap3A_704 = arith.constant 0 : index
    %swap3A_705 = arith.constant 0 : index
    %swap3A_706 = vector.load %arg9[%swap3A_704, %swap3A_705] : memref<32x2048xf32, #tpu.memory_space<vmem>>, vector<32x2048xf32>
    tpu.vector_store %arg9[%swap3A_704, %swap3A_705], %add3A_703 {strides = array<i32>} : memref<32x2048xf32, #tpu.memory_space<vmem>>, vector<32x2048xf32>,
    %get3A_707 = arith.constant 14 : index
    %get3A_708 = arith.constant 0 : index
    %get3A_709 = arith.constant 0 : index
    %get3A_710 = vector.load %arg3[%get3A_707, %get3A_708, %get3A_709] : memref<25x512x128xf32, #tpu.memory_space<vmem>>, vector<1x512x128xf32>
    %get3A_711 = vector.shape_cast %get3A_710 : vector<1x512x128xf32> to vector<512x128xf32>
    %transpose3A_712 = tpu.transpose %get3A_711, [1, 0] : vector<512x128xf32> -> vector<128x512xf32>
    %slice3A_713 = vector.extract_strided_slice %transpose3A_712 {offsets = [0, 0], sizes = [32, 512], strides = [1, 1]} : vector<128x512xf32> to vector<32x512xf32>
    %slice3A_714 = vector.extract_strided_slice %transpose3A_712 {offsets = [32, 0], sizes = [32, 512], strides = [1, 1]} : vector<128x512xf32> to vector<32x512xf32>
    %slice3A_715 = vector.extract_strided_slice %transpose3A_712 {offsets = [64, 0], sizes = [32, 512], strides = [1, 1]} : vector<128x512xf32> to vector<32x512xf32>
    %slice3A_716 = vector.extract_strided_slice %transpose3A_712 {offsets = [96, 0], sizes = [32, 512], strides = [1, 1]} : vector<128x512xf32> to vector<32x512xf32>
    %concatenate3A_717 = tpu.concatenate %slice3A_713, %slice3A_714, %slice3A_715, %slice3A_716 in 1 : vector<32x512xf32>, vector<32x512xf32>, vector<32x512xf32>, vector<32x512xf32> -> vector<32x2048xf32>
    %mul3A_718 = arith.mulf %get3A_1, %concatenate3A_717 : vector<32x2048xf32>
    %concatenate3A_719 = tpu.concatenate %get3A_1, %concatenate3A_717, %mul3A_718 in 0 : vector<32x2048xf32>, vector<32x2048xf32>, vector<32x2048xf32> -> vector<96x2048xf32>
    %get3A_720 = arith.constant 0 : index
    %get3A_721 = arith.constant 0 : index
    %get3A_722 = vector.load %arg5[%get3A_720, %get3A_721] : memref<80x96xf32, #tpu.memory_space<vmem>>, vector<80x96xf32>
    %dot_general3A_723 = arith.constant dense<0.000000e+00> : vector<80x2048xf32>
    %dot_general3A_724 = tpu.matmul %get3A_722, %concatenate3A_719, %dot_general3A_723 {dimension_numbers = #tpu.dot_dimension_numbers<[1], [0], [0], [1], [0, 0, 1, 1], [], []>, transpose_lhs_hint = false} : vector<80x96xf32>, vector<96x2048xf32>, vector<80x2048xf32> -> vector<80x2048xf32>
    %get3A_725 = arith.constant 0 : index
    %get3A_726 = arith.constant 0 : index
    %get3A_727 = vector.load %arg6[%get3A_725, %get3A_726] : memref<80x1xf32, #tpu.memory_space<vmem>>, vector<80x1xf32>
    %add3A_728 = vector.broadcast %get3A_727 : vector<80x1xf32> to vector<80x2048xf32>
    %add3A_729 = arith.addf %dot_general3A_724, %add3A_728 : vector<80x2048xf32>
    %max3A_730 = arith.constant 0.000000e+00 : f32
    %max3A_731 = vector.broadcast %max3A_730 : f32 to vector<80x2048xf32>
    %max3A_732 = arith.maximumf %add3A_729, %max3A_731 : vector<80x2048xf32>
    %get3A_733 = arith.constant 0 : index
    %get3A_734 = arith.constant 0 : index
    %get3A_735 = vector.load %arg7[%get3A_733, %get3A_734] : memref<1x80xf32, #tpu.memory_space<vmem>>, vector<1x80xf32>
    %dot_general3A_736 = arith.constant dense<0.000000e+00> : vector<1x2048xf32>
    %dot_general3A_737 = tpu.matmul %get3A_735, %max3A_732, %dot_general3A_736 {dimension_numbers = #tpu.dot_dimension_numbers<[1], [0], [0], [1], [0, 0, 1, 1], [], []>, transpose_lhs_hint = false} : vector<1x80xf32>, vector<80x2048xf32>, vector<1x2048xf32> -> vector<1x2048xf32>
    %get3A_738 = arith.constant 0 : index
    %get3A_739 = arith.constant 0 : index
    %get3A_740 = vector.load %arg8[%get3A_738, %get3A_739] : memref<1x1xf32, #tpu.memory_space<vmem>>, vector<1x1xf32>
    %add3A_741 = vector.broadcast %get3A_740 : vector<1x1xf32> to vector<1x2048xf32>
    %add3A_742 = arith.addf %dot_general3A_737, %add3A_741 : vector<1x2048xf32>
    %get3A_743 = arith.constant 14 : index
    %get3A_744 = arith.constant 0 : index
    %get3A_745 = arith.constant 0 : index
    %get3A_746 = vector.load %arg4[%get3A_743, %get3A_744, %get3A_745] : memref<25x1x2048xf32, #tpu.memory_space<vmem>>, vector<1x1x2048xf32>
    %get3A_747 = vector.shape_cast %get3A_746 : vector<1x1x2048xf32> to vector<1x2048xf32>
    %mul3A_748 = arith.mulf %add3A_742, %get3A_747 : vector<1x2048xf32>
    %mul3A_749 = vector.broadcast %mul3A_748 : vector<1x2048xf32> to vector<32x2048xf32>
    %mul3A_750 = arith.mulf %mul3A_749, %concatenate3A_717 : vector<32x2048xf32>
    %get3A_751 = arith.constant 0 : index
    %get3A_752 = arith.constant 0 : index
    %get3A_753 = vector.load %arg9[%get3A_751, %get3A_752] : memref<32x2048xf32, #tpu.memory_space<vmem>>, vector<32x2048xf32>
    %add3A_754 = arith.addf %get3A_753, %mul3A_750 : vector<32x2048xf32>
    %swap3A_755 = arith.constant 0 : index
    %swap3A_756 = arith.constant 0 : index
    %swap3A_757 = vector.load %arg9[%swap3A_755, %swap3A_756] : memref<32x2048xf32, #tpu.memory_space<vmem>>, vector<32x2048xf32>
    tpu.vector_store %arg9[%swap3A_755, %swap3A_756], %add3A_754 {strides = array<i32>} : memref<32x2048xf32, #tpu.memory_space<vmem>>, vector<32x2048xf32>,
    %get3A_758 = arith.constant 15 : index
    %get3A_759 = arith.constant 0 : index
    %get3A_760 = arith.constant 0 : index
    %get3A_761 = vector.load %arg3[%get3A_758, %get3A_759, %get3A_760] : memref<25x512x128xf32, #tpu.memory_space<vmem>>, vector<1x512x128xf32>
    %get3A_762 = vector.shape_cast %get3A_761 : vector<1x512x128xf32> to vector<512x128xf32>
    %transpose3A_763 = tpu.transpose %get3A_762, [1, 0] : vector<512x128xf32> -> vector<128x512xf32>
    %slice3A_764 = vector.extract_strided_slice %transpose3A_763 {offsets = [0, 0], sizes = [32, 512], strides = [1, 1]} : vector<128x512xf32> to vector<32x512xf32>
    %slice3A_765 = vector.extract_strided_slice %transpose3A_763 {offsets = [32, 0], sizes = [32, 512], strides = [1, 1]} : vector<128x512xf32> to vector<32x512xf32>
    %slice3A_766 = vector.extract_strided_slice %transpose3A_763 {offsets = [64, 0], sizes = [32, 512], strides = [1, 1]} : vector<128x512xf32> to vector<32x512xf32>
    %slice3A_767 = vector.extract_strided_slice %transpose3A_763 {offsets = [96, 0], sizes = [32, 512], strides = [1, 1]} : vector<128x512xf32> to vector<32x512xf32>
    %concatenate3A_768 = tpu.concatenate %slice3A_764, %slice3A_765, %slice3A_766, %slice3A_767 in 1 : vector<32x512xf32>, vector<32x512xf32>, vector<32x512xf32>, vector<32x512xf32> -> vector<32x2048xf32>
    %mul3A_769 = arith.mulf %get3A_1, %concatenate3A_768 : vector<32x2048xf32>
    %concatenate3A_770 = tpu.concatenate %get3A_1, %concatenate3A_768, %mul3A_769 in 0 : vector<32x2048xf32>, vector<32x2048xf32>, vector<32x2048xf32> -> vector<96x2048xf32>
    %get3A_771 = arith.constant 0 : index
    %get3A_772 = arith.constant 0 : index
    %get3A_773 = vector.load %arg5[%get3A_771, %get3A_772] : memref<80x96xf32, #tpu.memory_space<vmem>>, vector<80x96xf32>
    %dot_general3A_774 = arith.constant dense<0.000000e+00> : vector<80x2048xf32>
    %dot_general3A_775 = tpu.matmul %get3A_773, %concatenate3A_770, %dot_general3A_774 {dimension_numbers = #tpu.dot_dimension_numbers<[1], [0], [0], [1], [0, 0, 1, 1], [], []>, transpose_lhs_hint = false} : vector<80x96xf32>, vector<96x2048xf32>, vector<80x2048xf32> -> vector<80x2048xf32>
    %get3A_776 = arith.constant 0 : index
    %get3A_777 = arith.constant 0 : index
    %get3A_778 = vector.load %arg6[%get3A_776, %get3A_777] : memref<80x1xf32, #tpu.memory_space<vmem>>, vector<80x1xf32>
    %add3A_779 = vector.broadcast %get3A_778 : vector<80x1xf32> to vector<80x2048xf32>
    %add3A_780 = arith.addf %dot_general3A_775, %add3A_779 : vector<80x2048xf32>
    %max3A_781 = arith.constant 0.000000e+00 : f32
    %max3A_782 = vector.broadcast %max3A_781 : f32 to vector<80x2048xf32>
    %max3A_783 = arith.maximumf %add3A_780, %max3A_782 : vector<80x2048xf32>
    %get3A_784 = arith.constant 0 : index
    %get3A_785 = arith.constant 0 : index
    %get3A_786 = vector.load %arg7[%get3A_784, %get3A_785] : memref<1x80xf32, #tpu.memory_space<vmem>>, vector<1x80xf32>
    %dot_general3A_787 = arith.constant dense<0.000000e+00> : vector<1x2048xf32>
    %dot_general3A_788 = tpu.matmul %get3A_786, %max3A_783, %dot_general3A_787 {dimension_numbers = #tpu.dot_dimension_numbers<[1], [0], [0], [1], [0, 0, 1, 1], [], []>, transpose_lhs_hint = false} : vector<1x80xf32>, vector<80x2048xf32>, vector<1x2048xf32> -> vector<1x2048xf32>
    %get3A_789 = arith.constant 0 : index
    %get3A_790 = arith.constant 0 : index
    %get3A_791 = vector.load %arg8[%get3A_789, %get3A_790] : memref<1x1xf32, #tpu.memory_space<vmem>>, vector<1x1xf32>
    %add3A_792 = vector.broadcast %get3A_791 : vector<1x1xf32> to vector<1x2048xf32>
    %add3A_793 = arith.addf %dot_general3A_788, %add3A_792 : vector<1x2048xf32>
    %get3A_794 = arith.constant 15 : index
    %get3A_795 = arith.constant 0 : index
    %get3A_796 = arith.constant 0 : index
    %get3A_797 = vector.load %arg4[%get3A_794, %get3A_795, %get3A_796] : memref<25x1x2048xf32, #tpu.memory_space<vmem>>, vector<1x1x2048xf32>
    %get3A_798 = vector.shape_cast %get3A_797 : vector<1x1x2048xf32> to vector<1x2048xf32>
    %mul3A_799 = arith.mulf %add3A_793, %get3A_798 : vector<1x2048xf32>
    %mul3A_800 = vector.broadcast %mul3A_799 : vector<1x2048xf32> to vector<32x2048xf32>
    %mul3A_801 = arith.mulf %mul3A_800, %concatenate3A_768 : vector<32x2048xf32>
    %get3A_802 = arith.constant 0 : index
    %get3A_803 = arith.constant 0 : index
    %get3A_804 = vector.load %arg9[%get3A_802, %get3A_803] : memref<32x2048xf32, #tpu.memory_space<vmem>>, vector<32x2048xf32>
    %add3A_805 = arith.addf %get3A_804, %mul3A_801 : vector<32x2048xf32>
    %swap3A_806 = arith.constant 0 : index
    %swap3A_807 = arith.constant 0 : index
    %swap3A_808 = vector.load %arg9[%swap3A_806, %swap3A_807] : memref<32x2048xf32, #tpu.memory_space<vmem>>, vector<32x2048xf32>
    tpu.vector_store %arg9[%swap3A_806, %swap3A_807], %add3A_805 {strides = array<i32>} : memref<32x2048xf32, #tpu.memory_space<vmem>>, vector<32x2048xf32>,
    %get3A_809 = arith.constant 16 : index
    %get3A_810 = arith.constant 0 : index
    %get3A_811 = arith.constant 0 : index
    %get3A_812 = vector.load %arg3[%get3A_809, %get3A_810, %get3A_811] : memref<25x512x128xf32, #tpu.memory_space<vmem>>, vector<1x512x128xf32>
    %get3A_813 = vector.shape_cast %get3A_812 : vector<1x512x128xf32> to vector<512x128xf32>
    %transpose3A_814 = tpu.transpose %get3A_813, [1, 0] : vector<512x128xf32> -> vector<128x512xf32>
    %slice3A_815 = vector.extract_strided_slice %transpose3A_814 {offsets = [0, 0], sizes = [32, 512], strides = [1, 1]} : vector<128x512xf32> to vector<32x512xf32>
    %slice3A_816 = vector.extract_strided_slice %transpose3A_814 {offsets = [32, 0], sizes = [32, 512], strides = [1, 1]} : vector<128x512xf32> to vector<32x512xf32>
    %slice3A_817 = vector.extract_strided_slice %transpose3A_814 {offsets = [64, 0], sizes = [32, 512], strides = [1, 1]} : vector<128x512xf32> to vector<32x512xf32>
    %slice3A_818 = vector.extract_strided_slice %transpose3A_814 {offsets = [96, 0], sizes = [32, 512], strides = [1, 1]} : vector<128x512xf32> to vector<32x512xf32>
    %concatenate3A_819 = tpu.concatenate %slice3A_815, %slice3A_816, %slice3A_817, %slice3A_818 in 1 : vector<32x512xf32>, vector<32x512xf32>, vector<32x512xf32>, vector<32x512xf32> -> vector<32x2048xf32>
    %mul3A_820 = arith.mulf %get3A_1, %concatenate3A_819 : vector<32x2048xf32>
    %concatenate3A_821 = tpu.concatenate %get3A_1, %concatenate3A_819, %mul3A_820 in 0 : vector<32x2048xf32>, vector<32x2048xf32>, vector<32x2048xf32> -> vector<96x2048xf32>
    %get3A_822 = arith.constant 0 : index
    %get3A_823 = arith.constant 0 : index
    %get3A_824 = vector.load %arg5[%get3A_822, %get3A_823] : memref<80x96xf32, #tpu.memory_space<vmem>>, vector<80x96xf32>
    %dot_general3A_825 = arith.constant dense<0.000000e+00> : vector<80x2048xf32>
    %dot_general3A_826 = tpu.matmul %get3A_824, %concatenate3A_821, %dot_general3A_825 {dimension_numbers = #tpu.dot_dimension_numbers<[1], [0], [0], [1], [0, 0, 1, 1], [], []>, transpose_lhs_hint = false} : vector<80x96xf32>, vector<96x2048xf32>, vector<80x2048xf32> -> vector<80x2048xf32>
    %get3A_827 = arith.constant 0 : index
    %get3A_828 = arith.constant 0 : index
    %get3A_829 = vector.load %arg6[%get3A_827, %get3A_828] : memref<80x1xf32, #tpu.memory_space<vmem>>, vector<80x1xf32>
    %add3A_830 = vector.broadcast %get3A_829 : vector<80x1xf32> to vector<80x2048xf32>
    %add3A_831 = arith.addf %dot_general3A_826, %add3A_830 : vector<80x2048xf32>
    %max3A_832 = arith.constant 0.000000e+00 : f32
    %max3A_833 = vector.broadcast %max3A_832 : f32 to vector<80x2048xf32>
    %max3A_834 = arith.maximumf %add3A_831, %max3A_833 : vector<80x2048xf32>
    %get3A_835 = arith.constant 0 : index
    %get3A_836 = arith.constant 0 : index
    %get3A_837 = vector.load %arg7[%get3A_835, %get3A_836] : memref<1x80xf32, #tpu.memory_space<vmem>>, vector<1x80xf32>
    %dot_general3A_838 = arith.constant dense<0.000000e+00> : vector<1x2048xf32>
    %dot_general3A_839 = tpu.matmul %get3A_837, %max3A_834, %dot_general3A_838 {dimension_numbers = #tpu.dot_dimension_numbers<[1], [0], [0], [1], [0, 0, 1, 1], [], []>, transpose_lhs_hint = false} : vector<1x80xf32>, vector<80x2048xf32>, vector<1x2048xf32> -> vector<1x2048xf32>
    %get3A_840 = arith.constant 0 : index
    %get3A_841 = arith.constant 0 : index
    %get3A_842 = vector.load %arg8[%get3A_840, %get3A_841] : memref<1x1xf32, #tpu.memory_space<vmem>>, vector<1x1xf32>
    %add3A_843 = vector.broadcast %get3A_842 : vector<1x1xf32> to vector<1x2048xf32>
    %add3A_844 = arith.addf %dot_general3A_839, %add3A_843 : vector<1x2048xf32>
    %get3A_845 = arith.constant 16 : index
    %get3A_846 = arith.constant 0 : index
    %get3A_847 = arith.constant 0 : index
    %get3A_848 = vector.load %arg4[%get3A_845, %get3A_846, %get3A_847] : memref<25x1x2048xf32, #tpu.memory_space<vmem>>, vector<1x1x2048xf32>
    %get3A_849 = vector.shape_cast %get3A_848 : vector<1x1x2048xf32> to vector<1x2048xf32>
    %mul3A_850 = arith.mulf %add3A_844, %get3A_849 : vector<1x2048xf32>
    %mul3A_851 = vector.broadcast %mul3A_850 : vector<1x2048xf32> to vector<32x2048xf32>
    %mul3A_852 = arith.mulf %mul3A_851, %concatenate3A_819 : vector<32x2048xf32>
    %get3A_853 = arith.constant 0 : index
    %get3A_854 = arith.constant 0 : index
    %get3A_855 = vector.load %arg9[%get3A_853, %get3A_854] : memref<32x2048xf32, #tpu.memory_space<vmem>>, vector<32x2048xf32>
    %add3A_856 = arith.addf %get3A_855, %mul3A_852 : vector<32x2048xf32>
    %swap3A_857 = arith.constant 0 : index
    %swap3A_858 = arith.constant 0 : index
    %swap3A_859 = vector.load %arg9[%swap3A_857, %swap3A_858] : memref<32x2048xf32, #tpu.memory_space<vmem>>, vector<32x2048xf32>
    tpu.vector_store %arg9[%swap3A_857, %swap3A_858], %add3A_856 {strides = array<i32>} : memref<32x2048xf32, #tpu.memory_space<vmem>>, vector<32x2048xf32>,
    %get3A_860 = arith.constant 17 : index
    %get3A_861 = arith.constant 0 : index
    %get3A_862 = arith.constant 0 : index
    %get3A_863 = vector.load %arg3[%get3A_860, %get3A_861, %get3A_862] : memref<25x512x128xf32, #tpu.memory_space<vmem>>, vector<1x512x128xf32>
    %get3A_864 = vector.shape_cast %get3A_863 : vector<1x512x128xf32> to vector<512x128xf32>
    %transpose3A_865 = tpu.transpose %get3A_864, [1, 0] : vector<512x128xf32> -> vector<128x512xf32>
    %slice3A_866 = vector.extract_strided_slice %transpose3A_865 {offsets = [0, 0], sizes = [32, 512], strides = [1, 1]} : vector<128x512xf32> to vector<32x512xf32>
    %slice3A_867 = vector.extract_strided_slice %transpose3A_865 {offsets = [32, 0], sizes = [32, 512], strides = [1, 1]} : vector<128x512xf32> to vector<32x512xf32>
    %slice3A_868 = vector.extract_strided_slice %transpose3A_865 {offsets = [64, 0], sizes = [32, 512], strides = [1, 1]} : vector<128x512xf32> to vector<32x512xf32>
    %slice3A_869 = vector.extract_strided_slice %transpose3A_865 {offsets = [96, 0], sizes = [32, 512], strides = [1, 1]} : vector<128x512xf32> to vector<32x512xf32>
    %concatenate3A_870 = tpu.concatenate %slice3A_866, %slice3A_867, %slice3A_868, %slice3A_869 in 1 : vector<32x512xf32>, vector<32x512xf32>, vector<32x512xf32>, vector<32x512xf32> -> vector<32x2048xf32>
    %mul3A_871 = arith.mulf %get3A_1, %concatenate3A_870 : vector<32x2048xf32>
    %concatenate3A_872 = tpu.concatenate %get3A_1, %concatenate3A_870, %mul3A_871 in 0 : vector<32x2048xf32>, vector<32x2048xf32>, vector<32x2048xf32> -> vector<96x2048xf32>
    %get3A_873 = arith.constant 0 : index
    %get3A_874 = arith.constant 0 : index
    %get3A_875 = vector.load %arg5[%get3A_873, %get3A_874] : memref<80x96xf32, #tpu.memory_space<vmem>>, vector<80x96xf32>
    %dot_general3A_876 = arith.constant dense<0.000000e+00> : vector<80x2048xf32>
    %dot_general3A_877 = tpu.matmul %get3A_875, %concatenate3A_872, %dot_general3A_876 {dimension_numbers = #tpu.dot_dimension_numbers<[1], [0], [0], [1], [0, 0, 1, 1], [], []>, transpose_lhs_hint = false} : vector<80x96xf32>, vector<96x2048xf32>, vector<80x2048xf32> -> vector<80x2048xf32>
    %get3A_878 = arith.constant 0 : index
    %get3A_879 = arith.constant 0 : index
    %get3A_880 = vector.load %arg6[%get3A_878, %get3A_879] : memref<80x1xf32, #tpu.memory_space<vmem>>, vector<80x1xf32>
    %add3A_881 = vector.broadcast %get3A_880 : vector<80x1xf32> to vector<80x2048xf32>
    %add3A_882 = arith.addf %dot_general3A_877, %add3A_881 : vector<80x2048xf32>
    %max3A_883 = arith.constant 0.000000e+00 : f32
    %max3A_884 = vector.broadcast %max3A_883 : f32 to vector<80x2048xf32>
    %max3A_885 = arith.maximumf %add3A_882, %max3A_884 : vector<80x2048xf32>
    %get3A_886 = arith.constant 0 : index
    %get3A_887 = arith.constant 0 : index
    %get3A_888 = vector.load %arg7[%get3A_886, %get3A_887] : memref<1x80xf32, #tpu.memory_space<vmem>>, vector<1x80xf32>
    %dot_general3A_889 = arith.constant dense<0.000000e+00> : vector<1x2048xf32>
    %dot_general3A_890 = tpu.matmul %get3A_888, %max3A_885, %dot_general3A_889 {dimension_numbers = #tpu.dot_dimension_numbers<[1], [0], [0], [1], [0, 0, 1, 1], [], []>, transpose_lhs_hint = false} : vector<1x80xf32>, vector<80x2048xf32>, vector<1x2048xf32> -> vector<1x2048xf32>
    %get3A_891 = arith.constant 0 : index
    %get3A_892 = arith.constant 0 : index
    %get3A_893 = vector.load %arg8[%get3A_891, %get3A_892] : memref<1x1xf32, #tpu.memory_space<vmem>>, vector<1x1xf32>
    %add3A_894 = vector.broadcast %get3A_893 : vector<1x1xf32> to vector<1x2048xf32>
    %add3A_895 = arith.addf %dot_general3A_890, %add3A_894 : vector<1x2048xf32>
    %get3A_896 = arith.constant 17 : index
    %get3A_897 = arith.constant 0 : index
    %get3A_898 = arith.constant 0 : index
    %get3A_899 = vector.load %arg4[%get3A_896, %get3A_897, %get3A_898] : memref<25x1x2048xf32, #tpu.memory_space<vmem>>, vector<1x1x2048xf32>
    %get3A_900 = vector.shape_cast %get3A_899 : vector<1x1x2048xf32> to vector<1x2048xf32>
    %mul3A_901 = arith.mulf %add3A_895, %get3A_900 : vector<1x2048xf32>
    %mul3A_902 = vector.broadcast %mul3A_901 : vector<1x2048xf32> to vector<32x2048xf32>
    %mul3A_903 = arith.mulf %mul3A_902, %concatenate3A_870 : vector<32x2048xf32>
    %get3A_904 = arith.constant 0 : index
    %get3A_905 = arith.constant 0 : index
    %get3A_906 = vector.load %arg9[%get3A_904, %get3A_905] : memref<32x2048xf32, #tpu.memory_space<vmem>>, vector<32x2048xf32>
    %add3A_907 = arith.addf %get3A_906, %mul3A_903 : vector<32x2048xf32>
    %swap3A_908 = arith.constant 0 : index
    %swap3A_909 = arith.constant 0 : index
    %swap3A_910 = vector.load %arg9[%swap3A_908, %swap3A_909] : memref<32x2048xf32, #tpu.memory_space<vmem>>, vector<32x2048xf32>
    tpu.vector_store %arg9[%swap3A_908, %swap3A_909], %add3A_907 {strides = array<i32>} : memref<32x2048xf32, #tpu.memory_space<vmem>>, vector<32x2048xf32>,
    %get3A_911 = arith.constant 18 : index
    %get3A_912 = arith.constant 0 : index
    %get3A_913 = arith.constant 0 : index
    %get3A_914 = vector.load %arg3[%get3A_911, %get3A_912, %get3A_913] : memref<25x512x128xf32, #tpu.memory_space<vmem>>, vector<1x512x128xf32>
    %get3A_915 = vector.shape_cast %get3A_914 : vector<1x512x128xf32> to vector<512x128xf32>
    %transpose3A_916 = tpu.transpose %get3A_915, [1, 0] : vector<512x128xf32> -> vector<128x512xf32>
    %slice3A_917 = vector.extract_strided_slice %transpose3A_916 {offsets = [0, 0], sizes = [32, 512], strides = [1, 1]} : vector<128x512xf32> to vector<32x512xf32>
    %slice3A_918 = vector.extract_strided_slice %transpose3A_916 {offsets = [32, 0], sizes = [32, 512], strides = [1, 1]} : vector<128x512xf32> to vector<32x512xf32>
    %slice3A_919 = vector.extract_strided_slice %transpose3A_916 {offsets = [64, 0], sizes = [32, 512], strides = [1, 1]} : vector<128x512xf32> to vector<32x512xf32>
    %slice3A_920 = vector.extract_strided_slice %transpose3A_916 {offsets = [96, 0], sizes = [32, 512], strides = [1, 1]} : vector<128x512xf32> to vector<32x512xf32>
    %concatenate3A_921 = tpu.concatenate %slice3A_917, %slice3A_918, %slice3A_919, %slice3A_920 in 1 : vector<32x512xf32>, vector<32x512xf32>, vector<32x512xf32>, vector<32x512xf32> -> vector<32x2048xf32>
    %mul3A_922 = arith.mulf %get3A_1, %concatenate3A_921 : vector<32x2048xf32>
    %concatenate3A_923 = tpu.concatenate %get3A_1, %concatenate3A_921, %mul3A_922 in 0 : vector<32x2048xf32>, vector<32x2048xf32>, vector<32x2048xf32> -> vector<96x2048xf32>
    %get3A_924 = arith.constant 0 : index
    %get3A_925 = arith.constant 0 : index
    %get3A_926 = vector.load %arg5[%get3A_924, %get3A_925] : memref<80x96xf32, #tpu.memory_space<vmem>>, vector<80x96xf32>
    %dot_general3A_927 = arith.constant dense<0.000000e+00> : vector<80x2048xf32>
    %dot_general3A_928 = tpu.matmul %get3A_926, %concatenate3A_923, %dot_general3A_927 {dimension_numbers = #tpu.dot_dimension_numbers<[1], [0], [0], [1], [0, 0, 1, 1], [], []>, transpose_lhs_hint = false} : vector<80x96xf32>, vector<96x2048xf32>, vector<80x2048xf32> -> vector<80x2048xf32>
    %get3A_929 = arith.constant 0 : index
    %get3A_930 = arith.constant 0 : index
    %get3A_931 = vector.load %arg6[%get3A_929, %get3A_930] : memref<80x1xf32, #tpu.memory_space<vmem>>, vector<80x1xf32>
    %add3A_932 = vector.broadcast %get3A_931 : vector<80x1xf32> to vector<80x2048xf32>
    %add3A_933 = arith.addf %dot_general3A_928, %add3A_932 : vector<80x2048xf32>
    %max3A_934 = arith.constant 0.000000e+00 : f32
    %max3A_935 = vector.broadcast %max3A_934 : f32 to vector<80x2048xf32>
    %max3A_936 = arith.maximumf %add3A_933, %max3A_935 : vector<80x2048xf32>
    %get3A_937 = arith.constant 0 : index
    %get3A_938 = arith.constant 0 : index
    %get3A_939 = vector.load %arg7[%get3A_937, %get3A_938] : memref<1x80xf32, #tpu.memory_space<vmem>>, vector<1x80xf32>
    %dot_general3A_940 = arith.constant dense<0.000000e+00> : vector<1x2048xf32>
    %dot_general3A_941 = tpu.matmul %get3A_939, %max3A_936, %dot_general3A_940 {dimension_numbers = #tpu.dot_dimension_numbers<[1], [0], [0], [1], [0, 0, 1, 1], [], []>, transpose_lhs_hint = false} : vector<1x80xf32>, vector<80x2048xf32>, vector<1x2048xf32> -> vector<1x2048xf32>
    %get3A_942 = arith.constant 0 : index
    %get3A_943 = arith.constant 0 : index
    %get3A_944 = vector.load %arg8[%get3A_942, %get3A_943] : memref<1x1xf32, #tpu.memory_space<vmem>>, vector<1x1xf32>
    %add3A_945 = vector.broadcast %get3A_944 : vector<1x1xf32> to vector<1x2048xf32>
    %add3A_946 = arith.addf %dot_general3A_941, %add3A_945 : vector<1x2048xf32>
    %get3A_947 = arith.constant 18 : index
    %get3A_948 = arith.constant 0 : index
    %get3A_949 = arith.constant 0 : index
    %get3A_950 = vector.load %arg4[%get3A_947, %get3A_948, %get3A_949] : memref<25x1x2048xf32, #tpu.memory_space<vmem>>, vector<1x1x2048xf32>
    %get3A_951 = vector.shape_cast %get3A_950 : vector<1x1x2048xf32> to vector<1x2048xf32>
    %mul3A_952 = arith.mulf %add3A_946, %get3A_951 : vector<1x2048xf32>
    %mul3A_953 = vector.broadcast %mul3A_952 : vector<1x2048xf32> to vector<32x2048xf32>
    %mul3A_954 = arith.mulf %mul3A_953, %concatenate3A_921 : vector<32x2048xf32>
    %get3A_955 = arith.constant 0 : index
    %get3A_956 = arith.constant 0 : index
    %get3A_957 = vector.load %arg9[%get3A_955, %get3A_956] : memref<32x2048xf32, #tpu.memory_space<vmem>>, vector<32x2048xf32>
    %add3A_958 = arith.addf %get3A_957, %mul3A_954 : vector<32x2048xf32>
    %swap3A_959 = arith.constant 0 : index
    %swap3A_960 = arith.constant 0 : index
    %swap3A_961 = vector.load %arg9[%swap3A_959, %swap3A_960] : memref<32x2048xf32, #tpu.memory_space<vmem>>, vector<32x2048xf32>
    tpu.vector_store %arg9[%swap3A_959, %swap3A_960], %add3A_958 {strides = array<i32>} : memref<32x2048xf32, #tpu.memory_space<vmem>>, vector<32x2048xf32>,
    %get3A_962 = arith.constant 19 : index
    %get3A_963 = arith.constant 0 : index
    %get3A_964 = arith.constant 0 : index
    %get3A_965 = vector.load %arg3[%get3A_962, %get3A_963, %get3A_964] : memref<25x512x128xf32, #tpu.memory_space<vmem>>, vector<1x512x128xf32>
    %get3A_966 = vector.shape_cast %get3A_965 : vector<1x512x128xf32> to vector<512x128xf32>
    %transpose3A_967 = tpu.transpose %get3A_966, [1, 0] : vector<512x128xf32> -> vector<128x512xf32>
    %slice3A_968 = vector.extract_strided_slice %transpose3A_967 {offsets = [0, 0], sizes = [32, 512], strides = [1, 1]} : vector<128x512xf32> to vector<32x512xf32>
    %slice3A_969 = vector.extract_strided_slice %transpose3A_967 {offsets = [32, 0], sizes = [32, 512], strides = [1, 1]} : vector<128x512xf32> to vector<32x512xf32>
    %slice3A_970 = vector.extract_strided_slice %transpose3A_967 {offsets = [64, 0], sizes = [32, 512], strides = [1, 1]} : vector<128x512xf32> to vector<32x512xf32>
    %slice3A_971 = vector.extract_strided_slice %transpose3A_967 {offsets = [96, 0], sizes = [32, 512], strides = [1, 1]} : vector<128x512xf32> to vector<32x512xf32>
    %concatenate3A_972 = tpu.concatenate %slice3A_968, %slice3A_969, %slice3A_970, %slice3A_971 in 1 : vector<32x512xf32>, vector<32x512xf32>, vector<32x512xf32>, vector<32x512xf32> -> vector<32x2048xf32>
    %mul3A_973 = arith.mulf %get3A_1, %concatenate3A_972 : vector<32x2048xf32>
    %concatenate3A_974 = tpu.concatenate %get3A_1, %concatenate3A_972, %mul3A_973 in 0 : vector<32x2048xf32>, vector<32x2048xf32>, vector<32x2048xf32> -> vector<96x2048xf32>
    %get3A_975 = arith.constant 0 : index
    %get3A_976 = arith.constant 0 : index
    %get3A_977 = vector.load %arg5[%get3A_975, %get3A_976] : memref<80x96xf32, #tpu.memory_space<vmem>>, vector<80x96xf32>
    %dot_general3A_978 = arith.constant dense<0.000000e+00> : vector<80x2048xf32>
    %dot_general3A_979 = tpu.matmul %get3A_977, %concatenate3A_974, %dot_general3A_978 {dimension_numbers = #tpu.dot_dimension_numbers<[1], [0], [0], [1], [0, 0, 1, 1], [], []>, transpose_lhs_hint = false} : vector<80x96xf32>, vector<96x2048xf32>, vector<80x2048xf32> -> vector<80x2048xf32>
    %get3A_980 = arith.constant 0 : index
    %get3A_981 = arith.constant 0 : index
    %get3A_982 = vector.load %arg6[%get3A_980, %get3A_981] : memref<80x1xf32, #tpu.memory_space<vmem>>, vector<80x1xf32>
    %add3A_983 = vector.broadcast %get3A_982 : vector<80x1xf32> to vector<80x2048xf32>
    %add3A_984 = arith.addf %dot_general3A_979, %add3A_983 : vector<80x2048xf32>
    %max3A_985 = arith.constant 0.000000e+00 : f32
    %max3A_986 = vector.broadcast %max3A_985 : f32 to vector<80x2048xf32>
    %max3A_987 = arith.maximumf %add3A_984, %max3A_986 : vector<80x2048xf32>
    %get3A_988 = arith.constant 0 : index
    %get3A_989 = arith.constant 0 : index
    %get3A_990 = vector.load %arg7[%get3A_988, %get3A_989] : memref<1x80xf32, #tpu.memory_space<vmem>>, vector<1x80xf32>
    %dot_general3A_991 = arith.constant dense<0.000000e+00> : vector<1x2048xf32>
    %dot_general3A_992 = tpu.matmul %get3A_990, %max3A_987, %dot_general3A_991 {dimension_numbers = #tpu.dot_dimension_numbers<[1], [0], [0], [1], [0, 0, 1, 1], [], []>, transpose_lhs_hint = false} : vector<1x80xf32>, vector<80x2048xf32>, vector<1x2048xf32> -> vector<1x2048xf32>
    %get3A_993 = arith.constant 0 : index
    %get3A_994 = arith.constant 0 : index
    %get3A_995 = vector.load %arg8[%get3A_993, %get3A_994] : memref<1x1xf32, #tpu.memory_space<vmem>>, vector<1x1xf32>
    %add3A_996 = vector.broadcast %get3A_995 : vector<1x1xf32> to vector<1x2048xf32>
    %add3A_997 = arith.addf %dot_general3A_992, %add3A_996 : vector<1x2048xf32>
    %get3A_998 = arith.constant 19 : index
    %get3A_999 = arith.constant 0 : index
    %get3A_1000 = arith.constant 0 : index
    %get3A_1001 = vector.load %arg4[%get3A_998, %get3A_999, %get3A_1000] : memref<25x1x2048xf32, #tpu.memory_space<vmem>>, vector<1x1x2048xf32>
    %get3A_1002 = vector.shape_cast %get3A_1001 : vector<1x1x2048xf32> to vector<1x2048xf32>
    %mul3A_1003 = arith.mulf %add3A_997, %get3A_1002 : vector<1x2048xf32>
    %mul3A_1004 = vector.broadcast %mul3A_1003 : vector<1x2048xf32> to vector<32x2048xf32>
    %mul3A_1005 = arith.mulf %mul3A_1004, %concatenate3A_972 : vector<32x2048xf32>
    %get3A_1006 = arith.constant 0 : index
    %get3A_1007 = arith.constant 0 : index
    %get3A_1008 = vector.load %arg9[%get3A_1006, %get3A_1007] : memref<32x2048xf32, #tpu.memory_space<vmem>>, vector<32x2048xf32>
    %add3A_1009 = arith.addf %get3A_1008, %mul3A_1005 : vector<32x2048xf32>
    %swap3A_1010 = arith.constant 0 : index
    %swap3A_1011 = arith.constant 0 : index
    %swap3A_1012 = vector.load %arg9[%swap3A_1010, %swap3A_1011] : memref<32x2048xf32, #tpu.memory_space<vmem>>, vector<32x2048xf32>
    tpu.vector_store %arg9[%swap3A_1010, %swap3A_1011], %add3A_1009 {strides = array<i32>} : memref<32x2048xf32, #tpu.memory_space<vmem>>, vector<32x2048xf32>,
    %get3A_1013 = arith.constant 20 : index
    %get3A_1014 = arith.constant 0 : index
    %get3A_1015 = arith.constant 0 : index
    %get3A_1016 = vector.load %arg3[%get3A_1013, %get3A_1014, %get3A_1015] : memref<25x512x128xf32, #tpu.memory_space<vmem>>, vector<1x512x128xf32>
    %get3A_1017 = vector.shape_cast %get3A_1016 : vector<1x512x128xf32> to vector<512x128xf32>
    %transpose3A_1018 = tpu.transpose %get3A_1017, [1, 0] : vector<512x128xf32> -> vector<128x512xf32>
    %slice3A_1019 = vector.extract_strided_slice %transpose3A_1018 {offsets = [0, 0], sizes = [32, 512], strides = [1, 1]} : vector<128x512xf32> to vector<32x512xf32>
    %slice3A_1020 = vector.extract_strided_slice %transpose3A_1018 {offsets = [32, 0], sizes = [32, 512], strides = [1, 1]} : vector<128x512xf32> to vector<32x512xf32>
    %slice3A_1021 = vector.extract_strided_slice %transpose3A_1018 {offsets = [64, 0], sizes = [32, 512], strides = [1, 1]} : vector<128x512xf32> to vector<32x512xf32>
    %slice3A_1022 = vector.extract_strided_slice %transpose3A_1018 {offsets = [96, 0], sizes = [32, 512], strides = [1, 1]} : vector<128x512xf32> to vector<32x512xf32>
    %concatenate3A_1023 = tpu.concatenate %slice3A_1019, %slice3A_1020, %slice3A_1021, %slice3A_1022 in 1 : vector<32x512xf32>, vector<32x512xf32>, vector<32x512xf32>, vector<32x512xf32> -> vector<32x2048xf32>
    %mul3A_1024 = arith.mulf %get3A_1, %concatenate3A_1023 : vector<32x2048xf32>
    %concatenate3A_1025 = tpu.concatenate %get3A_1, %concatenate3A_1023, %mul3A_1024 in 0 : vector<32x2048xf32>, vector<32x2048xf32>, vector<32x2048xf32> -> vector<96x2048xf32>
    %get3A_1026 = arith.constant 0 : index
    %get3A_1027 = arith.constant 0 : index
    %get3A_1028 = vector.load %arg5[%get3A_1026, %get3A_1027] : memref<80x96xf32, #tpu.memory_space<vmem>>, vector<80x96xf32>
    %dot_general3A_1029 = arith.constant dense<0.000000e+00> : vector<80x2048xf32>
    %dot_general3A_1030 = tpu.matmul %get3A_1028, %concatenate3A_1025, %dot_general3A_1029 {dimension_numbers = #tpu.dot_dimension_numbers<[1], [0], [0], [1], [0, 0, 1, 1], [], []>, transpose_lhs_hint = false} : vector<80x96xf32>, vector<96x2048xf32>, vector<80x2048xf32> -> vector<80x2048xf32>
    %get3A_1031 = arith.constant 0 : index
    %get3A_1032 = arith.constant 0 : index
    %get3A_1033 = vector.load %arg6[%get3A_1031, %get3A_1032] : memref<80x1xf32, #tpu.memory_space<vmem>>, vector<80x1xf32>
    %add3A_1034 = vector.broadcast %get3A_1033 : vector<80x1xf32> to vector<80x2048xf32>
    %add3A_1035 = arith.addf %dot_general3A_1030, %add3A_1034 : vector<80x2048xf32>
    %max3A_1036 = arith.constant 0.000000e+00 : f32
    %max3A_1037 = vector.broadcast %max3A_1036 : f32 to vector<80x2048xf32>
    %max3A_1038 = arith.maximumf %add3A_1035, %max3A_1037 : vector<80x2048xf32>
    %get3A_1039 = arith.constant 0 : index
    %get3A_1040 = arith.constant 0 : index
    %get3A_1041 = vector.load %arg7[%get3A_1039, %get3A_1040] : memref<1x80xf32, #tpu.memory_space<vmem>>, vector<1x80xf32>
    %dot_general3A_1042 = arith.constant dense<0.000000e+00> : vector<1x2048xf32>
    %dot_general3A_1043 = tpu.matmul %get3A_1041, %max3A_1038, %dot_general3A_1042 {dimension_numbers = #tpu.dot_dimension_numbers<[1], [0], [0], [1], [0, 0, 1, 1], [], []>, transpose_lhs_hint = false} : vector<1x80xf32>, vector<80x2048xf32>, vector<1x2048xf32> -> vector<1x2048xf32>
    %get3A_1044 = arith.constant 0 : index
    %get3A_1045 = arith.constant 0 : index
    %get3A_1046 = vector.load %arg8[%get3A_1044, %get3A_1045] : memref<1x1xf32, #tpu.memory_space<vmem>>, vector<1x1xf32>
    %add3A_1047 = vector.broadcast %get3A_1046 : vector<1x1xf32> to vector<1x2048xf32>
    %add3A_1048 = arith.addf %dot_general3A_1043, %add3A_1047 : vector<1x2048xf32>
    %get3A_1049 = arith.constant 20 : index
    %get3A_1050 = arith.constant 0 : index
    %get3A_1051 = arith.constant 0 : index
    %get3A_1052 = vector.load %arg4[%get3A_1049, %get3A_1050, %get3A_1051] : memref<25x1x2048xf32, #tpu.memory_space<vmem>>, vector<1x1x2048xf32>
    %get3A_1053 = vector.shape_cast %get3A_1052 : vector<1x1x2048xf32> to vector<1x2048xf32>
    %mul3A_1054 = arith.mulf %add3A_1048, %get3A_1053 : vector<1x2048xf32>
    %mul3A_1055 = vector.broadcast %mul3A_1054 : vector<1x2048xf32> to vector<32x2048xf32>
    %mul3A_1056 = arith.mulf %mul3A_1055, %concatenate3A_1023 : vector<32x2048xf32>
    %get3A_1057 = arith.constant 0 : index
    %get3A_1058 = arith.constant 0 : index
    %get3A_1059 = vector.load %arg9[%get3A_1057, %get3A_1058] : memref<32x2048xf32, #tpu.memory_space<vmem>>, vector<32x2048xf32>
    %add3A_1060 = arith.addf %get3A_1059, %mul3A_1056 : vector<32x2048xf32>
    %swap3A_1061 = arith.constant 0 : index
    %swap3A_1062 = arith.constant 0 : index
    %swap3A_1063 = vector.load %arg9[%swap3A_1061, %swap3A_1062] : memref<32x2048xf32, #tpu.memory_space<vmem>>, vector<32x2048xf32>
    tpu.vector_store %arg9[%swap3A_1061, %swap3A_1062], %add3A_1060 {strides = array<i32>} : memref<32x2048xf32, #tpu.memory_space<vmem>>, vector<32x2048xf32>,
    %get3A_1064 = arith.constant 21 : index
    %get3A_1065 = arith.constant 0 : index
    %get3A_1066 = arith.constant 0 : index
    %get3A_1067 = vector.load %arg3[%get3A_1064, %get3A_1065, %get3A_1066] : memref<25x512x128xf32, #tpu.memory_space<vmem>>, vector<1x512x128xf32>
    %get3A_1068 = vector.shape_cast %get3A_1067 : vector<1x512x128xf32> to vector<512x128xf32>
    %transpose3A_1069 = tpu.transpose %get3A_1068, [1, 0] : vector<512x128xf32> -> vector<128x512xf32>
    %slice3A_1070 = vector.extract_strided_slice %transpose3A_1069 {offsets = [0, 0], sizes = [32, 512], strides = [1, 1]} : vector<128x512xf32> to vector<32x512xf32>
    %slice3A_1071 = vector.extract_strided_slice %transpose3A_1069 {offsets = [32, 0], sizes = [32, 512], strides = [1, 1]} : vector<128x512xf32> to vector<32x512xf32>
    %slice3A_1072 = vector.extract_strided_slice %transpose3A_1069 {offsets = [64, 0], sizes = [32, 512], strides = [1, 1]} : vector<128x512xf32> to vector<32x512xf32>
    %slice3A_1073 = vector.extract_strided_slice %transpose3A_1069 {offsets = [96, 0], sizes = [32, 512], strides = [1, 1]} : vector<128x512xf32> to vector<32x512xf32>
    %concatenate3A_1074 = tpu.concatenate %slice3A_1070, %slice3A_1071, %slice3A_1072, %slice3A_1073 in 1 : vector<32x512xf32>, vector<32x512xf32>, vector<32x512xf32>, vector<32x512xf32> -> vector<32x2048xf32>
    %mul3A_1075 = arith.mulf %get3A_1, %concatenate3A_1074 : vector<32x2048xf32>
    %concatenate3A_1076 = tpu.concatenate %get3A_1, %concatenate3A_1074, %mul3A_1075 in 0 : vector<32x2048xf32>, vector<32x2048xf32>, vector<32x2048xf32> -> vector<96x2048xf32>
    %get3A_1077 = arith.constant 0 : index
    %get3A_1078 = arith.constant 0 : index
    %get3A_1079 = vector.load %arg5[%get3A_1077, %get3A_1078] : memref<80x96xf32, #tpu.memory_space<vmem>>, vector<80x96xf32>
    %dot_general3A_1080 = arith.constant dense<0.000000e+00> : vector<80x2048xf32>
    %dot_general3A_1081 = tpu.matmul %get3A_1079, %concatenate3A_1076, %dot_general3A_1080 {dimension_numbers = #tpu.dot_dimension_numbers<[1], [0], [0], [1], [0, 0, 1, 1], [], []>, transpose_lhs_hint = false} : vector<80x96xf32>, vector<96x2048xf32>, vector<80x2048xf32> -> vector<80x2048xf32>
    %get3A_1082 = arith.constant 0 : index
    %get3A_1083 = arith.constant 0 : index
    %get3A_1084 = vector.load %arg6[%get3A_1082, %get3A_1083] : memref<80x1xf32, #tpu.memory_space<vmem>>, vector<80x1xf32>
    %add3A_1085 = vector.broadcast %get3A_1084 : vector<80x1xf32> to vector<80x2048xf32>
    %add3A_1086 = arith.addf %dot_general3A_1081, %add3A_1085 : vector<80x2048xf32>
    %max3A_1087 = arith.constant 0.000000e+00 : f32
    %max3A_1088 = vector.broadcast %max3A_1087 : f32 to vector<80x2048xf32>
    %max3A_1089 = arith.maximumf %add3A_1086, %max3A_1088 : vector<80x2048xf32>
    %get3A_1090 = arith.constant 0 : index
    %get3A_1091 = arith.constant 0 : index
    %get3A_1092 = vector.load %arg7[%get3A_1090, %get3A_1091] : memref<1x80xf32, #tpu.memory_space<vmem>>, vector<1x80xf32>
    %dot_general3A_1093 = arith.constant dense<0.000000e+00> : vector<1x2048xf32>
    %dot_general3A_1094 = tpu.matmul %get3A_1092, %max3A_1089, %dot_general3A_1093 {dimension_numbers = #tpu.dot_dimension_numbers<[1], [0], [0], [1], [0, 0, 1, 1], [], []>, transpose_lhs_hint = false} : vector<1x80xf32>, vector<80x2048xf32>, vector<1x2048xf32> -> vector<1x2048xf32>
    %get3A_1095 = arith.constant 0 : index
    %get3A_1096 = arith.constant 0 : index
    %get3A_1097 = vector.load %arg8[%get3A_1095, %get3A_1096] : memref<1x1xf32, #tpu.memory_space<vmem>>, vector<1x1xf32>
    %add3A_1098 = vector.broadcast %get3A_1097 : vector<1x1xf32> to vector<1x2048xf32>
    %add3A_1099 = arith.addf %dot_general3A_1094, %add3A_1098 : vector<1x2048xf32>
    %get3A_1100 = arith.constant 21 : index
    %get3A_1101 = arith.constant 0 : index
    %get3A_1102 = arith.constant 0 : index
    %get3A_1103 = vector.load %arg4[%get3A_1100, %get3A_1101, %get3A_1102] : memref<25x1x2048xf32, #tpu.memory_space<vmem>>, vector<1x1x2048xf32>
    %get3A_1104 = vector.shape_cast %get3A_1103 : vector<1x1x2048xf32> to vector<1x2048xf32>
    %mul3A_1105 = arith.mulf %add3A_1099, %get3A_1104 : vector<1x2048xf32>
    %mul3A_1106 = vector.broadcast %mul3A_1105 : vector<1x2048xf32> to vector<32x2048xf32>
    %mul3A_1107 = arith.mulf %mul3A_1106, %concatenate3A_1074 : vector<32x2048xf32>
    %get3A_1108 = arith.constant 0 : index
    %get3A_1109 = arith.constant 0 : index
    %get3A_1110 = vector.load %arg9[%get3A_1108, %get3A_1109] : memref<32x2048xf32, #tpu.memory_space<vmem>>, vector<32x2048xf32>
    %add3A_1111 = arith.addf %get3A_1110, %mul3A_1107 : vector<32x2048xf32>
    %swap3A_1112 = arith.constant 0 : index
    %swap3A_1113 = arith.constant 0 : index
    %swap3A_1114 = vector.load %arg9[%swap3A_1112, %swap3A_1113] : memref<32x2048xf32, #tpu.memory_space<vmem>>, vector<32x2048xf32>
    tpu.vector_store %arg9[%swap3A_1112, %swap3A_1113], %add3A_1111 {strides = array<i32>} : memref<32x2048xf32, #tpu.memory_space<vmem>>, vector<32x2048xf32>,
    %get3A_1115 = arith.constant 22 : index
    %get3A_1116 = arith.constant 0 : index
    %get3A_1117 = arith.constant 0 : index
    %get3A_1118 = vector.load %arg3[%get3A_1115, %get3A_1116, %get3A_1117] : memref<25x512x128xf32, #tpu.memory_space<vmem>>, vector<1x512x128xf32>
    %get3A_1119 = vector.shape_cast %get3A_1118 : vector<1x512x128xf32> to vector<512x128xf32>
    %transpose3A_1120 = tpu.transpose %get3A_1119, [1, 0] : vector<512x128xf32> -> vector<128x512xf32>
    %slice3A_1121 = vector.extract_strided_slice %transpose3A_1120 {offsets = [0, 0], sizes = [32, 512], strides = [1, 1]} : vector<128x512xf32> to vector<32x512xf32>
    %slice3A_1122 = vector.extract_strided_slice %transpose3A_1120 {offsets = [32, 0], sizes = [32, 512], strides = [1, 1]} : vector<128x512xf32> to vector<32x512xf32>
    %slice3A_1123 = vector.extract_strided_slice %transpose3A_1120 {offsets = [64, 0], sizes = [32, 512], strides = [1, 1]} : vector<128x512xf32> to vector<32x512xf32>
    %slice3A_1124 = vector.extract_strided_slice %transpose3A_1120 {offsets = [96, 0], sizes = [32, 512], strides = [1, 1]} : vector<128x512xf32> to vector<32x512xf32>
    %concatenate3A_1125 = tpu.concatenate %slice3A_1121, %slice3A_1122, %slice3A_1123, %slice3A_1124 in 1 : vector<32x512xf32>, vector<32x512xf32>, vector<32x512xf32>, vector<32x512xf32> -> vector<32x2048xf32>
    %mul3A_1126 = arith.mulf %get3A_1, %concatenate3A_1125 : vector<32x2048xf32>
    %concatenate3A_1127 = tpu.concatenate %get3A_1, %concatenate3A_1125, %mul3A_1126 in 0 : vector<32x2048xf32>, vector<32x2048xf32>, vector<32x2048xf32> -> vector<96x2048xf32>
    %get3A_1128 = arith.constant 0 : index
    %get3A_1129 = arith.constant 0 : index
    %get3A_1130 = vector.load %arg5[%get3A_1128, %get3A_1129] : memref<80x96xf32, #tpu.memory_space<vmem>>, vector<80x96xf32>
    %dot_general3A_1131 = arith.constant dense<0.000000e+00> : vector<80x2048xf32>
    %dot_general3A_1132 = tpu.matmul %get3A_1130, %concatenate3A_1127, %dot_general3A_1131 {dimension_numbers = #tpu.dot_dimension_numbers<[1], [0], [0], [1], [0, 0, 1, 1], [], []>, transpose_lhs_hint = false} : vector<80x96xf32>, vector<96x2048xf32>, vector<80x2048xf32> -> vector<80x2048xf32>
    %get3A_1133 = arith.constant 0 : index
    %get3A_1134 = arith.constant 0 : index
    %get3A_1135 = vector.load %arg6[%get3A_1133, %get3A_1134] : memref<80x1xf32, #tpu.memory_space<vmem>>, vector<80x1xf32>
    %add3A_1136 = vector.broadcast %get3A_1135 : vector<80x1xf32> to vector<80x2048xf32>
    %add3A_1137 = arith.addf %dot_general3A_1132, %add3A_1136 : vector<80x2048xf32>
    %max3A_1138 = arith.constant 0.000000e+00 : f32
    %max3A_1139 = vector.broadcast %max3A_1138 : f32 to vector<80x2048xf32>
    %max3A_1140 = arith.maximumf %add3A_1137, %max3A_1139 : vector<80x2048xf32>
    %get3A_1141 = arith.constant 0 : index
    %get3A_1142 = arith.constant 0 : index
    %get3A_1143 = vector.load %arg7[%get3A_1141, %get3A_1142] : memref<1x80xf32, #tpu.memory_space<vmem>>, vector<1x80xf32>
    %dot_general3A_1144 = arith.constant dense<0.000000e+00> : vector<1x2048xf32>
    %dot_general3A_1145 = tpu.matmul %get3A_1143, %max3A_1140, %dot_general3A_1144 {dimension_numbers = #tpu.dot_dimension_numbers<[1], [0], [0], [1], [0, 0, 1, 1], [], []>, transpose_lhs_hint = false} : vector<1x80xf32>, vector<80x2048xf32>, vector<1x2048xf32> -> vector<1x2048xf32>
    %get3A_1146 = arith.constant 0 : index
    %get3A_1147 = arith.constant 0 : index
    %get3A_1148 = vector.load %arg8[%get3A_1146, %get3A_1147] : memref<1x1xf32, #tpu.memory_space<vmem>>, vector<1x1xf32>
    %add3A_1149 = vector.broadcast %get3A_1148 : vector<1x1xf32> to vector<1x2048xf32>
    %add3A_1150 = arith.addf %dot_general3A_1145, %add3A_1149 : vector<1x2048xf32>
    %get3A_1151 = arith.constant 22 : index
    %get3A_1152 = arith.constant 0 : index
    %get3A_1153 = arith.constant 0 : index
    %get3A_1154 = vector.load %arg4[%get3A_1151, %get3A_1152, %get3A_1153] : memref<25x1x2048xf32, #tpu.memory_space<vmem>>, vector<1x1x2048xf32>
    %get3A_1155 = vector.shape_cast %get3A_1154 : vector<1x1x2048xf32> to vector<1x2048xf32>
    %mul3A_1156 = arith.mulf %add3A_1150, %get3A_1155 : vector<1x2048xf32>
    %mul3A_1157 = vector.broadcast %mul3A_1156 : vector<1x2048xf32> to vector<32x2048xf32>
    %mul3A_1158 = arith.mulf %mul3A_1157, %concatenate3A_1125 : vector<32x2048xf32>
    %get3A_1159 = arith.constant 0 : index
    %get3A_1160 = arith.constant 0 : index
    %get3A_1161 = vector.load %arg9[%get3A_1159, %get3A_1160] : memref<32x2048xf32, #tpu.memory_space<vmem>>, vector<32x2048xf32>
    %add3A_1162 = arith.addf %get3A_1161, %mul3A_1158 : vector<32x2048xf32>
    %swap3A_1163 = arith.constant 0 : index
    %swap3A_1164 = arith.constant 0 : index
    %swap3A_1165 = vector.load %arg9[%swap3A_1163, %swap3A_1164] : memref<32x2048xf32, #tpu.memory_space<vmem>>, vector<32x2048xf32>
    tpu.vector_store %arg9[%swap3A_1163, %swap3A_1164], %add3A_1162 {strides = array<i32>} : memref<32x2048xf32, #tpu.memory_space<vmem>>, vector<32x2048xf32>,
    %get3A_1166 = arith.constant 23 : index
    %get3A_1167 = arith.constant 0 : index
    %get3A_1168 = arith.constant 0 : index
    %get3A_1169 = vector.load %arg3[%get3A_1166, %get3A_1167, %get3A_1168] : memref<25x512x128xf32, #tpu.memory_space<vmem>>, vector<1x512x128xf32>
    %get3A_1170 = vector.shape_cast %get3A_1169 : vector<1x512x128xf32> to vector<512x128xf32>
    %transpose3A_1171 = tpu.transpose %get3A_1170, [1, 0] : vector<512x128xf32> -> vector<128x512xf32>
    %slice3A_1172 = vector.extract_strided_slice %transpose3A_1171 {offsets = [0, 0], sizes = [32, 512], strides = [1, 1]} : vector<128x512xf32> to vector<32x512xf32>
    %slice3A_1173 = vector.extract_strided_slice %transpose3A_1171 {offsets = [32, 0], sizes = [32, 512], strides = [1, 1]} : vector<128x512xf32> to vector<32x512xf32>
    %slice3A_1174 = vector.extract_strided_slice %transpose3A_1171 {offsets = [64, 0], sizes = [32, 512], strides = [1, 1]} : vector<128x512xf32> to vector<32x512xf32>
    %slice3A_1175 = vector.extract_strided_slice %transpose3A_1171 {offsets = [96, 0], sizes = [32, 512], strides = [1, 1]} : vector<128x512xf32> to vector<32x512xf32>
    %concatenate3A_1176 = tpu.concatenate %slice3A_1172, %slice3A_1173, %slice3A_1174, %slice3A_1175 in 1 : vector<32x512xf32>, vector<32x512xf32>, vector<32x512xf32>, vector<32x512xf32> -> vector<32x2048xf32>
    %mul3A_1177 = arith.mulf %get3A_1, %concatenate3A_1176 : vector<32x2048xf32>
    %concatenate3A_1178 = tpu.concatenate %get3A_1, %concatenate3A_1176, %mul3A_1177 in 0 : vector<32x2048xf32>, vector<32x2048xf32>, vector<32x2048xf32> -> vector<96x2048xf32>
    %get3A_1179 = arith.constant 0 : index
    %get3A_1180 = arith.constant 0 : index
    %get3A_1181 = vector.load %arg5[%get3A_1179, %get3A_1180] : memref<80x96xf32, #tpu.memory_space<vmem>>, vector<80x96xf32>
    %dot_general3A_1182 = arith.constant dense<0.000000e+00> : vector<80x2048xf32>
    %dot_general3A_1183 = tpu.matmul %get3A_1181, %concatenate3A_1178, %dot_general3A_1182 {dimension_numbers = #tpu.dot_dimension_numbers<[1], [0], [0], [1], [0, 0, 1, 1], [], []>, transpose_lhs_hint = false} : vector<80x96xf32>, vector<96x2048xf32>, vector<80x2048xf32> -> vector<80x2048xf32>
    %get3A_1184 = arith.constant 0 : index
    %get3A_1185 = arith.constant 0 : index
    %get3A_1186 = vector.load %arg6[%get3A_1184, %get3A_1185] : memref<80x1xf32, #tpu.memory_space<vmem>>, vector<80x1xf32>
    %add3A_1187 = vector.broadcast %get3A_1186 : vector<80x1xf32> to vector<80x2048xf32>
    %add3A_1188 = arith.addf %dot_general3A_1183, %add3A_1187 : vector<80x2048xf32>
    %max3A_1189 = arith.constant 0.000000e+00 : f32
    %max3A_1190 = vector.broadcast %max3A_1189 : f32 to vector<80x2048xf32>
    %max3A_1191 = arith.maximumf %add3A_1188, %max3A_1190 : vector<80x2048xf32>
    %get3A_1192 = arith.constant 0 : index
    %get3A_1193 = arith.constant 0 : index
    %get3A_1194 = vector.load %arg7[%get3A_1192, %get3A_1193] : memref<1x80xf32, #tpu.memory_space<vmem>>, vector<1x80xf32>
    %dot_general3A_1195 = arith.constant dense<0.000000e+00> : vector<1x2048xf32>
    %dot_general3A_1196 = tpu.matmul %get3A_1194, %max3A_1191, %dot_general3A_1195 {dimension_numbers = #tpu.dot_dimension_numbers<[1], [0], [0], [1], [0, 0, 1, 1], [], []>, transpose_lhs_hint = false} : vector<1x80xf32>, vector<80x2048xf32>, vector<1x2048xf32> -> vector<1x2048xf32>
    %get3A_1197 = arith.constant 0 : index
    %get3A_1198 = arith.constant 0 : index
    %get3A_1199 = vector.load %arg8[%get3A_1197, %get3A_1198] : memref<1x1xf32, #tpu.memory_space<vmem>>, vector<1x1xf32>
    %add3A_1200 = vector.broadcast %get3A_1199 : vector<1x1xf32> to vector<1x2048xf32>
    %add3A_1201 = arith.addf %dot_general3A_1196, %add3A_1200 : vector<1x2048xf32>
    %get3A_1202 = arith.constant 23 : index
    %get3A_1203 = arith.constant 0 : index
    %get3A_1204 = arith.constant 0 : index
    %get3A_1205 = vector.load %arg4[%get3A_1202, %get3A_1203, %get3A_1204] : memref<25x1x2048xf32, #tpu.memory_space<vmem>>, vector<1x1x2048xf32>
    %get3A_1206 = vector.shape_cast %get3A_1205 : vector<1x1x2048xf32> to vector<1x2048xf32>
    %mul3A_1207 = arith.mulf %add3A_1201, %get3A_1206 : vector<1x2048xf32>
    %mul3A_1208 = vector.broadcast %mul3A_1207 : vector<1x2048xf32> to vector<32x2048xf32>
    %mul3A_1209 = arith.mulf %mul3A_1208, %concatenate3A_1176 : vector<32x2048xf32>
    %get3A_1210 = arith.constant 0 : index
    %get3A_1211 = arith.constant 0 : index
    %get3A_1212 = vector.load %arg9[%get3A_1210, %get3A_1211] : memref<32x2048xf32, #tpu.memory_space<vmem>>, vector<32x2048xf32>
    %add3A_1213 = arith.addf %get3A_1212, %mul3A_1209 : vector<32x2048xf32>
    %swap3A_1214 = arith.constant 0 : index
    %swap3A_1215 = arith.constant 0 : index
    %swap3A_1216 = vector.load %arg9[%swap3A_1214, %swap3A_1215] : memref<32x2048xf32, #tpu.memory_space<vmem>>, vector<32x2048xf32>
    tpu.vector_store %arg9[%swap3A_1214, %swap3A_1215], %add3A_1213 {strides = array<i32>} : memref<32x2048xf32, #tpu.memory_space<vmem>>, vector<32x2048xf32>,
    %get3A_1217 = arith.constant 24 : index
    %get3A_1218 = arith.constant 0 : index
    %get3A_1219 = arith.constant 0 : index
    %get3A_1220 = vector.load %arg3[%get3A_1217, %get3A_1218, %get3A_1219] : memref<25x512x128xf32, #tpu.memory_space<vmem>>, vector<1x512x128xf32>
    %get3A_1221 = vector.shape_cast %get3A_1220 : vector<1x512x128xf32> to vector<512x128xf32>
    %transpose3A_1222 = tpu.transpose %get3A_1221, [1, 0] : vector<512x128xf32> -> vector<128x512xf32>
    %slice3A_1223 = vector.extract_strided_slice %transpose3A_1222 {offsets = [0, 0], sizes = [32, 512], strides = [1, 1]} : vector<128x512xf32> to vector<32x512xf32>
    %slice3A_1224 = vector.extract_strided_slice %transpose3A_1222 {offsets = [32, 0], sizes = [32, 512], strides = [1, 1]} : vector<128x512xf32> to vector<32x512xf32>
    %slice3A_1225 = vector.extract_strided_slice %transpose3A_1222 {offsets = [64, 0], sizes = [32, 512], strides = [1, 1]} : vector<128x512xf32> to vector<32x512xf32>
    %slice3A_1226 = vector.extract_strided_slice %transpose3A_1222 {offsets = [96, 0], sizes = [32, 512], strides = [1, 1]} : vector<128x512xf32> to vector<32x512xf32>
    %concatenate3A_1227 = tpu.concatenate %slice3A_1223, %slice3A_1224, %slice3A_1225, %slice3A_1226 in 1 : vector<32x512xf32>, vector<32x512xf32>, vector<32x512xf32>, vector<32x512xf32> -> vector<32x2048xf32>
    %mul3A_1228 = arith.mulf %get3A_1, %concatenate3A_1227 : vector<32x2048xf32>
    %concatenate3A_1229 = tpu.concatenate %get3A_1, %concatenate3A_1227, %mul3A_1228 in 0 : vector<32x2048xf32>, vector<32x2048xf32>, vector<32x2048xf32> -> vector<96x2048xf32>
    %get3A_1230 = arith.constant 0 : index
    %get3A_1231 = arith.constant 0 : index
    %get3A_1232 = vector.load %arg5[%get3A_1230, %get3A_1231] : memref<80x96xf32, #tpu.memory_space<vmem>>, vector<80x96xf32>
    %dot_general3A_1233 = arith.constant dense<0.000000e+00> : vector<80x2048xf32>
    %dot_general3A_1234 = tpu.matmul %get3A_1232, %concatenate3A_1229, %dot_general3A_1233 {dimension_numbers = #tpu.dot_dimension_numbers<[1], [0], [0], [1], [0, 0, 1, 1], [], []>, transpose_lhs_hint = false} : vector<80x96xf32>, vector<96x2048xf32>, vector<80x2048xf32> -> vector<80x2048xf32>
    %get3A_1235 = arith.constant 0 : index
    %get3A_1236 = arith.constant 0 : index
    %get3A_1237 = vector.load %arg6[%get3A_1235, %get3A_1236] : memref<80x1xf32, #tpu.memory_space<vmem>>, vector<80x1xf32>
    %add3A_1238 = vector.broadcast %get3A_1237 : vector<80x1xf32> to vector<80x2048xf32>
    %add3A_1239 = arith.addf %dot_general3A_1234, %add3A_1238 : vector<80x2048xf32>
    %max3A_1240 = arith.constant 0.000000e+00 : f32
    %max3A_1241 = vector.broadcast %max3A_1240 : f32 to vector<80x2048xf32>
    %max3A_1242 = arith.maximumf %add3A_1239, %max3A_1241 : vector<80x2048xf32>
    %get3A_1243 = arith.constant 0 : index
    %get3A_1244 = arith.constant 0 : index
    %get3A_1245 = vector.load %arg7[%get3A_1243, %get3A_1244] : memref<1x80xf32, #tpu.memory_space<vmem>>, vector<1x80xf32>
    %dot_general3A_1246 = arith.constant dense<0.000000e+00> : vector<1x2048xf32>
    %dot_general3A_1247 = tpu.matmul %get3A_1245, %max3A_1242, %dot_general3A_1246 {dimension_numbers = #tpu.dot_dimension_numbers<[1], [0], [0], [1], [0, 0, 1, 1], [], []>, transpose_lhs_hint = false} : vector<1x80xf32>, vector<80x2048xf32>, vector<1x2048xf32> -> vector<1x2048xf32>
    %get3A_1248 = arith.constant 0 : index
    %get3A_1249 = arith.constant 0 : index
    %get3A_1250 = vector.load %arg8[%get3A_1248, %get3A_1249] : memref<1x1xf32, #tpu.memory_space<vmem>>, vector<1x1xf32>
    %add3A_1251 = vector.broadcast %get3A_1250 : vector<1x1xf32> to vector<1x2048xf32>
    %add3A_1252 = arith.addf %dot_general3A_1247, %add3A_1251 : vector<1x2048xf32>
    %get3A_1253 = arith.constant 24 : index
    %get3A_1254 = arith.constant 0 : index
    %get3A_1255 = arith.constant 0 : index
    %get3A_1256 = vector.load %arg4[%get3A_1253, %get3A_1254, %get3A_1255] : memref<25x1x2048xf32, #tpu.memory_space<vmem>>, vector<1x1x2048xf32>
    %get3A_1257 = vector.shape_cast %get3A_1256 : vector<1x1x2048xf32> to vector<1x2048xf32>
    %mul3A_1258 = arith.mulf %add3A_1252, %get3A_1257 : vector<1x2048xf32>
    %mul3A_1259 = vector.broadcast %mul3A_1258 : vector<1x2048xf32> to vector<32x2048xf32>
    %mul3A_1260 = arith.mulf %mul3A_1259, %concatenate3A_1227 : vector<32x2048xf32>
    %get3A_1261 = arith.constant 0 : index
    %get3A_1262 = arith.constant 0 : index
    %get3A_1263 = vector.load %arg9[%get3A_1261, %get3A_1262] : memref<32x2048xf32, #tpu.memory_space<vmem>>, vector<32x2048xf32>
    %add3A_1264 = arith.addf %get3A_1263, %mul3A_1260 : vector<32x2048xf32>
    %swap3A_1265 = arith.constant 0 : index
    %swap3A_1266 = arith.constant 0 : index
    %swap3A_1267 = vector.load %arg9[%swap3A_1265, %swap3A_1266] : memref<32x2048xf32, #tpu.memory_space<vmem>>, vector<32x2048xf32>
    tpu.vector_store %arg9[%swap3A_1265, %swap3A_1266], %add3A_1264 {strides = array<i32>} : memref<32x2048xf32, #tpu.memory_space<vmem>>, vector<32x2048xf32>,
    return
  }
  func.func @transform_0(%arg0: i32, %arg1: i32) -> (i32, i32) {
    %c0_i32 = arith.constant 0 : i32
    %c0_i32_0 = arith.constant 0 : i32
    return %c0_i32, %arg0 : i32, i32
  }
  func.func @transform_1(%arg0: i32, %arg1: i32) -> (i32, i32, i32) {
    %c0_i32 = arith.constant 0 : i32
    %c0_i32_0 = arith.constant 0 : i32
    return %arg1, %arg0, %c0_i32 : i32, i32, i32
  }
  func.func @transform_2(%arg0: i32, %arg1: i32) -> (i32, i32, i32) {
    %c0_i32 = arith.constant 0 : i32
    %c0_i32_0 = arith.constant 0 : i32
    return %arg1, %c0_i32, %arg0 : i32, i32, i32
  }
  func.func @transform_3(%arg0: i32, %arg1: i32) -> (i32, i32) {
    %c0_i32 = arith.constant 0 : i32
    %c0_i32_0 = arith.constant 0 : i32
    %c0_i32_1 = arith.constant 0 : i32
    return %c0_i32, %c0_i32_0 : i32, i32
  }
  func.func @transform_4(%arg0: i32, %arg1: i32) -> (i32, i32) {
    %c0_i32 = arith.constant 0 : i32
    %c0_i32_0 = arith.constant 0 : i32
    %c0_i32_1 = arith.constant 0 : i32
    return %c0_i32, %c0_i32_0 : i32, i32
  }
  func.func @transform_5(%arg0: i32, %arg1: i32) -> (i32, i32) {
    %c0_i32 = arith.constant 0 : i32
    %c0_i32_0 = arith.constant 0 : i32
    %c0_i32_1 = arith.constant 0 : i32
    return %c0_i32, %c0_i32_0 : i32, i32
  }
  func.func @transform_6(%arg0: i32, %arg1: i32) -> (i32, i32) {
    %c0_i32 = arith.constant 0 : i32
    %c0_i32_0 = arith.constant 0 : i32
    %c0_i32_1 = arith.constant 0 : i32
    return %c0_i32, %c0_i32_0 : i32, i32
  }
  func.func @transform_7(%arg0: i32, %arg1: i32) -> (i32, i32) {
    %c0_i32 = arith.constant 0 : i32
    %c0_i32_0 = arith.constant 0 : i32
    return %c0_i32, %arg0 : i32, i32
  }
}

</mosaic_0001>

<sc_bundles>
// kernel: gather_offload_async_start.1
scs
__scs_entry_jumppad:
0x0: {  	(pc) =	sbr.rel $0x88, $3  }
0x1: {  	(tag) =	ssettag $0x0;
	lr =	simm.s32 $0x1  }
0x2: {  	[smem:$0x3F98] =	sst lr;
	_ =	strace $0xD0000000  }
0x3: {  	_ = 	snop  }
0x4: {  	_ = 	snop  }
0x5: {  	_ = 	snop  }
0x6: {  	_ = 	snop  }
0x7: {  	_ = 	snop  }
__scs_overlays_trampoline_lowered:
0x8: {  	[smem:$0x3FA7] =	sst s0  }
0x9: {  	[smem:$0x3FA8] =	sst s1  }
0xa: {  	[smem:$0x3FA9] =	sst s2  }
0xb: {  	[smem:$0x3FAA] =	sst s3  }
0xc: {  	[smem:$0x3FAB] =	sst s4  }
0xd: {  	[smem:$0x3FAC] =	sst s5  }
0xe: {  	[smem:$0x3FAD] =	sst s6  }
0xf: {  	[smem:$0x3FAE] =	sst s7  }
0x10: {  	[smem:$0x3FAF] =	sst s8  }
0x11: {  	[smem:$0x3FB0] =	sst s9;
	s0 =	simm.s32 @!p0 $0x0  }
0x12: {  	s1 =	sld [smem:$0x3F96];
	s0 =	simm.s32 @p0 $0x1  }
0x13: {  	[smem:$0x3FB1] =	sst s0;
	s0 =	simm.s32 @!p1 $0x0  }
0x14: {  	s2 =	sld [smem:$0x3F95];
	s0 =	simm.s32 @p1 $0x1  }
0x15: {  	[smem:$0x3FB2] =	sst s0;
	s0 =	simm.s32 @!p2 $0x0  }
0x16: {  	s3 =	sld [smem:$0x3FDB];
	s0 =	simm.s32 @p2 $0x1  }
0x17: {  	s4 =	simm.s32 $0x1BF5;
	[smem:$0x3FB4] =	sst s0  }
0x18: {  	s0 =	sld [smem:$0x3F97];
	_ =	swait.ge [sflag:s4], $0x0  }
0x19: {  	s7 =	sld [smem:$0x3F98]  }
0x1a: {  	s8 =	sadd.s32 $0xFFFFE003, lr  }
0x1b: {  	s9 =	sadd.s32 $0xFFFFFEF7, lr;
	s5 =	simm.s32 $0xFFFFFFFF;
	p2 =	slt.u32 s8, $0xFFFFF086  }
0x1c: {  	p1 =	slt.u32 s9, $0xF7A;
	s5 =	simm.s32 @!p2 $0x0  }
0x1d: {  	s5 =	simm.s32 @p1 $0x1;
	p0 =	seq.s32 s7, s2  }
0x1e: {  	s7 =	smul.u32 @!p0 $0xF7A, s2;
	p2 =	seq.s32 @!p0 s5, $0x0  }
0x1f: {  	s9 =	smul.u32 $0xF7A, s1;
	s8 =	simm.s32 @!p0 $0x1BF5;
	p2 =	por !p2, p0  }
0x20: {  	[sflag:s8] =	ssyncset.s32 @!p0 $0xFFFFF086;
	s6 =	sadd.s32 @!p0 s3, s7;
	s7 =	simm.s32 @!p0 $0x108  }
0x21: {  	s3 =	sadd.s32 s3, s9;
	s6 =	sadd.s32 @!p0 $0x88, s6;
	s7 =	simm.s32 @p2 $0x1082  }
0x22: {  	[simem:s7], [sflag:s8] =	dma.local @!p0 [hbm:s6], $0xF7A  }
0x23: {  	s9 =	sor.u32 $0xD0000000, s2;
	s6 =	simm.s32 $0x108;
	_ =	swait.ge @!p0 [sflag:s8], $0x0  }
0x24: {  	s3 =	sadd.s32 $0x88, s3;
	s6 =	simm.s32 @!p1 $0x1082;
	[sflag:s4] =	ssyncset.s32 $0xFFFFF086  }
0x25: {  	[simem:s6], [sflag:s4] =	dma.local [hbm:s3], $0xF7A  }
0x26: {  	[smem:$0x3F98] =	sst s1;
	(tag) =	ssettag s2;
	_ =	strace s9  }
0x27: {  	s1 =	sld [smem:$0x3FA8]  }
0x28: {  	s2 =	sld [smem:$0x3FA9]  }
0x29: {  	s4 =	sld [smem:$0x3FAB]  }
0x2a: {  	p0 =	seq.s32 s5, $0x0;
	s5 =	sld [smem:$0x3FAC]  }
0x2b: {  	s6 =	sld [smem:$0x3FAD]  }
0x2c: {  	s7 =	sld [smem:$0x3FAE]  }
0x2d: {  	s3 =	simm.s32 $0x108;
	s8 =	sld [smem:$0x3FAF]  }
0x2e: {  	s3 =	simm.s32 @!p0 $0x1082;
	s9 =	sld [smem:$0x3FB0]  }
0x2f: {  	lr =	sadd.s32 s0, s3;
	s0 =	sld [smem:$0x3FA7]  }
0x30: {  	s3 =	sld [smem:$0x3FAA]  }
0x31: {  	[smem:$0x3FB3] =	sst s10  }
0x32: {  	s10 =	sld [smem:$0x3FB1];
	_ =	sdelay $0x3  }
0x33: {  	p0 =	seq.s32 s10, $0x1;
	s10 =	sld [smem:$0x3FB3];
	_ =	sdelay $0x3  }
0x34: {  	[smem:$0x3FB3] =	sst s10  }
0x35: {  	s10 =	sld [smem:$0x3FB2];
	_ =	sdelay $0x3  }
0x36: {  	p1 =	seq.s32 s10, $0x1;
	s10 =	sld [smem:$0x3FB3];
	_ =	sdelay $0x3  }
0x37: {  	[smem:$0x3FB3] =	sst s10  }
0x38: {  	s10 =	sld [smem:$0x3FB4]  }
0x39: {  	_ = 	snop;
	(pc) =	sbr.ind lr, $3  }
0x3a: {  	_ = 	snop  }
0x3b: {  	_ = 	snop  }
0x3c: {  	p2 =	seq.s32 s10, $0x1;
	s10 =	sld [smem:$0x3FB3]  }
0x3d: {  	_ =	shalt  }
0x3e: {  	_ =	shalt  }
0x3f: {  	_ =	shalt  }
0x40: {  	_ =	shalt  }
0x41: {  	_ =	shalt  }
0x42: {  	_ =	shalt  }
0x43: {  	_ =	shalt  }
0x44: {  	_ =	shalt  }
0x45: {  	_ =	shalt  }
0x46: {  	_ =	shalt  }
0x47: {  	_ =	shalt  }
0x48: {  	_ =	shalt  }
0x49: {  	_ =	shalt  }
0x4a: {  	_ =	shalt  }
0x4b: {  	_ =	shalt  }
0x4c: {  	_ =	shalt  }
0x4d: {  	_ =	shalt  }
0x4e: {  	_ =	shalt  }
0x4f: {  	_ =	shalt  }
0x50: {  	_ =	shalt  }
0x51: {  	_ =	shalt  }
0x52: {  	_ =	shalt  }
0x53: {  	_ =	shalt  }
0x54: {  	_ =	shalt  }
0x55: {  	_ =	shalt  }
0x56: {  	_ =	shalt  }
0x57: {  	_ =	shalt  }
0x58: {  	_ =	shalt  }
0x59: {  	_ =	shalt  }
0x5a: {  	_ =	shalt  }
0x5b: {  	_ =	shalt  }
0x5c: {  	_ =	shalt  }
0x5d: {  	_ =	shalt  }
0x5e: {  	_ =	shalt  }
0x5f: {  	_ =	shalt  }
0x60: {  	_ =	shalt  }
0x61: {  	_ =	shalt  }
0x62: {  	_ =	shalt  }
0x63: {  	_ =	shalt  }
0x64: {  	_ =	shalt  }
0x65: {  	_ =	shalt  }
0x66: {  	_ =	shalt  }
0x67: {  	_ =	shalt  }
0x68: {  	_ =	shalt  }
0x69: {  	_ =	shalt  }
0x6a: {  	_ =	shalt  }
0x6b: {  	_ =	shalt  }
0x6c: {  	_ =	shalt  }
0x6d: {  	_ =	shalt  }
0x6e: {  	_ =	shalt  }
0x6f: {  	_ =	shalt  }
0x70: {  	_ =	shalt  }
0x71: {  	_ =	shalt  }
0x72: {  	_ =	shalt  }
0x73: {  	_ =	shalt  }
0x74: {  	_ =	shalt  }
0x75: {  	_ =	shalt  }
0x76: {  	_ =	shalt  }
0x77: {  	_ =	shalt  }
0x78: {  	_ =	shalt  }
0x79: {  	_ =	shalt  }
0x7a: {  	_ =	shalt  }
0x7b: {  	_ =	shalt  }
0x7c: {  	_ =	shalt  }
0x7d: {  	_ =	shalt  }
0x7e: {  	_ =	shalt  }
0x7f: {  	_ =	shalt  }
0x80: {  	_ =	shalt  }
0x81: {  	_ =	shalt  }
0x82: {  	_ =	shalt  }
0x83: {  	_ =	shalt  }
0x84: {  	_ =	shalt  }
0x85: {  	_ =	shalt  }
0x86: {  	_ =	shalt  }
0x87: {  	_ =	shalt  }
.Lfunc_end0:
.L_simem_size_0:
called_computation.2_lowered:
.L_overlay_start_0:
0x88: {  	s2 =	sld [smem:$0x3FD9]  }
0x89: {  	s3 =	sld [smem:$0x3FFE];
	_ =	sdelay $0x1  }
0x8a: {  	s1 =	srdreg.scid  }
0x8b: {  	s0 =	sand.u32 $0x1, s1  }
0x8c: {  	s17 =	sshll.u32 s0, $0xA;
	s2 =	sadd.s32 s3, s2  }
0x8d: {  	s2 =	sadd.s32 s2, s17  }
0x8e: {  	[smem:$0x3FBF] =	sst s2  }
0x8f: {  	_ = 	snop  }
0x90: {  	(tm) =	ssettm $0x1  }
0x91: {  	s18 =	sld [smem:$0x3FFB];
	_ =	sdelay $0x3  }
0x92: {  	_ =	strace s18  }
0x93: {  	s2 =	sld [smem:$0x3FFC];
	_ =	sdelay $0x3  }
0x94: {  	_ =	strace s2  }
0x95: {  	s2 =	sld [smem:$0x3FFD];
	_ =	sdelay $0x3  }
0x96: {  	_ =	strace s2  }
0x97: {  	_ =	strace $0x8FFFFFFF  }
0x98: {  	s19 =	sld [smem:$0x3FDB];
	_ =	sdelay $0x1  }
0x99: {  	s20 =	simm.s32 $_scs_section_size  }
0x9a: {  	s4 =	simm.s32 $_size__tile_overlayer_lowered;
	s5 =	simm.s32 $_tile_overlayer_lowered  }
0x9b: {  	s6 =	simm.s32 $0x1BFF;
	s21 =	sshll.u32 s5, $0x1;
	s3 =	sadd.s32 s20, s19  }
0x9c: {  	s22 =	simm.s32 $0x0;
	s4 =	sshll.u32 s4, $0x1;
	s5 =	sadd.s32 s21, s3  }
0x9d: {  	[timem:s22], [sflag:s6] =	dma.local [hbm:s5], s4  }
0x9e: {  	_ =	swait.ge [sflag:s6], s4  }
0x9f: {  	s4 =	ssub.s32 $0x0, s4;
	[sflag:s6] =	ssyncset.done $0x0  }
0xa0: {  	[sflag:s6] =	ssyncadd.s32 s4;
	_ =	sdelay $0x1  }
0xa1: {  	s23 =	simm.s32 $0x1B8B  }
0xa2: {  	_ =	swait.ge [sflag:s23], $0x1  }
0xa3: {  	[sflag:s23] =	ssyncset.done $0x0  }
0xa4: {  	[sflag:s23] =	ssyncadd.s32 $0xFFFFFFFF  }
0xa5: {  	s4 =	sld [smem:$0x0]  }
0xa6: {  	s5 =	sand.u32 $0xFFFFFFFE, s1  }
0xa7: {  	p0 =	sne.s32 s1, s5  }
0xa8: {  	s5 =	sshll.u32 @p0 s5, $0xE  }
0xa9: {  	s5 =	sadd.s32 @p0 $0x11B8D, s5;
	s6 =	sshll.u32 @p0 s4, $0x11  }
0xaa: {  	s5 =	sor.u32 @p0 s6, s5  }
0xab: {  	[sflag:s5] =	ssyncadd.remote.s32 @p0 $0x1;
	_ =	sdelay $0x1  }
0xac: {  	s5 =	simm.s32 @p0 $0x1B8D  }
0xad: {  	_ =	swait.eq @p0 [sflag:s5], $0x1  }
0xae: {  	[sflag:s5] =	ssyncadd.s32 @p0 $0xFFFFFFFF  }
0xaf: {  	s6 =	sshll.u32 @!p0 s1, $0xE  }
0xb0: {  	s6 =	sor.u32 @!p0 $0x4000, s6;
	s5 =	simm.s32 @!p0 $0x1B8D  }
0xb1: {  	s4 =	sshll.u32 @!p0 s4, $0x11;
	s6 =	sadd.s32 @!p0 $0x11B8D, s6;
	_ =	swait.eq @!p0 [sflag:s5], $0x1  }
0xb2: {  	s4 =	sor.u32 @!p0 s4, s6;
	[sflag:s5] =	ssyncadd.s32 @!p0 $0xFFFFFFFF  }
0xb3: {  	s25 =	simm.s32 $0x1B8E;
	s24 =	sld [smem:$0x3FFE];
	[sflag:s4] =	ssyncadd.remote.s32 @!p0 $0x1  }
0xb4: {  	s26 =	simm.s32 $execute0_lowered;
	[smem:$0x3FD2] =	sst s25  }
0xb5: {  	s5 =	sshll.u32 s26, $0x1;
	_ =	strace $0x80000049;
	[dreg:$0x1] =	wrdreg $0xFFFFFFFF  }
0xb6: {  	s28 =	simm.s32 $_size_execute0_lowered;
	s3 =	sadd.s32 s3, s5;
	[dreg:$0x0] =	wrdreg $0x0  }
0xb7: {  	s5 =	sshll.u32 s28, $0x1;
	[dreg:$0x2] =	wrdreg s3  }
0xb8: {  	[dreg:$0x3] =	wrdreg s5  }
0xb9: {  	[dreg:$0x4] =	wrdreg $0xC0  }
0xba: {  	_ =	task [dreg:s22], $0x5FFFF  }
0xbb: {  	[dreg:$0x1] =	wrdreg $0xFFFFFFFF  }
0xbc: {  	[dreg:$0x0] =	wrdreg $0x60  }
0xbd: {  	[dreg:$0x2] =	wrdreg s24  }
0xbe: {  	[dreg:$0x3] =	wrdreg $0x9  }
0xbf: {  	_ =	task.clear_ibuf [dreg:s22], $0x4FFFF;
	_ =	strace $0x90000049  }
0xc0: {  	s29 =	simm.s32 $0x9;
	_ =	strace $0x8000004B  }
0xc1: {  	_ =	swait.ge [sflag:s29], $0x1  }
0xc2: {  	[sflag:s29] =	ssyncadd.s32 $0xFFFFFFFF  }
0xc3: {  	_ =	strace $0x9000004B  }
0xc4: {  	_ =	sfence  }
0xc5: {  	s30 =	sld [smem:$0x0];
	_ =	sdelay $0x2  }
0xc6: {  	s31 =	sshll.u32 s1, $0xD;
	s1 =	sshrl.u32 s1, $0x2  }
0xc7: {  	s4 =	sand.u32 $0x4000, s31;
	s1 =	sadd.s32 s1, s30  }
0xc8: {  	s0 =	sor.u32 s4, s0;
	s1 =	sshll.u32 s1, $0x11  }
0xc9: {  	s0 =	sor.u32 s1, s0  }
0xca: {  	s0 =	sadd.s32 $0x8F2B, s0  }
0xcb: {  	[sflag:s0] =	ssyncadd.remote.s32 $0x1  }
0xcc: {  	_ =	sfence.sel $0xFFFF  }
0xcd: {  	[dreg:$0x0] =	wrdreg $0xFFFFFFFF;
	(pc) =	sbr.abs _section_cstart, $3  }
0xce: {  	[dreg:$0x1] =	wrdreg $0xFFFFFFFF  }
0xcf: {  	_ =	task.clear_ibuf [dreg:s22], $0x2FFFF;
	_ =	strace $0x9FFFFFFF  }
0xd0: {  	(tm) =	ssettm $0x7FFFFFFF  }
0xd1: {  	_ =	shalt  }
tec
execute0_lowered:
.L_overlay_start_1:
0x0: {  	(tag) =	ssettag $0x1  }
0x1: {  	s7 =	rddreg [dreg:$0x0]  }
0x2: {  	s0 =	rddreg [dreg:$0x1];
	_ =	strace $0x8000004A  }
0x3: {  	s1 =	srdreg.scid;
	s4 =	simm.s32 $0x1;
	s9 =	simm.s32 $0x3  }
0x4: {  	s11 =	simm.s32 $0x0;
	p0 =	por $0x0, $0x0;
	s5 =	sshll.u32 s1, $0x4  }
.Ltmp0:
0x5: {  	s1 =	stileid.u32;
	s5 =	sand.u32 $0x10, s5;
	(pc) =	sbr.rel .LBB2_1-.Ltmp0, $4  }
0x6: {  	s2 =	sadd.s32 $0x2A00, s7;
	s3 =	sadd.s32 $0x2200, s7;
	s6 =	sor.u32 s1, s5  }
0x7: {  	[sflag:s4] =	ssyncpa.u1 $0x0;
	s5 =	simm.s32 $0x2;
	s6 =	sshll.u32 s6, $0x9  }
0x8: {  	s7 =	sadd.s32 $0x43200, s7;
	[sflag:s5] =	ssyncpa.u1 $0x0;
	s8 =	sadd.s32 $0x200, s6  }
0x9: {  	vm0 =	vmmov $0xff;
	vm1 =	vcmask $0x3F20;
	[sflag:s9] =	ssyncpa.u1 $0x0;
	s10 =	smov.u32 s6;
	s9 =	simm.s32 $0x0  }
.LBB2_7:
0xa: {  	p1 =	slt.u32 s9, $0x2;
	s11 =	sadd.s32 $0x100, s10  }
0xb: {  	s13 =	smov.u32 s6;
	s9 =	sadd.s32 $0x1, s9;
	p2 =	slt.s32 s11, s8  }
0xc: {  	s13 =	smov.u32 @p2 s11;
	p2 =	sne.s32 s9, $0x4  }
.Ltmp1:
0xd: {  	_ = 	snop;
	(pc) =	sbr.rel @!p2 .LBB2_8-.Ltmp1, $4  }
0xe: {  	s12 =	simm.s32 @!p1 $0x3  }
0xf: {  	_ =	swait.ge @!p1 [sflag:s12], $0x8000  }
0x10: {  	p0 =	por !p0, !p0;
	[sflag:s12] =	ssyncset.done @!p1 $0x0  }
0x11: {  	s11 =	smov.u32 s10;
	s10 =	smov.u32 s13;
	[sflag:s12] =	ssyncadd.s32 @!p1 $0xFFFF8000  }
.LBB2_1:
0x12: {  	p1 =	sgt.u32 s9, $0x1  }
0x13: {  	s12 =	sshll.u32 @!p1 s9, $0x8;
	s13 =	sshrl.u32 @!p1 s10, $0x3  }
0x14: {  	s14 =	sand.u32 @!p1 $0x7, s10;
	s12 =	sxor.u32 @!p1 $0x100, s12;
	s13 =	sadd.s32 @!p1 s3, s13  }
0x15: {  	[tilespmem:s12], [sflag:$0x2] =	stream.linear.gather @!p1 [hbm4b:s13+s14], $0x100, $0x38;
	[tilespmem:$0x10200] =	vst v63  }
0x16: {  	p1 =	seq.s32 s9, $0x0  }
0x17: {  	p2 =	seq.s32 @!p1 s9, $0x3  }
0x18: {  	p1 =	por p1, p2  }
.Ltmp2:
0x19: {  	_ = 	snop;
	(pc) =	sbr.rel @p1 .LBB2_7-.Ltmp2, $1  }
0x1a: {  	_ =	sdelay $0x3  }
0x1b: {  	s12 =	simm.s32 $0x1  }
0x1c: {  	_ =	swait.ge [sflag:s5], $0x100;
	s12 =	simm.s32 @!p0 $0x0  }
0x1d: {  	[sflag:s5] =	ssyncset.done $0x0;
	s14 =	sshll.u32 s12, $0x8  }
0x1e: {  	[sflag:s5] =	ssyncadd.s32 $0xFFFFFF00;
	s13 =	sadd.s32 $0x0, s14  }
0x1f: {  	v0 =	vld.msk [tilespmem:s13+$0x0 ss:$0x1], $0xffff;
	_ =	sdelay $0x4  }
0x20: {  	vm2 =	vgt.s32 v0, $0x0  }
0x21: {  	v0 =	vnsel vm2, $0x0, v0  }
0x22: {  	v0 =	vmin.u32 v0, $0x3FFF  }
0x23: {  	v0 =	vshll.u32 v0, $0x4;
	_ =	sdelay $0x2  }
0x24: {  	s12 =	sshll.u32 s12, $0xF  }
0x25: {  	s12 =	sor.u32 $0x200, s12  }
0x26: {  	[tilespmem:s12], [sflag:$0x1] =	stream.indirect_vreg.gather [hbm:s2], $0x80, v0, vm0, $0x38;
	[tilespmem:$0x10200] =	vst v63  }
0x27: {  	s15 =	sadd.s32 $0x10, s14;
	s13 =	sadd.s32 $0x400, s12  }
0x28: {  	[tilespmem:s13], [sflag:$0x1] =	stream.indirect_vreg.gather [hbm:s2], $0x80, v0, vm1, $0x38;
	[tilespmem:$0x10200] =	vst v63  }
0x29: {  	s16 =	simm.s32 $0x80;
	v0 =	vld.msk [tilespmem:s15+$0x0 ss:$0x1], $0xffff;
	s15 =	smov.u32 s12  }
.LBB2_3:
0x2a: {  	p1 =	sne.s32 s16, $0x3C0;
	_ =	sdelay $0x4  }
0x2b: {  	vm2 =	vgt.s32 v0, $0x0  }
0x2c: {  	v0 =	vnsel vm2, $0x0, v0  }
0x2d: {  	v0 =	vmin.u32 v0, $0x3FFF  }
0x2e: {  	v0 =	vshll.u32 v0, $0x4;
	_ =	sdelay $0x3  }
.Ltmp3:
0x2f: {  	s17 =	sshra.s32 s16, $0x2;
	s15 =	sadd.s32 $0x800, s15;
	(pc) =	sbr.rel @p1 .LBB2_3-.Ltmp3, $4  }
0x30: {  	[tilespmem:s15], [sflag:$0x1] =	stream.indirect_vreg.gather [hbm:s2], $0x80, v0, vm0, $0x38;
	[tilespmem:$0x10200] =	vst v63  }
0x31: {  	s17 =	sadd.s32 s17, s14;
	s18 =	sadd.s32 $0x400, s15  }
0x32: {  	[tilespmem:s18], [sflag:$0x1] =	stream.indirect_vreg.gather [hbm:s2], $0x80, v0, vm1, $0x38;
	[tilespmem:$0x10200] =	vst v63  }
0x33: {  	s16 =	sadd.s32 $0x40, s16;
	v0 =	vld.msk [tilespmem:s17+$0x0 ss:$0x1], $0xffff  }
0x34: {  	_ =	sdelay $0x3  }
0x35: {  	vm2 =	vgt.s32 v0, $0x0  }
0x36: {  	v0 =	vnsel vm2, $0x0, v0  }
0x37: {  	v0 =	vmin.u32 v0, $0x3FFF  }
0x38: {  	v0 =	vshll.u32 v0, $0x4;
	_ =	sdelay $0x3  }
0x39: {  	s14 =	sadd.s32 $0x800, s15  }
0x3a: {  	[tilespmem:s14], [sflag:$0x1] =	stream.indirect_vreg.gather [hbm:s2], $0x80, v0, vm0, $0x38;
	[tilespmem:$0x10200] =	vst v63  }
0x3b: {  	s14 =	sadd.s32 $0x400, s14  }
0x3c: {  	[tilespmem:s14], [sflag:$0x1] =	stream.indirect_vreg.gather [hbm:s2], $0x80, v0, vm1, $0x38;
	[tilespmem:$0x10200] =	vst v63  }
0x3d: {  	s11 =	sshll.u32 s11, $0x4;
	_ =	swait.ge [sflag:s4], $0x8000  }
0x3e: {  	s11 =	sadd.s32 s11, s7;
	[sflag:s4] =	ssyncset.done $0x0  }
0x3f: {  	s15 =	sadd.s32 $0x0, s11;
	s14 =	simm.s32 $0x80;
	[sflag:s4] =	ssyncadd.s32 $0xFFFF8000  }
.LBB2_5:
0x40: {  	[hbm:s15] =	stream.linear.scatter [tilespmem:s12], [sflag:$0x3], $0x400, $0x38;
	[tilespmem:$0x10200] =	vst v63  }
0x41: {  	s15 =	smov.u32 s14;
	s12 =	smov.u32 s13;
	p1 =	sne.s32 s14, $0xF80  }
.Ltmp4:
0x42: {  	s14 =	sadd.s32 $0x80, s14;
	(pc) =	sbr.rel @p1 .LBB2_5-.Ltmp4, $2  }
0x43: {  	_ =	sdelay $0x2  }
0x44: {  	s13 =	sadd.s32 $0x400, s13;
	s15 =	sadd.s32 s15, s11  }
.Ltmp5:
0x45: {  	(pc) =	sbr.rel .LBB2_7-.Ltmp5, $2  }
0x46: {  	_ =	sdelay $0x2  }
0x47: {  	[hbm:s15] =	stream.linear.scatter [tilespmem:s12], [sflag:$0x3], $0x400, $0x38;
	[tilespmem:$0x10200] =	vst v63  }
.LBB2_8:
0x48: {  	_ =	sfence.sel $0x180000  }
0x49: {  	s2 =	simm.s32 $0x2;
	[bflag:$0x0] =	sbarrier.arrive $0xFFFF  }
0x4a: {  	s30 =	simm.s32 $0x3;
	[sflag:s2] =	ssyncpa.u1 $0x1  }
0x4b: {  	s31 =	simm.s32 $0x1;
	[sflag:s30] =	ssyncpa.u1 $0x1  }
0x4c: {  	[sflag:s31] =	ssyncpa.u1 $0x1  }
0x4d: {  	p0 =	sne.s32 s1, $0x0;
	_ =	strace $0x9000004A  }
0x4e: {  	s0 =	sadd.s32 @!p0 $0x100000, s0;
	[bflag:$0x2] =	sbarrier.arrive $0xFFFF  }
0x4f: {  	[sflag:s0] =	ssyncadd.tile.s32 @!p0 $0x1;
	_ =	shalt  }
.Lfunc_end2:
_tile_overlayer_lowered:
.L_overlay_start_2:
0x50: {  	(tag) =	ssettag $0x2  }
0x51: {  	s0 =	rddreg [dreg:$0x0];
	s2 =	stileid.u32  }
0x52: {  	s1 =	rddreg [dreg:$0x1];
	p0 =	sne.s32 s2, $0x0  }
0x53: {  	s3 =	rddreg [dreg:$0x2];
	[bflag:$0x3] =	sbarrier.arrive $0xFFFF;
	s2 =	simm.s32 @!p0 $0x1C01  }
0x54: {  	[timem:s3], [sflag:s2] =	dma.local @!p0 [hbm:s0], s1  }
0x55: {  	s0 =	simm.s32 @!p0 $0x1  }
0x56: {  	_ =	swait.ge @!p0 [sflag:s0], s1  }
0x57: {  	s1 =	ssub.s32 @!p0 $0x0, s1;
	[sflag:s0] =	ssyncset.done @!p0 $0x0  }
0x58: {  	[sflag:s0] =	ssyncadd.s32 @!p0 s1  }
0x59: {  	[bflag:$0x3] =	sbarrier.arrive $0xFFFF  }
0x5a: {  	_ =	shalt  }

// kernel: gather_offload_async_start.2
scs
__scs_entry_jumppad:
0x0: {  	(pc) =	sbr.rel $0x88, $3  }
0x1: {  	(tag) =	ssettag $0x0;
	lr =	simm.s32 $0x1  }
0x2: {  	[smem:$0x3F98] =	sst lr;
	_ =	strace $0xD0000000  }
0x3: {  	_ = 	snop  }
0x4: {  	_ = 	snop  }
0x5: {  	_ = 	snop  }
0x6: {  	_ = 	snop  }
0x7: {  	_ = 	snop  }
__scs_overlays_trampoline_lowered:
0x8: {  	[smem:$0x3FA7] =	sst s0  }
0x9: {  	[smem:$0x3FA8] =	sst s1  }
0xa: {  	[smem:$0x3FA9] =	sst s2  }
0xb: {  	[smem:$0x3FAA] =	sst s3  }
0xc: {  	[smem:$0x3FAB] =	sst s4  }
0xd: {  	[smem:$0x3FAC] =	sst s5  }
0xe: {  	[smem:$0x3FAD] =	sst s6  }
0xf: {  	[smem:$0x3FAE] =	sst s7  }
0x10: {  	[smem:$0x3FAF] =	sst s8  }
0x11: {  	[smem:$0x3FB0] =	sst s9;
	s0 =	simm.s32 @!p0 $0x0  }
0x12: {  	s1 =	sld [smem:$0x3F96];
	s0 =	simm.s32 @p0 $0x1  }
0x13: {  	[smem:$0x3FB1] =	sst s0;
	s0 =	simm.s32 @!p1 $0x0  }
0x14: {  	s2 =	sld [smem:$0x3F95];
	s0 =	simm.s32 @p1 $0x1  }
0x15: {  	[smem:$0x3FB2] =	sst s0;
	s0 =	simm.s32 @!p2 $0x0  }
0x16: {  	s3 =	sld [smem:$0x3FDB];
	s0 =	simm.s32 @p2 $0x1  }
0x17: {  	s4 =	simm.s32 $0x1BF5;
	[smem:$0x3FB4] =	sst s0  }
0x18: {  	s0 =	sld [smem:$0x3F97];
	_ =	swait.ge [sflag:s4], $0x0  }
0x19: {  	s7 =	sld [smem:$0x3F98]  }
0x1a: {  	s8 =	sadd.s32 $0xFFFFE003, lr  }
0x1b: {  	s9 =	sadd.s32 $0xFFFFFEF7, lr;
	s5 =	simm.s32 $0xFFFFFFFF;
	p2 =	slt.u32 s8, $0xFFFFF086  }
0x1c: {  	p1 =	slt.u32 s9, $0xF7A;
	s5 =	simm.s32 @!p2 $0x0  }
0x1d: {  	s5 =	simm.s32 @p1 $0x1;
	p0 =	seq.s32 s7, s2  }
0x1e: {  	s7 =	smul.u32 @!p0 $0xF7A, s2;
	p2 =	seq.s32 @!p0 s5, $0x0  }
0x1f: {  	s9 =	smul.u32 $0xF7A, s1;
	s8 =	simm.s32 @!p0 $0x1BF5;
	p2 =	por !p2, p0  }
0x20: {  	[sflag:s8] =	ssyncset.s32 @!p0 $0xFFFFF086;
	s6 =	sadd.s32 @!p0 s3, s7;
	s7 =	simm.s32 @!p0 $0x108  }
0x21: {  	s3 =	sadd.s32 s3, s9;
	s6 =	sadd.s32 @!p0 $0x88, s6;
	s7 =	simm.s32 @p2 $0x1082  }
0x22: {  	[simem:s7], [sflag:s8] =	dma.local @!p0 [hbm:s6], $0xF7A  }
0x23: {  	s9 =	sor.u32 $0xD0000000, s2;
	s6 =	simm.s32 $0x108;
	_ =	swait.ge @!p0 [sflag:s8], $0x0  }
0x24: {  	s3 =	sadd.s32 $0x88, s3;
	s6 =	simm.s32 @!p1 $0x1082;
	[sflag:s4] =	ssyncset.s32 $0xFFFFF086  }
0x25: {  	[simem:s6], [sflag:s4] =	dma.local [hbm:s3], $0xF7A  }
0x26: {  	[smem:$0x3F98] =	sst s1;
	(tag) =	ssettag s2;
	_ =	strace s9  }
0x27: {  	s1 =	sld [smem:$0x3FA8]  }
0x28: {  	s2 =	sld [smem:$0x3FA9]  }
0x29: {  	s4 =	sld [smem:$0x3FAB]  }
0x2a: {  	p0 =	seq.s32 s5, $0x0;
	s5 =	sld [smem:$0x3FAC]  }
0x2b: {  	s6 =	sld [smem:$0x3FAD]  }
0x2c: {  	s7 =	sld [smem:$0x3FAE]  }
0x2d: {  	s3 =	simm.s32 $0x108;
	s8 =	sld [smem:$0x3FAF]  }
0x2e: {  	s3 =	simm.s32 @!p0 $0x1082;
	s9 =	sld [smem:$0x3FB0]  }
0x2f: {  	lr =	sadd.s32 s0, s3;
	s0 =	sld [smem:$0x3FA7]  }
0x30: {  	s3 =	sld [smem:$0x3FAA]  }
0x31: {  	[smem:$0x3FB3] =	sst s10  }
0x32: {  	s10 =	sld [smem:$0x3FB1];
	_ =	sdelay $0x3  }
0x33: {  	p0 =	seq.s32 s10, $0x1;
	s10 =	sld [smem:$0x3FB3];
	_ =	sdelay $0x3  }
0x34: {  	[smem:$0x3FB3] =	sst s10  }
0x35: {  	s10 =	sld [smem:$0x3FB2];
	_ =	sdelay $0x3  }
0x36: {  	p1 =	seq.s32 s10, $0x1;
	s10 =	sld [smem:$0x3FB3];
	_ =	sdelay $0x3  }
0x37: {  	[smem:$0x3FB3] =	sst s10  }
0x38: {  	s10 =	sld [smem:$0x3FB4]  }
0x39: {  	_ = 	snop;
	(pc) =	sbr.ind lr, $3  }
0x3a: {  	_ = 	snop  }
0x3b: {  	_ = 	snop  }
0x3c: {  	p2 =	seq.s32 s10, $0x1;
	s10 =	sld [smem:$0x3FB3]  }
0x3d: {  	_ =	shalt  }
0x3e: {  	_ =	shalt  }
0x3f: {  	_ =	shalt  }
0x40: {  	_ =	shalt  }
0x41: {  	_ =	shalt  }
0x42: {  	_ =	shalt  }
0x43: {  	_ =	shalt  }
0x44: {  	_ =	shalt  }
0x45: {  	_ =	shalt  }
0x46: {  	_ =	shalt  }
0x47: {  	_ =	shalt  }
0x48: {  	_ =	shalt  }
0x49: {  	_ =	shalt  }
0x4a: {  	_ =	shalt  }
0x4b: {  	_ =	shalt  }
0x4c: {  	_ =	shalt  }
0x4d: {  	_ =	shalt  }
0x4e: {  	_ =	shalt  }
0x4f: {  	_ =	shalt  }
0x50: {  	_ =	shalt  }
0x51: {  	_ =	shalt  }
0x52: {  	_ =	shalt  }
0x53: {  	_ =	shalt  }
0x54: {  	_ =	shalt  }
0x55: {  	_ =	shalt  }
0x56: {  	_ =	shalt  }
0x57: {  	_ =	shalt  }
0x58: {  	_ =	shalt  }
0x59: {  	_ =	shalt  }
0x5a: {  	_ =	shalt  }
0x5b: {  	_ =	shalt  }
0x5c: {  	_ =	shalt  }
0x5d: {  	_ =	shalt  }
0x5e: {  	_ =	shalt  }
0x5f: {  	_ =	shalt  }
0x60: {  	_ =	shalt  }
0x61: {  	_ =	shalt  }
0x62: {  	_ =	shalt  }
0x63: {  	_ =	shalt  }
0x64: {  	_ =	shalt  }
0x65: {  	_ =	shalt  }
0x66: {  	_ =	shalt  }
0x67: {  	_ =	shalt  }
0x68: {  	_ =	shalt  }
0x69: {  	_ =	shalt  }
0x6a: {  	_ =	shalt  }
0x6b: {  	_ =	shalt  }
0x6c: {  	_ =	shalt  }
0x6d: {  	_ =	shalt  }
0x6e: {  	_ =	shalt  }
0x6f: {  	_ =	shalt  }
0x70: {  	_ =	shalt  }
0x71: {  	_ =	shalt  }
0x72: {  	_ =	shalt  }
0x73: {  	_ =	shalt  }
0x74: {  	_ =	shalt  }
0x75: {  	_ =	shalt  }
0x76: {  	_ =	shalt  }
0x77: {  	_ =	shalt  }
0x78: {  	_ =	shalt  }
0x79: {  	_ =	shalt  }
0x7a: {  	_ =	shalt  }
0x7b: {  	_ =	shalt  }
0x7c: {  	_ =	shalt  }
0x7d: {  	_ =	shalt  }
0x7e: {  	_ =	shalt  }
0x7f: {  	_ =	shalt  }
0x80: {  	_ =	shalt  }
0x81: {  	_ =	shalt  }
0x82: {  	_ =	shalt  }
0x83: {  	_ =	shalt  }
0x84: {  	_ =	shalt  }
0x85: {  	_ =	shalt  }
0x86: {  	_ =	shalt  }
0x87: {  	_ =	shalt  }
.Lfunc_end0:
.L_simem_size_0:
called_computation.3_lowered:
.L_overlay_start_0:
0x88: {  	s2 =	sld [smem:$0x3FD9]  }
0x89: {  	s3 =	sld [smem:$0x3FFE];
	_ =	sdelay $0x1  }
0x8a: {  	s1 =	srdreg.scid  }
0x8b: {  	s0 =	sand.u32 $0x1, s1  }
0x8c: {  	s16 =	sshll.u32 s0, $0xA;
	s2 =	sadd.s32 s3, s2  }
0x8d: {  	s2 =	sadd.s32 s2, s16  }
0x8e: {  	[smem:$0x3FBF] =	sst s2  }
0x8f: {  	_ = 	snop  }
0x90: {  	(tm) =	ssettm $0x1  }
0x91: {  	s17 =	sld [smem:$0x3FFB];
	_ =	sdelay $0x3  }
0x92: {  	_ =	strace s17  }
0x93: {  	s2 =	sld [smem:$0x3FFC];
	_ =	sdelay $0x3  }
0x94: {  	_ =	strace s2  }
0x95: {  	s2 =	sld [smem:$0x3FFD];
	_ =	sdelay $0x3  }
0x96: {  	_ =	strace s2  }
0x97: {  	_ =	strace $0x8FFFFFFF  }
0x98: {  	s18 =	sld [smem:$0x3FDB];
	_ =	sdelay $0x1  }
0x99: {  	s19 =	simm.s32 $_scs_section_size  }
0x9a: {  	s4 =	simm.s32 $_size__tile_overlayer_lowered;
	s5 =	simm.s32 $_tile_overlayer_lowered  }
0x9b: {  	s22 =	simm.s32 $0x1BFF;
	s21 =	sshll.u32 s5, $0x1;
	s2 =	sadd.s32 s19, s18  }
0x9c: {  	s6 =	simm.s32 $0x0;
	s20 =	sshll.u32 s4, $0x1;
	s4 =	sadd.s32 s21, s2  }
0x9d: {  	[timem:s6], [sflag:s22] =	dma.local [hbm:s4], s20  }
0x9e: {  	_ =	swait.ge [sflag:s22], s20  }
0x9f: {  	s3 =	ssub.s32 $0x0, s20;
	[sflag:s22] =	ssyncset.done $0x0  }
0xa0: {  	[sflag:s22] =	ssyncadd.s32 s3;
	_ =	sdelay $0x1  }
0xa1: {  	s23 =	simm.s32 $0x1B8B  }
0xa2: {  	_ =	swait.ge [sflag:s23], $0x1  }
0xa3: {  	[sflag:s23] =	ssyncset.done $0x0  }
0xa4: {  	s25 =	simm.s32 $0x1B8E;
	s24 =	sld [smem:$0x3FFE];
	[sflag:s23] =	ssyncadd.s32 $0xFFFFFFFF  }
0xa5: {  	s26 =	simm.s32 $execute0_lowered;
	[smem:$0x3FD2] =	sst s25  }
0xa6: {  	s4 =	sshll.u32 s26, $0x1;
	_ =	strace $0x8000004F;
	[dreg:$0x1] =	wrdreg $0xFFFFFFFF  }
0xa7: {  	s28 =	simm.s32 $_size_execute0_lowered;
	s2 =	sadd.s32 s2, s4;
	[dreg:$0x0] =	wrdreg $0x0  }
0xa8: {  	s4 =	sshll.u32 s28, $0x1;
	[dreg:$0x2] =	wrdreg s2  }
0xa9: {  	[dreg:$0x3] =	wrdreg s4  }
0xaa: {  	[dreg:$0x4] =	wrdreg $0xC0  }
0xab: {  	_ =	task [dreg:s6], $0x5FFFF  }
0xac: {  	[dreg:$0x1] =	wrdreg $0xFFFFFFFF  }
0xad: {  	[dreg:$0x0] =	wrdreg $0x60  }
0xae: {  	[dreg:$0x2] =	wrdreg s24  }
0xaf: {  	[dreg:$0x3] =	wrdreg $0x9  }
0xb0: {  	_ =	task.clear_ibuf [dreg:s6], $0x4FFFF;
	_ =	strace $0x9000004F  }
0xb1: {  	s29 =	simm.s32 $0x9;
	_ =	strace $0x80000051  }
0xb2: {  	_ =	swait.ge [sflag:s29], $0x1  }
0xb3: {  	[sflag:s29] =	ssyncadd.s32 $0xFFFFFFFF  }
0xb4: {  	_ =	strace $0x90000051  }
0xb5: {  	_ =	sfence  }
0xb6: {  	s30 =	sld [smem:$0x0];
	_ =	sdelay $0x2  }
0xb7: {  	s31 =	sshll.u32 s1, $0xD;
	s1 =	sshrl.u32 s1, $0x2  }
0xb8: {  	s3 =	sand.u32 $0x4000, s31;
	s1 =	sadd.s32 s1, s30  }
0xb9: {  	s0 =	sor.u32 s3, s0;
	s1 =	sshll.u32 s1, $0x11  }
0xba: {  	s0 =	sor.u32 s1, s0  }
0xbb: {  	s0 =	sadd.s32 $0x8F2B, s0  }
0xbc: {  	[sflag:s0] =	ssyncadd.remote.s32 $0x1  }
0xbd: {  	_ =	sfence.sel $0xFFFF  }
0xbe: {  	[dreg:$0x0] =	wrdreg $0xFFFFFFFF;
	(pc) =	sbr.abs _section_cstart, $3  }
0xbf: {  	[dreg:$0x1] =	wrdreg $0xFFFFFFFF  }
0xc0: {  	_ =	task.clear_ibuf [dreg:s6], $0x2FFFF;
	_ =	strace $0x9FFFFFFF  }
0xc1: {  	(tm) =	ssettm $0x7FFFFFFF  }
tec
execute0_lowered:
.L_overlay_start_1:
0x0: {  	(tag) =	ssettag $0x1  }
0x1: {  	s7 =	rddreg [dreg:$0x0]  }
0x2: {  	s0 =	rddreg [dreg:$0x1];
	_ =	strace $0x80000050  }
0x3: {  	s1 =	srdreg.scid;
	s4 =	simm.s32 $0x1;
	s9 =	simm.s32 $0x3  }
0x4: {  	s11 =	simm.s32 $0x0;
	p0 =	por $0x0, $0x0;
	s5 =	sshll.u32 s1, $0x4  }
.Ltmp0:
0x5: {  	s1 =	stileid.u32;
	s5 =	sand.u32 $0x10, s5;
	(pc) =	sbr.rel .LBB2_1-.Ltmp0, $4  }
0x6: {  	s2 =	sadd.s32 $0x2200, s7;
	s3 =	sadd.s32 $0x3D9400, s7;
	s6 =	sor.u32 s1, s5  }
0x7: {  	[sflag:s4] =	ssyncpa.u1 $0x0;
	s5 =	simm.s32 $0x2;
	s6 =	sshll.u32 s6, $0x9  }
0x8: {  	s7 =	sadd.s32 $0x42200, s7;
	[sflag:s5] =	ssyncpa.u1 $0x0;
	s8 =	sadd.s32 $0x200, s6  }
0x9: {  	vm0 =	vmmov $0xff;
	vm1 =	vcmask $0x3F20;
	[sflag:s9] =	ssyncpa.u1 $0x0;
	s10 =	smov.u32 s6;
	s9 =	simm.s32 $0x0  }
.LBB2_7:
0xa: {  	p1 =	slt.u32 s9, $0x2;
	s11 =	sadd.s32 $0x100, s10  }
0xb: {  	s13 =	smov.u32 s6;
	s9 =	sadd.s32 $0x1, s9;
	p2 =	slt.s32 s11, s8  }
0xc: {  	s13 =	smov.u32 @p2 s11;
	p2 =	sne.s32 s9, $0x4  }
.Ltmp1:
0xd: {  	_ = 	snop;
	(pc) =	sbr.rel @!p2 .LBB2_8-.Ltmp1, $4  }
0xe: {  	s12 =	simm.s32 @!p1 $0x3  }
0xf: {  	_ =	swait.ge @!p1 [sflag:s12], $0x8000  }
0x10: {  	p0 =	por !p0, !p0;
	[sflag:s12] =	ssyncset.done @!p1 $0x0  }
0x11: {  	s11 =	smov.u32 s10;
	s10 =	smov.u32 s13;
	[sflag:s12] =	ssyncadd.s32 @!p1 $0xFFFF8000  }
.LBB2_1:
0x12: {  	p1 =	sgt.u32 s9, $0x1  }
0x13: {  	s12 =	sshll.u32 @!p1 s9, $0x8;
	s13 =	sshrl.u32 @!p1 s10, $0x3  }
0x14: {  	s14 =	sand.u32 @!p1 $0x7, s10;
	s12 =	sxor.u32 @!p1 $0x100, s12;
	s13 =	sadd.s32 @!p1 s3, s13  }
0x15: {  	[tilespmem:s12], [sflag:$0x2] =	stream.linear.gather @!p1 [hbm4b:s13+s14], $0x100, $0x38;
	[tilespmem:$0x10200] =	vst v63  }
0x16: {  	p1 =	seq.s32 s9, $0x0  }
0x17: {  	p2 =	seq.s32 @!p1 s9, $0x3  }
0x18: {  	p1 =	por p1, p2  }
.Ltmp2:
0x19: {  	_ = 	snop;
	(pc) =	sbr.rel @p1 .LBB2_7-.Ltmp2, $1  }
0x1a: {  	_ =	sdelay $0x3  }
0x1b: {  	s12 =	simm.s32 $0x1  }
0x1c: {  	_ =	swait.ge [sflag:s5], $0x100;
	s12 =	simm.s32 @!p0 $0x0  }
0x1d: {  	[sflag:s5] =	ssyncset.done $0x0;
	s14 =	sshll.u32 s12, $0x8  }
0x1e: {  	[sflag:s5] =	ssyncadd.s32 $0xFFFFFF00;
	s13 =	sadd.s32 $0x0, s14  }
0x1f: {  	v0 =	vld.msk [tilespmem:s13+$0x0 ss:$0x1], $0xffff;
	_ =	sdelay $0x4  }
0x20: {  	vm2 =	vgt.s32 v0, $0x0  }
0x21: {  	v0 =	vnsel vm2, $0x0, v0  }
0x22: {  	v0 =	vmin.u32 v0, $0x3FFF  }
0x23: {  	v0 =	vshll.u32 v0, $0x4;
	_ =	sdelay $0x2  }
0x24: {  	s12 =	sshll.u32 s12, $0xF  }
0x25: {  	s12 =	sor.u32 $0x200, s12  }
0x26: {  	[tilespmem:s12], [sflag:$0x1] =	stream.indirect_vreg.gather [hbm:s2], $0x80, v0, vm0, $0x38;
	[tilespmem:$0x10200] =	vst v63  }
0x27: {  	s15 =	sadd.s32 $0x10, s14;
	s13 =	sadd.s32 $0x400, s12  }
0x28: {  	[tilespmem:s13], [sflag:$0x1] =	stream.indirect_vreg.gather [hbm:s2], $0x80, v0, vm1, $0x38;
	[tilespmem:$0x10200] =	vst v63  }
0x29: {  	s16 =	simm.s32 $0x80;
	v0 =	vld.msk [tilespmem:s15+$0x0 ss:$0x1], $0xffff;
	s15 =	smov.u32 s12  }
.LBB2_3:
0x2a: {  	p1 =	sne.s32 s16, $0x3C0;
	_ =	sdelay $0x4  }
0x2b: {  	vm2 =	vgt.s32 v0, $0x0  }
0x2c: {  	v0 =	vnsel vm2, $0x0, v0  }
0x2d: {  	v0 =	vmin.u32 v0, $0x3FFF  }
0x2e: {  	v0 =	vshll.u32 v0, $0x4;
	_ =	sdelay $0x3  }
.Ltmp3:
0x2f: {  	s17 =	sshra.s32 s16, $0x2;
	s15 =	sadd.s32 $0x800, s15;
	(pc) =	sbr.rel @p1 .LBB2_3-.Ltmp3, $4  }
0x30: {  	[tilespmem:s15], [sflag:$0x1] =	stream.indirect_vreg.gather [hbm:s2], $0x80, v0, vm0, $0x38;
	[tilespmem:$0x10200] =	vst v63  }
0x31: {  	s17 =	sadd.s32 s17, s14;
	s18 =	sadd.s32 $0x400, s15  }
0x32: {  	[tilespmem:s18], [sflag:$0x1] =	stream.indirect_vreg.gather [hbm:s2], $0x80, v0, vm1, $0x38;
	[tilespmem:$0x10200] =	vst v63  }
0x33: {  	s16 =	sadd.s32 $0x40, s16;
	v0 =	vld.msk [tilespmem:s17+$0x0 ss:$0x1], $0xffff  }
0x34: {  	_ =	sdelay $0x3  }
0x35: {  	vm2 =	vgt.s32 v0, $0x0  }
0x36: {  	v0 =	vnsel vm2, $0x0, v0  }
0x37: {  	v0 =	vmin.u32 v0, $0x3FFF  }
0x38: {  	v0 =	vshll.u32 v0, $0x4;
	_ =	sdelay $0x3  }
0x39: {  	s14 =	sadd.s32 $0x800, s15  }
0x3a: {  	[tilespmem:s14], [sflag:$0x1] =	stream.indirect_vreg.gather [hbm:s2], $0x80, v0, vm0, $0x38;
	[tilespmem:$0x10200] =	vst v63  }
0x3b: {  	s14 =	sadd.s32 $0x400, s14  }
0x3c: {  	[tilespmem:s14], [sflag:$0x1] =	stream.indirect_vreg.gather [hbm:s2], $0x80, v0, vm1, $0x38;
	[tilespmem:$0x10200] =	vst v63  }
0x3d: {  	s11 =	sshll.u32 s11, $0x4;
	_ =	swait.ge [sflag:s4], $0x8000  }
0x3e: {  	s11 =	sadd.s32 s11, s7;
	[sflag:s4] =	ssyncset.done $0x0  }
0x3f: {  	s15 =	sadd.s32 $0x0, s11;
	s14 =	simm.s32 $0x80;
	[sflag:s4] =	ssyncadd.s32 $0xFFFF8000  }
.LBB2_5:
0x40: {  	[hbm:s15] =	stream.linear.scatter [tilespmem:s12], [sflag:$0x3], $0x400, $0x38;
	[tilespmem:$0x10200] =	vst v63  }
0x41: {  	s15 =	smov.u32 s14;
	s12 =	smov.u32 s13;
	p1 =	sne.s32 s14, $0xF80  }
.Ltmp4:
0x42: {  	s14 =	sadd.s32 $0x80, s14;
	(pc) =	sbr.rel @p1 .LBB2_5-.Ltmp4, $2  }
0x43: {  	_ =	sdelay $0x2  }
0x44: {  	s13 =	sadd.s32 $0x400, s13;
	s15 =	sadd.s32 s15, s11  }
.Ltmp5:
0x45: {  	(pc) =	sbr.rel .LBB2_7-.Ltmp5, $2  }
0x46: {  	_ =	sdelay $0x2  }
0x47: {  	[hbm:s15] =	stream.linear.scatter [tilespmem:s12], [sflag:$0x3], $0x400, $0x38;
	[tilespmem:$0x10200] =	vst v63  }
.LBB2_8:
0x48: {  	_ =	sfence.sel $0x180000  }
0x49: {  	s2 =	simm.s32 $0x2;
	[bflag:$0x0] =	sbarrier.arrive $0xFFFF  }
0x4a: {  	s30 =	simm.s32 $0x3;
	[sflag:s2] =	ssyncpa.u1 $0x1  }
0x4b: {  	s31 =	simm.s32 $0x1;
	[sflag:s30] =	ssyncpa.u1 $0x1  }
0x4c: {  	[sflag:s31] =	ssyncpa.u1 $0x1  }
0x4d: {  	p0 =	sne.s32 s1, $0x0;
	_ =	strace $0x90000050  }
0x4e: {  	s0 =	sadd.s32 @!p0 $0x100000, s0;
	[bflag:$0x2] =	sbarrier.arrive $0xFFFF  }
0x4f: {  	[sflag:s0] =	ssyncadd.tile.s32 @!p0 $0x1;
	_ =	shalt  }
.Lfunc_end2:
_tile_overlayer_lowered:
.L_overlay_start_2:
0x50: {  	(tag) =	ssettag $0x2  }
0x51: {  	s0 =	rddreg [dreg:$0x0];
	s2 =	stileid.u32  }
0x52: {  	s1 =	rddreg [dreg:$0x1];
	p0 =	sne.s32 s2, $0x0  }
0x53: {  	s3 =	rddreg [dreg:$0x2];
	[bflag:$0x3] =	sbarrier.arrive $0xFFFF;
	s2 =	simm.s32 @!p0 $0x1C01  }
0x54: {  	[timem:s3], [sflag:s2] =	dma.local @!p0 [hbm:s0], s1  }
0x55: {  	s0 =	simm.s32 @!p0 $0x1  }
0x56: {  	_ =	swait.ge @!p0 [sflag:s0], s1  }
0x57: {  	s1 =	ssub.s32 @!p0 $0x0, s1;
	[sflag:s0] =	ssyncset.done @!p0 $0x0  }
0x58: {  	[sflag:s0] =	ssyncadd.s32 @!p0 s1  }
0x59: {  	[bflag:$0x3] =	sbarrier.arrive $0xFFFF  }
0x5a: {  	_ =	shalt  }

// kernel: gather_offload_async_start
scs
__scs_entry_jumppad:
0x0: {  	(pc) =	sbr.rel $0x88, $3  }
0x1: {  	(tag) =	ssettag $0x0;
	lr =	simm.s32 $0x1  }
0x2: {  	[smem:$0x3F98] =	sst lr;
	_ =	strace $0xD0000000  }
0x3: {  	_ = 	snop  }
0x4: {  	_ = 	snop  }
0x5: {  	_ = 	snop  }
0x6: {  	_ = 	snop  }
0x7: {  	_ = 	snop  }
__scs_overlays_trampoline_lowered:
0x8: {  	[smem:$0x3FA7] =	sst s0  }
0x9: {  	[smem:$0x3FA8] =	sst s1  }
0xa: {  	[smem:$0x3FA9] =	sst s2  }
0xb: {  	[smem:$0x3FAA] =	sst s3  }
0xc: {  	[smem:$0x3FAB] =	sst s4  }
0xd: {  	[smem:$0x3FAC] =	sst s5  }
0xe: {  	[smem:$0x3FAD] =	sst s6  }
0xf: {  	[smem:$0x3FAE] =	sst s7  }
0x10: {  	[smem:$0x3FAF] =	sst s8  }
0x11: {  	[smem:$0x3FB0] =	sst s9;
	s0 =	simm.s32 @!p0 $0x0  }
0x12: {  	s1 =	sld [smem:$0x3F96];
	s0 =	simm.s32 @p0 $0x1  }
0x13: {  	[smem:$0x3FB1] =	sst s0;
	s0 =	simm.s32 @!p1 $0x0  }
0x14: {  	s2 =	sld [smem:$0x3F95];
	s0 =	simm.s32 @p1 $0x1  }
0x15: {  	[smem:$0x3FB2] =	sst s0;
	s0 =	simm.s32 @!p2 $0x0  }
0x16: {  	s3 =	sld [smem:$0x3FDB];
	s0 =	simm.s32 @p2 $0x1  }
0x17: {  	s4 =	simm.s32 $0x1BF5;
	[smem:$0x3FB4] =	sst s0  }
0x18: {  	s0 =	sld [smem:$0x3F97];
	_ =	swait.ge [sflag:s4], $0x0  }
0x19: {  	s7 =	sld [smem:$0x3F98]  }
0x1a: {  	s8 =	sadd.s32 $0xFFFFE003, lr  }
0x1b: {  	s9 =	sadd.s32 $0xFFFFFEF7, lr;
	s5 =	simm.s32 $0xFFFFFFFF;
	p2 =	slt.u32 s8, $0xFFFFF086  }
0x1c: {  	p1 =	slt.u32 s9, $0xF7A;
	s5 =	simm.s32 @!p2 $0x0  }
0x1d: {  	s5 =	simm.s32 @p1 $0x1;
	p0 =	seq.s32 s7, s2  }
0x1e: {  	s7 =	smul.u32 @!p0 $0xF7A, s2;
	p2 =	seq.s32 @!p0 s5, $0x0  }
0x1f: {  	s9 =	smul.u32 $0xF7A, s1;
	s8 =	simm.s32 @!p0 $0x1BF5;
	p2 =	por !p2, p0  }
0x20: {  	[sflag:s8] =	ssyncset.s32 @!p0 $0xFFFFF086;
	s6 =	sadd.s32 @!p0 s3, s7;
	s7 =	simm.s32 @!p0 $0x108  }
0x21: {  	s3 =	sadd.s32 s3, s9;
	s6 =	sadd.s32 @!p0 $0x88, s6;
	s7 =	simm.s32 @p2 $0x1082  }
0x22: {  	[simem:s7], [sflag:s8] =	dma.local @!p0 [hbm:s6], $0xF7A  }
0x23: {  	s9 =	sor.u32 $0xD0000000, s2;
	s6 =	simm.s32 $0x108;
	_ =	swait.ge @!p0 [sflag:s8], $0x0  }
0x24: {  	s3 =	sadd.s32 $0x88, s3;
	s6 =	simm.s32 @!p1 $0x1082;
	[sflag:s4] =	ssyncset.s32 $0xFFFFF086  }
0x25: {  	[simem:s6], [sflag:s4] =	dma.local [hbm:s3], $0xF7A  }
0x26: {  	[smem:$0x3F98] =	sst s1;
	(tag) =	ssettag s2;
	_ =	strace s9  }
0x27: {  	s1 =	sld [smem:$0x3FA8]  }
0x28: {  	s2 =	sld [smem:$0x3FA9]  }
0x29: {  	s4 =	sld [smem:$0x3FAB]  }
0x2a: {  	p0 =	seq.s32 s5, $0x0;
	s5 =	sld [smem:$0x3FAC]  }
0x2b: {  	s6 =	sld [smem:$0x3FAD]  }
0x2c: {  	s7 =	sld [smem:$0x3FAE]  }
0x2d: {  	s3 =	simm.s32 $0x108;
	s8 =	sld [smem:$0x3FAF]  }
0x2e: {  	s3 =	simm.s32 @!p0 $0x1082;
	s9 =	sld [smem:$0x3FB0]  }
0x2f: {  	lr =	sadd.s32 s0, s3;
	s0 =	sld [smem:$0x3FA7]  }
0x30: {  	s3 =	sld [smem:$0x3FAA]  }
0x31: {  	[smem:$0x3FB3] =	sst s10  }
0x32: {  	s10 =	sld [smem:$0x3FB1];
	_ =	sdelay $0x3  }
0x33: {  	p0 =	seq.s32 s10, $0x1;
	s10 =	sld [smem:$0x3FB3];
	_ =	sdelay $0x3  }
0x34: {  	[smem:$0x3FB3] =	sst s10  }
0x35: {  	s10 =	sld [smem:$0x3FB2];
	_ =	sdelay $0x3  }
0x36: {  	p1 =	seq.s32 s10, $0x1;
	s10 =	sld [smem:$0x3FB3];
	_ =	sdelay $0x3  }
0x37: {  	[smem:$0x3FB3] =	sst s10  }
0x38: {  	s10 =	sld [smem:$0x3FB4]  }
0x39: {  	_ = 	snop;
	(pc) =	sbr.ind lr, $3  }
0x3a: {  	_ = 	snop  }
0x3b: {  	_ = 	snop  }
0x3c: {  	p2 =	seq.s32 s10, $0x1;
	s10 =	sld [smem:$0x3FB3]  }
0x3d: {  	_ =	shalt  }
0x3e: {  	_ =	shalt  }
0x3f: {  	_ =	shalt  }
0x40: {  	_ =	shalt  }
0x41: {  	_ =	shalt  }
0x42: {  	_ =	shalt  }
0x43: {  	_ =	shalt  }
0x44: {  	_ =	shalt  }
0x45: {  	_ =	shalt  }
0x46: {  	_ =	shalt  }
0x47: {  	_ =	shalt  }
0x48: {  	_ =	shalt  }
0x49: {  	_ =	shalt  }
0x4a: {  	_ =	shalt  }
0x4b: {  	_ =	shalt  }
0x4c: {  	_ =	shalt  }
0x4d: {  	_ =	shalt  }
0x4e: {  	_ =	shalt  }
0x4f: {  	_ =	shalt  }
0x50: {  	_ =	shalt  }
0x51: {  	_ =	shalt  }
0x52: {  	_ =	shalt  }
0x53: {  	_ =	shalt  }
0x54: {  	_ =	shalt  }
0x55: {  	_ =	shalt  }
0x56: {  	_ =	shalt  }
0x57: {  	_ =	shalt  }
0x58: {  	_ =	shalt  }
0x59: {  	_ =	shalt  }
0x5a: {  	_ =	shalt  }
0x5b: {  	_ =	shalt  }
0x5c: {  	_ =	shalt  }
0x5d: {  	_ =	shalt  }
0x5e: {  	_ =	shalt  }
0x5f: {  	_ =	shalt  }
0x60: {  	_ =	shalt  }
0x61: {  	_ =	shalt  }
0x62: {  	_ =	shalt  }
0x63: {  	_ =	shalt  }
0x64: {  	_ =	shalt  }
0x65: {  	_ =	shalt  }
0x66: {  	_ =	shalt  }
0x67: {  	_ =	shalt  }
0x68: {  	_ =	shalt  }
0x69: {  	_ =	shalt  }
0x6a: {  	_ =	shalt  }
0x6b: {  	_ =	shalt  }
0x6c: {  	_ =	shalt  }
0x6d: {  	_ =	shalt  }
0x6e: {  	_ =	shalt  }
0x6f: {  	_ =	shalt  }
0x70: {  	_ =	shalt  }
0x71: {  	_ =	shalt  }
0x72: {  	_ =	shalt  }
0x73: {  	_ =	shalt  }
0x74: {  	_ =	shalt  }
0x75: {  	_ =	shalt  }
0x76: {  	_ =	shalt  }
0x77: {  	_ =	shalt  }
0x78: {  	_ =	shalt  }
0x79: {  	_ =	shalt  }
0x7a: {  	_ =	shalt  }
0x7b: {  	_ =	shalt  }
0x7c: {  	_ =	shalt  }
0x7d: {  	_ =	shalt  }
0x7e: {  	_ =	shalt  }
0x7f: {  	_ =	shalt  }
0x80: {  	_ =	shalt  }
0x81: {  	_ =	shalt  }
0x82: {  	_ =	shalt  }
0x83: {  	_ =	shalt  }
0x84: {  	_ =	shalt  }
0x85: {  	_ =	shalt  }
0x86: {  	_ =	shalt  }
0x87: {  	_ =	shalt  }
.Lfunc_end0:
.L_simem_size_0:
called_computation.1_lowered:
.L_overlay_start_0:
0x88: {  	s2 =	sld [smem:$0x3FD9]  }
0x89: {  	s3 =	sld [smem:$0x3FFE];
	_ =	sdelay $0x1  }
0x8a: {  	s1 =	srdreg.scid  }
0x8b: {  	s0 =	sand.u32 $0x1, s1  }
0x8c: {  	s17 =	sshll.u32 s0, $0xA;
	s2 =	sadd.s32 s3, s2  }
0x8d: {  	s2 =	sadd.s32 s2, s17  }
0x8e: {  	[smem:$0x3FBF] =	sst s2  }
0x8f: {  	_ = 	snop  }
0x90: {  	s2 =	sld [smem:$0x3FC2];
	(tm) =	ssettm $0x1  }
0x91: {  	s18 =	sld [smem:$0x3FFB];
	_ =	sdelay $0x3  }
0x92: {  	_ =	strace s18  }
0x93: {  	s3 =	sld [smem:$0x3FFC];
	_ =	sdelay $0x3  }
0x94: {  	_ =	strace s3  }
0x95: {  	s3 =	sld [smem:$0x3FFD];
	_ =	sdelay $0x3  }
0x96: {  	_ =	strace s3  }
0x97: {  	_ =	strace $0x8FFFFFFF  }
0x98: {  	s19 =	sld [smem:$0x3FDB];
	_ =	sdelay $0x1  }
0x99: {  	s4 =	simm.s32 $_scs_section_size  }
0x9a: {  	s5 =	simm.s32 $_size__tile_overlayer_lowered;
	s6 =	simm.s32 $_tile_overlayer_lowered  }
0x9b: {  	s22 =	simm.s32 $0x1BFF;
	s21 =	sshll.u32 s6, $0x1;
	s3 =	sadd.s32 s4, s19  }
0x9c: {  	s7 =	simm.s32 $0x0;
	s20 =	sshll.u32 s5, $0x1;
	s5 =	sadd.s32 s21, s3  }
0x9d: {  	[timem:s7], [sflag:s22] =	dma.local [hbm:s5], s20  }
0x9e: {  	_ =	swait.ge [sflag:s22], s20  }
0x9f: {  	s4 =	ssub.s32 $0x0, s20;
	[sflag:s22] =	ssyncset.done $0x0  }
0xa0: {  	[sflag:s22] =	ssyncadd.s32 s4;
	_ =	sdelay $0x1  }
0xa1: {  	s23 =	simm.s32 $0x1B8B  }
0xa2: {  	_ =	swait.ge [sflag:s23], $0x1  }
0xa3: {  	[sflag:s23] =	ssyncset.done $0x0  }
0xa4: {  	s25 =	simm.s32 $0x1B8E;
	s24 =	sld [smem:$0x3FFE];
	[sflag:s23] =	ssyncadd.s32 $0xFFFFFFFF  }
0xa5: {  	s26 =	simm.s32 $execute0_lowered;
	[smem:$0x3FD2] =	sst s25  }
0xa6: {  	s5 =	sshll.u32 s26, $0x1;
	_ =	strace $0x80000046;
	[dreg:$0x1] =	wrdreg $0xFFFFFFFF  }
0xa7: {  	s28 =	simm.s32 $_size_execute0_lowered;
	s3 =	sadd.s32 s3, s5;
	[dreg:$0x0] =	wrdreg $0x0  }
0xa8: {  	s5 =	sshll.u32 s28, $0x1;
	[dreg:$0x2] =	wrdreg s3  }
0xa9: {  	[dreg:$0x3] =	wrdreg s5  }
0xaa: {  	[dreg:$0x4] =	wrdreg $0xC0  }
0xab: {  	_ =	task [dreg:s7], $0x5FFFF  }
0xac: {  	[dreg:$0x1] =	wrdreg $0xFFFFFFFF  }
0xad: {  	[dreg:$0x0] =	wrdreg $0x60  }
0xae: {  	[dreg:$0x2] =	wrdreg s2  }
0xaf: {  	[dreg:$0x3] =	wrdreg s24  }
0xb0: {  	[dreg:$0x4] =	wrdreg $0xA  }
0xb1: {  	_ =	task.clear_ibuf [dreg:s7], $0x5FFFF;
	_ =	strace $0x90000046  }
0xb2: {  	s29 =	simm.s32 $0xA;
	_ =	strace $0x80000048  }
0xb3: {  	_ =	swait.ge [sflag:s29], $0x1  }
0xb4: {  	[sflag:s29] =	ssyncadd.s32 $0xFFFFFFFF  }
0xb5: {  	_ =	strace $0x90000048  }
0xb6: {  	_ =	sfence  }
0xb7: {  	s30 =	sld [smem:$0x0];
	_ =	sdelay $0x2  }
0xb8: {  	s31 =	sshll.u32 s1, $0xD;
	s1 =	sshrl.u32 s1, $0x2  }
0xb9: {  	s3 =	sand.u32 $0x4000, s31;
	s1 =	sadd.s32 s1, s30  }
0xba: {  	s0 =	sor.u32 s3, s0;
	s1 =	sshll.u32 s1, $0x11  }
0xbb: {  	s0 =	sor.u32 s1, s0  }
0xbc: {  	s0 =	sadd.s32 $0x8F2B, s0  }
0xbd: {  	[sflag:s0] =	ssyncadd.remote.s32 $0x1  }
0xbe: {  	_ =	sfence.sel $0xFFFF  }
0xbf: {  	[dreg:$0x0] =	wrdreg $0xFFFFFFFF;
	(pc) =	sbr.abs _section_cstart, $3  }
0xc0: {  	[dreg:$0x1] =	wrdreg $0xFFFFFFFF  }
0xc1: {  	_ =	task.clear_ibuf [dreg:s7], $0x2FFFF;
	_ =	strace $0x9FFFFFFF  }
0xc2: {  	(tm) =	ssettm $0x7FFFFFFF  }
0xc3: {  	_ =	shalt  }
tec
execute0_lowered:
.L_overlay_start_1:
0x0: {  	(tag) =	ssettag $0x1  }
0x1: {  	s1 =	srdreg.scid;
	s2 =	rddreg [dreg:$0x0]  }
0x2: {  	s0 =	stileid.u32;
	s5 =	rddreg [dreg:$0x1];
	s6 =	simm.s32 $0x1  }
0x3: {  	s9 =	simm.s32 $0x1;
	s10 =	simm.s32 $0x3;
	s1 =	sshll.u32 s1, $0x8  }
0x4: {  	s13 =	simm.s32 $0x0;
	s3 =	sshll.u32 s0, $0x9;
	s4 =	sand.u32 $0x100, s1  }
0x5: {  	s12 =	simm.s32 $0x0;
	s1 =	rddreg [dreg:$0x2];
	s3 =	sor.u32 s3, s4  }
0x6: {  	_ =	strace $0x80000047;
	s4 =	sadd.s32 $0x2200, s5;
	s8 =	ssub.s32 $0x4000, s3  }
.Ltmp0:
0x7: {  	s5 =	sadd.s32 $0x42A00, s5;
	s7 =	sand.u32 $0x1F00, s8;
	(pc) =	sbr.rel .LBB2_1-.Ltmp0, $4  }
0x8: {  	[sflag:s6] =	ssyncpa.u1 $0x0;
	s11 =	smov.u32 s3;
	p0 =	sne.s32 s7, $0x0  }
0x9: {  	s8 =	sshrl.u32 s8, $0xD;
	s7 =	simm.s32 $0x2;
	s9 =	simm.s32 @!p0 $0x0  }
0xa: {  	[sflag:s7] =	ssyncpa.u1 $0x0;
	p0 =	por $0x0, $0x0;
	s8 =	sadd.s32 s9, s8  }
0xb: {  	vm0 =	vmmov $0xffff;
	[sflag:s10] =	ssyncpa.u1 $0x0;
	s10 =	simm.s32 $0x0;
	s9 =	sadd.s32 $0x1, s8  }
.LBB2_4:
0xc: {  	v2 =	vnsel vm1, $0x0, v2  }
0xd: {  	vm1 =	vgt.s32 v0, $0x0;
	v2 =	vmin.u32 v2, $0x3FFF  }
0xe: {  	v0 =	vnsel vm1, $0x0, v0  }
0xf: {  	v0 =	vmin.u32 v0, $0x3FFF  }
0x10: {  	[tilespmem:s15], [sflag:$0x1] =	stream.indirect_vreg.gather [hbm4b:s2+s10], $0x1, v1, vm0, $0x4038;
	[tilespmem:$0x400] =	vst v63  }
0x11: {  	(ifvalue) =	ssetifvalue $0x7FFFFFFF  }
0x12: {  	[tilespmem:s16], [sflag:$0x1] =	stream.indirect_vreg.gather [hbm4b:s2+s10], $0x1, v2, vm0, $0x4038;
	[tilespmem:$0x400] =	vst v63  }
0x13: {  	s29 =	sadd.s32 $0x10, s16;
	(ifvalue) =	ssetifvalue $0x7FFFFFFF  }
0x14: {  	[tilespmem:s29], [sflag:$0x1] =	stream.indirect_vreg.gather [hbm4b:s2+s10], $0x1, v0, vm0, $0x4038;
	[tilespmem:$0x400] =	vst v63  }
0x15: {  	_ =	swait.ge [sflag:s6], $0x100  }
0x16: {  	s30 =	sshrl.u32 s13, $0x3;
	[sflag:s6] =	ssyncset.done $0x0  }
0x17: {  	s31 =	sand.u32 $0x7, s13;
	s15 =	sadd.s32 s5, s30;
	[sflag:s6] =	ssyncadd.s32 $0xFFFFFF00  }
0x18: {  	[hbm4b:s15+s31] =	stream.linear.scatter [tilespmem:s14], [sflag:$0x3], $0x100, $0x38;
	[tilespmem:$0x400] =	vst v63  }
.LBB2_5:
0x19: {  	s15 =	sadd.s32 $0x2000, s11  }
0x1a: {  	p2 =	sgt.s32 s15, $0x3FFF  }
0x1b: {  	s15 =	smov.u32 @p2 s3;
	p2 =	sne.s32 s12, s9  }
.Ltmp1:
0x1c: {  	p1 =	slt.u32 s12, $0x2;
	(pc) =	sbr.rel @!p2 .LBB2_6-.Ltmp1, $4  }
0x1d: {  	s14 =	simm.s32 @!p1 $0x3  }
0x1e: {  	s16 =	sadd.s32 $0x1, s12;
	_ =	swait.ge @!p1 [sflag:s14], $0x100  }
0x1f: {  	s13 =	smov.u32 s11;
	p0 =	por !p0, !p0;
	[sflag:s14] =	ssyncset.done @!p1 $0x0  }
0x20: {  	s12 =	smov.u32 s16;
	s11 =	smov.u32 s15;
	[sflag:s14] =	ssyncadd.s32 @!p1 $0xFFFFFF00  }
.LBB2_1:
0x21: {  	p1 =	sge.u32 s12, s8  }
0x22: {  	s14 =	sxor.u32 @!p1 $0xFFFFFFFF, s12  }
0x23: {  	s31 =	sadd.s32 $0xFFFFFFFF, s12;
	s15 =	sshrl.u32 @!p1 s11, $0x3;
	s14 =	sshll.u32 @!p1 s14, $0x8  }
0x24: {  	s16 =	sand.u32 @!p1 $0x7, s11;
	s15 =	sadd.s32 @!p1 s4, s15;
	s14 =	sand.u32 @!p1 $0x100, s14  }
0x25: {  	[tilespmem:s14], [sflag:$0x2] =	stream.linear.gather @!p1 [hbm4b:s15+s16], $0x100, $0x38;
	[tilespmem:$0x400] =	vst v63  }
0x26: {  	p1 =	sge.u32 s31, s8  }
.Ltmp2:
0x27: {  	_ = 	snop;
	(pc) =	sbr.rel @p1 .LBB2_5-.Ltmp2, $1  }
0x28: {  	_ =	sdelay $0x3  }
0x29: {  	s14 =	simm.s32 $0x1  }
0x2a: {  	_ =	swait.ge [sflag:s7], $0x100;
	s14 =	simm.s32 @!p0 $0x0  }
0x2b: {  	[sflag:s7] =	ssyncset.done $0x0;
	s14 =	sshll.u32 s14, $0x8  }
0x2c: {  	[sflag:s7] =	ssyncadd.s32 $0xFFFFFF00;
	(ifvalue) =	ssetifvalue $0x7FFFFFFF;
	v0 =	vld.msk [tilespmem:s14+$0x0 ss:$0x1], $0xffff;
	_ =	sdelay $0x4  }
0x2d: {  	s15 =	sadd.s32 $0x10, s14;
	vm1 =	vgt.s32 v0, $0x0  }
0x2e: {  	v2 =	vld.msk [tilespmem:s15+$0x0 ss:$0x1], $0xffff;
	v1 =	vnsel vm1, $0x0, v0  }
0x2f: {  	v1 =	vmin.u32 v1, $0x3FFF;
	_ =	sdelay $0x1  }
0x30: {  	s16 =	sshll.u32 s12, $0x8;
	s18 =	simm.s32 $0x20  }
0x31: {  	s16 =	sand.u32 $0x100, s16;
	s17 =	sadd.s32 $0x10, s15;
	s15 =	sor.u32 $0x200, s14  }
0x32: {  	s14 =	sor.u32 $0x200, s16;
	s16 =	sadd.s32 $0x10, s15;
	v0 =	vld.msk [tilespmem:s17+$0x0 ss:$0x1], $0xffff;
	vm1 =	vgt.s32 v2, $0x0;
	(ifvalue) =	ssetifvalue $0x7FFFFFFF  }
.LBB2_3:
0x33: {  	[tilespmem:s15], [sflag:$0x1] =	stream.indirect_vreg.gather [hbm4b:s2+s10], $0x1, v1, vm0, $0x4038;
	[tilespmem:$0x400] =	vst v63  }
0x34: {  	s18 =	sadd.s32 $0x10, s18  }
0x35: {  	v2 =	vnsel vm1, $0x0, v2;
	p1 =	slt.u32 s18, $0xF0  }
.Ltmp3:
0x36: {  	s15 =	smov.u32 s16;
	v1 =	vmin.u32 v2, $0x3FFF;
	(pc) =	sbr.rel @p1 .LBB2_3-.Ltmp3, $3  }
0x37: {  	_ =	sdelay $0x1  }
0x38: {  	s17 =	sadd.s32 $0x10, s17  }
0x39: {  	vm1 =	vgt.s32 v0, $0x0;
	s16 =	sadd.s32 $0x10, s16;
	v2 =	vmov v0;
	(ifvalue) =	ssetifvalue $0x7FFFFFFF;
	v0 =	vld.msk [tilespmem:s17+$0x0 ss:$0x1], $0xffff  }
.Ltmp4:
0x3a: {  	_ = 	snop;
	(pc) =	sbr.rel .LBB2_4-.Ltmp4, $1  }
0x3b: {  	_ =	sdelay $0x3  }
.LBB2_6:
0x3c: {  	_ =	sfence.sel $0x180000  }
0x3d: {  	s2 =	simm.s32 $0x2;
	[bflag:$0x0] =	sbarrier.arrive $0xFFFF  }
0x3e: {  	s30 =	simm.s32 $0x3;
	[sflag:s2] =	ssyncpa.u1 $0x1  }
0x3f: {  	s31 =	simm.s32 $0x1;
	[sflag:s30] =	ssyncpa.u1 $0x1  }
0x40: {  	[sflag:s31] =	ssyncpa.u1 $0x1  }
0x41: {  	p0 =	sne.s32 s0, $0x0;
	_ =	strace $0x90000047  }
0x42: {  	s0 =	sadd.s32 @!p0 $0x100000, s1;
	[bflag:$0x2] =	sbarrier.arrive $0xFFFF  }
0x43: {  	[sflag:s0] =	ssyncadd.tile.s32 @!p0 $0x1;
	_ =	shalt  }
.Lfunc_end2:
_tile_overlayer_lowered:
.L_overlay_start_2:
0x44: {  	(tag) =	ssettag $0x2  }
0x45: {  	s0 =	rddreg [dreg:$0x0];
	s2 =	stileid.u32  }
0x46: {  	s1 =	rddreg [dreg:$0x1];
	p0 =	sne.s32 s2, $0x0  }
0x47: {  	s3 =	rddreg [dreg:$0x2];
	[bflag:$0x3] =	sbarrier.arrive $0xFFFF;
	s2 =	simm.s32 @!p0 $0x1C01  }
0x48: {  	[timem:s3], [sflag:s2] =	dma.local @!p0 [hbm:s0], s1  }
0x49: {  	s0 =	simm.s32 @!p0 $0x1  }
0x4a: {  	_ =	swait.ge @!p0 [sflag:s0], s1  }
0x4b: {  	s1 =	ssub.s32 @!p0 $0x0, s1;
	[sflag:s0] =	ssyncset.done @!p0 $0x0  }
0x4c: {  	[sflag:s0] =	ssyncadd.s32 @!p0 s1  }
0x4d: {  	[bflag:$0x3] =	sbarrier.arrive $0xFFFF  }
0x4e: {  	_ =	shalt  }

// kernel: kernel.4.cloned.1.call-start
scs
__scs_entry_jumppad:
0x0: {  	(pc) =	sbr.rel $0x88, $3  }
0x1: {  	(tag) =	ssettag $0x0;
	lr =	simm.s32 $0x1  }
0x2: {  	[smem:$0x3F98] =	sst lr;
	_ =	strace $0xD0000000  }
0x3: {  	_ = 	snop  }
0x4: {  	_ = 	snop  }
0x5: {  	_ = 	snop  }
0x6: {  	_ = 	snop  }
0x7: {  	_ = 	snop  }
__scs_overlays_trampoline_lowered:
0x8: {  	[smem:$0x3FA7] =	sst s0  }
0x9: {  	[smem:$0x3FA8] =	sst s1  }
0xa: {  	[smem:$0x3FA9] =	sst s2  }
0xb: {  	[smem:$0x3FAA] =	sst s3  }
0xc: {  	[smem:$0x3FAB] =	sst s4  }
0xd: {  	[smem:$0x3FAC] =	sst s5  }
0xe: {  	[smem:$0x3FAD] =	sst s6  }
0xf: {  	[smem:$0x3FAE] =	sst s7  }
0x10: {  	[smem:$0x3FAF] =	sst s8  }
0x11: {  	[smem:$0x3FB0] =	sst s9;
	s0 =	simm.s32 @!p0 $0x0  }
0x12: {  	s1 =	sld [smem:$0x3F96];
	s0 =	simm.s32 @p0 $0x1  }
0x13: {  	[smem:$0x3FB1] =	sst s0;
	s0 =	simm.s32 @!p1 $0x0  }
0x14: {  	s2 =	sld [smem:$0x3F95];
	s0 =	simm.s32 @p1 $0x1  }
0x15: {  	[smem:$0x3FB2] =	sst s0;
	s0 =	simm.s32 @!p2 $0x0  }
0x16: {  	s3 =	sld [smem:$0x3FDB];
	s0 =	simm.s32 @p2 $0x1  }
0x17: {  	s4 =	simm.s32 $0x1BF5;
	[smem:$0x3FB4] =	sst s0  }
0x18: {  	s0 =	sld [smem:$0x3F97];
	_ =	swait.ge [sflag:s4], $0x0  }
0x19: {  	s7 =	sld [smem:$0x3F98]  }
0x1a: {  	s8 =	sadd.s32 $0xFFFFE003, lr  }
0x1b: {  	s9 =	sadd.s32 $0xFFFFFEF7, lr;
	s5 =	simm.s32 $0xFFFFFFFF;
	p2 =	slt.u32 s8, $0xFFFFF086  }
0x1c: {  	p1 =	slt.u32 s9, $0xF7A;
	s5 =	simm.s32 @!p2 $0x0  }
0x1d: {  	s5 =	simm.s32 @p1 $0x1;
	p0 =	seq.s32 s7, s2  }
0x1e: {  	s7 =	smul.u32 @!p0 $0xF7A, s2;
	p2 =	seq.s32 @!p0 s5, $0x0  }
0x1f: {  	s9 =	smul.u32 $0xF7A, s1;
	s8 =	simm.s32 @!p0 $0x1BF5;
	p2 =	por !p2, p0  }
0x20: {  	[sflag:s8] =	ssyncset.s32 @!p0 $0xFFFFF086;
	s6 =	sadd.s32 @!p0 s3, s7;
	s7 =	simm.s32 @!p0 $0x108  }
0x21: {  	s3 =	sadd.s32 s3, s9;
	s6 =	sadd.s32 @!p0 $0x88, s6;
	s7 =	simm.s32 @p2 $0x1082  }
0x22: {  	[simem:s7], [sflag:s8] =	dma.local @!p0 [hbm:s6], $0xF7A  }
0x23: {  	s9 =	sor.u32 $0xD0000000, s2;
	s6 =	simm.s32 $0x108;
	_ =	swait.ge @!p0 [sflag:s8], $0x0  }
0x24: {  	s3 =	sadd.s32 $0x88, s3;
	s6 =	simm.s32 @!p1 $0x1082;
	[sflag:s4] =	ssyncset.s32 $0xFFFFF086  }
0x25: {  	[simem:s6], [sflag:s4] =	dma.local [hbm:s3], $0xF7A  }
0x26: {  	[smem:$0x3F98] =	sst s1;
	(tag) =	ssettag s2;
	_ =	strace s9  }
0x27: {  	s1 =	sld [smem:$0x3FA8]  }
0x28: {  	s2 =	sld [smem:$0x3FA9]  }
0x29: {  	s4 =	sld [smem:$0x3FAB]  }
0x2a: {  	p0 =	seq.s32 s5, $0x0;
	s5 =	sld [smem:$0x3FAC]  }
0x2b: {  	s6 =	sld [smem:$0x3FAD]  }
0x2c: {  	s7 =	sld [smem:$0x3FAE]  }
0x2d: {  	s3 =	simm.s32 $0x108;
	s8 =	sld [smem:$0x3FAF]  }
0x2e: {  	s3 =	simm.s32 @!p0 $0x1082;
	s9 =	sld [smem:$0x3FB0]  }
0x2f: {  	lr =	sadd.s32 s0, s3;
	s0 =	sld [smem:$0x3FA7]  }
0x30: {  	s3 =	sld [smem:$0x3FAA]  }
0x31: {  	[smem:$0x3FB3] =	sst s10  }
0x32: {  	s10 =	sld [smem:$0x3FB1];
	_ =	sdelay $0x3  }
0x33: {  	p0 =	seq.s32 s10, $0x1;
	s10 =	sld [smem:$0x3FB3];
	_ =	sdelay $0x3  }
0x34: {  	[smem:$0x3FB3] =	sst s10  }
0x35: {  	s10 =	sld [smem:$0x3FB2];
	_ =	sdelay $0x3  }
0x36: {  	p1 =	seq.s32 s10, $0x1;
	s10 =	sld [smem:$0x3FB3];
	_ =	sdelay $0x3  }
0x37: {  	[smem:$0x3FB3] =	sst s10  }
0x38: {  	s10 =	sld [smem:$0x3FB4]  }
0x39: {  	_ = 	snop;
	(pc) =	sbr.ind lr, $3  }
0x3a: {  	_ = 	snop  }
0x3b: {  	_ = 	snop  }
0x3c: {  	p2 =	seq.s32 s10, $0x1;
	s10 =	sld [smem:$0x3FB3]  }
0x3d: {  	_ =	shalt  }
0x3e: {  	_ =	shalt  }
0x3f: {  	_ =	shalt  }
0x40: {  	_ =	shalt  }
0x41: {  	_ =	shalt  }
0x42: {  	_ =	shalt  }
0x43: {  	_ =	shalt  }
0x44: {  	_ =	shalt  }
0x45: {  	_ =	shalt  }
0x46: {  	_ =	shalt  }
0x47: {  	_ =	shalt  }
0x48: {  	_ =	shalt  }
0x49: {  	_ =	shalt  }
0x4a: {  	_ =	shalt  }
0x4b: {  	_ =	shalt  }
0x4c: {  	_ =	shalt  }
0x4d: {  	_ =	shalt  }
0x4e: {  	_ =	shalt  }
0x4f: {  	_ =	shalt  }
0x50: {  	_ =	shalt  }
0x51: {  	_ =	shalt  }
0x52: {  	_ =	shalt  }
0x53: {  	_ =	shalt  }
0x54: {  	_ =	shalt  }
0x55: {  	_ =	shalt  }
0x56: {  	_ =	shalt  }
0x57: {  	_ =	shalt  }
0x58: {  	_ =	shalt  }
0x59: {  	_ =	shalt  }
0x5a: {  	_ =	shalt  }
0x5b: {  	_ =	shalt  }
0x5c: {  	_ =	shalt  }
0x5d: {  	_ =	shalt  }
0x5e: {  	_ =	shalt  }
0x5f: {  	_ =	shalt  }
0x60: {  	_ =	shalt  }
0x61: {  	_ =	shalt  }
0x62: {  	_ =	shalt  }
0x63: {  	_ =	shalt  }
0x64: {  	_ =	shalt  }
0x65: {  	_ =	shalt  }
0x66: {  	_ =	shalt  }
0x67: {  	_ =	shalt  }
0x68: {  	_ =	shalt  }
0x69: {  	_ =	shalt  }
0x6a: {  	_ =	shalt  }
0x6b: {  	_ =	shalt  }
0x6c: {  	_ =	shalt  }
0x6d: {  	_ =	shalt  }
0x6e: {  	_ =	shalt  }
0x6f: {  	_ =	shalt  }
0x70: {  	_ =	shalt  }
0x71: {  	_ =	shalt  }
0x72: {  	_ =	shalt  }
0x73: {  	_ =	shalt  }
0x74: {  	_ =	shalt  }
0x75: {  	_ =	shalt  }
0x76: {  	_ =	shalt  }
0x77: {  	_ =	shalt  }
0x78: {  	_ =	shalt  }
0x79: {  	_ =	shalt  }
0x7a: {  	_ =	shalt  }
0x7b: {  	_ =	shalt  }
0x7c: {  	_ =	shalt  }
0x7d: {  	_ =	shalt  }
0x7e: {  	_ =	shalt  }
0x7f: {  	_ =	shalt  }
0x80: {  	_ =	shalt  }
0x81: {  	_ =	shalt  }
0x82: {  	_ =	shalt  }
0x83: {  	_ =	shalt  }
0x84: {  	_ =	shalt  }
0x85: {  	_ =	shalt  }
0x86: {  	_ =	shalt  }
0x87: {  	_ =	shalt  }
.Lfunc_end0:
.L_simem_size_0:
called_computation.4_lowered:
.L_overlay_start_0:
0x88: {  	s2 =	sld [smem:$0x3FD9]  }
0x89: {  	s3 =	sld [smem:$0x3FFE];
	_ =	sdelay $0x1  }
0x8a: {  	s1 =	srdreg.scid  }
0x8b: {  	s0 =	sand.u32 $0x1, s1  }
0x8c: {  	s17 =	sshll.u32 s0, $0xA;
	s2 =	sadd.s32 s3, s2  }
0x8d: {  	s2 =	sadd.s32 s2, s17  }
0x8e: {  	[smem:$0x3FBF] =	sst s2  }
0x8f: {  	_ = 	snop  }
0x90: {  	s18 =	sld [smem:$0x3FD0];
	(tm) =	ssettm $0x1  }
0x91: {  	s19 =	sld [smem:$0x3FFB];
	_ =	sdelay $0x3  }
0x92: {  	_ =	strace s19  }
0x93: {  	s2 =	sld [smem:$0x3FFC];
	_ =	sdelay $0x3  }
0x94: {  	_ =	strace s2  }
0x95: {  	s2 =	sld [smem:$0x3FFD];
	_ =	sdelay $0x3  }
0x96: {  	_ =	strace s2  }
0x97: {  	_ =	strace $0x8FFFFFFF  }
0x98: {  	s20 =	sld [smem:$0x3FDB];
	_ =	sdelay $0x1  }
0x99: {  	s4 =	simm.s32 $_scs_section_size  }
0x9a: {  	s5 =	simm.s32 $_size__tile_overlayer_lowered;
	s6 =	simm.s32 $_tile_overlayer_lowered  }
0x9b: {  	s7 =	simm.s32 $0x1BFF;
	s21 =	sshll.u32 s6, $0x1;
	s4 =	sadd.s32 s4, s20  }
0x9c: {  	s22 =	simm.s32 $0x0;
	s5 =	sshll.u32 s5, $0x1;
	s6 =	sadd.s32 s21, s4  }
0x9d: {  	[timem:s22], [sflag:s7] =	dma.local [hbm:s6], s5  }
0x9e: {  	_ =	swait.ge [sflag:s7], s5  }
0x9f: {  	s5 =	ssub.s32 $0x0, s5;
	[sflag:s7] =	ssyncset.done $0x0  }
0xa0: {  	[sflag:s7] =	ssyncadd.s32 s5;
	_ =	sdelay $0x1  }
0xa1: {  	s23 =	simm.s32 $0x1B8B  }
0xa2: {  	_ =	swait.ge [sflag:s23], $0x1  }
0xa3: {  	[sflag:s23] =	ssyncset.done $0x0  }
0xa4: {  	[sflag:s23] =	ssyncadd.s32 $0xFFFFFFFF  }
0xa5: {  	s5 =	sld [smem:$0x0]  }
0xa6: {  	s6 =	sand.u32 $0xFFFFFFFE, s1  }
0xa7: {  	p0 =	sne.s32 s1, s6  }
0xa8: {  	s6 =	sshll.u32 @p0 s6, $0xE  }
0xa9: {  	s6 =	sadd.s32 @p0 $0x11B8D, s6;
	s7 =	sshll.u32 @p0 s5, $0x11  }
0xaa: {  	s6 =	sor.u32 @p0 s7, s6  }
0xab: {  	[sflag:s6] =	ssyncadd.remote.s32 @p0 $0x1;
	_ =	sdelay $0x1  }
0xac: {  	s6 =	simm.s32 @p0 $0x1B8D  }
0xad: {  	_ =	swait.eq @p0 [sflag:s6], $0x1  }
0xae: {  	[sflag:s6] =	ssyncadd.s32 @p0 $0xFFFFFFFF  }
0xaf: {  	s7 =	sshll.u32 @!p0 s1, $0xE  }
0xb0: {  	s7 =	sor.u32 @!p0 $0x4000, s7;
	s6 =	simm.s32 @!p0 $0x1B8D  }
0xb1: {  	s5 =	sshll.u32 @!p0 s5, $0x11;
	s7 =	sadd.s32 @!p0 $0x11B8D, s7;
	_ =	swait.eq @!p0 [sflag:s6], $0x1  }
0xb2: {  	s5 =	sor.u32 @!p0 s5, s7;
	[sflag:s6] =	ssyncadd.s32 @!p0 $0xFFFFFFFF  }
0xb3: {  	s25 =	simm.s32 $0x1B8E;
	s24 =	sld [smem:$0x3FFE];
	[sflag:s5] =	ssyncadd.remote.s32 @!p0 $0x1  }
0xb4: {  	s26 =	simm.s32 $execute0_lowered;
	[smem:$0x3FD2] =	sst s25  }
0xb5: {  	s6 =	sshll.u32 s26, $0x1;
	_ =	strace $0x8000004C;
	[dreg:$0x1] =	wrdreg $0xFFFFFFFF  }
0xb6: {  	s28 =	simm.s32 $_size_execute0_lowered;
	s4 =	sadd.s32 s4, s6;
	[dreg:$0x0] =	wrdreg $0x0  }
0xb7: {  	s6 =	sshll.u32 s28, $0x1;
	[dreg:$0x2] =	wrdreg s4  }
0xb8: {  	[dreg:$0x3] =	wrdreg s6  }
0xb9: {  	[dreg:$0x4] =	wrdreg $0xC0  }
0xba: {  	_ =	task [dreg:s22], $0x5FFFF  }
0xbb: {  	[dreg:$0x1] =	wrdreg $0xFFFFFFFF  }
0xbc: {  	[dreg:$0x0] =	wrdreg $0x60  }
0xbd: {  	[dreg:$0x2] =	wrdreg s24  }
0xbe: {  	[dreg:$0x3] =	wrdreg s18  }
0xbf: {  	[dreg:$0x4] =	wrdreg $0xA  }
0xc0: {  	_ =	task.clear_ibuf [dreg:s22], $0x5FFFF;
	_ =	strace $0x9000004C  }
0xc1: {  	s29 =	simm.s32 $0xA;
	_ =	strace $0x8000004E  }
0xc2: {  	_ =	swait.ge [sflag:s29], $0x1  }
0xc3: {  	[sflag:s29] =	ssyncadd.s32 $0xFFFFFFFF  }
0xc4: {  	_ =	strace $0x9000004E  }
0xc5: {  	_ =	sfence  }
0xc6: {  	s30 =	sld [smem:$0x0];
	_ =	sdelay $0x2  }
0xc7: {  	s31 =	sshll.u32 s1, $0xD;
	s1 =	sshrl.u32 s1, $0x2  }
0xc8: {  	s4 =	sand.u32 $0x4000, s31;
	s1 =	sadd.s32 s1, s30  }
0xc9: {  	s0 =	sor.u32 s4, s0;
	s1 =	sshll.u32 s1, $0x11  }
0xca: {  	s0 =	sor.u32 s1, s0  }
0xcb: {  	s0 =	sadd.s32 $0x8F2B, s0  }
0xcc: {  	[sflag:s0] =	ssyncadd.remote.s32 $0x1  }
0xcd: {  	_ =	sfence.sel $0xFFFF  }
0xce: {  	[dreg:$0x0] =	wrdreg $0xFFFFFFFF;
	(pc) =	sbr.abs _section_cstart, $3  }
0xcf: {  	[dreg:$0x1] =	wrdreg $0xFFFFFFFF  }
0xd0: {  	_ =	task.clear_ibuf [dreg:s22], $0x2FFFF;
	_ =	strace $0x9FFFFFFF  }
0xd1: {  	(tm) =	ssettm $0x7FFFFFFF  }
tec
execute0_lowered:
.L_overlay_start_1:
0x0: {  	(tag) =	ssettag $0x1  }
0x1: {  	s4 =	rddreg [dreg:$0x0];
	s17 =	stileid.u32  }
0x2: {  	s1 =	srdreg.scid;
	s8 =	smul.u32 $0xC800, s17  }
0x3: {  	s0 =	rddreg [dreg:$0x1];
	s2 =	simm.s32 $0x0;
	s18 =	smul.u32 $0x190000, s17  }
0x4: {  	s1 =	sand.u32 $0x1, s1;
	s3 =	sshll.u32 s17, $0x1;
	s26 =	smul.u32 $0xD0000, s17  }
0x5: {  	[smem:$0x7FF] =	sst s2;
	s5 =	sor.u32 s1, s3;
	s10 =	smul.u32 $0x6400, s1  }
0x6: {  	s11 =	sadd.s32 $0xB9200, s4;
	_ =	strace $0x8000004D;
	s6 =	smul.u32 $0xC80, s5  }
0x7: {  	s3 =	sadd.s32 $0xFC5600, s4;
	s12 =	ssub.s32 $0x2, s1;
	s7 =	smul.u32 $0x680, s5  }
0x8: {  	s9 =	sshll.u32 s5, $0x6;
	s5 =	sshll.u32 s5, $0xB;
	s30 =	sshrl.u32 s12, $0x1  }
0x9: {  	s9 =	sadd.s32 s9, s4;
	s8 =	sadd.s32 s10, s8;
	s29 =	sadd.s32 s5, s4  }
0xa: {  	s12 =	ssub.s32 s12, s30;
	s6 =	sadd.s32 s6, s4;
	s7 =	sadd.s32 s7, s4  }
0xb: {  	s31 =	sshll.u32 s8, $0x2;
	s13 =	sadd.s32 $0x42A00, s9;
	s10 =	sadd.s32 $0xA9800, s29  }
0xc: {  	s8 =	sadd.s32 $0x83200, s6;
	[dreg:$0x14] =	wrdreg s13;
	s14 =	sadd.s32 $0x9C200, s7  }
0xd: {  	s13 =	smul.u32 $0xC8000, s1;
	[dreg:$0x13] =	wrdreg s8;
	s8 =	sadd.s32 s31, s11  }
0xe: {  	s7 =	sadd.s32 $0xA9200, s29;
	[dreg:$0x15] =	wrdreg s14;
	s15 =	sadd.s32 $0xC00, s8  }
0xf: {  	s14 =	smul.u32 $0x6800, s17;
	s16 =	sadd.s32 $0xA00, s8;
	[dreg:$0x9] =	wrdreg s15  }
0x10: {  	s17 =	simm.s32 $0x2;
	s19 =	sadd.s32 $0x800, s8;
	[dreg:$0x8] =	wrdreg s16  }
0x11: {  	s20 =	sadd.s32 $0x600, s8;
	s21 =	sadd.s32 $0x200, s8;
	[dreg:$0x7] =	wrdreg s19  }
0x12: {  	s9 =	sadd.s32 s13, s18;
	[dreg:$0x6] =	wrdreg s20;
	s16 =	smul.u32 $0x3400, s1  }
0x13: {  	s15 =	sadd.s32 $0x400, s8;
	[dreg:$0x4] =	wrdreg s21;
	s1 =	smul.u32 $0x68000, s1  }
0x14: {  	s8 =	sadd.s32 $0xE00, s8;
	s9 =	sshrl.u32 s9, $0x3;
	[dreg:$0x5] =	wrdreg s15  }
0x15: {  	[dreg:$0xa] =	wrdreg s8;
	s22 =	sadd.s32 s16, s14;
	s1 =	sadd.s32 s1, s26  }
0x16: {  	s9 =	sadd.s32 s9, s11;
	s13 =	sshll.u32 s22, $0x2;
	s1 =	sshrl.u32 s1, $0x3  }
0x17: {  	[dreg:$0x3] =	wrdreg s9;
	s23 =	sadd.s32 s13, s0;
	s0 =	sadd.s32 s1, s0  }
0x18: {  	s18 =	simm.s32 $0x9A00;
	s13 =	sadd.s32 $0xE00, s23;
	[dreg:$0xb] =	wrdreg s0  }
0x19: {  	s8 =	sadd.s32 $0xA9400, s29;
	s24 =	sadd.s32 $0xC00, s23;
	[dreg:$0x12] =	wrdreg s13  }
0x1a: {  	s11 =	smax.u32 s12, $0x1;
	s25 =	sadd.s32 $0xA00, s23;
	[dreg:$0x11] =	wrdreg s24  }
0x1b: {  	s12 =	simm.s32 $0x3;
	s28 =	sadd.s32 $0x800, s23;
	[dreg:$0x10] =	wrdreg s25  }
0x1c: {  	s9 =	sadd.s32 $0xA9600, s29;
	s29 =	sadd.s32 $0x600, s23;
	[dreg:$0xf] =	wrdreg s28  }
0x1d: {  	s15 =	simm.s32 $0x80;
	s30 =	sadd.s32 $0x400, s23;
	[dreg:$0xe] =	wrdreg s29  }
0x1e: {  	s16 =	simm.s32 $0x1;
	s31 =	sadd.s32 $0x200, s23;
	[dreg:$0xd] =	wrdreg s30  }
0x1f: {  	s22 =	simm.s32 $0x0;
	[dreg:$0xc] =	wrdreg s31;
	s13 =	simm.s32 $0x6400  }
.LBB2_1:
0x20: {  	s0 =	rddreg [dreg:$0x13]  }
0x21: {  	[tilespmem:s2], [sflag:$0x3] =	stream.linear.gather [hbm4b:s0+s2], $0x6400, $0x38;
	[tilespmem:$0x19A00] =	vst v63  }
0x22: {  	_ =	swait.ge [sflag:s12], $0x6400  }
0x23: {  	[sflag:s12] =	ssyncset.done $0x0  }
0x24: {  	s1 =	rddreg [dreg:$0x14];
	[sflag:s12] =	ssyncadd.s32 $0xFFFF9C00  }
0x25: {  	[tilespmem:s13], [sflag:$0x3] =	stream.linear.gather [hbm4b:s1+s2], $0x200, $0x38;
	[tilespmem:$0x19A00] =	vst v63  }
0x26: {  	_ =	swait.ge [sflag:s12], $0x200  }
0x27: {  	[sflag:s12] =	ssyncset.done $0x0  }
0x28: {  	s1 =	simm.s32 $0x6600;
	s4 =	rddreg [dreg:$0x15];
	[sflag:s12] =	ssyncadd.s32 $0xFFFFFE00  }
0x29: {  	[tilespmem:s1], [sflag:$0x3] =	stream.linear.gather [hbm4b:s4+s2], $0x3400, $0x38;
	[tilespmem:$0x19A00] =	vst v63  }
0x2a: {  	p0 =	por $0x1, $0x1;
	_ =	swait.ge [sflag:s12], $0x3400  }
0x2b: {  	p0 =	por p0, p0;
	[sflag:s12] =	ssyncset.done $0x0  }
0x2c: {  	s0 =	simm.s32 @!p0 $0x2;
	[sflag:s12] =	ssyncadd.s32 $0xFFFFCC00  }
0x2d: {  	_ =	swait.ge @!p0 [sflag:s0], $0x1000  }
0x2e: {  	[sflag:s0] =	ssyncset.done @!p0 $0x0  }
0x2f: {  	[sflag:s0] =	ssyncadd.s32 @!p0 $0xFFFFF000  }
0x30: {  	_ =	swait.ge @!p0 [sflag:s0], $0x1000  }
0x31: {  	[sflag:s0] =	ssyncset.done @!p0 $0x0  }
0x32: {  	[sflag:s0] =	ssyncadd.s32 @!p0 $0xFFFFF000  }
0x33: {  	_ =	swait.ge @!p0 [sflag:s0], $0x1000  }
0x34: {  	[sflag:s0] =	ssyncset.done @!p0 $0x0  }
0x35: {  	[sflag:s0] =	ssyncadd.s32 @!p0 $0xFFFFF000  }
0x36: {  	_ =	swait.ge @!p0 [sflag:s0], $0x1000  }
0x37: {  	[sflag:s0] =	ssyncset.done @!p0 $0x0  }
0x38: {  	[sflag:s0] =	ssyncadd.s32 @!p0 $0xFFFFF000  }
0x39: {  	_ =	swait.ge @!p0 [sflag:s0], $0x1000  }
0x3a: {  	[sflag:s0] =	ssyncset.done @!p0 $0x0  }
0x3b: {  	[sflag:s0] =	ssyncadd.s32 @!p0 $0xFFFFF000  }
0x3c: {  	_ =	swait.ge @!p0 [sflag:s0], $0x1000  }
0x3d: {  	[sflag:s0] =	ssyncset.done @!p0 $0x0  }
0x3e: {  	[sflag:s0] =	ssyncadd.s32 @!p0 $0xFFFFF000  }
0x3f: {  	_ =	swait.ge @!p0 [sflag:s0], $0x1000  }
0x40: {  	[sflag:s0] =	ssyncset.done @!p0 $0x0  }
0x41: {  	[sflag:s0] =	ssyncadd.s32 @!p0 $0xFFFFF000  }
0x42: {  	_ =	swait.ge @!p0 [sflag:s0], $0x1000  }
0x43: {  	s5 =	sand.u32 $0x8000, s2;
	[sflag:s0] =	ssyncset.done @!p0 $0x0  }
0x44: {  	s14 =	simm.s32 $0x0;
	s6 =	sadd.s32 $0x9A00, s5;
	[sflag:s0] =	ssyncadd.s32 @!p0 $0xFFFFF000  }
0x45: {  	[tilespmem:s6], [sflag:$0x1] =	stream.indirect.gather [hbm4b:s3+s15], $0x20, s14, s15, $0xb8;
	[tilespmem:$0x19A00] =	vst v63  }
0x46: {  	s19 =	simm.s32 $0x80;
	s21 =	sadd.s32 $0xAA00, s5  }
0x47: {  	[tilespmem:s21], [sflag:$0x1] =	stream.indirect.gather [hbm4b:s3+s15], $0x20, s19, s15, $0xb8;
	[tilespmem:$0x19A00] =	vst v63  }
0x48: {  	s20 =	simm.s32 $0x100;
	s19 =	sadd.s32 $0xBA00, s5  }
0x49: {  	[tilespmem:s19], [sflag:$0x1] =	stream.indirect.gather [hbm4b:s3+s15], $0x20, s20, s15, $0xb8;
	[tilespmem:$0x19A00] =	vst v63  }
0x4a: {  	s23 =	simm.s32 $0x180;
	s20 =	sadd.s32 $0xCA00, s5  }
0x4b: {  	[tilespmem:s20], [sflag:$0x1] =	stream.indirect.gather [hbm4b:s3+s15], $0x20, s23, s15, $0xb8;
	[tilespmem:$0x19A00] =	vst v63  }
0x4c: {  	s24 =	simm.s32 $0x200;
	s23 =	sadd.s32 $0xDA00, s5  }
0x4d: {  	[tilespmem:s23], [sflag:$0x1] =	stream.indirect.gather [hbm4b:s3+s15], $0x20, s24, s15, $0xb8;
	[tilespmem:$0x19A00] =	vst v63  }
0x4e: {  	s25 =	simm.s32 $0x280;
	s24 =	sadd.s32 $0xEA00, s5  }
0x4f: {  	[tilespmem:s24], [sflag:$0x1] =	stream.indirect.gather [hbm4b:s3+s15], $0x20, s25, s15, $0xb8;
	[tilespmem:$0x19A00] =	vst v63  }
0x50: {  	s26 =	simm.s32 $0x300;
	s25 =	sadd.s32 $0xFA00, s5  }
0x51: {  	[tilespmem:s25], [sflag:$0x1] =	stream.indirect.gather [hbm4b:s3+s15], $0x20, s26, s15, $0xb8;
	[tilespmem:$0x19A00] =	vst v63  }
0x52: {  	s28 =	simm.s32 $0x380;
	s29 =	sor.u32 $0x10A00, s5  }
0x53: {  	[tilespmem:s29], [sflag:$0x1] =	stream.indirect.gather [hbm4b:s3+s15], $0x20, s28, s15, $0xb8;
	[tilespmem:$0x19A00] =	vst v63  }
0x54: {  	_ =	swait.ge [sflag:s16], $0x1000  }
0x55: {  	[sflag:s16] =	ssyncset.done $0x0  }
0x56: {  	[sflag:s16] =	ssyncadd.s32 $0xFFFFF000  }
0x57: {  	_ =	swait.ge [sflag:s16], $0x1000  }
0x58: {  	[sflag:s16] =	ssyncset.done $0x0  }
0x59: {  	[sflag:s16] =	ssyncadd.s32 $0xFFFFF000  }
0x5a: {  	_ =	swait.ge [sflag:s16], $0x1000  }
0x5b: {  	[sflag:s16] =	ssyncset.done $0x0  }
0x5c: {  	[sflag:s16] =	ssyncadd.s32 $0xFFFFF000  }
0x5d: {  	_ =	swait.ge [sflag:s16], $0x1000  }
0x5e: {  	[sflag:s16] =	ssyncset.done $0x0  }
0x5f: {  	[sflag:s16] =	ssyncadd.s32 $0xFFFFF000  }
0x60: {  	_ =	swait.ge [sflag:s16], $0x1000  }
0x61: {  	[sflag:s16] =	ssyncset.done $0x0  }
0x62: {  	[sflag:s16] =	ssyncadd.s32 $0xFFFFF000  }
0x63: {  	_ =	swait.ge [sflag:s16], $0x1000  }
0x64: {  	[sflag:s16] =	ssyncset.done $0x0  }
0x65: {  	[sflag:s16] =	ssyncadd.s32 $0xFFFFF000  }
0x66: {  	_ =	swait.ge [sflag:s16], $0x1000  }
0x67: {  	[sflag:s16] =	ssyncset.done $0x0  }
0x68: {  	[sflag:s16] =	ssyncadd.s32 $0xFFFFF000  }
0x69: {  	_ =	swait.ge [sflag:s16], $0x1000  }
0x6a: {  	s30 =	rddreg [dreg:$0x3]  }
0x6b: {  	s31 =	rddreg [dreg:$0x4];
	[sflag:s16] =	ssyncset.done $0x0  }
0x6c: {  	s28 =	rddreg [dreg:$0x5];
	[sflag:s16] =	ssyncadd.s32 $0xFFFFF000;
	s1 =	sadd.s32 $0x0, s30  }
0x6d: {  	[hbm4b:s1+s2] =	stream.linear.scatter [tilespmem:s6], [sflag:$0x2], $0x1000, $0x38;
	[tilespmem:$0x19A00] =	vst v63  }
0x6e: {  	s4 =	rddreg [dreg:$0x6];
	s5 =	sadd.s32 $0x0, s31  }
0x6f: {  	[hbm4b:s5+s2] =	stream.linear.scatter [tilespmem:s21], [sflag:$0x2], $0x1000, $0x38;
	[tilespmem:$0x19A00] =	vst v63  }
0x70: {  	s26 =	rddreg [dreg:$0x8];
	s21 =	sadd.s32 $0x0, s28  }
0x71: {  	[hbm4b:s21+s2] =	stream.linear.scatter [tilespmem:s19], [sflag:$0x2], $0x1000, $0x38;
	[tilespmem:$0x19A00] =	vst v63  }
0x72: {  	s0 =	sadd.s32 $0x0, s4;
	s6 =	rddreg [dreg:$0x7]  }
0x73: {  	[hbm4b:s0+s2] =	stream.linear.scatter [tilespmem:s20], [sflag:$0x2], $0x1000, $0x38;
	[tilespmem:$0x19A00] =	vst v63  }
0x74: {  	p6 =	por $0x1, $0x1;
	s31 =	rddreg [dreg:$0xa];
	s1 =	sadd.s32 $0x0, s6  }
0x75: {  	[hbm4b:s1+s2] =	stream.linear.scatter [tilespmem:s23], [sflag:$0x2], $0x1000, $0x38;
	[tilespmem:$0x19A00] =	vst v63  }
0x76: {  	p0 =	por p6, p6;
	s30 =	sadd.s32 $0x0, s26;
	s28 =	rddreg [dreg:$0x9]  }
0x77: {  	[hbm4b:s30+s2] =	stream.linear.scatter [tilespmem:s24], [sflag:$0x2], $0x1000, $0x38;
	[tilespmem:$0x19A00] =	vst v63  }
0x78: {  	s26 =	simm.s32 $0x2;
	s0 =	sadd.s32 $0x0, s28;
	s23 =	simm.s32 $0x1000  }
0x79: {  	[hbm4b:s0+s2] =	stream.linear.scatter [tilespmem:s25], [sflag:$0x2], $0x1000, $0x38;
	[tilespmem:$0x19A00] =	vst v63  }
0x7a: {  	s24 =	simm.s32 $0x8000;
	s25 =	simm.s32 $0x2000;
	s0 =	sadd.s32 $0x0, s31  }
.LBB2_2:
0x7b: {  	[hbm4b:s0+s2] =	stream.linear.scatter [tilespmem:s29], [sflag:$0x2], $0x1000, $0x38;
	[tilespmem:$0x19A00] =	vst v63  }
0x7c: {  	s0 =	simm.s32 @!p0 $0x2  }
0x7d: {  	_ =	swait.ge @!p0 [sflag:s0], $0x1000  }
0x7e: {  	[sflag:s0] =	ssyncset.done @!p0 $0x0  }
0x7f: {  	[sflag:s0] =	ssyncadd.s32 @!p0 $0xFFFFF000  }
0x80: {  	_ =	swait.ge @!p0 [sflag:s0], $0x1000  }
0x81: {  	[sflag:s0] =	ssyncset.done @!p0 $0x0  }
0x82: {  	[sflag:s0] =	ssyncadd.s32 @!p0 $0xFFFFF000  }
0x83: {  	_ =	swait.ge @!p0 [sflag:s0], $0x1000  }
0x84: {  	[sflag:s0] =	ssyncset.done @!p0 $0x0  }
0x85: {  	[sflag:s0] =	ssyncadd.s32 @!p0 $0xFFFFF000  }
0x86: {  	_ =	swait.ge @!p0 [sflag:s0], $0x1000  }
0x87: {  	[sflag:s0] =	ssyncset.done @!p0 $0x0  }
0x88: {  	[sflag:s0] =	ssyncadd.s32 @!p0 $0xFFFFF000  }
0x89: {  	_ =	swait.ge @!p0 [sflag:s0], $0x1000  }
0x8a: {  	[sflag:s0] =	ssyncset.done @!p0 $0x0  }
0x8b: {  	[sflag:s0] =	ssyncadd.s32 @!p0 $0xFFFFF000  }
0x8c: {  	_ =	swait.ge @!p0 [sflag:s0], $0x1000  }
0x8d: {  	[sflag:s0] =	ssyncset.done @!p0 $0x0  }
0x8e: {  	[sflag:s0] =	ssyncadd.s32 @!p0 $0xFFFFF000  }
0x8f: {  	_ =	swait.ge @!p0 [sflag:s0], $0x1000  }
0x90: {  	[sflag:s0] =	ssyncset.done @!p0 $0x0  }
0x91: {  	[sflag:s0] =	ssyncadd.s32 @!p0 $0xFFFFF000  }
0x92: {  	_ =	swait.ge @!p0 [sflag:s0], $0x1000  }
0x93: {  	s28 =	smov.u32 s23;
	s29 =	sand.u32 $0x8000, s24;
	[sflag:s0] =	ssyncset.done @!p0 $0x0  }
0x94: {  	s30 =	sadd.s32 $0x9A00, s29;
	s21 =	sshra.s32 s28, $0x2;
	[sflag:s0] =	ssyncadd.s32 @!p0 $0xFFFFF000  }
0x95: {  	[tilespmem:s30], [sflag:$0x1] =	stream.indirect.gather [hbm4b:s3+s15], $0x20, s21, s15, $0xb8;
	[tilespmem:$0x19A00] =	vst v63  }
0x96: {  	s31 =	sadd.s32 $0xAA00, s29;
	s1 =	sadd.s32 $0x80, s21  }
0x97: {  	[tilespmem:s31], [sflag:$0x1] =	stream.indirect.gather [hbm4b:s3+s15], $0x20, s1, s15, $0xb8;
	[tilespmem:$0x19A00] =	vst v63  }
0x98: {  	s4 =	sadd.s32 $0x100, s21;
	s1 =	sadd.s32 $0xBA00, s29  }
0x99: {  	[tilespmem:s1], [sflag:$0x1] =	stream.indirect.gather [hbm4b:s3+s15], $0x20, s4, s15, $0xb8;
	[tilespmem:$0x19A00] =	vst v63  }
0x9a: {  	s14 =	sadd.s32 $0x180, s21;
	s0 =	sadd.s32 $0xCA00, s29  }
0x9b: {  	[tilespmem:s0], [sflag:$0x1] =	stream.indirect.gather [hbm4b:s3+s15], $0x20, s14, s15, $0xb8;
	[tilespmem:$0x19A00] =	vst v63  }
0x9c: {  	s19 =	sadd.s32 $0x200, s21;
	s14 =	sadd.s32 $0xDA00, s29  }
0x9d: {  	[tilespmem:s14], [sflag:$0x1] =	stream.indirect.gather [hbm4b:s3+s15], $0x20, s19, s15, $0xb8;
	[tilespmem:$0x19A00] =	vst v63  }
0x9e: {  	s20 =	sadd.s32 $0x280, s21;
	s19 =	sadd.s32 $0xEA00, s29  }
0x9f: {  	[tilespmem:s19], [sflag:$0x1] =	stream.indirect.gather [hbm4b:s3+s15], $0x20, s20, s15, $0xb8;
	[tilespmem:$0x19A00] =	vst v63  }
0xa0: {  	s4 =	sadd.s32 $0x300, s21;
	s20 =	sadd.s32 $0xFA00, s29  }
0xa1: {  	[tilespmem:s20], [sflag:$0x1] =	stream.indirect.gather [hbm4b:s3+s15], $0x20, s4, s15, $0xb8;
	[tilespmem:$0x19A00] =	vst v63  }
0xa2: {  	s5 =	sadd.s32 $0x380, s21;
	s29 =	sor.u32 $0x10A00, s29  }
0xa3: {  	[tilespmem:s29], [sflag:$0x1] =	stream.indirect.gather [hbm4b:s3+s15], $0x20, s5, s15, $0xb8;
	[tilespmem:$0x19A00] =	vst v63  }
0xa4: {  	_ =	swait.ge [sflag:s16], $0x1000  }
0xa5: {  	[sflag:s16] =	ssyncset.done $0x0  }
0xa6: {  	[sflag:s16] =	ssyncadd.s32 $0xFFFFF000  }
0xa7: {  	_ =	swait.ge [sflag:s16], $0x1000  }
0xa8: {  	[sflag:s16] =	ssyncset.done $0x0  }
0xa9: {  	[sflag:s16] =	ssyncadd.s32 $0xFFFFF000  }
0xaa: {  	_ =	swait.ge [sflag:s16], $0x1000  }
0xab: {  	[sflag:s16] =	ssyncset.done $0x0  }
0xac: {  	[sflag:s16] =	ssyncadd.s32 $0xFFFFF000  }
0xad: {  	_ =	swait.ge [sflag:s16], $0x1000  }
0xae: {  	[sflag:s16] =	ssyncset.done $0x0  }
0xaf: {  	[sflag:s16] =	ssyncadd.s32 $0xFFFFF000  }
0xb0: {  	_ =	swait.ge [sflag:s16], $0x1000  }
0xb1: {  	[sflag:s16] =	ssyncset.done $0x0  }
0xb2: {  	[sflag:s16] =	ssyncadd.s32 $0xFFFFF000  }
0xb3: {  	_ =	swait.ge [sflag:s16], $0x1000  }
0xb4: {  	[sflag:s16] =	ssyncset.done $0x0  }
0xb5: {  	[sflag:s16] =	ssyncadd.s32 $0xFFFFF000  }
0xb6: {  	_ =	swait.ge [sflag:s16], $0x1000  }
0xb7: {  	[sflag:s16] =	ssyncset.done $0x0  }
0xb8: {  	[sflag:s16] =	ssyncadd.s32 $0xFFFFF000  }
0xb9: {  	_ =	swait.ge [sflag:s16], $0x1000  }
0xba: {  	s6 =	rddreg [dreg:$0x3];
	[sflag:s16] =	ssyncset.done $0x0  }
0xbb: {  	s21 =	rddreg [dreg:$0x4];
	[sflag:s16] =	ssyncadd.s32 $0xFFFFF000;
	s4 =	sadd.s32 s28, s6  }
0xbc: {  	[hbm4b:s4+s2] =	stream.linear.scatter [tilespmem:s30], [sflag:$0x2], $0x1000, $0x38;
	[tilespmem:$0x19A00] =	vst v63  }
0xbd: {  	s23 =	smov.u32 s25;
	s5 =	rddreg [dreg:$0x5];
	s30 =	sadd.s32 s28, s21  }
0xbe: {  	[hbm4b:s30+s2] =	stream.linear.scatter [tilespmem:s31], [sflag:$0x2], $0x1000, $0x38;
	[tilespmem:$0x19A00] =	vst v63  }
0xbf: {  	p2 =	slt.u32 s26, $0x2;
	s6 =	rddreg [dreg:$0x6];
	s31 =	sadd.s32 s28, s5  }
0xc0: {  	[hbm4b:s31+s2] =	stream.linear.scatter [tilespmem:s1], [sflag:$0x2], $0x1000, $0x38;
	[tilespmem:$0x19A00] =	vst v63  }
0xc1: {  	s25 =	sadd.s32 $0x1000, s25;
	s21 =	rddreg [dreg:$0x7];
	s30 =	sadd.s32 s28, s6  }
0xc2: {  	[hbm4b:s30+s2] =	stream.linear.scatter [tilespmem:s0], [sflag:$0x2], $0x1000, $0x38;
	[tilespmem:$0x19A00] =	vst v63  }
0xc3: {  	p1 =	sne.s32 s25, $0x19000;
	s5 =	rddreg [dreg:$0x8];
	s6 =	sadd.s32 s28, s21  }
0xc4: {  	[hbm4b:s6+s2] =	stream.linear.scatter [tilespmem:s14], [sflag:$0x2], $0x1000, $0x38;
	[tilespmem:$0x19A00] =	vst v63  }
.Ltmp0:
0xc5: {  	s26 =	sadd.s32 $0x1, s26;
	s21 =	rddreg [dreg:$0xa];
	(pc) =	sbr.rel @p1 .LBB2_2-.Ltmp0, $4  }
0xc6: {  	s24 =	sadd.s32 $0x8000, s24;
	s31 =	rddreg [dreg:$0x9];
	s30 =	sadd.s32 s28, s5  }
0xc7: {  	[hbm4b:s30+s2] =	stream.linear.scatter [tilespmem:s19], [sflag:$0x2], $0x1000, $0x38;
	[tilespmem:$0x19A00] =	vst v63  }
0xc8: {  	p0 =	por p2, p2;
	s31 =	sadd.s32 s28, s31;
	s0 =	sadd.s32 s28, s21  }
0xc9: {  	[hbm4b:s31+s2] =	stream.linear.scatter [tilespmem:s20], [sflag:$0x2], $0x1000, $0x38;
	[tilespmem:$0x19A00] =	vst v63  }
0xca: {  	[hbm4b:s0+s2] =	stream.linear.scatter [tilespmem:s29], [sflag:$0x2], $0x1000, $0x38;
	[tilespmem:$0x19A00] =	vst v63  }
0xcb: {  	s0 =	simm.s32 @!p0 $0x2  }
0xcc: {  	_ =	swait.ge @!p0 [sflag:s0], $0x1000  }
0xcd: {  	[sflag:s0] =	ssyncset.done @!p0 $0x0  }
0xce: {  	[sflag:s0] =	ssyncadd.s32 @!p0 $0xFFFFF000  }
0xcf: {  	_ =	swait.ge @!p0 [sflag:s0], $0x1000  }
0xd0: {  	[sflag:s0] =	ssyncset.done @!p0 $0x0  }
0xd1: {  	[sflag:s0] =	ssyncadd.s32 @!p0 $0xFFFFF000  }
0xd2: {  	_ =	swait.ge @!p0 [sflag:s0], $0x1000  }
0xd3: {  	[sflag:s0] =	ssyncset.done @!p0 $0x0  }
0xd4: {  	[sflag:s0] =	ssyncadd.s32 @!p0 $0xFFFFF000  }
0xd5: {  	_ =	swait.ge @!p0 [sflag:s0], $0x1000  }
0xd6: {  	[sflag:s0] =	ssyncset.done @!p0 $0x0  }
0xd7: {  	[sflag:s0] =	ssyncadd.s32 @!p0 $0xFFFFF000  }
0xd8: {  	_ =	swait.ge @!p0 [sflag:s0], $0x1000  }
0xd9: {  	[sflag:s0] =	ssyncset.done @!p0 $0x0  }
0xda: {  	[sflag:s0] =	ssyncadd.s32 @!p0 $0xFFFFF000  }
0xdb: {  	_ =	swait.ge @!p0 [sflag:s0], $0x1000  }
0xdc: {  	[sflag:s0] =	ssyncset.done @!p0 $0x0  }
0xdd: {  	[sflag:s0] =	ssyncadd.s32 @!p0 $0xFFFFF000  }
0xde: {  	_ =	swait.ge @!p0 [sflag:s0], $0x1000  }
0xdf: {  	[sflag:s0] =	ssyncset.done @!p0 $0x0  }
0xe0: {  	[sflag:s0] =	ssyncadd.s32 @!p0 $0xFFFFF000  }
0xe1: {  	_ =	swait.ge @!p0 [sflag:s0], $0x1000  }
0xe2: {  	s1 =	sand.u32 $0x8000, s24;
	[sflag:s0] =	ssyncset.done @!p0 $0x0  }
0xe3: {  	s4 =	sshra.s32 s23, $0x2;
	s31 =	sadd.s32 $0x9A00, s1;
	[sflag:s0] =	ssyncadd.s32 @!p0 $0xFFFFF000  }
0xe4: {  	[tilespmem:s31], [sflag:$0x1] =	stream.indirect.gather [hbm4b:s3+s15], $0x20, s4, s15, $0xb8;
	[tilespmem:$0x19A00] =	vst v63  }
0xe5: {  	s5 =	sadd.s32 $0xAA00, s1;
	s6 =	sadd.s32 $0x80, s4  }
0xe6: {  	[tilespmem:s5], [sflag:$0x1] =	stream.indirect.gather [hbm4b:s3+s15], $0x20, s6, s15, $0xb8;
	[tilespmem:$0x19A00] =	vst v63  }
0xe7: {  	s14 =	sadd.s32 $0x100, s4;
	s6 =	sadd.s32 $0xBA00, s1  }
0xe8: {  	[tilespmem:s6], [sflag:$0x1] =	stream.indirect.gather [hbm4b:s3+s15], $0x20, s14, s15, $0xb8;
	[tilespmem:$0x19A00] =	vst v63  }
0xe9: {  	s19 =	sadd.s32 $0x180, s4;
	s14 =	sadd.s32 $0xCA00, s1  }
0xea: {  	[tilespmem:s14], [sflag:$0x1] =	stream.indirect.gather [hbm4b:s3+s15], $0x20, s19, s15, $0xb8;
	[tilespmem:$0x19A00] =	vst v63  }
0xeb: {  	s20 =	sadd.s32 $0x200, s4;
	s19 =	sadd.s32 $0xDA00, s1  }
0xec: {  	[tilespmem:s19], [sflag:$0x1] =	stream.indirect.gather [hbm4b:s3+s15], $0x20, s20, s15, $0xb8;
	[tilespmem:$0x19A00] =	vst v63  }
0xed: {  	s21 =	sadd.s32 $0x280, s4;
	s20 =	sadd.s32 $0xEA00, s1  }
0xee: {  	[tilespmem:s20], [sflag:$0x1] =	stream.indirect.gather [hbm4b:s3+s15], $0x20, s21, s15, $0xb8;
	[tilespmem:$0x19A00] =	vst v63  }
0xef: {  	s25 =	sadd.s32 $0x300, s4;
	s21 =	sadd.s32 $0xFA00, s1  }
0xf0: {  	[tilespmem:s21], [sflag:$0x1] =	stream.indirect.gather [hbm4b:s3+s15], $0x20, s25, s15, $0xb8;
	[tilespmem:$0x19A00] =	vst v63  }
0xf1: {  	s4 =	sadd.s32 $0x380, s4;
	s1 =	sor.u32 $0x10A00, s1  }
0xf2: {  	[tilespmem:s1], [sflag:$0x1] =	stream.indirect.gather [hbm4b:s3+s15], $0x20, s4, s15, $0xb8;
	[tilespmem:$0x19A00] =	vst v63  }
0xf3: {  	_ =	swait.ge [sflag:s16], $0x1000  }
0xf4: {  	[sflag:s16] =	ssyncset.done $0x0  }
0xf5: {  	[sflag:s16] =	ssyncadd.s32 $0xFFFFF000  }
0xf6: {  	_ =	swait.ge [sflag:s16], $0x1000  }
0xf7: {  	[sflag:s16] =	ssyncset.done $0x0  }
0xf8: {  	[sflag:s16] =	ssyncadd.s32 $0xFFFFF000  }
0xf9: {  	_ =	swait.ge [sflag:s16], $0x1000  }
0xfa: {  	[sflag:s16] =	ssyncset.done $0x0  }
0xfb: {  	[sflag:s16] =	ssyncadd.s32 $0xFFFFF000  }
0xfc: {  	_ =	swait.ge [sflag:s16], $0x1000  }
0xfd: {  	[sflag:s16] =	ssyncset.done $0x0  }
0xfe: {  	[sflag:s16] =	ssyncadd.s32 $0xFFFFF000  }
0xff: {  	_ =	swait.ge [sflag:s16], $0x1000  }
0x100: {  	[sflag:s16] =	ssyncset.done $0x0  }
0x101: {  	[sflag:s16] =	ssyncadd.s32 $0xFFFFF000  }
0x102: {  	_ =	swait.ge [sflag:s16], $0x1000  }
0x103: {  	[sflag:s16] =	ssyncset.done $0x0  }
0x104: {  	[sflag:s16] =	ssyncadd.s32 $0xFFFFF000  }
0x105: {  	_ =	swait.ge [sflag:s16], $0x1000  }
0x106: {  	[sflag:s16] =	ssyncset.done $0x0  }
0x107: {  	[sflag:s16] =	ssyncadd.s32 $0xFFFFF000  }
0x108: {  	_ =	swait.ge [sflag:s16], $0x1000  }
0x109: {  	s26 =	rddreg [dreg:$0x3];
	[sflag:s16] =	ssyncset.done $0x0  }
0x10a: {  	s28 =	rddreg [dreg:$0x4];
	[sflag:s16] =	ssyncadd.s32 $0xFFFFF000;
	s4 =	sadd.s32 s23, s26  }
0x10b: {  	[hbm4b:s4+s2] =	stream.linear.scatter [tilespmem:s31], [sflag:$0x2], $0x1000, $0x38;
	[tilespmem:$0x19A00] =	vst v63  }
0x10c: {  	s30 =	rddreg [dreg:$0x5];
	s31 =	sadd.s32 s23, s28  }
0x10d: {  	[hbm4b:s31+s2] =	stream.linear.scatter [tilespmem:s5], [sflag:$0x2], $0x1000, $0x38;
	[tilespmem:$0x19A00] =	vst v63  }
0x10e: {  	s0 =	sadd.s32 s23, s30;
	s5 =	rddreg [dreg:$0x6]  }
0x10f: {  	[hbm4b:s0+s2] =	stream.linear.scatter [tilespmem:s6], [sflag:$0x2], $0x1000, $0x38;
	[tilespmem:$0x19A00] =	vst v63  }
0x110: {  	s24 =	rddreg [dreg:$0x7];
	s4 =	sadd.s32 s23, s5  }
0x111: {  	[hbm4b:s4+s2] =	stream.linear.scatter [tilespmem:s14], [sflag:$0x2], $0x1000, $0x38;
	[tilespmem:$0x19A00] =	vst v63  }
0x112: {  	s25 =	rddreg [dreg:$0x8];
	s5 =	sadd.s32 s23, s24  }
0x113: {  	[hbm4b:s5+s2] =	stream.linear.scatter [tilespmem:s19], [sflag:$0x2], $0x1000, $0x38;
	[tilespmem:$0x19A00] =	vst v63  }
0x114: {  	s26 =	rddreg [dreg:$0x9];
	s0 =	sadd.s32 s23, s25  }
0x115: {  	[hbm4b:s0+s2] =	stream.linear.scatter [tilespmem:s20], [sflag:$0x2], $0x1000, $0x38;
	[tilespmem:$0x19A00] =	vst v63  }
0x116: {  	s28 =	rddreg [dreg:$0xa];
	s30 =	sadd.s32 s23, s26  }
0x117: {  	[hbm4b:s30+s2] =	stream.linear.scatter [tilespmem:s21], [sflag:$0x2], $0x1000, $0x38;
	[tilespmem:$0x19A00] =	vst v63  }
0x118: {  	s31 =	sadd.s32 s23, s28  }
0x119: {  	[hbm4b:s31+s2] =	stream.linear.scatter [tilespmem:s1], [sflag:$0x2], $0x1000, $0x38;
	[tilespmem:$0x19A00] =	vst v63  }
0x11a: {  	_ =	swait.ge [sflag:s17], $0x1000  }
0x11b: {  	[sflag:s17] =	ssyncset.done $0x0  }
0x11c: {  	[sflag:s17] =	ssyncadd.s32 $0xFFFFF000  }
0x11d: {  	_ =	swait.ge [sflag:s17], $0x1000  }
0x11e: {  	[sflag:s17] =	ssyncset.done $0x0  }
0x11f: {  	[sflag:s17] =	ssyncadd.s32 $0xFFFFF000  }
0x120: {  	_ =	swait.ge [sflag:s17], $0x1000  }
0x121: {  	[sflag:s17] =	ssyncset.done $0x0  }
0x122: {  	[sflag:s17] =	ssyncadd.s32 $0xFFFFF000  }
0x123: {  	_ =	swait.ge [sflag:s17], $0x1000  }
0x124: {  	[sflag:s17] =	ssyncset.done $0x0  }
0x125: {  	[sflag:s17] =	ssyncadd.s32 $0xFFFFF000  }
0x126: {  	_ =	swait.ge [sflag:s17], $0x1000  }
0x127: {  	[sflag:s17] =	ssyncset.done $0x0  }
0x128: {  	[sflag:s17] =	ssyncadd.s32 $0xFFFFF000  }
0x129: {  	_ =	swait.ge [sflag:s17], $0x1000  }
0x12a: {  	[sflag:s17] =	ssyncset.done $0x0  }
0x12b: {  	[sflag:s17] =	ssyncadd.s32 $0xFFFFF000  }
0x12c: {  	_ =	swait.ge [sflag:s17], $0x1000  }
0x12d: {  	[sflag:s17] =	ssyncset.done $0x0  }
0x12e: {  	[sflag:s17] =	ssyncadd.s32 $0xFFFFF000  }
0x12f: {  	_ =	swait.ge [sflag:s17], $0x1000  }
0x130: {  	[sflag:s17] =	ssyncset.done $0x0  }
0x131: {  	[sflag:s17] =	ssyncadd.s32 $0xFFFFF000  }
0x132: {  	_ =	swait.ge [sflag:s17], $0x1000  }
0x133: {  	[sflag:s17] =	ssyncset.done $0x0  }
0x134: {  	[sflag:s17] =	ssyncadd.s32 $0xFFFFF000  }
0x135: {  	_ =	swait.ge [sflag:s17], $0x1000  }
0x136: {  	[sflag:s17] =	ssyncset.done $0x0  }
0x137: {  	[sflag:s17] =	ssyncadd.s32 $0xFFFFF000  }
0x138: {  	_ =	swait.ge [sflag:s17], $0x1000  }
0x139: {  	[sflag:s17] =	ssyncset.done $0x0  }
0x13a: {  	[sflag:s17] =	ssyncadd.s32 $0xFFFFF000  }
0x13b: {  	_ =	swait.ge [sflag:s17], $0x1000  }
0x13c: {  	[sflag:s17] =	ssyncset.done $0x0  }
0x13d: {  	[sflag:s17] =	ssyncadd.s32 $0xFFFFF000  }
0x13e: {  	_ =	swait.ge [sflag:s17], $0x1000  }
0x13f: {  	[sflag:s17] =	ssyncset.done $0x0  }
0x140: {  	[sflag:s17] =	ssyncadd.s32 $0xFFFFF000  }
0x141: {  	_ =	swait.ge [sflag:s17], $0x1000  }
0x142: {  	[sflag:s17] =	ssyncset.done $0x0  }
0x143: {  	[sflag:s17] =	ssyncadd.s32 $0xFFFFF000  }
0x144: {  	_ =	swait.ge [sflag:s17], $0x1000  }
0x145: {  	[sflag:s17] =	ssyncset.done $0x0  }
0x146: {  	[sflag:s17] =	ssyncadd.s32 $0xFFFFF000  }
0x147: {  	_ =	swait.ge [sflag:s17], $0x1000  }
0x148: {  	[sflag:s17] =	ssyncset.done $0x0  }
0x149: {  	[sflag:s17] =	ssyncadd.s32 $0xFFFFF000  }
0x14a: {  	[tilespmem:s18], [sflag:$0x1] =	stream.indirect.gather [hbm4b:s3+s15], $0x20, s13, s15, $0xb8;
	[tilespmem:$0x19A00] =	vst v63  }
0x14b: {  	_ =	swait.ge [sflag:s16], $0x1000  }
0x14c: {  	[sflag:s16] =	ssyncset.done $0x0  }
0x14d: {  	s4 =	simm.s32 $0x0;
	[sflag:s16] =	ssyncadd.s32 $0xFFFFF000  }
0x14e: {  	[hbm4b:s7+s4] =	stream.linear.scatter [tilespmem:s18], [sflag:$0x3], $0x1000, $0x38;
	[tilespmem:$0x19A00] =	vst v63  }
0x14f: {  	_ =	swait.ge [sflag:s12], $0x1000  }
0x150: {  	[sflag:s12] =	ssyncset.done $0x0  }
0x151: {  	s5 =	simm.s32 $0x6480;
	[sflag:s12] =	ssyncadd.s32 $0xFFFFF000  }
0x152: {  	[tilespmem:s18], [sflag:$0x1] =	stream.indirect.gather [hbm4b:s3+s15], $0x20, s5, s15, $0xb8;
	[tilespmem:$0x19A00] =	vst v63  }
0x153: {  	_ =	swait.ge [sflag:s16], $0x1000  }
0x154: {  	[sflag:s16] =	ssyncset.done $0x0  }
0x155: {  	[sflag:s16] =	ssyncadd.s32 $0xFFFFF000  }
0x156: {  	[hbm4b:s8+s4] =	stream.linear.scatter [tilespmem:s18], [sflag:$0x3], $0x1000, $0x38;
	[tilespmem:$0x19A00] =	vst v63  }
0x157: {  	_ =	swait.ge [sflag:s12], $0x1000  }
0x158: {  	[sflag:s12] =	ssyncset.done $0x0  }
0x159: {  	s6 =	simm.s32 $0x6500;
	[sflag:s12] =	ssyncadd.s32 $0xFFFFF000  }
0x15a: {  	[tilespmem:s18], [sflag:$0x1] =	stream.indirect.gather [hbm4b:s3+s15], $0x20, s6, s15, $0xb8;
	[tilespmem:$0x19A00] =	vst v63  }
0x15b: {  	_ =	swait.ge [sflag:s16], $0x1000  }
0x15c: {  	[sflag:s16] =	ssyncset.done $0x0  }
0x15d: {  	[sflag:s16] =	ssyncadd.s32 $0xFFFFF000  }
0x15e: {  	[hbm4b:s9+s4] =	stream.linear.scatter [tilespmem:s18], [sflag:$0x3], $0x1000, $0x38;
	[tilespmem:$0x19A00] =	vst v63  }
0x15f: {  	_ =	swait.ge [sflag:s12], $0x1000  }
0x160: {  	[sflag:s12] =	ssyncset.done $0x0  }
0x161: {  	s14 =	simm.s32 $0x6580;
	[sflag:s12] =	ssyncadd.s32 $0xFFFFF000  }
0x162: {  	[tilespmem:s18], [sflag:$0x1] =	stream.indirect.gather [hbm4b:s3+s15], $0x20, s14, s15, $0xb8;
	[tilespmem:$0x19A00] =	vst v63  }
0x163: {  	_ =	swait.ge [sflag:s16], $0x1000  }
0x164: {  	[sflag:s16] =	ssyncset.done $0x0  }
0x165: {  	[sflag:s16] =	ssyncadd.s32 $0xFFFFF000  }
0x166: {  	[hbm4b:s10+s4] =	stream.linear.scatter [tilespmem:s18], [sflag:$0x3], $0x1000, $0x38;
	[tilespmem:$0x19A00] =	vst v63  }
0x167: {  	p5 =	por $0x1, $0x1;
	_ =	swait.ge [sflag:s12], $0x1000  }
0x168: {  	p0 =	por p5, p5;
	[sflag:s12] =	ssyncset.done $0x0  }
0x169: {  	s1 =	simm.s32 @!p0 $0x2;
	[sflag:s12] =	ssyncadd.s32 $0xFFFFF000  }
0x16a: {  	_ =	swait.ge @!p0 [sflag:s1], $0x1000  }
0x16b: {  	[sflag:s1] =	ssyncset.done @!p0 $0x0  }
0x16c: {  	[sflag:s1] =	ssyncadd.s32 @!p0 $0xFFFFF000  }
0x16d: {  	_ =	swait.ge @!p0 [sflag:s1], $0x1000  }
0x16e: {  	[sflag:s1] =	ssyncset.done @!p0 $0x0  }
0x16f: {  	[sflag:s1] =	ssyncadd.s32 @!p0 $0xFFFFF000  }
0x170: {  	_ =	swait.ge @!p0 [sflag:s1], $0x1000  }
0x171: {  	[sflag:s1] =	ssyncset.done @!p0 $0x0  }
0x172: {  	[sflag:s1] =	ssyncadd.s32 @!p0 $0xFFFFF000  }
0x173: {  	_ =	swait.ge @!p0 [sflag:s1], $0x1000  }
0x174: {  	[sflag:s1] =	ssyncset.done @!p0 $0x0  }
0x175: {  	[sflag:s1] =	ssyncadd.s32 @!p0 $0xFFFFF000  }
0x176: {  	_ =	swait.ge @!p0 [sflag:s1], $0x1000  }
0x177: {  	[sflag:s1] =	ssyncset.done @!p0 $0x0  }
0x178: {  	[sflag:s1] =	ssyncadd.s32 @!p0 $0xFFFFF000  }
0x179: {  	_ =	swait.ge @!p0 [sflag:s1], $0x1000  }
0x17a: {  	[sflag:s1] =	ssyncset.done @!p0 $0x0  }
0x17b: {  	[sflag:s1] =	ssyncadd.s32 @!p0 $0xFFFFF000  }
0x17c: {  	_ =	swait.ge @!p0 [sflag:s1], $0x1000  }
0x17d: {  	[sflag:s1] =	ssyncset.done @!p0 $0x0  }
0x17e: {  	[sflag:s1] =	ssyncadd.s32 @!p0 $0xFFFFF000  }
0x17f: {  	_ =	swait.ge @!p0 [sflag:s1], $0x1000  }
0x180: {  	s0 =	sand.u32 $0x8000, s4;
	[sflag:s1] =	ssyncset.done @!p0 $0x0  }
0x181: {  	s19 =	simm.s32 $0x6600;
	[sflag:s1] =	ssyncadd.s32 @!p0 $0xFFFFF000;
	s1 =	sadd.s32 $0x9A00, s0  }
0x182: {  	[tilespmem:s1], [sflag:$0x1] =	stream.indirect.gather [hbm4b:s3+s15], $0x20, s19, s15, $0xb8;
	[tilespmem:$0x19A00] =	vst v63  }
0x183: {  	s20 =	simm.s32 $0x6680;
	s4 =	sadd.s32 $0xAA00, s0  }
0x184: {  	[tilespmem:s4], [sflag:$0x1] =	stream.indirect.gather [hbm4b:s3+s15], $0x20, s20, s15, $0xb8;
	[tilespmem:$0x19A00] =	vst v63  }
0x185: {  	s21 =	simm.s32 $0x6700;
	s5 =	sadd.s32 $0xBA00, s0  }
0x186: {  	[tilespmem:s5], [sflag:$0x1] =	stream.indirect.gather [hbm4b:s3+s15], $0x20, s21, s15, $0xb8;
	[tilespmem:$0x19A00] =	vst v63  }
0x187: {  	s23 =	simm.s32 $0x6780;
	s6 =	sadd.s32 $0xCA00, s0  }
0x188: {  	[tilespmem:s6], [sflag:$0x1] =	stream.indirect.gather [hbm4b:s3+s15], $0x20, s23, s15, $0xb8;
	[tilespmem:$0x19A00] =	vst v63  }
0x189: {  	s24 =	simm.s32 $0x6800;
	s14 =	sadd.s32 $0xDA00, s0  }
0x18a: {  	[tilespmem:s14], [sflag:$0x1] =	stream.indirect.gather [hbm4b:s3+s15], $0x20, s24, s15, $0xb8;
	[tilespmem:$0x19A00] =	vst v63  }
0x18b: {  	s25 =	simm.s32 $0x6880;
	s19 =	sadd.s32 $0xEA00, s0  }
0x18c: {  	[tilespmem:s19], [sflag:$0x1] =	stream.indirect.gather [hbm4b:s3+s15], $0x20, s25, s15, $0xb8;
	[tilespmem:$0x19A00] =	vst v63  }
0x18d: {  	s26 =	simm.s32 $0x6900;
	s20 =	sadd.s32 $0xFA00, s0  }
0x18e: {  	[tilespmem:s20], [sflag:$0x1] =	stream.indirect.gather [hbm4b:s3+s15], $0x20, s26, s15, $0xb8;
	[tilespmem:$0x19A00] =	vst v63  }
0x18f: {  	s28 =	simm.s32 $0x6980;
	s29 =	sor.u32 $0x10A00, s0  }
0x190: {  	[tilespmem:s29], [sflag:$0x1] =	stream.indirect.gather [hbm4b:s3+s15], $0x20, s28, s15, $0xb8;
	[tilespmem:$0x19A00] =	vst v63  }
0x191: {  	_ =	swait.ge [sflag:s16], $0x1000  }
0x192: {  	[sflag:s16] =	ssyncset.done $0x0  }
0x193: {  	[sflag:s16] =	ssyncadd.s32 $0xFFFFF000  }
0x194: {  	_ =	swait.ge [sflag:s16], $0x1000  }
0x195: {  	[sflag:s16] =	ssyncset.done $0x0  }
0x196: {  	[sflag:s16] =	ssyncadd.s32 $0xFFFFF000  }
0x197: {  	_ =	swait.ge [sflag:s16], $0x1000  }
0x198: {  	[sflag:s16] =	ssyncset.done $0x0  }
0x199: {  	[sflag:s16] =	ssyncadd.s32 $0xFFFFF000  }
0x19a: {  	_ =	swait.ge [sflag:s16], $0x1000  }
0x19b: {  	[sflag:s16] =	ssyncset.done $0x0  }
0x19c: {  	[sflag:s16] =	ssyncadd.s32 $0xFFFFF000  }
0x19d: {  	_ =	swait.ge [sflag:s16], $0x1000  }
0x19e: {  	[sflag:s16] =	ssyncset.done $0x0  }
0x19f: {  	[sflag:s16] =	ssyncadd.s32 $0xFFFFF000  }
0x1a0: {  	_ =	swait.ge [sflag:s16], $0x1000  }
0x1a1: {  	[sflag:s16] =	ssyncset.done $0x0  }
0x1a2: {  	[sflag:s16] =	ssyncadd.s32 $0xFFFFF000  }
0x1a3: {  	_ =	swait.ge [sflag:s16], $0x1000  }
0x1a4: {  	[sflag:s16] =	ssyncset.done $0x0  }
0x1a5: {  	[sflag:s16] =	ssyncadd.s32 $0xFFFFF000  }
0x1a6: {  	_ =	swait.ge [sflag:s16], $0x1000  }
0x1a7: {  	s30 =	rddreg [dreg:$0xb]  }
0x1a8: {  	[sflag:s16] =	ssyncset.done $0x0;
	s31 =	rddreg [dreg:$0xc]  }
0x1a9: {  	s23 =	rddreg [dreg:$0xd];
	[sflag:s16] =	ssyncadd.s32 $0xFFFFF000;
	s0 =	sadd.s32 $0x0, s30  }
0x1aa: {  	[hbm4b:s0+s2] =	stream.linear.scatter [tilespmem:s1], [sflag:$0x2], $0x1000, $0x38;
	[tilespmem:$0x19A00] =	vst v63  }
0x1ab: {  	s25 =	rddreg [dreg:$0xe];
	s24 =	sadd.s32 $0x0, s31  }
0x1ac: {  	[hbm4b:s24+s2] =	stream.linear.scatter [tilespmem:s4], [sflag:$0x2], $0x1000, $0x38;
	[tilespmem:$0x19A00] =	vst v63  }
0x1ad: {  	s26 =	rddreg [dreg:$0xf];
	s0 =	sadd.s32 $0x0, s23  }
0x1ae: {  	[hbm4b:s0+s2] =	stream.linear.scatter [tilespmem:s5], [sflag:$0x2], $0x1000, $0x38;
	[tilespmem:$0x19A00] =	vst v63  }
0x1af: {  	s28 =	rddreg [dreg:$0x10];
	s1 =	sadd.s32 $0x0, s25  }
0x1b0: {  	[hbm4b:s1+s2] =	stream.linear.scatter [tilespmem:s6], [sflag:$0x2], $0x1000, $0x38;
	[tilespmem:$0x19A00] =	vst v63  }
0x1b1: {  	p6 =	por $0x1, $0x1;
	s30 =	rddreg [dreg:$0x11];
	s0 =	sadd.s32 $0x0, s26  }
0x1b2: {  	[hbm4b:s0+s2] =	stream.linear.scatter [tilespmem:s14], [sflag:$0x2], $0x1000, $0x38;
	[tilespmem:$0x19A00] =	vst v63  }
0x1b3: {  	p0 =	por p6, p6;
	s31 =	rddreg [dreg:$0x12];
	s1 =	sadd.s32 $0x0, s28  }
0x1b4: {  	[hbm4b:s1+s2] =	stream.linear.scatter [tilespmem:s19], [sflag:$0x2], $0x1000, $0x38;
	[tilespmem:$0x19A00] =	vst v63  }
0x1b5: {  	s23 =	simm.s32 $0x1000;
	s25 =	simm.s32 $0x2000;
	s0 =	sadd.s32 $0x0, s30  }
0x1b6: {  	[hbm4b:s0+s2] =	stream.linear.scatter [tilespmem:s20], [sflag:$0x2], $0x1000, $0x38;
	[tilespmem:$0x19A00] =	vst v63  }
0x1b7: {  	s24 =	simm.s32 $0x8000;
	s26 =	simm.s32 $0x2;
	s0 =	sadd.s32 $0x0, s31  }
.LBB2_4:
0x1b8: {  	[hbm4b:s0+s2] =	stream.linear.scatter [tilespmem:s29], [sflag:$0x2], $0x1000, $0x38;
	[tilespmem:$0x19A00] =	vst v63  }
0x1b9: {  	s0 =	simm.s32 @!p0 $0x2  }
0x1ba: {  	_ =	swait.ge @!p0 [sflag:s0], $0x1000  }
0x1bb: {  	[sflag:s0] =	ssyncset.done @!p0 $0x0  }
0x1bc: {  	[sflag:s0] =	ssyncadd.s32 @!p0 $0xFFFFF000  }
0x1bd: {  	_ =	swait.ge @!p0 [sflag:s0], $0x1000  }
0x1be: {  	[sflag:s0] =	ssyncset.done @!p0 $0x0  }
0x1bf: {  	[sflag:s0] =	ssyncadd.s32 @!p0 $0xFFFFF000  }
0x1c0: {  	_ =	swait.ge @!p0 [sflag:s0], $0x1000  }
0x1c1: {  	[sflag:s0] =	ssyncset.done @!p0 $0x0  }
0x1c2: {  	[sflag:s0] =	ssyncadd.s32 @!p0 $0xFFFFF000  }
0x1c3: {  	_ =	swait.ge @!p0 [sflag:s0], $0x1000  }
0x1c4: {  	[sflag:s0] =	ssyncset.done @!p0 $0x0  }
0x1c5: {  	[sflag:s0] =	ssyncadd.s32 @!p0 $0xFFFFF000  }
0x1c6: {  	_ =	swait.ge @!p0 [sflag:s0], $0x1000  }
0x1c7: {  	[sflag:s0] =	ssyncset.done @!p0 $0x0  }
0x1c8: {  	[sflag:s0] =	ssyncadd.s32 @!p0 $0xFFFFF000  }
0x1c9: {  	_ =	swait.ge @!p0 [sflag:s0], $0x1000  }
0x1ca: {  	[sflag:s0] =	ssyncset.done @!p0 $0x0  }
0x1cb: {  	[sflag:s0] =	ssyncadd.s32 @!p0 $0xFFFFF000  }
0x1cc: {  	_ =	swait.ge @!p0 [sflag:s0], $0x1000  }
0x1cd: {  	[sflag:s0] =	ssyncset.done @!p0 $0x0  }
0x1ce: {  	[sflag:s0] =	ssyncadd.s32 @!p0 $0xFFFFF000  }
0x1cf: {  	s28 =	smov.u32 s23;
	_ =	swait.ge @!p0 [sflag:s0], $0x1000  }
0x1d0: {  	s4 =	sand.u32 $0x8000, s24;
	s5 =	sshra.s32 s28, $0x2;
	[sflag:s0] =	ssyncset.done @!p0 $0x0  }
0x1d1: {  	s30 =	sadd.s32 $0x9A00, s4;
	s6 =	sadd.s32 $0x6600, s5;
	[sflag:s0] =	ssyncadd.s32 @!p0 $0xFFFFF000  }
0x1d2: {  	[tilespmem:s30], [sflag:$0x1] =	stream.indirect.gather [hbm4b:s3+s15], $0x20, s6, s15, $0xb8;
	[tilespmem:$0x19A00] =	vst v63  }
0x1d3: {  	s31 =	sadd.s32 $0xAA00, s4;
	s14 =	sadd.s32 $0x6680, s5  }
0x1d4: {  	[tilespmem:s31], [sflag:$0x1] =	stream.indirect.gather [hbm4b:s3+s15], $0x20, s14, s15, $0xb8;
	[tilespmem:$0x19A00] =	vst v63  }
0x1d5: {  	s1 =	sadd.s32 $0x6700, s5;
	s0 =	sadd.s32 $0xBA00, s4  }
0x1d6: {  	[tilespmem:s0], [sflag:$0x1] =	stream.indirect.gather [hbm4b:s3+s15], $0x20, s1, s15, $0xb8;
	[tilespmem:$0x19A00] =	vst v63  }
0x1d7: {  	s6 =	sadd.s32 $0x6780, s5;
	s1 =	sadd.s32 $0xCA00, s4  }
0x1d8: {  	[tilespmem:s1], [sflag:$0x1] =	stream.indirect.gather [hbm4b:s3+s15], $0x20, s6, s15, $0xb8;
	[tilespmem:$0x19A00] =	vst v63  }
0x1d9: {  	s19 =	sadd.s32 $0x6800, s5;
	s14 =	sadd.s32 $0xDA00, s4  }
0x1da: {  	[tilespmem:s14], [sflag:$0x1] =	stream.indirect.gather [hbm4b:s3+s15], $0x20, s19, s15, $0xb8;
	[tilespmem:$0x19A00] =	vst v63  }
0x1db: {  	s20 =	sadd.s32 $0x6880, s5;
	s19 =	sadd.s32 $0xEA00, s4  }
0x1dc: {  	[tilespmem:s19], [sflag:$0x1] =	stream.indirect.gather [hbm4b:s3+s15], $0x20, s20, s15, $0xb8;
	[tilespmem:$0x19A00] =	vst v63  }
0x1dd: {  	s21 =	sadd.s32 $0x6900, s5;
	s20 =	sadd.s32 $0xFA00, s4  }
0x1de: {  	[tilespmem:s20], [sflag:$0x1] =	stream.indirect.gather [hbm4b:s3+s15], $0x20, s21, s15, $0xb8;
	[tilespmem:$0x19A00] =	vst v63  }
0x1df: {  	s29 =	sor.u32 $0x10A00, s4;
	s6 =	sadd.s32 $0x6980, s5  }
0x1e0: {  	[tilespmem:s29], [sflag:$0x1] =	stream.indirect.gather [hbm4b:s3+s15], $0x20, s6, s15, $0xb8;
	[tilespmem:$0x19A00] =	vst v63  }
0x1e1: {  	_ =	swait.ge [sflag:s16], $0x1000  }
0x1e2: {  	[sflag:s16] =	ssyncset.done $0x0  }
0x1e3: {  	[sflag:s16] =	ssyncadd.s32 $0xFFFFF000  }
0x1e4: {  	_ =	swait.ge [sflag:s16], $0x1000  }
0x1e5: {  	[sflag:s16] =	ssyncset.done $0x0  }
0x1e6: {  	[sflag:s16] =	ssyncadd.s32 $0xFFFFF000  }
0x1e7: {  	_ =	swait.ge [sflag:s16], $0x1000  }
0x1e8: {  	[sflag:s16] =	ssyncset.done $0x0  }
0x1e9: {  	[sflag:s16] =	ssyncadd.s32 $0xFFFFF000  }
0x1ea: {  	_ =	swait.ge [sflag:s16], $0x1000  }
0x1eb: {  	[sflag:s16] =	ssyncset.done $0x0  }
0x1ec: {  	[sflag:s16] =	ssyncadd.s32 $0xFFFFF000  }
0x1ed: {  	_ =	swait.ge [sflag:s16], $0x1000  }
0x1ee: {  	[sflag:s16] =	ssyncset.done $0x0  }
0x1ef: {  	[sflag:s16] =	ssyncadd.s32 $0xFFFFF000  }
0x1f0: {  	_ =	swait.ge [sflag:s16], $0x1000  }
0x1f1: {  	[sflag:s16] =	ssyncset.done $0x0  }
0x1f2: {  	[sflag:s16] =	ssyncadd.s32 $0xFFFFF000  }
0x1f3: {  	_ =	swait.ge [sflag:s16], $0x1000  }
0x1f4: {  	[sflag:s16] =	ssyncset.done $0x0  }
0x1f5: {  	[sflag:s16] =	ssyncadd.s32 $0xFFFFF000  }
0x1f6: {  	_ =	swait.ge [sflag:s16], $0x1000  }
0x1f7: {  	s21 =	rddreg [dreg:$0xb];
	[sflag:s16] =	ssyncset.done $0x0  }
0x1f8: {  	s5 =	rddreg [dreg:$0xc];
	[sflag:s16] =	ssyncadd.s32 $0xFFFFF000;
	s4 =	sadd.s32 s28, s21  }
0x1f9: {  	[hbm4b:s4+s2] =	stream.linear.scatter [tilespmem:s30], [sflag:$0x2], $0x1000, $0x38;
	[tilespmem:$0x19A00] =	vst v63  }
0x1fa: {  	s23 =	smov.u32 s25;
	s6 =	rddreg [dreg:$0xd];
	s30 =	sadd.s32 s28, s5  }
0x1fb: {  	[hbm4b:s30+s2] =	stream.linear.scatter [tilespmem:s31], [sflag:$0x2], $0x1000, $0x38;
	[tilespmem:$0x19A00] =	vst v63  }
0x1fc: {  	p2 =	slt.u32 s26, $0x2;
	s21 =	rddreg [dreg:$0xe];
	s31 =	sadd.s32 s28, s6  }
0x1fd: {  	[hbm4b:s31+s2] =	stream.linear.scatter [tilespmem:s0], [sflag:$0x2], $0x1000, $0x38;
	[tilespmem:$0x19A00] =	vst v63  }
0x1fe: {  	s25 =	sadd.s32 $0x1000, s25;
	s5 =	rddreg [dreg:$0xf];
	s30 =	sadd.s32 s28, s21  }
0x1ff: {  	[hbm4b:s30+s2] =	stream.linear.scatter [tilespmem:s1], [sflag:$0x2], $0x1000, $0x38;
	[tilespmem:$0x19A00] =	vst v63  }
0x200: {  	p1 =	sne.s32 s25, $0xD000;
	s5 =	sadd.s32 s28, s5;
	s6 =	rddreg [dreg:$0x10]  }
0x201: {  	[hbm4b:s5+s2] =	stream.linear.scatter [tilespmem:s14], [sflag:$0x2], $0x1000, $0x38;
	[tilespmem:$0x19A00] =	vst v63  }
.Ltmp1:
0x202: {  	s26 =	sadd.s32 $0x1, s26;
	s21 =	rddreg [dreg:$0x12];
	(pc) =	sbr.rel @p1 .LBB2_4-.Ltmp1, $4  }
0x203: {  	s24 =	sadd.s32 $0x8000, s24;
	s31 =	rddreg [dreg:$0x11];
	s30 =	sadd.s32 s28, s6  }
0x204: {  	[hbm4b:s30+s2] =	stream.linear.scatter [tilespmem:s19], [sflag:$0x2], $0x1000, $0x38;
	[tilespmem:$0x19A00] =	vst v63  }
0x205: {  	p0 =	por p2, p2;
	s0 =	sadd.s32 s28, s21;
	s31 =	sadd.s32 s28, s31  }
0x206: {  	[hbm4b:s31+s2] =	stream.linear.scatter [tilespmem:s20], [sflag:$0x2], $0x1000, $0x38;
	[tilespmem:$0x19A00] =	vst v63  }
0x207: {  	[hbm4b:s0+s2] =	stream.linear.scatter [tilespmem:s29], [sflag:$0x2], $0x1000, $0x38;
	[tilespmem:$0x19A00] =	vst v63  }
0x208: {  	s0 =	simm.s32 @!p0 $0x2  }
0x209: {  	_ =	swait.ge @!p0 [sflag:s0], $0x1000  }
0x20a: {  	[sflag:s0] =	ssyncset.done @!p0 $0x0  }
0x20b: {  	[sflag:s0] =	ssyncadd.s32 @!p0 $0xFFFFF000  }
0x20c: {  	_ =	swait.ge @!p0 [sflag:s0], $0x1000  }
0x20d: {  	[sflag:s0] =	ssyncset.done @!p0 $0x0  }
0x20e: {  	[sflag:s0] =	ssyncadd.s32 @!p0 $0xFFFFF000  }
0x20f: {  	_ =	swait.ge @!p0 [sflag:s0], $0x1000  }
0x210: {  	[sflag:s0] =	ssyncset.done @!p0 $0x0  }
0x211: {  	[sflag:s0] =	ssyncadd.s32 @!p0 $0xFFFFF000  }
0x212: {  	_ =	swait.ge @!p0 [sflag:s0], $0x1000  }
0x213: {  	[sflag:s0] =	ssyncset.done @!p0 $0x0  }
0x214: {  	[sflag:s0] =	ssyncadd.s32 @!p0 $0xFFFFF000  }
0x215: {  	_ =	swait.ge @!p0 [sflag:s0], $0x1000  }
0x216: {  	[sflag:s0] =	ssyncset.done @!p0 $0x0  }
0x217: {  	[sflag:s0] =	ssyncadd.s32 @!p0 $0xFFFFF000  }
0x218: {  	_ =	swait.ge @!p0 [sflag:s0], $0x1000  }
0x219: {  	[sflag:s0] =	ssyncset.done @!p0 $0x0  }
0x21a: {  	[sflag:s0] =	ssyncadd.s32 @!p0 $0xFFFFF000  }
0x21b: {  	_ =	swait.ge @!p0 [sflag:s0], $0x1000  }
0x21c: {  	[sflag:s0] =	ssyncset.done @!p0 $0x0  }
0x21d: {  	[sflag:s0] =	ssyncadd.s32 @!p0 $0xFFFFF000  }
0x21e: {  	_ =	swait.ge @!p0 [sflag:s0], $0x1000  }
0x21f: {  	s1 =	sand.u32 $0x8000, s24;
	s4 =	sshra.s32 s23, $0x2;
	[sflag:s0] =	ssyncset.done @!p0 $0x0  }
0x220: {  	s31 =	sadd.s32 $0x9A00, s1;
	s5 =	sadd.s32 $0x6600, s4;
	[sflag:s0] =	ssyncadd.s32 @!p0 $0xFFFFF000  }
0x221: {  	[tilespmem:s31], [sflag:$0x1] =	stream.indirect.gather [hbm4b:s3+s15], $0x20, s5, s15, $0xb8;
	[tilespmem:$0x19A00] =	vst v63  }
0x222: {  	s6 =	sadd.s32 $0x6680, s4;
	s5 =	sadd.s32 $0xAA00, s1  }
0x223: {  	[tilespmem:s5], [sflag:$0x1] =	stream.indirect.gather [hbm4b:s3+s15], $0x20, s6, s15, $0xb8;
	[tilespmem:$0x19A00] =	vst v63  }
0x224: {  	s14 =	sadd.s32 $0x6700, s4;
	s6 =	sadd.s32 $0xBA00, s1  }
0x225: {  	[tilespmem:s6], [sflag:$0x1] =	stream.indirect.gather [hbm4b:s3+s15], $0x20, s14, s15, $0xb8;
	[tilespmem:$0x19A00] =	vst v63  }
0x226: {  	s19 =	sadd.s32 $0x6780, s4;
	s14 =	sadd.s32 $0xCA00, s1  }
0x227: {  	[tilespmem:s14], [sflag:$0x1] =	stream.indirect.gather [hbm4b:s3+s15], $0x20, s19, s15, $0xb8;
	[tilespmem:$0x19A00] =	vst v63  }
0x228: {  	s20 =	sadd.s32 $0x6800, s4;
	s19 =	sadd.s32 $0xDA00, s1  }
0x229: {  	[tilespmem:s19], [sflag:$0x1] =	stream.indirect.gather [hbm4b:s3+s15], $0x20, s20, s15, $0xb8;
	[tilespmem:$0x19A00] =	vst v63  }
0x22a: {  	s21 =	sadd.s32 $0x6880, s4;
	s20 =	sadd.s32 $0xEA00, s1  }
0x22b: {  	[tilespmem:s20], [sflag:$0x1] =	stream.indirect.gather [hbm4b:s3+s15], $0x20, s21, s15, $0xb8;
	[tilespmem:$0x19A00] =	vst v63  }
0x22c: {  	s26 =	sadd.s32 $0x6900, s4;
	s21 =	sadd.s32 $0xFA00, s1  }
0x22d: {  	[tilespmem:s21], [sflag:$0x1] =	stream.indirect.gather [hbm4b:s3+s15], $0x20, s26, s15, $0xb8;
	[tilespmem:$0x19A00] =	vst v63  }
0x22e: {  	s4 =	sadd.s32 $0x6980, s4;
	s1 =	sor.u32 $0x10A00, s1  }
0x22f: {  	[tilespmem:s1], [sflag:$0x1] =	stream.indirect.gather [hbm4b:s3+s15], $0x20, s4, s15, $0xb8;
	[tilespmem:$0x19A00] =	vst v63  }
0x230: {  	_ =	swait.ge [sflag:s16], $0x1000  }
0x231: {  	[sflag:s16] =	ssyncset.done $0x0  }
0x232: {  	[sflag:s16] =	ssyncadd.s32 $0xFFFFF000  }
0x233: {  	_ =	swait.ge [sflag:s16], $0x1000  }
0x234: {  	[sflag:s16] =	ssyncset.done $0x0  }
0x235: {  	[sflag:s16] =	ssyncadd.s32 $0xFFFFF000  }
0x236: {  	_ =	swait.ge [sflag:s16], $0x1000  }
0x237: {  	[sflag:s16] =	ssyncset.done $0x0  }
0x238: {  	[sflag:s16] =	ssyncadd.s32 $0xFFFFF000  }
0x239: {  	_ =	swait.ge [sflag:s16], $0x1000  }
0x23a: {  	[sflag:s16] =	ssyncset.done $0x0  }
0x23b: {  	[sflag:s16] =	ssyncadd.s32 $0xFFFFF000  }
0x23c: {  	_ =	swait.ge [sflag:s16], $0x1000  }
0x23d: {  	[sflag:s16] =	ssyncset.done $0x0  }
0x23e: {  	[sflag:s16] =	ssyncadd.s32 $0xFFFFF000  }
0x23f: {  	_ =	swait.ge [sflag:s16], $0x1000  }
0x240: {  	[sflag:s16] =	ssyncset.done $0x0  }
0x241: {  	[sflag:s16] =	ssyncadd.s32 $0xFFFFF000  }
0x242: {  	_ =	swait.ge [sflag:s16], $0x1000  }
0x243: {  	[sflag:s16] =	ssyncset.done $0x0  }
0x244: {  	[sflag:s16] =	ssyncadd.s32 $0xFFFFF000  }
0x245: {  	_ =	swait.ge [sflag:s16], $0x1000  }
0x246: {  	s28 =	rddreg [dreg:$0xb];
	[sflag:s16] =	ssyncset.done $0x0  }
0x247: {  	s29 =	rddreg [dreg:$0xc];
	[sflag:s16] =	ssyncadd.s32 $0xFFFFF000;
	s4 =	sadd.s32 s23, s28  }
0x248: {  	[hbm4b:s4+s2] =	stream.linear.scatter [tilespmem:s31], [sflag:$0x2], $0x1000, $0x38;
	[tilespmem:$0x19A00] =	vst v63  }
0x249: {  	s25 =	rddreg [dreg:$0xd];
	s31 =	sadd.s32 s23, s29  }
0x24a: {  	[hbm4b:s31+s2] =	stream.linear.scatter [tilespmem:s5], [sflag:$0x2], $0x1000, $0x38;
	[tilespmem:$0x19A00] =	vst v63  }
0x24b: {  	s30 =	rddreg [dreg:$0xe];
	s26 =	sadd.s32 s23, s25  }
0x24c: {  	[hbm4b:s26+s2] =	stream.linear.scatter [tilespmem:s6], [sflag:$0x2], $0x1000, $0x38;
	[tilespmem:$0x19A00] =	vst v63  }
0x24d: {  	s24 =	rddreg [dreg:$0xf];
	s0 =	sadd.s32 s23, s30  }
0x24e: {  	[hbm4b:s0+s2] =	stream.linear.scatter [tilespmem:s14], [sflag:$0x2], $0x1000, $0x38;
	[tilespmem:$0x19A00] =	vst v63  }
0x24f: {  	s28 =	rddreg [dreg:$0x10];
	s4 =	sadd.s32 s23, s24  }
0x250: {  	[hbm4b:s4+s2] =	stream.linear.scatter [tilespmem:s19], [sflag:$0x2], $0x1000, $0x38;
	[tilespmem:$0x19A00] =	vst v63  }
0x251: {  	s29 =	rddreg [dreg:$0x11];
	s5 =	sadd.s32 s23, s28  }
0x252: {  	[hbm4b:s5+s2] =	stream.linear.scatter [tilespmem:s20], [sflag:$0x2], $0x1000, $0x38;
	[tilespmem:$0x19A00] =	vst v63  }
0x253: {  	s30 =	rddreg [dreg:$0x12];
	s0 =	sadd.s32 s23, s29  }
0x254: {  	[hbm4b:s0+s2] =	stream.linear.scatter [tilespmem:s21], [sflag:$0x2], $0x1000, $0x38;
	[tilespmem:$0x19A00] =	vst v63  }
0x255: {  	s31 =	sadd.s32 s23, s30  }
0x256: {  	[hbm4b:s31+s2] =	stream.linear.scatter [tilespmem:s1], [sflag:$0x2], $0x1000, $0x38;
	[tilespmem:$0x19A00] =	vst v63  }
0x257: {  	_ =	swait.ge [sflag:s17], $0x1000  }
0x258: {  	[sflag:s17] =	ssyncset.done $0x0  }
0x259: {  	[sflag:s17] =	ssyncadd.s32 $0xFFFFF000  }
0x25a: {  	_ =	swait.ge [sflag:s17], $0x1000  }
0x25b: {  	[sflag:s17] =	ssyncset.done $0x0  }
0x25c: {  	[sflag:s17] =	ssyncadd.s32 $0xFFFFF000  }
0x25d: {  	_ =	swait.ge [sflag:s17], $0x1000  }
0x25e: {  	[sflag:s17] =	ssyncset.done $0x0  }
0x25f: {  	[sflag:s17] =	ssyncadd.s32 $0xFFFFF000  }
0x260: {  	_ =	swait.ge [sflag:s17], $0x1000  }
0x261: {  	[sflag:s17] =	ssyncset.done $0x0  }
0x262: {  	[sflag:s17] =	ssyncadd.s32 $0xFFFFF000  }
0x263: {  	_ =	swait.ge [sflag:s17], $0x1000  }
0x264: {  	[sflag:s17] =	ssyncset.done $0x0  }
0x265: {  	[sflag:s17] =	ssyncadd.s32 $0xFFFFF000  }
0x266: {  	_ =	swait.ge [sflag:s17], $0x1000  }
0x267: {  	[sflag:s17] =	ssyncset.done $0x0  }
0x268: {  	[sflag:s17] =	ssyncadd.s32 $0xFFFFF000  }
0x269: {  	_ =	swait.ge [sflag:s17], $0x1000  }
0x26a: {  	[sflag:s17] =	ssyncset.done $0x0  }
0x26b: {  	[sflag:s17] =	ssyncadd.s32 $0xFFFFF000  }
0x26c: {  	_ =	swait.ge [sflag:s17], $0x1000  }
0x26d: {  	[sflag:s17] =	ssyncset.done $0x0  }
0x26e: {  	[sflag:s17] =	ssyncadd.s32 $0xFFFFF000  }
0x26f: {  	_ =	swait.ge [sflag:s17], $0x1000  }
0x270: {  	[sflag:s17] =	ssyncset.done $0x0  }
0x271: {  	[sflag:s17] =	ssyncadd.s32 $0xFFFFF000  }
0x272: {  	_ =	swait.ge [sflag:s17], $0x1000  }
0x273: {  	[sflag:s17] =	ssyncset.done $0x0  }
0x274: {  	[sflag:s17] =	ssyncadd.s32 $0xFFFFF000  }
0x275: {  	_ =	swait.ge [sflag:s17], $0x1000  }
0x276: {  	[sflag:s17] =	ssyncset.done $0x0  }
0x277: {  	[sflag:s17] =	ssyncadd.s32 $0xFFFFF000  }
0x278: {  	_ =	swait.ge [sflag:s17], $0x1000  }
0x279: {  	[sflag:s17] =	ssyncset.done $0x0  }
0x27a: {  	[sflag:s17] =	ssyncadd.s32 $0xFFFFF000  }
0x27b: {  	_ =	swait.ge [sflag:s17], $0x1000  }
0x27c: {  	[sflag:s17] =	ssyncset.done $0x0  }
0x27d: {  	[sflag:s17] =	ssyncadd.s32 $0xFFFFF000  }
0x27e: {  	_ =	swait.ge [sflag:s17], $0x1000  }
0x27f: {  	[sflag:s17] =	ssyncset.done $0x0  }
0x280: {  	s22 =	sadd.s32 $0x1, s22;
	[sflag:s17] =	ssyncadd.s32 $0xFFFFF000  }
0x281: {  	p0 =	sne.s32 s22, s11;
	_ =	swait.ge [sflag:s17], $0x1000  }
.Ltmp2:
0x282: {  	[sflag:s17] =	ssyncset.done $0x0;
	(pc) =	sbr.rel @p0 .LBB2_1-.Ltmp2, $4  }
0x283: {  	[sflag:s17] =	ssyncadd.s32 $0xFFFFF000  }
0x284: {  	_ =	swait.ge [sflag:s17], $0x1000  }
0x285: {  	[sflag:s17] =	ssyncset.done $0x0  }
0x286: {  	[sflag:s17] =	ssyncadd.s32 $0xFFFFF000  }
0x287: {  	_ =	sfence.sel $0x180000  }
0x288: {  	[bflag:$0x0] =	sbarrier.arrive $0xFFFF  }
0x289: {  	_ =	strace $0x9000004D  }
0x28a: {  	s0 =	stileid.u32;
	[bflag:$0x2] =	sbarrier.arrive $0xFFFF  }
0x28b: {  	p0 =	sne.s32 s0, $0x0;
	s0 =	rddreg [dreg:$0x2]  }
0x28c: {  	s0 =	sadd.s32 @!p0 $0x100000, s0  }
0x28d: {  	[sflag:s0] =	ssyncadd.tile.s32 @!p0 $0x1;
	_ =	shalt  }
.Lfunc_end2:
_tile_overlayer_lowered:
.L_overlay_start_2:
0x28e: {  	(tag) =	ssettag $0x2  }
0x28f: {  	s0 =	rddreg [dreg:$0x0];
	s2 =	stileid.u32  }
0x290: {  	s1 =	rddreg [dreg:$0x1];
	p0 =	sne.s32 s2, $0x0  }
0x291: {  	s3 =	rddreg [dreg:$0x2];
	[bflag:$0x3] =	sbarrier.arrive $0xFFFF;
	s2 =	simm.s32 @!p0 $0x1C03  }
0x292: {  	[timem:s3], [sflag:s2] =	dma.local @!p0 [hbm:s0], s1  }
0x293: {  	s0 =	simm.s32 @!p0 $0x3  }
0x294: {  	_ =	swait.ge @!p0 [sflag:s0], s1  }
0x295: {  	s1 =	ssub.s32 @!p0 $0x0, s1;
	[sflag:s0] =	ssyncset.done @!p0 $0x0  }
0x296: {  	[sflag:s0] =	ssyncadd.s32 @!p0 s1  }
0x297: {  	[bflag:$0x3] =	sbarrier.arrive $0xFFFF  }
0x298: {  	_ =	shalt  }

// kernel: sparse-core-data-format-call.cloned.1.call-start
scs
called_computation_lowered:
.L_overlay_start_0:
0x0: {  	s2 =	sld [smem:$0x3FD9]  }
0x1: {  	s3 =	sld [smem:$0x3FFE];
	_ =	sdelay $0x1  }
0x2: {  	s1 =	srdreg.scid  }
0x3: {  	s0 =	sand.u32 $0x1, s1  }
0x4: {  	s18 =	sshll.u32 s0, $0xA;
	s2 =	sadd.s32 s3, s2  }
0x5: {  	s2 =	sadd.s32 s2, s18  }
0x6: {  	[smem:$0x3FBF] =	sst s2  }
0x7: {  	_ = 	snop  }
0x8: {  	s2 =	sld [smem:$0x3FD0];
	(tm) =	ssettm $0x1  }
0x9: {  	s19 =	sld [smem:$0x3FFB];
	_ =	sdelay $0x3  }
0xa: {  	_ =	strace s19  }
0xb: {  	s3 =	sld [smem:$0x3FFC];
	_ =	sdelay $0x3  }
0xc: {  	_ =	strace s3  }
0xd: {  	s3 =	sld [smem:$0x3FFD];
	_ =	sdelay $0x3  }
0xe: {  	_ =	strace s3  }
0xf: {  	_ =	strace $0x8FFFFFFF  }
0x10: {  	s20 =	sld [smem:$0x3FDB];
	_ =	sdelay $0x1  }
0x11: {  	s4 =	simm.s32 $_scs_section_size  }
0x12: {  	s5 =	simm.s32 $_size__tile_overlayer_lowered;
	s6 =	simm.s32 $_tile_overlayer_lowered  }
0x13: {  	s23 =	simm.s32 $0x1BFF;
	s22 =	sshll.u32 s6, $0x1;
	s3 =	sadd.s32 s4, s20  }
0x14: {  	s7 =	simm.s32 $0x0;
	s21 =	sshll.u32 s5, $0x1;
	s5 =	sadd.s32 s22, s3  }
0x15: {  	[timem:s7], [sflag:s23] =	dma.local [hbm:s5], s21  }
0x16: {  	_ =	swait.ge [sflag:s23], s21  }
0x17: {  	s4 =	ssub.s32 $0x0, s21;
	[sflag:s23] =	ssyncset.done $0x0  }
0x18: {  	[sflag:s23] =	ssyncadd.s32 s4;
	_ =	sdelay $0x1  }
0x19: {  	s24 =	simm.s32 $0x1B8B  }
0x1a: {  	_ =	swait.ge [sflag:s24], $0x1  }
0x1b: {  	[sflag:s24] =	ssyncset.done $0x0  }
0x1c: {  	s26 =	simm.s32 $0x1B8E;
	s25 =	sld [smem:$0x3FFE];
	[sflag:s24] =	ssyncadd.s32 $0xFFFFFFFF  }
0x1d: {  	s27 =	simm.s32 $execute0_lowered;
	[smem:$0x3FD2] =	sst s26  }
0x1e: {  	s5 =	sshll.u32 s27, $0x1;
	_ =	strace $0x80000052;
	[dreg:$0x1] =	wrdreg $0xFFFFFFFF  }
0x1f: {  	s28 =	simm.s32 $_size_execute0_lowered;
	s3 =	sadd.s32 s3, s5;
	[dreg:$0x0] =	wrdreg $0x0  }
0x20: {  	s5 =	sshll.u32 s28, $0x1;
	[dreg:$0x2] =	wrdreg s3  }
0x21: {  	[dreg:$0x3] =	wrdreg s5  }
0x22: {  	[dreg:$0x4] =	wrdreg $0xC0  }
0x23: {  	_ =	task [dreg:s7], $0x5FFFF  }
0x24: {  	[dreg:$0x1] =	wrdreg $0xFFFFFFFF  }
0x25: {  	[dreg:$0x0] =	wrdreg $0x60  }
0x26: {  	[dreg:$0x2] =	wrdreg s25  }
0x27: {  	[dreg:$0x3] =	wrdreg s2  }
0x28: {  	[dreg:$0x4] =	wrdreg $0x9  }
0x29: {  	_ =	task.clear_ibuf [dreg:s7], $0x5FFFF;
	_ =	strace $0x90000052  }
0x2a: {  	s29 =	simm.s32 $0x9;
	_ =	strace $0x80000054  }
0x2b: {  	_ =	swait.ge [sflag:s29], $0x1  }
0x2c: {  	[sflag:s29] =	ssyncadd.s32 $0xFFFFFFFF  }
0x2d: {  	_ =	strace $0x90000054  }
0x2e: {  	_ =	sfence  }
0x2f: {  	s30 =	sld [smem:$0x0];
	_ =	sdelay $0x2  }
0x30: {  	s31 =	sshll.u32 s1, $0xD;
	s1 =	sshrl.u32 s1, $0x2  }
0x31: {  	s3 =	sand.u32 $0x4000, s31;
	s1 =	sadd.s32 s1, s30  }
0x32: {  	s0 =	sor.u32 s3, s0;
	s1 =	sshll.u32 s1, $0x11  }
0x33: {  	s0 =	sor.u32 s1, s0  }
0x34: {  	s0 =	sadd.s32 $0x8F2B, s0  }
0x35: {  	[sflag:s0] =	ssyncadd.remote.s32 $0x1  }
0x36: {  	_ =	sfence.sel $0xFFFF  }
0x37: {  	[dreg:$0x0] =	wrdreg $0xFFFFFFFF;
	(pc) =	sbr.abs _section_cstart, $3  }
0x38: {  	[dreg:$0x1] =	wrdreg $0xFFFFFFFF  }
0x39: {  	_ =	task.clear_ibuf [dreg:s7], $0x2FFFF;
	_ =	strace $0x9FFFFFFF  }
0x3a: {  	(tm) =	ssettm $0x7FFFFFFF  }
0x3b: {  	_ =	shalt  }
tec
execute0_lowered:
.L_overlay_start_1:
0x0: {  	(tag) =	ssettag $0x1  }
0x1: {  	s0 =	srdreg.scid  }
0x2: {  	s1 =	sshll.u32 s0, $0x4  }
0x3: {  	s6 =	rddreg [dreg:$0x0];
	s0 =	stileid.u32;
	s1 =	sand.u32 $0x10, s1  }
0x4: {  	s3 =	rddreg [dreg:$0x1];
	s1 =	sor.u32 s0, s1  }
0x5: {  	s5 =	simm.s32 $0x1;
	s31 =	simm.s32 $0x2;
	s2 =	sshll.u32 s1, $0x7  }
0x6: {  	s15 =	simm.s32 $0x0;
	s8 =	simm.s32 $0x20000;
	s4 =	ssub.s32 $0x4000, s2  }
0x7: {  	s14 =	simm.s32 $0x0;
	s9 =	simm.s32 $0x0;
	s30 =	sand.u32 $0xF80, s4  }
0x8: {  	s10 =	simm.s32 $0x0;
	s11 =	simm.s32 $0x0;
	p0 =	sne.s32 s30, $0x0  }
.Ltmp0:
0x9: {  	s7 =	sshrl.u32 s4, $0xC;
	s5 =	simm.s32 @!p0 $0x0;
	(pc) =	sbr.rel .LBB1_1-.Ltmp0, $4  }
0xa: {  	s13 =	simm.s32 $0x0;
	s1 =	rddreg [dreg:$0x2];
	s5 =	sadd.s32 s5, s7  }
0xb: {  	_ =	strace $0x80000053;
	s4 =	simm.s32 $0x1;
	s5 =	smul.u32 $0x7, s5  }
0xc: {  	s6 =	sadd.s32 $0x242200, s6;
	s12 =	smov.u32 s2;
	[sflag:s4] =	ssyncpa.u1 $0x0  }
0xd: {  	[sflag:s31] =	ssyncpa.u1 $0x0;
	p0 =	por $0x0, $0x0;
	s7 =	sadd.s32 $0x1, s5  }
.LBB1_4:
0xe: {  	s20 =	sshra.s32 s20, $0x2  }
0xf: {  	s28 =	sand.u32 $0x78, s10;
	s21 =	sshll.u32 s9, $0xE;
	s22 =	sshll.u32 s10, $0x3  }
0x10: {  	s24 =	sshll.u32 s9, $0x7;
	p1 =	sgt.s32 s9, $0x2E0;
	s30 =	sshra.s32 s9, $0x1F  }
0x11: {  	s26 =	sshra.s32 s10, $0x1F;
	s19 =	sadd.s32 s20, s19;
	s21 =	sand.u32 $0xFFFE0000, s21  }
0x12: {  	v5 =	vld [tilespmem:s17+$0xFFFFFFD0];
	[tilespmem:s18+$0x2040 ss:$0x81] =	vst.msk $0xffff, v4;
	s23 =	sand.u32 $0xFFFFFC00, s22;
	s29 =	sand.u32 $0x380, s24;
	s22 =	sand.u32 $0x3C00, s22  }
0x13: {  	v58 =	vld [tilespmem:s17+$0xFFFFFFE0];
	[tilespmem:s18+$0x2850 ss:$0x81] =	vst.msk $0xffff, v3;
	s21 =	sadd.s32 s23, s21;
	s20 =	sor.u32 s28, s22;
	s22 =	smov.u32 s9  }
0x14: {  	v59 =	vld [tilespmem:s17+$0xFFFFFFF0];
	[tilespmem:s18+$0x3060 ss:$0x81] =	vst.msk $0xffff, v2;
	s24 =	sand.u32 s30, s9;
	s21 =	sshrl.u32 s21, $0xE;
	s22 =	simm.s32 @!p1 $0x2E0  }
0x15: {  	v60 =	vld [tilespmem:s17+$0x0];
	[tilespmem:s18+$0x0 ss:$0x81] =	vst.msk $0xffff, v1;
	p1 =	sgt.s32 s10, $0x3F80;
	s31 =	ssub.s32 s22, s24;
	s22 =	smov.u32 s10  }
0x16: {  	v61 =	vld [tilespmem:s17+$0x10];
	[tilespmem:s19+$0x3870 ss:$0x81] =	vst.msk $0xffff, v0;
	s25 =	smulhi.u32 $0x4BDA13, s21;
	s24 =	sand.u32 s26, s10;
	s22 =	simm.s32 @!p1 $0x3F80  }
0x17: {  	v62 =	vld [tilespmem:s17+$0x20];
	s20 =	sor.u32 s29, s20;
	[tilespmem:s19+$0x810 ss:$0x81] =	vst.msk $0xffff, v5;
	s27 =	sadd.s32 $0xFFFFFD20, s31;
	s22 =	ssub.s32 s22, s24  }
0x18: {  	v63 =	vld [tilespmem:s17+$0xFFFFFFC0];
	[tilespmem:s19+$0x1020 ss:$0x81] =	vst.msk $0xffff, v58;
	s18 =	ssub.s32 $0x360, s31;
	s28 =	smul.u32 $0x360, s25;
	s29 =	sadd.s32 $0xFFFFC080, s22  }
0x19: {  	[tilespmem:s19+$0x1830 ss:$0x81] =	vst.msk $0xffff, v59;
	p1 =	sgt.s32 s27, $0x7F;
	s22 =	ssub.s32 $0x4000, s22;
	p2 =	sgt.s32 s29, $0x7F  }
0x1a: {  	s30 =	sand.u32 $0x7, s10;
	[tilespmem:s19+$0x2040 ss:$0x81] =	vst.msk $0xffff, v60;
	s18 =	simm.s32 @p1 $0x0;
	s22 =	simm.s32 @p2 $0x0  }
0x1b: {  	s20 =	sshrl.u32 s20, $0x3;
	[tilespmem:s19+$0x2850 ss:$0x81] =	vst.msk $0xffff, v61;
	s17 =	ssub.s32 s21, s28;
	s18 =	smul.u32 s22, s18  }
0x1c: {  	[tilespmem:s19+$0x3060 ss:$0x81] =	vst.msk $0xffff, v62;
	s20 =	sadd.s32 s3, s20;
	s21 =	sshll.u32 s30, $0x12;
	s17 =	sshll.u32 s17, $0xB  }
0x1d: {  	[tilespmem:s19+$0x0 ss:$0x81] =	vst.msk $0xffff, v63;
	s31 =	sor.u32 $0x400, s21;
	s17 =	sadd.s32 s17, s20;
	s18 =	sand.u32 $0x3FFFFFFF, s18  }
0x1e: {  	[hbm4b:s17+s31] =	stream.strided.scatter [tilespmem:s16], [sflag:$0x2], s18, s8, s31, $0x20;
	[tilespmem:$0x10100] =	vst v63  }
.LBB1_5:
0x1f: {  	p1 =	slt.u32 s13, $0x2  }
0x20: {  	s17 =	smov.u32 s15;
	p2 =	sgt.s32 @!p1 s15, $0x2E0;
	s16 =	sshra.s32 @!p1 s15, $0x1F  }
0x21: {  	p3 =	sgt.s32 @!p1 s14, $0x3F80;
	s18 =	sshra.s32 @!p1 s14, $0x1F;
	p2 =	por !p2, p1  }
0x22: {  	s15 =	sand.u32 @!p1 s16, s15;
	p3 =	por !p3, p1;
	s16 =	smov.u32 s14  }
0x23: {  	s14 =	sand.u32 @!p1 s18, s14;
	s17 =	simm.s32 @p2 $0x2E0;
	s16 =	simm.s32 @p3 $0x3F80  }
0x24: {  	s15 =	ssub.s32 @!p1 s17, s15;
	s14 =	ssub.s32 @!p1 s16, s14  }
0x25: {  	s18 =	smov.u32 s12;
	s16 =	sadd.s32 @!p1 $0xFFFFFD20, s15;
	s17 =	sadd.s32 @!p1 $0xFFFFC080, s14  }
0x26: {  	s15 =	ssub.s32 @!p1 $0x360, s15;
	p2 =	sgt.s32 @!p1 s16, $0x7F;
	p3 =	sgt.s32 @!p1 s17, $0x7F  }
0x27: {  	s14 =	ssub.s32 @!p1 $0x4000, s14;
	p2 =	por !p2, p1;
	p3 =	por !p3, p1  }
0x28: {  	s16 =	sadd.s32 $0x80, s11;
	s15 =	simm.s32 @!p2 $0x0;
	s14 =	simm.s32 @!p3 $0x0  }
0x29: {  	p2 =	sgt.s32 s16, $0x35F;
	s14 =	smul.u32 @!p1 s14, s15;
	s15 =	sadd.s32 $0x1000, s12  }
0x2a: {  	s18 =	smov.u32 @p2 s15  }
0x2b: {  	s16 =	simm.s32 @p2 $0x0;
	p2 =	sgt.s32 s18, $0x3FFF  }
0x2c: {  	s18 =	smov.u32 @p2 s2;
	p2 =	sne.s32 s13, s7  }
.Ltmp1:
0x2d: {  	p0 =	por !p0, !p0;
	s17 =	simm.s32 @!p1 $0x2;
	(pc) =	sbr.rel @!p2 .LBB1_6-.Ltmp1, $4  }
0x2e: {  	s15 =	smov.u32 s9;
	s9 =	smov.u32 s11;
	s14 =	sand.u32 @!p1 $0x3FFFFFFF, s14  }
0x2f: {  	s11 =	smov.u32 s16;
	_ =	swait.ge @!p1 [sflag:s17], s14;
	s19 =	ssub.s32 @!p1 $0x0, s14  }
0x30: {  	s14 =	smov.u32 s10;
	s13 =	sadd.s32 $0x1, s13;
	[sflag:s17] =	ssyncset.done @!p1 $0x0  }
0x31: {  	s10 =	smov.u32 s12;
	s12 =	smov.u32 s18;
	[sflag:s17] =	ssyncadd.s32 @!p1 s19  }
.LBB1_1:
0x32: {  	p1 =	sge.u32 s13, s5  }
0x33: {  	s16 =	sshrl.u32 @!p1 s12, $0x3  }
0x34: {  	s17 =	sshll.u32 @!p1 s11, $0x3;
	s16 =	smul.u32 @!p1 $0x1C00, s16  }
0x35: {  	s18 =	sshll.u32 @!p1 s12, $0x7;
	s17 =	sand.u32 @!p1 $0xFFFFFC00, s17  }
0x36: {  	s16 =	sadd.s32 @!p1 s16, s17;
	s17 =	sand.u32 @!p1 $0x380, s18  }
0x37: {  	s16 =	sor.u32 @!p1 s17, s16  }
0x38: {  	s17 =	sshrl.u32 @!p1 s16, $0x7  }
0x39: {  	s17 =	smulhi.u32 @!p1 $0x24924925, s17;
	_ =	sdelay $0x1  }
0x3a: {  	s18 =	sand.u32 @!p1 $0x7F, s11;
	s19 =	smul.u32 @!p1 $0x380, s17  }
0x3b: {  	s31 =	sadd.s32 $0xFFFFFFFF, s13;
	s16 =	sor.u32 @!p1 s18, s16;
	s18 =	sxor.u32 @!p1 $0xFFFFFFFF, s13  }
0x3c: {  	s18 =	sshll.u32 @!p1 s18, $0xE;
	s17 =	sand.u32 @!p1 $0x3FFF, s17;
	s16 =	ssub.s32 @!p1 s16, s19  }
0x3d: {  	s17 =	smul.u32 @!p1 $0x70, s17;
	s19 =	sshrl.u32 @!p1 s16, $0x3;
	s16 =	sand.u32 @!p1 $0x7, s16  }
0x3e: {  	s18 =	sand.u32 @!p1 $0x4000, s18;
	s19 =	sadd.s32 @!p1 s6, s19;
	s16 =	sshll.u32 @!p1 s16, $0x12  }
0x3f: {  	s17 =	sadd.s32 @!p1 s17, s19;
	s16 =	sor.u32 @!p1 $0x400, s16;
	s19 =	simm.s32 @!p1 $0x1C00  }
0x40: {  	[tilespmem:s18], [sflag:$0x1] =	stream.strided.gather @!p1 [hbm4b:s17+s16], $0x4000, s19, s16, $0x38;
	[tilespmem:$0x10100] =	vst v63  }
0x41: {  	p1 =	sge.u32 s31, s5  }
.Ltmp2:
0x42: {  	_ = 	snop;
	(pc) =	sbr.rel @p1 .LBB1_5-.Ltmp2, $1  }
0x43: {  	_ =	sdelay $0x3  }
0x44: {  	s16 =	simm.s32 $0x1  }
0x45: {  	_ =	swait.ge [sflag:s4], $0x4000;
	s16 =	simm.s32 @!p0 $0x0  }
0x46: {  	[sflag:s4] =	ssyncset.done $0x0;
	s17 =	sshll.u32 s16, $0xE  }
0x47: {  	[sflag:s4] =	ssyncadd.s32 $0xFFFFC000;
	s17 =	sor.u32 $0x40, s17  }
0x48: {  	s16 =	smul.u32 $0x10200, s16;
	v0 =	vld [tilespmem:s17+$0x30]  }
0x49: {  	v1 =	vld [tilespmem:s17+$0xFFFFFFD0]  }
0x4a: {  	s16 =	sshrl.u32 s16, $0x2;
	v5 =	vld [tilespmem:s17+$0xFFFFFFE0]  }
0x4b: {  	v6 =	vld [tilespmem:s17+$0xFFFFFFF0];
	s19 =	sor.u32 $0x8000, s16  }
0x4c: {  	s31 =	sand.u32 $0x1, s13;
	v4 =	vld [tilespmem:s17+$0x0];
	s18 =	sadd.s32 $0x0, s19  }
0x4d: {  	v3 =	vld [tilespmem:s17+$0x10];
	s16 =	smul.u32 $0x10200, s31;
	[tilespmem:s18+$0x3870 ss:$0x81] =	vst.msk $0xffff, v0  }
0x4e: {  	v2 =	vld [tilespmem:s17+$0x20];
	[tilespmem:s18+$0x810 ss:$0x81] =	vst.msk $0xffff, v1  }
0x4f: {  	s16 =	sshrl.u32 s16, $0x2;
	v1 =	vld [tilespmem:s17+$0xFFFFFFC0];
	[tilespmem:s18+$0x1020 ss:$0x81] =	vst.msk $0xffff, v5;
	s17 =	sadd.s32 $0x80, s17  }
0x50: {  	s20 =	simm.s32 $0x4;
	s21 =	simm.s32 $0x8;
	s16 =	sor.u32 $0x8000, s16;
	[tilespmem:s18+$0x1830 ss:$0x81] =	vst.msk $0xffff, v6;
	v0 =	vld [tilespmem:s17+$0x30]  }
.LBB1_3:
0x51: {  	p1 =	sne.s32 s21, $0x1FC;
	v5 =	vld [tilespmem:s17+$0xFFFFFFD0];
	[tilespmem:s18+$0x2040 ss:$0x81] =	vst.msk $0xffff, v4  }
0x52: {  	v6 =	vld [tilespmem:s17+$0xFFFFFFE0];
	[tilespmem:s18+$0x2850 ss:$0x81] =	vst.msk $0xffff, v3  }
0x53: {  	s22 =	sshra.s32 s20, $0x2;
	s20 =	smov.u32 s21;
	v7 =	vld [tilespmem:s17+$0xFFFFFFF0];
	[tilespmem:s18+$0x3060 ss:$0x81] =	vst.msk $0xffff, v2  }
.Ltmp3:
0x54: {  	v4 =	vld [tilespmem:s17+$0x0];
	[tilespmem:s18+$0x0 ss:$0x81] =	vst.msk $0xffff, v1;
	s18 =	sadd.s32 s22, s19;
	(pc) =	sbr.rel @p1 .LBB1_3-.Ltmp3, $4  }
0x55: {  	v3 =	vld [tilespmem:s17+$0x10];
	[tilespmem:s18+$0x3870 ss:$0x81] =	vst.msk $0xffff, v0  }
0x56: {  	[tilespmem:s18+$0x810 ss:$0x81] =	vst.msk $0xffff, v5;
	v2 =	vld [tilespmem:s17+$0x20]  }
0x57: {  	v1 =	vld [tilespmem:s17+$0xFFFFFFC0];
	[tilespmem:s18+$0x1020 ss:$0x81] =	vst.msk $0xffff, v6;
	s17 =	sadd.s32 $0x80, s17  }
0x58: {  	s21 =	sadd.s32 $0x4, s21;
	v0 =	vld [tilespmem:s17+$0x30];
	[tilespmem:s18+$0x1830 ss:$0x81] =	vst.msk $0xffff, v7  }
.Ltmp4:
0x59: {  	_ = 	snop;
	(pc) =	sbr.rel .LBB1_4-.Ltmp4, $1  }
0x5a: {  	_ =	sdelay $0x3  }
.LBB1_6:
0x5b: {  	_ =	sfence.sel $0x180000  }
0x5c: {  	s2 =	simm.s32 $0x1;
	[bflag:$0x0] =	sbarrier.arrive $0xFFFF  }
0x5d: {  	s31 =	simm.s32 $0x2;
	[sflag:s2] =	ssyncpa.u1 $0x1  }
0x5e: {  	[sflag:s31] =	ssyncpa.u1 $0x1  }
0x5f: {  	p0 =	sne.s32 s0, $0x0;
	_ =	strace $0x90000053  }
0x60: {  	s0 =	sadd.s32 @!p0 $0x100000, s1;
	[bflag:$0x2] =	sbarrier.arrive $0xFFFF  }
0x61: {  	[sflag:s0] =	ssyncadd.tile.s32 @!p0 $0x1;
	_ =	shalt  }
.Lfunc_end1:
_tile_overlayer_lowered:
.L_overlay_start_2:
0x62: {  	(tag) =	ssettag $0x2  }
0x63: {  	s0 =	rddreg [dreg:$0x0];
	s2 =	stileid.u32  }
0x64: {  	s1 =	rddreg [dreg:$0x1];
	p0 =	sne.s32 s2, $0x0  }
0x65: {  	s3 =	rddreg [dreg:$0x2];
	[bflag:$0x3] =	sbarrier.arrive $0xFFFF;
	s2 =	simm.s32 @!p0 $0x1C01  }
0x66: {  	[timem:s3], [sflag:s2] =	dma.local @!p0 [hbm:s0], s1  }
0x67: {  	s0 =	simm.s32 @!p0 $0x1  }
0x68: {  	_ =	swait.ge @!p0 [sflag:s0], s1  }
0x69: {  	s1 =	ssub.s32 @!p0 $0x0, s1;
	[sflag:s0] =	ssyncset.done @!p0 $0x0  }
0x6a: {  	[sflag:s0] =	ssyncadd.s32 @!p0 s1  }
0x6b: {  	[bflag:$0x3] =	sbarrier.arrive $0xFFFF  }
0x6c: {  	_ =	shalt  }

</sc_bundles>
